<compile_context>
chip_gen: v7x
topology: tpu7x:2x2x1
jax: 0.10.2.dev20260603
libtpu: 0.0.44.dev20260713+nightly
codegen_flags: <defaults>
</compile_context>

<pallas_src>
import functools

import jax
import jax.numpy as jnp
from jax import lax
from jax.experimental import pallas as pl
from jax.experimental.pallas import tpu as pltpu
from jax.experimental.pallas import tpu_sc as plsc

_N_VIDEO = 100000
_N_MU = 8
_OUT_DIM = 64
_BATCH = 16384
_ROW = _N_MU * _OUT_DIM
_MOM = 0.9

_NC = 2
_NS = 16
_NW = _NC * _NS
_B_PER_W = _BATCH // _NW
_CHUNK = 32
_NCHUNK = _B_PER_W // _CHUNK
_LANE = 16

_V_BLOCK = 4096
_NIDV = _BATCH // _LANE


def _worker_id():
    return lax.axis_index("s") * _NC + lax.axis_index("c")


def _winner_body(vid_hbm, w_hbm, vidx_v, wtab_v):
    w = _worker_id()
    lo = w * _V_BLOCK
    pltpu.sync_copy(vid_hbm, vidx_v)

    neg1 = jnp.full((_LANE,), -1, jnp.int32)

    @pl.loop(0, _V_BLOCK // _LANE)
    def _init(i):
        wtab_v[pl.ds(i * _LANE, _LANE)] = neg1

    iota = lax.iota(jnp.int32, _LANE)

    @pl.loop(0, _NIDV, unroll=4)
    def _scan(i):
        v = vidx_v[pl.ds(i * _LANE, _LANE)]
        b = i * _LANE + iota
        r = v - lo
        m = (r >= 0) & (r < _V_BLOCK)
        r = jnp.where(m, r, 0)
        _, last = plsc.scan_count(v, m)
        plsc.store_scatter(wtab_v, [r], b, mask=m & last)

    pltpu.sync_copy(wtab_v, w_hbm.at[pl.ds(lo, _V_BLOCK)])


def _gather_blend_body(q_hbm, i_hbm, vid_hbm, wflat_hbm, upd_hbm,
                       idx_v, bw_v,
                       qb0, ib0, qb1, ib1,
                       wsem, gs0, is0, ss0, gs1, is1, ss1):
    w = _worker_id()
    base = w * _B_PER_W
    pltpu.sync_copy(vid_hbm.at[w], idx_v)
    for j in range(_NCHUNK):
        pltpu.async_copy(wflat_hbm.at[idx_v.at[j]], bw_v.at[j], wsem)
    for j in range(_NCHUNK):
        pltpu.make_async_copy(
            wflat_hbm.at[idx_v.at[j]], bw_v.at[j], wsem).wait()

    sets = ((qb0, ib0, gs0, is0, ss0), (qb1, ib1, gs1, is1, ss1))

    def issue(j):
        qb, ib, gs, isem, _ = sets[j % 2]
        pltpu.async_copy(q_hbm.at[idx_v.at[j]], qb, gs)
        pltpu.async_copy(i_hbm.at[bw_v.at[j]], ib, isem)

    issue(0)
    issue(1)
    for j in range(_NCHUNK):
        qb, ib, gs, isem, ss = sets[j % 2]
        pltpu.make_async_copy(q_hbm.at[idx_v.at[j]], qb, gs).wait()
        pltpu.make_async_copy(i_hbm.at[bw_v.at[j]], ib, isem).wait()

        @pl.loop(0, _CHUNK * _ROW // _LANE)
        def _blend(i):
            r = i // (_ROW // _LANE)
            c = (i % (_ROW // _LANE)) * _LANE
            q = qb[r, pl.ds(c, _LANE)]
            x = ib[r, pl.ds(c, _LANE)]
            qb[r, pl.ds(c, _LANE)] = q * _MOM + x * (1.0 - _MOM)

        st = pltpu.async_copy(
            qb, upd_hbm.at[pl.ds(base + j * _CHUNK, _CHUNK)], ss)
        if j + 2 < _NCHUNK:
            st.wait()
            issue(j + 2)
        else:
            st.wait()


def _scatter_body(upd_hbm, vid_hbm, q_ref, idx_v, buf0, buf1,
                  rs0, rs1, ws0, ws1):
    w = _worker_id()
    base = w * _B_PER_W
    pltpu.sync_copy(vid_hbm.at[w], idx_v)
    bufs = ((buf0, rs0, ws0), (buf1, rs1, ws1))

    def load(j):
        buf, rs, _ = bufs[j % 2]
        pltpu.async_copy(upd_hbm.at[pl.ds(base + j * _CHUNK, _CHUNK)], buf, rs)

    load(0)
    load(1)
    for j in range(_NCHUNK):
        buf, rs, ws = bufs[j % 2]
        pltpu.make_async_copy(
            upd_hbm.at[pl.ds(base + j * _CHUNK, _CHUNK)], buf, rs).wait()
        st = pltpu.async_copy(buf, q_ref.at[idx_v.at[j]], ws)
        st.wait()
        if j + 2 < _NCHUNK:
            load(j + 2)


@functools.cache
def _get_kernels():
    mesh = plsc.VectorSubcoreMesh(
        core_axis_name="c", subcore_axis_name="s", num_cores=_NC,
        num_subcores=_NS)
    winner = pl.kernel(
        _winner_body,
        out_type=jax.ShapeDtypeStruct((_NW * _V_BLOCK,), jnp.int32),
        mesh=mesh,
        compiler_params=pltpu.CompilerParams(needs_layout_passes=False),
        scratch_types=[
            pltpu.VMEM((_BATCH,), jnp.int32),
            pltpu.VMEM((_V_BLOCK,), jnp.int32),
        ],
    )
    gather_blend = pl.kernel(
        _gather_blend_body,
        out_type=jax.ShapeDtypeStruct((_BATCH, _ROW), jnp.float32),
        mesh=mesh,
        scratch_types=[
            pltpu.VMEM((_NCHUNK, _CHUNK), jnp.int32),
            pltpu.VMEM((_NCHUNK, _CHUNK), jnp.int32),
            pltpu.VMEM((_CHUNK, _ROW), jnp.float32),
            pltpu.VMEM((_CHUNK, _ROW), jnp.float32),
            pltpu.VMEM((_CHUNK, _ROW), jnp.float32),
            pltpu.VMEM((_CHUNK, _ROW), jnp.float32),
            pltpu.SemaphoreType.DMA,
            pltpu.SemaphoreType.DMA,
            pltpu.SemaphoreType.DMA,
            pltpu.SemaphoreType.DMA,
            pltpu.SemaphoreType.DMA,
            pltpu.SemaphoreType.DMA,
            pltpu.SemaphoreType.DMA,
        ],
    )
    scatter = pl.kernel(
        _scatter_body,
        out_type=(),
        mesh=mesh,
        scratch_types=[
            pltpu.VMEM((_NCHUNK, _CHUNK), jnp.int32),
            pltpu.VMEM((_CHUNK, _ROW), jnp.float32),
            pltpu.VMEM((_CHUNK, _ROW), jnp.float32),
            pltpu.SemaphoreType.DMA,
            pltpu.SemaphoreType.DMA,
            pltpu.SemaphoreType.DMA,
            pltpu.SemaphoreType.DMA,
        ],
    )
    return winner, gather_blend, scatter


@jax.jit
def kernel(queue, inp, vid_idx):
    winner, gather_blend, scatter = _get_kernels()
    qflat = queue.reshape(_N_VIDEO, _ROW)
    iflat = inp.reshape(_BATCH, _ROW)
    out_ref = jax.new_ref(qflat)
    wflat = winner(vid_idx)
    vid3 = vid_idx.reshape(_NW, _NCHUNK, _CHUNK)
    upd = gather_blend(qflat, iflat, vid3, wflat)
    scatter(upd, vid3, out_ref)
    return out_ref[...].reshape(_N_VIDEO, _N_MU, _OUT_DIM)

# --- scband reference (transcript-rebuilt; emitter-appended) ---
"""Pipeline reference for scband-memory-24060406792340 (READ-ONLY COPY).

The authoritative reference and input builder live on the scoring server;
editing this copy changes nothing except your own understanding.
"""

import jax, jax.numpy as jnp
import numpy as np

N_VIDEO = 100000
N_MU = 8
OUT_DIM = 64
BATCH = 16384
MOMENTUM = 0.9


def setup_inputs(seed: int = 0) -> dict:
    key = jax.random.key(seed)
    k1, k2, k3 = jax.random.split(key, 3)
    # queue buffer, xavier_uniform init (torch fan_in = n_mu*out_dim, fan_out = n_video*out_dim)
    fan_in = N_MU * OUT_DIM
    fan_out = N_VIDEO * OUT_DIM
    bound = float(np.sqrt(6.0 / (fan_in + fan_out)))
    queue = jax.random.uniform(k1, (N_VIDEO, N_MU, OUT_DIM), minval=-bound, maxval=bound, dtype=jnp.float32)
    inp = jax.random.normal(k2, (BATCH, N_MU, OUT_DIM), dtype=jnp.float32)
    vid_idx = jax.random.randint(k3, (BATCH,), 0, N_VIDEO, dtype=jnp.int32)
    return {"queue": queue, "inp": inp, "vid_idx": vid_idx}


def reference(queue, inp, vid_idx):
    # Faithful translation of Memory._update_queue:
    #   self.queue[vid_idx, ...] = self.queue[vid_idx, ...] * momentum + inp * (1 - momentum)
    gathered = jnp.take(queue, vid_idx, axis=0)              # gather rows
    updates = gathered * MOMENTUM + inp * (1.0 - MOMENTUM)   # EMA update
    new_queue = queue.at[vid_idx].set(updates)               # scatter-overwrite
    return new_queue

if __name__ == "__main__":
    import jax
    _d = setup_inputs()
    print(jax.jit(kernel)(*tuple(_d.values())))

</pallas_src>

<mosaic_0001>
#map = affine_map<(d0, d1) -> (0)>
module attributes {stable_mosaic.version = 14 : i64} {
  func.func @_winner_body(%arg0: i32, %arg1: i32, %arg2: memref<16384xi32, #tpu.memory_space<hbm>>, %arg3: memref<131072xi32, #tpu.memory_space<hbm>>, %arg4: memref<16384xi32, #tpu.memory_space<vmem>>, %arg5: memref<4096xi32, #tpu.memory_space<vmem>>) attributes {dimension_semantics = [#tpu.dimension_semantics<core_parallel>, #tpu.dimension_semantics<subcore_parallel>], iteration_bounds = array<i64: 2, 16>, scalar_prefetch = 0 : i64, scratch_operands = 2 : i64, tpu.core_type = #tpu.core_type<sc_vector_subcore>, window_params = [{transform_indices = #map}, {transform_indices = #map}]} {
    %mul3A = arith.constant 2 : i32
    %mul3A_0 = arith.muli %arg1, %mul3A : i32
    %add3A = arith.addi %mul3A_0, %arg0 : i32
    %mul3A_1 = arith.constant 4096 : i32
    %mul3A_2 = arith.muli %add3A, %mul3A_1 : i32
    "tpu.region"() ({
      %run_scoped3A = tpu.sem_alloc : memref<!tpu.dma_semaphore, #tpu.memory_space<semaphore_mem>>
      tpu.enqueue_dma source(%arg2 : memref<16384xi32, #tpu.memory_space<hbm>>) target(%arg4 : memref<16384xi32, #tpu.memory_space<vmem>>) target_semaphore(%run_scoped3A : memref<!tpu.dma_semaphore, #tpu.memory_space<semaphore_mem>>)
      tpu.wait_dma2 semaphore(%run_scoped3A : memref<!tpu.dma_semaphore, #tpu.memory_space<semaphore_mem>>) src(%arg2 : memref<16384xi32, #tpu.memory_space<hbm>>) dst(%arg4 : memref<16384xi32, #tpu.memory_space<vmem>>)
      tpu.yield
    }) : () -> ()
    %broadcast_in_dim3A = arith.constant -1 : i32
    %broadcast_in_dim3A_3 = vector.broadcast %broadcast_in_dim3A : i32 to vector<16xi32>
    %scan3A = arith.constant 0 : i32
    %scan3A_4 = arith.constant 256 : i32
    %scan3A_5 = arith.addi %scan3A, %scan3A_4 : i32
    %scan3A_6 = arith.constant 1 : i32
    scf.for %scan3A_13 = %scan3A to %scan3A_5 step %scan3A_6  : i32 {
      %mul3A_14 = arith.constant 1 : i32
      %mul3A_15 = arith.muli %scan3A_13, %mul3A_14 : i32
      %add3A_16 = arith.constant 0 : i32
      %add3A_17 = arith.addi %add3A_16, %mul3A_15 : i32
      %mul3A_18 = arith.constant 16 : i32
      %mul3A_19 = arith.muli %add3A_17, %mul3A_18 : i32
      %swap3A = arith.index_cast %mul3A_19 : i32 to index
      %swap3A_20 = tpu.vector_load %arg5[%swap3A] {strides = array<i32>} : memref<4096xi32, #tpu.memory_space<vmem>>, vector<16xi32>,
      tpu.vector_store %arg5[%swap3A], %broadcast_in_dim3A_3 {strides = array<i32>} : memref<4096xi32, #tpu.memory_space<vmem>>, vector<16xi32>,
    }
    %scan3A_7 = arith.constant 256 : i32
    %iota3A = tpu.iota {dimensions = array<i32: 0>} : vector<16xi32>
    %scan3A_8 = arith.constant 0 : i32
    %scan3A_9 = arith.constant 1024 : i32
    %scan3A_10 = arith.addi %scan3A_8, %scan3A_9 : i32
    %scan3A_11 = arith.constant 4 : i32
    scf.for %scan3A_13 = %scan3A_8 to %scan3A_10 step %scan3A_11  : i32 {
      %mul3A_14 = arith.constant 1 : i32
      %mul3A_15 = arith.muli %scan3A_13, %mul3A_14 : i32
      %add3A_16 = arith.constant 0 : i32
      %add3A_17 = arith.addi %add3A_16, %mul3A_15 : i32
      %mul3A_18 = arith.constant 16 : i32
      %mul3A_19 = arith.muli %add3A_17, %mul3A_18 : i32
      %get3A = arith.index_cast %mul3A_19 : i32 to index
      %get3A_20 = tpu.vector_load %arg4[%get3A] {strides = array<i32>} : memref<16384xi32, #tpu.memory_space<vmem>>, vector<16xi32>,
      %mul3A_21 = arith.constant 16 : i32
      %mul3A_22 = arith.muli %add3A_17, %mul3A_21 : i32
      %add3A_23 = vector.broadcast %mul3A_22 : i32 to vector<16xi32>
      %add3A_24 = arith.addi %add3A_23, %iota3A : vector<16xi32>
      %sub3A = vector.broadcast %mul3A_2 : i32 to vector<16xi32>
      %sub3A_25 = arith.subi %get3A_20, %sub3A : vector<16xi32>
      %ge3A = arith.constant 0 : i32
      %ge3A_26 = vector.broadcast %ge3A : i32 to vector<16xi32>
      %ge3A_27 = arith.cmpi sge, %sub3A_25, %ge3A_26 : vector<16xi32>
      %lt3A = arith.constant 4096 : i32
      %lt3A_28 = vector.broadcast %lt3A : i32 to vector<16xi32>
      %lt3A_29 = arith.cmpi slt, %sub3A_25, %lt3A_28 : vector<16xi32>
      %and3A = arith.andi %ge3A_27, %lt3A_29 : vector<16xi1>
      %jit3A = arith.constant 0 : i32
      %broadcast_in_dim3A_30 = vector.broadcast %jit3A : i32 to vector<16xi32>
      %select_n3A = arith.select %and3A, %sub3A_25, %broadcast_in_dim3A_30 : vector<16xi1>, vector<16xi32>
      %unique3A, %unique3A_31 = tpu.scan_count mask(%and3A : vector<16xi1>) value(%get3A_20 : vector<16xi32>) : vector<16xi1>, vector<16xi32>
      %and3A_32 = arith.andi %and3A, %unique3A : vector<16xi1>
      tpu.vector_store_idx %arg5[%select_n3A], %add3A_24 masked %and3A_32 : memref<4096xi32, #tpu.memory_space<vmem>>[vector<16xi32>], vector<16xi32>, vector<16xi1>
      %scan3A_33 = arith.constant 1 : i32
      %scan3A_34 = arith.addi %scan3A_13, %scan3A_33 : i32
      %mul3A_35 = arith.constant 1 : i32
      %mul3A_36 = arith.muli %scan3A_34, %mul3A_35 : i32
      %add3A_37 = arith.constant 0 : i32
      %add3A_38 = arith.addi %add3A_37, %mul3A_36 : i32
      %mul3A_39 = arith.constant 16 : i32
      %mul3A_40 = arith.muli %add3A_38, %mul3A_39 : i32
      %get3A_41 = arith.index_cast %mul3A_40 : i32 to index
      %get3A_42 = tpu.vector_load %arg4[%get3A_41] {strides = array<i32>} : memref<16384xi32, #tpu.memory_space<vmem>>, vector<16xi32>,
      %mul3A_43 = arith.constant 16 : i32
      %mul3A_44 = arith.muli %add3A_38, %mul3A_43 : i32
      %add3A_45 = vector.broadcast %mul3A_44 : i32 to vector<16xi32>
      %add3A_46 = arith.addi %add3A_45, %iota3A : vector<16xi32>
      %sub3A_47 = vector.broadcast %mul3A_2 : i32 to vector<16xi32>
      %sub3A_48 = arith.subi %get3A_42, %sub3A_47 : vector<16xi32>
      %ge3A_49 = arith.constant 0 : i32
      %ge3A_50 = vector.broadcast %ge3A_49 : i32 to vector<16xi32>
      %ge3A_51 = arith.cmpi sge, %sub3A_48, %ge3A_50 : vector<16xi32>
      %lt3A_52 = arith.constant 4096 : i32
      %lt3A_53 = vector.broadcast %lt3A_52 : i32 to vector<16xi32>
      %lt3A_54 = arith.cmpi slt, %sub3A_48, %lt3A_53 : vector<16xi32>
      %and3A_55 = arith.andi %ge3A_51, %lt3A_54 : vector<16xi1>
      %jit3A_56 = arith.constant 0 : i32
      %broadcast_in_dim3A_57 = vector.broadcast %jit3A_56 : i32 to vector<16xi32>
      %select_n3A_58 = arith.select %and3A_55, %sub3A_48, %broadcast_in_dim3A_57 : vector<16xi1>, vector<16xi32>
      %unique3A_59, %unique3A_60 = tpu.scan_count mask(%and3A_55 : vector<16xi1>) value(%get3A_42 : vector<16xi32>) : vector<16xi1>, vector<16xi32>
      %and3A_61 = arith.andi %and3A_55, %unique3A_59 : vector<16xi1>
      tpu.vector_store_idx %arg5[%select_n3A_58], %add3A_46 masked %and3A_61 : memref<4096xi32, #tpu.memory_space<vmem>>[vector<16xi32>], vector<16xi32>, vector<16xi1>
      %scan3A_62 = arith.constant 2 : i32
      %scan3A_63 = arith.addi %scan3A_13, %scan3A_62 : i32
      %mul3A_64 = arith.constant 1 : i32
      %mul3A_65 = arith.muli %scan3A_63, %mul3A_64 : i32
      %add3A_66 = arith.constant 0 : i32
      %add3A_67 = arith.addi %add3A_66, %mul3A_65 : i32
      %mul3A_68 = arith.constant 16 : i32
      %mul3A_69 = arith.muli %add3A_67, %mul3A_68 : i32
      %get3A_70 = arith.index_cast %mul3A_69 : i32 to index
      %get3A_71 = tpu.vector_load %arg4[%get3A_70] {strides = array<i32>} : memref<16384xi32, #tpu.memory_space<vmem>>, vector<16xi32>,
      %mul3A_72 = arith.constant 16 : i32
      %mul3A_73 = arith.muli %add3A_67, %mul3A_72 : i32
      %add3A_74 = vector.broadcast %mul3A_73 : i32 to vector<16xi32>
      %add3A_75 = arith.addi %add3A_74, %iota3A : vector<16xi32>
      %sub3A_76 = vector.broadcast %mul3A_2 : i32 to vector<16xi32>
      %sub3A_77 = arith.subi %get3A_71, %sub3A_76 : vector<16xi32>
      %ge3A_78 = arith.constant 0 : i32
      %ge3A_79 = vector.broadcast %ge3A_78 : i32 to vector<16xi32>
      %ge3A_80 = arith.cmpi sge, %sub3A_77, %ge3A_79 : vector<16xi32>
      %lt3A_81 = arith.constant 4096 : i32
      %lt3A_82 = vector.broadcast %lt3A_81 : i32 to vector<16xi32>
      %lt3A_83 = arith.cmpi slt, %sub3A_77, %lt3A_82 : vector<16xi32>
      %and3A_84 = arith.andi %ge3A_80, %lt3A_83 : vector<16xi1>
      %jit3A_85 = arith.constant 0 : i32
      %broadcast_in_dim3A_86 = vector.broadcast %jit3A_85 : i32 to vector<16xi32>
      %select_n3A_87 = arith.select %and3A_84, %sub3A_77, %broadcast_in_dim3A_86 : vector<16xi1>, vector<16xi32>
      %unique3A_88, %unique3A_89 = tpu.scan_count mask(%and3A_84 : vector<16xi1>) value(%get3A_71 : vector<16xi32>) : vector<16xi1>, vector<16xi32>
      %and3A_90 = arith.andi %and3A_84, %unique3A_88 : vector<16xi1>
      tpu.vector_store_idx %arg5[%select_n3A_87], %add3A_75 masked %and3A_90 : memref<4096xi32, #tpu.memory_space<vmem>>[vector<16xi32>], vector<16xi32>, vector<16xi1>
      %scan3A_91 = arith.constant 3 : i32
      %scan3A_92 = arith.addi %scan3A_13, %scan3A_91 : i32
      %mul3A_93 = arith.constant 1 : i32
      %mul3A_94 = arith.muli %scan3A_92, %mul3A_93 : i32
      %add3A_95 = arith.constant 0 : i32
      %add3A_96 = arith.addi %add3A_95, %mul3A_94 : i32
      %mul3A_97 = arith.constant 16 : i32
      %mul3A_98 = arith.muli %add3A_96, %mul3A_97 : i32
      %get3A_99 = arith.index_cast %mul3A_98 : i32 to index
      %get3A_100 = tpu.vector_load %arg4[%get3A_99] {strides = array<i32>} : memref<16384xi32, #tpu.memory_space<vmem>>, vector<16xi32>,
      %mul3A_101 = arith.constant 16 : i32
      %mul3A_102 = arith.muli %add3A_96, %mul3A_101 : i32
      %add3A_103 = vector.broadcast %mul3A_102 : i32 to vector<16xi32>
      %add3A_104 = arith.addi %add3A_103, %iota3A : vector<16xi32>
      %sub3A_105 = vector.broadcast %mul3A_2 : i32 to vector<16xi32>
      %sub3A_106 = arith.subi %get3A_100, %sub3A_105 : vector<16xi32>
      %ge3A_107 = arith.constant 0 : i32
      %ge3A_108 = vector.broadcast %ge3A_107 : i32 to vector<16xi32>
      %ge3A_109 = arith.cmpi sge, %sub3A_106, %ge3A_108 : vector<16xi32>
      %lt3A_110 = arith.constant 4096 : i32
      %lt3A_111 = vector.broadcast %lt3A_110 : i32 to vector<16xi32>
      %lt3A_112 = arith.cmpi slt, %sub3A_106, %lt3A_111 : vector<16xi32>
      %and3A_113 = arith.andi %ge3A_109, %lt3A_112 : vector<16xi1>
      %jit3A_114 = arith.constant 0 : i32
      %broadcast_in_dim3A_115 = vector.broadcast %jit3A_114 : i32 to vector<16xi32>
      %select_n3A_116 = arith.select %and3A_113, %sub3A_106, %broadcast_in_dim3A_115 : vector<16xi1>, vector<16xi32>
      %unique3A_117, %unique3A_118 = tpu.scan_count mask(%and3A_113 : vector<16xi1>) value(%get3A_100 : vector<16xi32>) : vector<16xi1>, vector<16xi32>
      %and3A_119 = arith.andi %and3A_113, %unique3A_117 : vector<16xi1>
      tpu.vector_store_idx %arg5[%select_n3A_116], %add3A_104 masked %and3A_119 : memref<4096xi32, #tpu.memory_space<vmem>>[vector<16xi32>], vector<16xi32>, vector<16xi1>
    }
    %scan3A_12 = arith.constant 1024 : i32
    "tpu.region"() ({
      %run_scoped3A = tpu.sem_alloc : memref<!tpu.dma_semaphore, #tpu.memory_space<semaphore_mem>>
      %dma_start3A = tpu.memref_slice %arg3[%mul3A_2] : memref<131072xi32, #tpu.memory_space<hbm>> -> memref<4096xi32, #tpu.memory_space<hbm>>
      %dma_start3A_13 = tpu.memref_slice %arg3[%mul3A_2] : memref<131072xi32, #tpu.memory_space<hbm>> -> memref<4096xi32, #tpu.memory_space<hbm>>
      tpu.enqueue_dma source(%arg5 : memref<4096xi32, #tpu.memory_space<vmem>>) target(%dma_start3A_13 : memref<4096xi32, #tpu.memory_space<hbm>>) target_semaphore(%run_scoped3A : memref<!tpu.dma_semaphore, #tpu.memory_space<semaphore_mem>>)
      %dma_wait3A = tpu.memref_slice %arg3[%mul3A_2] : memref<131072xi32, #tpu.memory_space<hbm>> -> memref<4096xi32, #tpu.memory_space<hbm>>
      %dma_wait3A_14 = tpu.memref_slice %arg3[%mul3A_2] : memref<131072xi32, #tpu.memory_space<hbm>> -> memref<4096xi32, #tpu.memory_space<hbm>>
      tpu.wait_dma2 semaphore(%run_scoped3A : memref<!tpu.dma_semaphore, #tpu.memory_space<semaphore_mem>>) src(%arg5 : memref<4096xi32, #tpu.memory_space<vmem>>) dst(%dma_wait3A_14 : memref<4096xi32, #tpu.memory_space<hbm>>)
      tpu.yield
    }) : () -> ()
    return
  }
}

#map = affine_map<(d0, d1) -> (0, 0)>
#map1 = affine_map<(d0, d1) -> (0, 0, 0)>
module attributes {stable_mosaic.version = 14 : i64} {
  func.func @new_body(%arg0: i32, %arg1: i32, %arg2: memref<16384x512xf32, #tpu.memory_space<hbm>>, %arg3: memref<32x16x32xi32, #tpu.memory_space<hbm>>, %arg4: memref<100000x512xf32, #tpu.memory_space<hbm>>, %arg5: memref<100000x512xf32, #tpu.memory_space<hbm>>, %arg6: memref<16x32xi32, #tpu.memory_space<vmem>>, %arg7: memref<32x512xf32, #tpu.memory_space<vmem>>, %arg8: memref<32x512xf32, #tpu.memory_space<vmem>>, %arg9: memref<!tpu.dma_semaphore, #tpu.memory_space<semaphore_mem>>, %arg10: memref<!tpu.dma_semaphore, #tpu.memory_space<semaphore_mem>>, %arg11: memref<!tpu.dma_semaphore, #tpu.memory_space<semaphore_mem>>, %arg12: memref<!tpu.dma_semaphore, #tpu.memory_space<semaphore_mem>>) attributes {dimension_semantics = [#tpu.dimension_semantics<core_parallel>, #tpu.dimension_semantics<subcore_parallel>], iteration_bounds = array<i64: 2, 16>, scalar_prefetch = 0 : i64, scratch_operands = 7 : i64, tpu.core_type = #tpu.core_type<sc_vector_subcore>, window_params = [{transform_indices = #map}, {transform_indices = #map1}, {transform_indices = #map}, {transform_indices = #map}]} {
    %mul3A = arith.constant 2 : i32
    %mul3A_0 = arith.muli %arg1, %mul3A : i32
    %add3A = arith.addi %mul3A_0, %arg0 : i32
    %mul3A_1 = arith.constant 512 : i32
    %mul3A_2 = arith.muli %add3A, %mul3A_1 : i32
    "tpu.region"() ({
      %run_scoped3A = tpu.sem_alloc : memref<!tpu.dma_semaphore, #tpu.memory_space<semaphore_mem>>
      %dma_start3A_417 = arith.constant 0 : i32
      %dma_start3A_418 = arith.constant 0 : i32
      %dma_start3A_419 = tpu.memref_slice %arg3[%add3A, %dma_start3A_417, %dma_start3A_418] : memref<32x16x32xi32, #tpu.memory_space<hbm>> -> memref<1x16x32xi32, #tpu.memory_space<hbm>>
      %dma_start3A_420 = tpu.memref_squeeze %dma_start3A_419 : memref<1x16x32xi32, #tpu.memory_space<hbm>> -> memref<16x32xi32, #tpu.memory_space<hbm>>
      %dma_start3A_421 = arith.constant 0 : i32
      %dma_start3A_422 = arith.constant 0 : i32
      %dma_start3A_423 = tpu.memref_slice %arg3[%add3A, %dma_start3A_421, %dma_start3A_422] : memref<32x16x32xi32, #tpu.memory_space<hbm>> -> memref<1x16x32xi32, #tpu.memory_space<hbm>>
      %dma_start3A_424 = tpu.memref_squeeze %dma_start3A_423 : memref<1x16x32xi32, #tpu.memory_space<hbm>> -> memref<16x32xi32, #tpu.memory_space<hbm>>
      tpu.enqueue_dma source(%dma_start3A_424 : memref<16x32xi32, #tpu.memory_space<hbm>>) target(%arg6 : memref<16x32xi32, #tpu.memory_space<vmem>>) target_semaphore(%run_scoped3A : memref<!tpu.dma_semaphore, #tpu.memory_space<semaphore_mem>>)
      %dma_wait3A_425 = arith.constant 0 : i32
      %dma_wait3A_426 = arith.constant 0 : i32
      %dma_wait3A_427 = tpu.memref_slice %arg3[%add3A, %dma_wait3A_425, %dma_wait3A_426] : memref<32x16x32xi32, #tpu.memory_space<hbm>> -> memref<1x16x32xi32, #tpu.memory_space<hbm>>
      %dma_wait3A_428 = tpu.memref_squeeze %dma_wait3A_427 : memref<1x16x32xi32, #tpu.memory_space<hbm>> -> memref<16x32xi32, #tpu.memory_space<hbm>>
      %dma_wait3A_429 = arith.constant 0 : i32
      %dma_wait3A_430 = arith.constant 0 : i32
      %dma_wait3A_431 = tpu.memref_slice %arg3[%add3A, %dma_wait3A_429, %dma_wait3A_430] : memref<32x16x32xi32, #tpu.memory_space<hbm>> -> memref<1x16x32xi32, #tpu.memory_space<hbm>>
      %dma_wait3A_432 = tpu.memref_squeeze %dma_wait3A_431 : memref<1x16x32xi32, #tpu.memory_space<hbm>> -> memref<16x32xi32, #tpu.memory_space<hbm>>
      tpu.wait_dma2 semaphore(%run_scoped3A : memref<!tpu.dma_semaphore, #tpu.memory_space<semaphore_mem>>) src(%dma_wait3A_432 : memref<16x32xi32, #tpu.memory_space<hbm>>) dst(%arg6 : memref<16x32xi32, #tpu.memory_space<vmem>>)
      tpu.yield
    }) : () -> ()
    %add3A_3 = arith.constant 0 : i32
    %add3A_4 = arith.addi %mul3A_2, %add3A_3 : i32
    %dma_start3A = arith.constant 0 : i32
    %dma_start3A_5 = tpu.memref_slice %arg2[%add3A_4, %dma_start3A] : memref<16384x512xf32, #tpu.memory_space<hbm>> -> memref<32x512xf32, #tpu.memory_space<hbm>>
    %dma_start3A_6 = arith.constant 0 : i32
    %dma_start3A_7 = tpu.memref_slice %arg2[%add3A_4, %dma_start3A_6] : memref<16384x512xf32, #tpu.memory_space<hbm>> -> memref<32x512xf32, #tpu.memory_space<hbm>>
    tpu.enqueue_dma source(%dma_start3A_7 : memref<32x512xf32, #tpu.memory_space<hbm>>) target(%arg7 : memref<32x512xf32, #tpu.memory_space<vmem>>) target_semaphore(%arg9 : memref<!tpu.dma_semaphore, #tpu.memory_space<semaphore_mem>>)
    %add3A_8 = arith.constant 32 : i32
    %add3A_9 = arith.addi %mul3A_2, %add3A_8 : i32
    %dma_start3A_10 = arith.constant 0 : i32
    %dma_start3A_11 = tpu.memref_slice %arg2[%add3A_9, %dma_start3A_10] : memref<16384x512xf32, #tpu.memory_space<hbm>> -> memref<32x512xf32, #tpu.memory_space<hbm>>
    %dma_start3A_12 = arith.constant 0 : i32
    %dma_start3A_13 = tpu.memref_slice %arg2[%add3A_9, %dma_start3A_12] : memref<16384x512xf32, #tpu.memory_space<hbm>> -> memref<32x512xf32, #tpu.memory_space<hbm>>
    tpu.enqueue_dma source(%dma_start3A_13 : memref<32x512xf32, #tpu.memory_space<hbm>>) target(%arg8 : memref<32x512xf32, #tpu.memory_space<vmem>>) target_semaphore(%arg10 : memref<!tpu.dma_semaphore, #tpu.memory_space<semaphore_mem>>)
    %add3A_14 = arith.constant 0 : i32
    %add3A_15 = arith.addi %mul3A_2, %add3A_14 : i32
    %dma_wait3A = arith.constant 0 : i32
    %dma_wait3A_16 = tpu.memref_slice %arg2[%add3A_15, %dma_wait3A] : memref<16384x512xf32, #tpu.memory_space<hbm>> -> memref<32x512xf32, #tpu.memory_space<hbm>>
    %dma_wait3A_17 = arith.constant 0 : i32
    %dma_wait3A_18 = tpu.memref_slice %arg2[%add3A_15, %dma_wait3A_17] : memref<16384x512xf32, #tpu.memory_space<hbm>> -> memref<32x512xf32, #tpu.memory_space<hbm>>
    tpu.wait_dma2 semaphore(%arg9 : memref<!tpu.dma_semaphore, #tpu.memory_space<semaphore_mem>>) src(%dma_wait3A_18 : memref<32x512xf32, #tpu.memory_space<hbm>>) dst(%arg7 : memref<32x512xf32, #tpu.memory_space<vmem>>)
    %dma_start3A_19 = arith.constant 0 : i32
    %dma_start3A_20 = arith.constant 0 : i32
    %dma_start3A_21 = tpu.memref_slice %arg6[%dma_start3A_19, %dma_start3A_20] : memref<16x32xi32, #tpu.memory_space<vmem>> -> memref<1x32xi32, #tpu.memory_space<vmem>>
    %dma_start3A_22 = tpu.memref_squeeze %dma_start3A_21 : memref<1x32xi32, #tpu.memory_space<vmem>> -> memref<32xi32, #tpu.memory_space<vmem>>
    %dma_start3A_23 = arith.constant 0 : i32
    %dma_start3A_24 = arith.constant 0 : i32
    %dma_start3A_25 = tpu.memref_slice %arg4[%dma_start3A_23, %dma_start3A_24] : memref<100000x512xf32, #tpu.memory_space<hbm>> -> memref<100000x512xf32, #tpu.memory_space<hbm>>
    tpu.enqueue_indirect_dma source(%arg7 : memref<32x512xf32, #tpu.memory_space<vmem>>) target(%dma_start3A_25 : memref<100000x512xf32, #tpu.memory_space<hbm>>) offsets(%dma_start3A_22 : memref<32xi32, #tpu.memory_space<vmem>>) semaphore(%arg11 : memref<!tpu.dma_semaphore, #tpu.memory_space<semaphore_mem>>)
    %dma_wait3A_26 = arith.constant 0 : i32
    %dma_wait3A_27 = arith.constant 0 : i32
    %dma_wait3A_28 = tpu.memref_slice %arg6[%dma_wait3A_26, %dma_wait3A_27] : memref<16x32xi32, #tpu.memory_space<vmem>> -> memref<1x32xi32, #tpu.memory_space<vmem>>
    %dma_wait3A_29 = tpu.memref_squeeze %dma_wait3A_28 : memref<1x32xi32, #tpu.memory_space<vmem>> -> memref<32xi32, #tpu.memory_space<vmem>>
    %dma_wait3A_30 = arith.constant 0 : i32
    %dma_wait3A_31 = arith.constant 0 : i32
    %dma_wait3A_32 = tpu.memref_slice %arg4[%dma_wait3A_30, %dma_wait3A_31] : memref<100000x512xf32, #tpu.memory_space<hbm>> -> memref<100000x512xf32, #tpu.memory_space<hbm>>
    tpu.wait_indirect_dma semaphore(%arg11 : memref<!tpu.dma_semaphore, #tpu.memory_space<semaphore_mem>>) src(%arg7 : memref<32x512xf32, #tpu.memory_space<vmem>>) dst(%dma_wait3A_32 : memref<100000x512xf32, #tpu.memory_space<hbm>>)
    %add3A_33 = arith.constant 64 : i32
    %add3A_34 = arith.addi %mul3A_2, %add3A_33 : i32
    %dma_start3A_35 = arith.constant 0 : i32
    %dma_start3A_36 = tpu.memref_slice %arg2[%add3A_34, %dma_start3A_35] : memref<16384x512xf32, #tpu.memory_space<hbm>> -> memref<32x512xf32, #tpu.memory_space<hbm>>
    %dma_start3A_37 = arith.constant 0 : i32
    %dma_start3A_38 = tpu.memref_slice %arg2[%add3A_34, %dma_start3A_37] : memref<16384x512xf32, #tpu.memory_space<hbm>> -> memref<32x512xf32, #tpu.memory_space<hbm>>
    tpu.enqueue_dma source(%dma_start3A_38 : memref<32x512xf32, #tpu.memory_space<hbm>>) target(%arg7 : memref<32x512xf32, #tpu.memory_space<vmem>>) target_semaphore(%arg9 : memref<!tpu.dma_semaphore, #tpu.memory_space<semaphore_mem>>)
    %add3A_39 = arith.constant 32 : i32
    %add3A_40 = arith.addi %mul3A_2, %add3A_39 : i32
    %dma_wait3A_41 = arith.constant 0 : i32
    %dma_wait3A_42 = tpu.memref_slice %arg2[%add3A_40, %dma_wait3A_41] : memref<16384x512xf32, #tpu.memory_space<hbm>> -> memref<32x512xf32, #tpu.memory_space<hbm>>
    %dma_wait3A_43 = arith.constant 0 : i32
    %dma_wait3A_44 = tpu.memref_slice %arg2[%add3A_40, %dma_wait3A_43] : memref<16384x512xf32, #tpu.memory_space<hbm>> -> memref<32x512xf32, #tpu.memory_space<hbm>>
    tpu.wait_dma2 semaphore(%arg10 : memref<!tpu.dma_semaphore, #tpu.memory_space<semaphore_mem>>) src(%dma_wait3A_44 : memref<32x512xf32, #tpu.memory_space<hbm>>) dst(%arg8 : memref<32x512xf32, #tpu.memory_space<vmem>>)
    %dma_start3A_45 = arith.constant 1 : i32
    %dma_start3A_46 = arith.constant 0 : i32
    %dma_start3A_47 = tpu.memref_slice %arg6[%dma_start3A_45, %dma_start3A_46] : memref<16x32xi32, #tpu.memory_space<vmem>> -> memref<1x32xi32, #tpu.memory_space<vmem>>
    %dma_start3A_48 = tpu.memref_squeeze %dma_start3A_47 : memref<1x32xi32, #tpu.memory_space<vmem>> -> memref<32xi32, #tpu.memory_space<vmem>>
    %dma_start3A_49 = arith.constant 0 : i32
    %dma_start3A_50 = arith.constant 0 : i32
    %dma_start3A_51 = tpu.memref_slice %arg4[%dma_start3A_49, %dma_start3A_50] : memref<100000x512xf32, #tpu.memory_space<hbm>> -> memref<100000x512xf32, #tpu.memory_space<hbm>>
    tpu.enqueue_indirect_dma source(%arg8 : memref<32x512xf32, #tpu.memory_space<vmem>>) target(%dma_start3A_51 : memref<100000x512xf32, #tpu.memory_space<hbm>>) offsets(%dma_start3A_48 : memref<32xi32, #tpu.memory_space<vmem>>) semaphore(%arg12 : memref<!tpu.dma_semaphore, #tpu.memory_space<semaphore_mem>>)
    %dma_wait3A_52 = arith.constant 1 : i32
    %dma_wait3A_53 = arith.constant 0 : i32
    %dma_wait3A_54 = tpu.memref_slice %arg6[%dma_wait3A_52, %dma_wait3A_53] : memref<16x32xi32, #tpu.memory_space<vmem>> -> memref<1x32xi32, #tpu.memory_space<vmem>>
    %dma_wait3A_55 = tpu.memref_squeeze %dma_wait3A_54 : memref<1x32xi32, #tpu.memory_space<vmem>> -> memref<32xi32, #tpu.memory_space<vmem>>
    %dma_wait3A_56 = arith.constant 0 : i32
    %dma_wait3A_57 = arith.constant 0 : i32
    %dma_wait3A_58 = tpu.memref_slice %arg4[%dma_wait3A_56, %dma_wait3A_57] : memref<100000x512xf32, #tpu.memory_space<hbm>> -> memref<100000x512xf32, #tpu.memory_space<hbm>>
    tpu.wait_indirect_dma semaphore(%arg12 : memref<!tpu.dma_semaphore, #tpu.memory_space<semaphore_mem>>) src(%arg8 : memref<32x512xf32, #tpu.memory_space<vmem>>) dst(%dma_wait3A_58 : memref<100000x512xf32, #tpu.memory_space<hbm>>)
    %add3A_59 = arith.constant 96 : i32
    %add3A_60 = arith.addi %mul3A_2, %add3A_59 : i32
    %dma_start3A_61 = arith.constant 0 : i32
    %dma_start3A_62 = tpu.memref_slice %arg2[%add3A_60, %dma_start3A_61] : memref<16384x512xf32, #tpu.memory_space<hbm>> -> memref<32x512xf32, #tpu.memory_space<hbm>>
    %dma_start3A_63 = arith.constant 0 : i32
    %dma_start3A_64 = tpu.memref_slice %arg2[%add3A_60, %dma_start3A_63] : memref<16384x512xf32, #tpu.memory_space<hbm>> -> memref<32x512xf32, #tpu.memory_space<hbm>>
    tpu.enqueue_dma source(%dma_start3A_64 : memref<32x512xf32, #tpu.memory_space<hbm>>) target(%arg8 : memref<32x512xf32, #tpu.memory_space<vmem>>) target_semaphore(%arg10 : memref<!tpu.dma_semaphore, #tpu.memory_space<semaphore_mem>>)
    %add3A_65 = arith.constant 64 : i32
    %add3A_66 = arith.addi %mul3A_2, %add3A_65 : i32
    %dma_wait3A_67 = arith.constant 0 : i32
    %dma_wait3A_68 = tpu.memref_slice %arg2[%add3A_66, %dma_wait3A_67] : memref<16384x512xf32, #tpu.memory_space<hbm>> -> memref<32x512xf32, #tpu.memory_space<hbm>>
    %dma_wait3A_69 = arith.constant 0 : i32
    %dma_wait3A_70 = tpu.memref_slice %arg2[%add3A_66, %dma_wait3A_69] : memref<16384x512xf32, #tpu.memory_space<hbm>> -> memref<32x512xf32, #tpu.memory_space<hbm>>
    tpu.wait_dma2 semaphore(%arg9 : memref<!tpu.dma_semaphore, #tpu.memory_space<semaphore_mem>>) src(%dma_wait3A_70 : memref<32x512xf32, #tpu.memory_space<hbm>>) dst(%arg7 : memref<32x512xf32, #tpu.memory_space<vmem>>)
    %dma_start3A_71 = arith.constant 2 : i32
    %dma_start3A_72 = arith.constant 0 : i32
    %dma_start3A_73 = tpu.memref_slice %arg6[%dma_start3A_71, %dma_start3A_72] : memref<16x32xi32, #tpu.memory_space<vmem>> -> memref<1x32xi32, #tpu.memory_space<vmem>>
    %dma_start3A_74 = tpu.memref_squeeze %dma_start3A_73 : memref<1x32xi32, #tpu.memory_space<vmem>> -> memref<32xi32, #tpu.memory_space<vmem>>
    %dma_start3A_75 = arith.constant 0 : i32
    %dma_start3A_76 = arith.constant 0 : i32
    %dma_start3A_77 = tpu.memref_slice %arg4[%dma_start3A_75, %dma_start3A_76] : memref<100000x512xf32, #tpu.memory_space<hbm>> -> memref<100000x512xf32, #tpu.memory_space<hbm>>
    tpu.enqueue_indirect_dma source(%arg7 : memref<32x512xf32, #tpu.memory_space<vmem>>) target(%dma_start3A_77 : memref<100000x512xf32, #tpu.memory_space<hbm>>) offsets(%dma_start3A_74 : memref<32xi32, #tpu.memory_space<vmem>>) semaphore(%arg11 : memref<!tpu.dma_semaphore, #tpu.memory_space<semaphore_mem>>)
    %dma_wait3A_78 = arith.constant 2 : i32
    %dma_wait3A_79 = arith.constant 0 : i32
    %dma_wait3A_80 = tpu.memref_slice %arg6[%dma_wait3A_78, %dma_wait3A_79] : memref<16x32xi32, #tpu.memory_space<vmem>> -> memref<1x32xi32, #tpu.memory_space<vmem>>
    %dma_wait3A_81 = tpu.memref_squeeze %dma_wait3A_80 : memref<1x32xi32, #tpu.memory_space<vmem>> -> memref<32xi32, #tpu.memory_space<vmem>>
    %dma_wait3A_82 = arith.constant 0 : i32
    %dma_wait3A_83 = arith.constant 0 : i32
    %dma_wait3A_84 = tpu.memref_slice %arg4[%dma_wait3A_82, %dma_wait3A_83] : memref<100000x512xf32, #tpu.memory_space<hbm>> -> memref<100000x512xf32, #tpu.memory_space<hbm>>
    tpu.wait_indirect_dma semaphore(%arg11 : memref<!tpu.dma_semaphore, #tpu.memory_space<semaphore_mem>>) src(%arg7 : memref<32x512xf32, #tpu.memory_space<vmem>>) dst(%dma_wait3A_84 : memref<100000x512xf32, #tpu.memory_space<hbm>>)
    %add3A_85 = arith.constant 128 : i32
    %add3A_86 = arith.addi %mul3A_2, %add3A_85 : i32
    %dma_start3A_87 = arith.constant 0 : i32
    %dma_start3A_88 = tpu.memref_slice %arg2[%add3A_86, %dma_start3A_87] : memref<16384x512xf32, #tpu.memory_space<hbm>> -> memref<32x512xf32, #tpu.memory_space<hbm>>
    %dma_start3A_89 = arith.constant 0 : i32
    %dma_start3A_90 = tpu.memref_slice %arg2[%add3A_86, %dma_start3A_89] : memref<16384x512xf32, #tpu.memory_space<hbm>> -> memref<32x512xf32, #tpu.memory_space<hbm>>
    tpu.enqueue_dma source(%dma_start3A_90 : memref<32x512xf32, #tpu.memory_space<hbm>>) target(%arg7 : memref<32x512xf32, #tpu.memory_space<vmem>>) target_semaphore(%arg9 : memref<!tpu.dma_semaphore, #tpu.memory_space<semaphore_mem>>)
    %add3A_91 = arith.constant 96 : i32
    %add3A_92 = arith.addi %mul3A_2, %add3A_91 : i32
    %dma_wait3A_93 = arith.constant 0 : i32
    %dma_wait3A_94 = tpu.memref_slice %arg2[%add3A_92, %dma_wait3A_93] : memref<16384x512xf32, #tpu.memory_space<hbm>> -> memref<32x512xf32, #tpu.memory_space<hbm>>
    %dma_wait3A_95 = arith.constant 0 : i32
    %dma_wait3A_96 = tpu.memref_slice %arg2[%add3A_92, %dma_wait3A_95] : memref<16384x512xf32, #tpu.memory_space<hbm>> -> memref<32x512xf32, #tpu.memory_space<hbm>>
    tpu.wait_dma2 semaphore(%arg10 : memref<!tpu.dma_semaphore, #tpu.memory_space<semaphore_mem>>) src(%dma_wait3A_96 : memref<32x512xf32, #tpu.memory_space<hbm>>) dst(%arg8 : memref<32x512xf32, #tpu.memory_space<vmem>>)
    %dma_start3A_97 = arith.constant 3 : i32
    %dma_start3A_98 = arith.constant 0 : i32
    %dma_start3A_99 = tpu.memref_slice %arg6[%dma_start3A_97, %dma_start3A_98] : memref<16x32xi32, #tpu.memory_space<vmem>> -> memref<1x32xi32, #tpu.memory_space<vmem>>
    %dma_start3A_100 = tpu.memref_squeeze %dma_start3A_99 : memref<1x32xi32, #tpu.memory_space<vmem>> -> memref<32xi32, #tpu.memory_space<vmem>>
    %dma_start3A_101 = arith.constant 0 : i32
    %dma_start3A_102 = arith.constant 0 : i32
    %dma_start3A_103 = tpu.memref_slice %arg4[%dma_start3A_101, %dma_start3A_102] : memref<100000x512xf32, #tpu.memory_space<hbm>> -> memref<100000x512xf32, #tpu.memory_space<hbm>>
    tpu.enqueue_indirect_dma source(%arg8 : memref<32x512xf32, #tpu.memory_space<vmem>>) target(%dma_start3A_103 : memref<100000x512xf32, #tpu.memory_space<hbm>>) offsets(%dma_start3A_100 : memref<32xi32, #tpu.memory_space<vmem>>) semaphore(%arg12 : memref<!tpu.dma_semaphore, #tpu.memory_space<semaphore_mem>>)
    %dma_wait3A_104 = arith.constant 3 : i32
    %dma_wait3A_105 = arith.constant 0 : i32
    %dma_wait3A_106 = tpu.memref_slice %arg6[%dma_wait3A_104, %dma_wait3A_105] : memref<16x32xi32, #tpu.memory_space<vmem>> -> memref<1x32xi32, #tpu.memory_space<vmem>>
    %dma_wait3A_107 = tpu.memref_squeeze %dma_wait3A_106 : memref<1x32xi32, #tpu.memory_space<vmem>> -> memref<32xi32, #tpu.memory_space<vmem>>
    %dma_wait3A_108 = arith.constant 0 : i32
    %dma_wait3A_109 = arith.constant 0 : i32
    %dma_wait3A_110 = tpu.memref_slice %arg4[%dma_wait3A_108, %dma_wait3A_109] : memref<100000x512xf32, #tpu.memory_space<hbm>> -> memref<100000x512xf32, #tpu.memory_space<hbm>>
    tpu.wait_indirect_dma semaphore(%arg12 : memref<!tpu.dma_semaphore, #tpu.memory_space<semaphore_mem>>) src(%arg8 : memref<32x512xf32, #tpu.memory_space<vmem>>) dst(%dma_wait3A_110 : memref<100000x512xf32, #tpu.memory_space<hbm>>)
    %add3A_111 = arith.constant 160 : i32
    %add3A_112 = arith.addi %mul3A_2, %add3A_111 : i32
    %dma_start3A_113 = arith.constant 0 : i32
    %dma_start3A_114 = tpu.memref_slice %arg2[%add3A_112, %dma_start3A_113] : memref<16384x512xf32, #tpu.memory_space<hbm>> -> memref<32x512xf32, #tpu.memory_space<hbm>>
    %dma_start3A_115 = arith.constant 0 : i32
    %dma_start3A_116 = tpu.memref_slice %arg2[%add3A_112, %dma_start3A_115] : memref<16384x512xf32, #tpu.memory_space<hbm>> -> memref<32x512xf32, #tpu.memory_space<hbm>>
    tpu.enqueue_dma source(%dma_start3A_116 : memref<32x512xf32, #tpu.memory_space<hbm>>) target(%arg8 : memref<32x512xf32, #tpu.memory_space<vmem>>) target_semaphore(%arg10 : memref<!tpu.dma_semaphore, #tpu.memory_space<semaphore_mem>>)
    %add3A_117 = arith.constant 128 : i32
    %add3A_118 = arith.addi %mul3A_2, %add3A_117 : i32
    %dma_wait3A_119 = arith.constant 0 : i32
    %dma_wait3A_120 = tpu.memref_slice %arg2[%add3A_118, %dma_wait3A_119] : memref<16384x512xf32, #tpu.memory_space<hbm>> -> memref<32x512xf32, #tpu.memory_space<hbm>>
    %dma_wait3A_121 = arith.constant 0 : i32
    %dma_wait3A_122 = tpu.memref_slice %arg2[%add3A_118, %dma_wait3A_121] : memref<16384x512xf32, #tpu.memory_space<hbm>> -> memref<32x512xf32, #tpu.memory_space<hbm>>
    tpu.wait_dma2 semaphore(%arg9 : memref<!tpu.dma_semaphore, #tpu.memory_space<semaphore_mem>>) src(%dma_wait3A_122 : memref<32x512xf32, #tpu.memory_space<hbm>>) dst(%arg7 : memref<32x512xf32, #tpu.memory_space<vmem>>)
    %dma_start3A_123 = arith.constant 4 : i32
    %dma_start3A_124 = arith.constant 0 : i32
    %dma_start3A_125 = tpu.memref_slice %arg6[%dma_start3A_123, %dma_start3A_124] : memref<16x32xi32, #tpu.memory_space<vmem>> -> memref<1x32xi32, #tpu.memory_space<vmem>>
    %dma_start3A_126 = tpu.memref_squeeze %dma_start3A_125 : memref<1x32xi32, #tpu.memory_space<vmem>> -> memref<32xi32, #tpu.memory_space<vmem>>
    %dma_start3A_127 = arith.constant 0 : i32
    %dma_start3A_128 = arith.constant 0 : i32
    %dma_start3A_129 = tpu.memref_slice %arg4[%dma_start3A_127, %dma_start3A_128] : memref<100000x512xf32, #tpu.memory_space<hbm>> -> memref<100000x512xf32, #tpu.memory_space<hbm>>
    tpu.enqueue_indirect_dma source(%arg7 : memref<32x512xf32, #tpu.memory_space<vmem>>) target(%dma_start3A_129 : memref<100000x512xf32, #tpu.memory_space<hbm>>) offsets(%dma_start3A_126 : memref<32xi32, #tpu.memory_space<vmem>>) semaphore(%arg11 : memref<!tpu.dma_semaphore, #tpu.memory_space<semaphore_mem>>)
    %dma_wait3A_130 = arith.constant 4 : i32
    %dma_wait3A_131 = arith.constant 0 : i32
    %dma_wait3A_132 = tpu.memref_slice %arg6[%dma_wait3A_130, %dma_wait3A_131] : memref<16x32xi32, #tpu.memory_space<vmem>> -> memref<1x32xi32, #tpu.memory_space<vmem>>
    %dma_wait3A_133 = tpu.memref_squeeze %dma_wait3A_132 : memref<1x32xi32, #tpu.memory_space<vmem>> -> memref<32xi32, #tpu.memory_space<vmem>>
    %dma_wait3A_134 = arith.constant 0 : i32
    %dma_wait3A_135 = arith.constant 0 : i32
    %dma_wait3A_136 = tpu.memref_slice %arg4[%dma_wait3A_134, %dma_wait3A_135] : memref<100000x512xf32, #tpu.memory_space<hbm>> -> memref<100000x512xf32, #tpu.memory_space<hbm>>
    tpu.wait_indirect_dma semaphore(%arg11 : memref<!tpu.dma_semaphore, #tpu.memory_space<semaphore_mem>>) src(%arg7 : memref<32x512xf32, #tpu.memory_space<vmem>>) dst(%dma_wait3A_136 : memref<100000x512xf32, #tpu.memory_space<hbm>>)
    %add3A_137 = arith.constant 192 : i32
    %add3A_138 = arith.addi %mul3A_2, %add3A_137 : i32
    %dma_start3A_139 = arith.constant 0 : i32
    %dma_start3A_140 = tpu.memref_slice %arg2[%add3A_138, %dma_start3A_139] : memref<16384x512xf32, #tpu.memory_space<hbm>> -> memref<32x512xf32, #tpu.memory_space<hbm>>
    %dma_start3A_141 = arith.constant 0 : i32
    %dma_start3A_142 = tpu.memref_slice %arg2[%add3A_138, %dma_start3A_141] : memref<16384x512xf32, #tpu.memory_space<hbm>> -> memref<32x512xf32, #tpu.memory_space<hbm>>
    tpu.enqueue_dma source(%dma_start3A_142 : memref<32x512xf32, #tpu.memory_space<hbm>>) target(%arg7 : memref<32x512xf32, #tpu.memory_space<vmem>>) target_semaphore(%arg9 : memref<!tpu.dma_semaphore, #tpu.memory_space<semaphore_mem>>)
    %add3A_143 = arith.constant 160 : i32
    %add3A_144 = arith.addi %mul3A_2, %add3A_143 : i32
    %dma_wait3A_145 = arith.constant 0 : i32
    %dma_wait3A_146 = tpu.memref_slice %arg2[%add3A_144, %dma_wait3A_145] : memref<16384x512xf32, #tpu.memory_space<hbm>> -> memref<32x512xf32, #tpu.memory_space<hbm>>
    %dma_wait3A_147 = arith.constant 0 : i32
    %dma_wait3A_148 = tpu.memref_slice %arg2[%add3A_144, %dma_wait3A_147] : memref<16384x512xf32, #tpu.memory_space<hbm>> -> memref<32x512xf32, #tpu.memory_space<hbm>>
    tpu.wait_dma2 semaphore(%arg10 : memref<!tpu.dma_semaphore, #tpu.memory_space<semaphore_mem>>) src(%dma_wait3A_148 : memref<32x512xf32, #tpu.memory_space<hbm>>) dst(%arg8 : memref<32x512xf32, #tpu.memory_space<vmem>>)
    %dma_start3A_149 = arith.constant 5 : i32
    %dma_start3A_150 = arith.constant 0 : i32
    %dma_start3A_151 = tpu.memref_slice %arg6[%dma_start3A_149, %dma_start3A_150] : memref<16x32xi32, #tpu.memory_space<vmem>> -> memref<1x32xi32, #tpu.memory_space<vmem>>
    %dma_start3A_152 = tpu.memref_squeeze %dma_start3A_151 : memref<1x32xi32, #tpu.memory_space<vmem>> -> memref<32xi32, #tpu.memory_space<vmem>>
    %dma_start3A_153 = arith.constant 0 : i32
    %dma_start3A_154 = arith.constant 0 : i32
    %dma_start3A_155 = tpu.memref_slice %arg4[%dma_start3A_153, %dma_start3A_154] : memref<100000x512xf32, #tpu.memory_space<hbm>> -> memref<100000x512xf32, #tpu.memory_space<hbm>>
    tpu.enqueue_indirect_dma source(%arg8 : memref<32x512xf32, #tpu.memory_space<vmem>>) target(%dma_start3A_155 : memref<100000x512xf32, #tpu.memory_space<hbm>>) offsets(%dma_start3A_152 : memref<32xi32, #tpu.memory_space<vmem>>) semaphore(%arg12 : memref<!tpu.dma_semaphore, #tpu.memory_space<semaphore_mem>>)
    %dma_wait3A_156 = arith.constant 5 : i32
    %dma_wait3A_157 = arith.constant 0 : i32
    %dma_wait3A_158 = tpu.memref_slice %arg6[%dma_wait3A_156, %dma_wait3A_157] : memref<16x32xi32, #tpu.memory_space<vmem>> -> memref<1x32xi32, #tpu.memory_space<vmem>>
    %dma_wait3A_159 = tpu.memref_squeeze %dma_wait3A_158 : memref<1x32xi32, #tpu.memory_space<vmem>> -> memref<32xi32, #tpu.memory_space<vmem>>
    %dma_wait3A_160 = arith.constant 0 : i32
    %dma_wait3A_161 = arith.constant 0 : i32
    %dma_wait3A_162 = tpu.memref_slice %arg4[%dma_wait3A_160, %dma_wait3A_161] : memref<100000x512xf32, #tpu.memory_space<hbm>> -> memref<100000x512xf32, #tpu.memory_space<hbm>>
    tpu.wait_indirect_dma semaphore(%arg12 : memref<!tpu.dma_semaphore, #tpu.memory_space<semaphore_mem>>) src(%arg8 : memref<32x512xf32, #tpu.memory_space<vmem>>) dst(%dma_wait3A_162 : memref<100000x512xf32, #tpu.memory_space<hbm>>)
    %add3A_163 = arith.constant 224 : i32
    %add3A_164 = arith.addi %mul3A_2, %add3A_163 : i32
    %dma_start3A_165 = arith.constant 0 : i32
    %dma_start3A_166 = tpu.memref_slice %arg2[%add3A_164, %dma_start3A_165] : memref<16384x512xf32, #tpu.memory_space<hbm>> -> memref<32x512xf32, #tpu.memory_space<hbm>>
    %dma_start3A_167 = arith.constant 0 : i32
    %dma_start3A_168 = tpu.memref_slice %arg2[%add3A_164, %dma_start3A_167] : memref<16384x512xf32, #tpu.memory_space<hbm>> -> memref<32x512xf32, #tpu.memory_space<hbm>>
    tpu.enqueue_dma source(%dma_start3A_168 : memref<32x512xf32, #tpu.memory_space<hbm>>) target(%arg8 : memref<32x512xf32, #tpu.memory_space<vmem>>) target_semaphore(%arg10 : memref<!tpu.dma_semaphore, #tpu.memory_space<semaphore_mem>>)
    %add3A_169 = arith.constant 192 : i32
    %add3A_170 = arith.addi %mul3A_2, %add3A_169 : i32
    %dma_wait3A_171 = arith.constant 0 : i32
    %dma_wait3A_172 = tpu.memref_slice %arg2[%add3A_170, %dma_wait3A_171] : memref<16384x512xf32, #tpu.memory_space<hbm>> -> memref<32x512xf32, #tpu.memory_space<hbm>>
    %dma_wait3A_173 = arith.constant 0 : i32
    %dma_wait3A_174 = tpu.memref_slice %arg2[%add3A_170, %dma_wait3A_173] : memref<16384x512xf32, #tpu.memory_space<hbm>> -> memref<32x512xf32, #tpu.memory_space<hbm>>
    tpu.wait_dma2 semaphore(%arg9 : memref<!tpu.dma_semaphore, #tpu.memory_space<semaphore_mem>>) src(%dma_wait3A_174 : memref<32x512xf32, #tpu.memory_space<hbm>>) dst(%arg7 : memref<32x512xf32, #tpu.memory_space<vmem>>)
    %dma_start3A_175 = arith.constant 6 : i32
    %dma_start3A_176 = arith.constant 0 : i32
    %dma_start3A_177 = tpu.memref_slice %arg6[%dma_start3A_175, %dma_start3A_176] : memref<16x32xi32, #tpu.memory_space<vmem>> -> memref<1x32xi32, #tpu.memory_space<vmem>>
    %dma_start3A_178 = tpu.memref_squeeze %dma_start3A_177 : memref<1x32xi32, #tpu.memory_space<vmem>> -> memref<32xi32, #tpu.memory_space<vmem>>
    %dma_start3A_179 = arith.constant 0 : i32
    %dma_start3A_180 = arith.constant 0 : i32
    %dma_start3A_181 = tpu.memref_slice %arg4[%dma_start3A_179, %dma_start3A_180] : memref<100000x512xf32, #tpu.memory_space<hbm>> -> memref<100000x512xf32, #tpu.memory_space<hbm>>
    tpu.enqueue_indirect_dma source(%arg7 : memref<32x512xf32, #tpu.memory_space<vmem>>) target(%dma_start3A_181 : memref<100000x512xf32, #tpu.memory_space<hbm>>) offsets(%dma_start3A_178 : memref<32xi32, #tpu.memory_space<vmem>>) semaphore(%arg11 : memref<!tpu.dma_semaphore, #tpu.memory_space<semaphore_mem>>)
    %dma_wait3A_182 = arith.constant 6 : i32
    %dma_wait3A_183 = arith.constant 0 : i32
    %dma_wait3A_184 = tpu.memref_slice %arg6[%dma_wait3A_182, %dma_wait3A_183] : memref<16x32xi32, #tpu.memory_space<vmem>> -> memref<1x32xi32, #tpu.memory_space<vmem>>
    %dma_wait3A_185 = tpu.memref_squeeze %dma_wait3A_184 : memref<1x32xi32, #tpu.memory_space<vmem>> -> memref<32xi32, #tpu.memory_space<vmem>>
    %dma_wait3A_186 = arith.constant 0 : i32
    %dma_wait3A_187 = arith.constant 0 : i32
    %dma_wait3A_188 = tpu.memref_slice %arg4[%dma_wait3A_186, %dma_wait3A_187] : memref<100000x512xf32, #tpu.memory_space<hbm>> -> memref<100000x512xf32, #tpu.memory_space<hbm>>
    tpu.wait_indirect_dma semaphore(%arg11 : memref<!tpu.dma_semaphore, #tpu.memory_space<semaphore_mem>>) src(%arg7 : memref<32x512xf32, #tpu.memory_space<vmem>>) dst(%dma_wait3A_188 : memref<100000x512xf32, #tpu.memory_space<hbm>>)
    %add3A_189 = arith.constant 256 : i32
    %add3A_190 = arith.addi %mul3A_2, %add3A_189 : i32
    %dma_start3A_191 = arith.constant 0 : i32
    %dma_start3A_192 = tpu.memref_slice %arg2[%add3A_190, %dma_start3A_191] : memref<16384x512xf32, #tpu.memory_space<hbm>> -> memref<32x512xf32, #tpu.memory_space<hbm>>
    %dma_start3A_193 = arith.constant 0 : i32
    %dma_start3A_194 = tpu.memref_slice %arg2[%add3A_190, %dma_start3A_193] : memref<16384x512xf32, #tpu.memory_space<hbm>> -> memref<32x512xf32, #tpu.memory_space<hbm>>
    tpu.enqueue_dma source(%dma_start3A_194 : memref<32x512xf32, #tpu.memory_space<hbm>>) target(%arg7 : memref<32x512xf32, #tpu.memory_space<vmem>>) target_semaphore(%arg9 : memref<!tpu.dma_semaphore, #tpu.memory_space<semaphore_mem>>)
    %add3A_195 = arith.constant 224 : i32
    %add3A_196 = arith.addi %mul3A_2, %add3A_195 : i32
    %dma_wait3A_197 = arith.constant 0 : i32
    %dma_wait3A_198 = tpu.memref_slice %arg2[%add3A_196, %dma_wait3A_197] : memref<16384x512xf32, #tpu.memory_space<hbm>> -> memref<32x512xf32, #tpu.memory_space<hbm>>
    %dma_wait3A_199 = arith.constant 0 : i32
    %dma_wait3A_200 = tpu.memref_slice %arg2[%add3A_196, %dma_wait3A_199] : memref<16384x512xf32, #tpu.memory_space<hbm>> -> memref<32x512xf32, #tpu.memory_space<hbm>>
    tpu.wait_dma2 semaphore(%arg10 : memref<!tpu.dma_semaphore, #tpu.memory_space<semaphore_mem>>) src(%dma_wait3A_200 : memref<32x512xf32, #tpu.memory_space<hbm>>) dst(%arg8 : memref<32x512xf32, #tpu.memory_space<vmem>>)
    %dma_start3A_201 = arith.constant 7 : i32
    %dma_start3A_202 = arith.constant 0 : i32
    %dma_start3A_203 = tpu.memref_slice %arg6[%dma_start3A_201, %dma_start3A_202] : memref<16x32xi32, #tpu.memory_space<vmem>> -> memref<1x32xi32, #tpu.memory_space<vmem>>
    %dma_start3A_204 = tpu.memref_squeeze %dma_start3A_203 : memref<1x32xi32, #tpu.memory_space<vmem>> -> memref<32xi32, #tpu.memory_space<vmem>>
    %dma_start3A_205 = arith.constant 0 : i32
    %dma_start3A_206 = arith.constant 0 : i32
    %dma_start3A_207 = tpu.memref_slice %arg4[%dma_start3A_205, %dma_start3A_206] : memref<100000x512xf32, #tpu.memory_space<hbm>> -> memref<100000x512xf32, #tpu.memory_space<hbm>>
    tpu.enqueue_indirect_dma source(%arg8 : memref<32x512xf32, #tpu.memory_space<vmem>>) target(%dma_start3A_207 : memref<100000x512xf32, #tpu.memory_space<hbm>>) offsets(%dma_start3A_204 : memref<32xi32, #tpu.memory_space<vmem>>) semaphore(%arg12 : memref<!tpu.dma_semaphore, #tpu.memory_space<semaphore_mem>>)
    %dma_wait3A_208 = arith.constant 7 : i32
    %dma_wait3A_209 = arith.constant 0 : i32
    %dma_wait3A_210 = tpu.memref_slice %arg6[%dma_wait3A_208, %dma_wait3A_209] : memref<16x32xi32, #tpu.memory_space<vmem>> -> memref<1x32xi32, #tpu.memory_space<vmem>>
    %dma_wait3A_211 = tpu.memref_squeeze %dma_wait3A_210 : memref<1x32xi32, #tpu.memory_space<vmem>> -> memref<32xi32, #tpu.memory_space<vmem>>
    %dma_wait3A_212 = arith.constant 0 : i32
    %dma_wait3A_213 = arith.constant 0 : i32
    %dma_wait3A_214 = tpu.memref_slice %arg4[%dma_wait3A_212, %dma_wait3A_213] : memref<100000x512xf32, #tpu.memory_space<hbm>> -> memref<100000x512xf32, #tpu.memory_space<hbm>>
    tpu.wait_indirect_dma semaphore(%arg12 : memref<!tpu.dma_semaphore, #tpu.memory_space<semaphore_mem>>) src(%arg8 : memref<32x512xf32, #tpu.memory_space<vmem>>) dst(%dma_wait3A_214 : memref<100000x512xf32, #tpu.memory_space<hbm>>)
    %add3A_215 = arith.constant 288 : i32
    %add3A_216 = arith.addi %mul3A_2, %add3A_215 : i32
    %dma_start3A_217 = arith.constant 0 : i32
    %dma_start3A_218 = tpu.memref_slice %arg2[%add3A_216, %dma_start3A_217] : memref<16384x512xf32, #tpu.memory_space<hbm>> -> memref<32x512xf32, #tpu.memory_space<hbm>>
    %dma_start3A_219 = arith.constant 0 : i32
    %dma_start3A_220 = tpu.memref_slice %arg2[%add3A_216, %dma_start3A_219] : memref<16384x512xf32, #tpu.memory_space<hbm>> -> memref<32x512xf32, #tpu.memory_space<hbm>>
    tpu.enqueue_dma source(%dma_start3A_220 : memref<32x512xf32, #tpu.memory_space<hbm>>) target(%arg8 : memref<32x512xf32, #tpu.memory_space<vmem>>) target_semaphore(%arg10 : memref<!tpu.dma_semaphore, #tpu.memory_space<semaphore_mem>>)
    %add3A_221 = arith.constant 256 : i32
    %add3A_222 = arith.addi %mul3A_2, %add3A_221 : i32
    %dma_wait3A_223 = arith.constant 0 : i32
    %dma_wait3A_224 = tpu.memref_slice %arg2[%add3A_222, %dma_wait3A_223] : memref<16384x512xf32, #tpu.memory_space<hbm>> -> memref<32x512xf32, #tpu.memory_space<hbm>>
    %dma_wait3A_225 = arith.constant 0 : i32
    %dma_wait3A_226 = tpu.memref_slice %arg2[%add3A_222, %dma_wait3A_225] : memref<16384x512xf32, #tpu.memory_space<hbm>> -> memref<32x512xf32, #tpu.memory_space<hbm>>
    tpu.wait_dma2 semaphore(%arg9 : memref<!tpu.dma_semaphore, #tpu.memory_space<semaphore_mem>>) src(%dma_wait3A_226 : memref<32x512xf32, #tpu.memory_space<hbm>>) dst(%arg7 : memref<32x512xf32, #tpu.memory_space<vmem>>)
    %dma_start3A_227 = arith.constant 8 : i32
    %dma_start3A_228 = arith.constant 0 : i32
    %dma_start3A_229 = tpu.memref_slice %arg6[%dma_start3A_227, %dma_start3A_228] : memref<16x32xi32, #tpu.memory_space<vmem>> -> memref<1x32xi32, #tpu.memory_space<vmem>>
    %dma_start3A_230 = tpu.memref_squeeze %dma_start3A_229 : memref<1x32xi32, #tpu.memory_space<vmem>> -> memref<32xi32, #tpu.memory_space<vmem>>
    %dma_start3A_231 = arith.constant 0 : i32
    %dma_start3A_232 = arith.constant 0 : i32
    %dma_start3A_233 = tpu.memref_slice %arg4[%dma_start3A_231, %dma_start3A_232] : memref<100000x512xf32, #tpu.memory_space<hbm>> -> memref<100000x512xf32, #tpu.memory_space<hbm>>
    tpu.enqueue_indirect_dma source(%arg7 : memref<32x512xf32, #tpu.memory_space<vmem>>) target(%dma_start3A_233 : memref<100000x512xf32, #tpu.memory_space<hbm>>) offsets(%dma_start3A_230 : memref<32xi32, #tpu.memory_space<vmem>>) semaphore(%arg11 : memref<!tpu.dma_semaphore, #tpu.memory_space<semaphore_mem>>)
    %dma_wait3A_234 = arith.constant 8 : i32
    %dma_wait3A_235 = arith.constant 0 : i32
    %dma_wait3A_236 = tpu.memref_slice %arg6[%dma_wait3A_234, %dma_wait3A_235] : memref<16x32xi32, #tpu.memory_space<vmem>> -> memref<1x32xi32, #tpu.memory_space<vmem>>
    %dma_wait3A_237 = tpu.memref_squeeze %dma_wait3A_236 : memref<1x32xi32, #tpu.memory_space<vmem>> -> memref<32xi32, #tpu.memory_space<vmem>>
    %dma_wait3A_238 = arith.constant 0 : i32
    %dma_wait3A_239 = arith.constant 0 : i32
    %dma_wait3A_240 = tpu.memref_slice %arg4[%dma_wait3A_238, %dma_wait3A_239] : memref<100000x512xf32, #tpu.memory_space<hbm>> -> memref<100000x512xf32, #tpu.memory_space<hbm>>
    tpu.wait_indirect_dma semaphore(%arg11 : memref<!tpu.dma_semaphore, #tpu.memory_space<semaphore_mem>>) src(%arg7 : memref<32x512xf32, #tpu.memory_space<vmem>>) dst(%dma_wait3A_240 : memref<100000x512xf32, #tpu.memory_space<hbm>>)
    %add3A_241 = arith.constant 320 : i32
    %add3A_242 = arith.addi %mul3A_2, %add3A_241 : i32
    %dma_start3A_243 = arith.constant 0 : i32
    %dma_start3A_244 = tpu.memref_slice %arg2[%add3A_242, %dma_start3A_243] : memref<16384x512xf32, #tpu.memory_space<hbm>> -> memref<32x512xf32, #tpu.memory_space<hbm>>
    %dma_start3A_245 = arith.constant 0 : i32
    %dma_start3A_246 = tpu.memref_slice %arg2[%add3A_242, %dma_start3A_245] : memref<16384x512xf32, #tpu.memory_space<hbm>> -> memref<32x512xf32, #tpu.memory_space<hbm>>
    tpu.enqueue_dma source(%dma_start3A_246 : memref<32x512xf32, #tpu.memory_space<hbm>>) target(%arg7 : memref<32x512xf32, #tpu.memory_space<vmem>>) target_semaphore(%arg9 : memref<!tpu.dma_semaphore, #tpu.memory_space<semaphore_mem>>)
    %add3A_247 = arith.constant 288 : i32
    %add3A_248 = arith.addi %mul3A_2, %add3A_247 : i32
    %dma_wait3A_249 = arith.constant 0 : i32
    %dma_wait3A_250 = tpu.memref_slice %arg2[%add3A_248, %dma_wait3A_249] : memref<16384x512xf32, #tpu.memory_space<hbm>> -> memref<32x512xf32, #tpu.memory_space<hbm>>
    %dma_wait3A_251 = arith.constant 0 : i32
    %dma_wait3A_252 = tpu.memref_slice %arg2[%add3A_248, %dma_wait3A_251] : memref<16384x512xf32, #tpu.memory_space<hbm>> -> memref<32x512xf32, #tpu.memory_space<hbm>>
    tpu.wait_dma2 semaphore(%arg10 : memref<!tpu.dma_semaphore, #tpu.memory_space<semaphore_mem>>) src(%dma_wait3A_252 : memref<32x512xf32, #tpu.memory_space<hbm>>) dst(%arg8 : memref<32x512xf32, #tpu.memory_space<vmem>>)
    %dma_start3A_253 = arith.constant 9 : i32
    %dma_start3A_254 = arith.constant 0 : i32
    %dma_start3A_255 = tpu.memref_slice %arg6[%dma_start3A_253, %dma_start3A_254] : memref<16x32xi32, #tpu.memory_space<vmem>> -> memref<1x32xi32, #tpu.memory_space<vmem>>
    %dma_start3A_256 = tpu.memref_squeeze %dma_start3A_255 : memref<1x32xi32, #tpu.memory_space<vmem>> -> memref<32xi32, #tpu.memory_space<vmem>>
    %dma_start3A_257 = arith.constant 0 : i32
    %dma_start3A_258 = arith.constant 0 : i32
    %dma_start3A_259 = tpu.memref_slice %arg4[%dma_start3A_257, %dma_start3A_258] : memref<100000x512xf32, #tpu.memory_space<hbm>> -> memref<100000x512xf32, #tpu.memory_space<hbm>>
    tpu.enqueue_indirect_dma source(%arg8 : memref<32x512xf32, #tpu.memory_space<vmem>>) target(%dma_start3A_259 : memref<100000x512xf32, #tpu.memory_space<hbm>>) offsets(%dma_start3A_256 : memref<32xi32, #tpu.memory_space<vmem>>) semaphore(%arg12 : memref<!tpu.dma_semaphore, #tpu.memory_space<semaphore_mem>>)
    %dma_wait3A_260 = arith.constant 9 : i32
    %dma_wait3A_261 = arith.constant 0 : i32
    %dma_wait3A_262 = tpu.memref_slice %arg6[%dma_wait3A_260, %dma_wait3A_261] : memref<16x32xi32, #tpu.memory_space<vmem>> -> memref<1x32xi32, #tpu.memory_space<vmem>>
    %dma_wait3A_263 = tpu.memref_squeeze %dma_wait3A_262 : memref<1x32xi32, #tpu.memory_space<vmem>> -> memref<32xi32, #tpu.memory_space<vmem>>
    %dma_wait3A_264 = arith.constant 0 : i32
    %dma_wait3A_265 = arith.constant 0 : i32
    %dma_wait3A_266 = tpu.memref_slice %arg4[%dma_wait3A_264, %dma_wait3A_265] : memref<100000x512xf32, #tpu.memory_space<hbm>> -> memref<100000x512xf32, #tpu.memory_space<hbm>>
    tpu.wait_indirect_dma semaphore(%arg12 : memref<!tpu.dma_semaphore, #tpu.memory_space<semaphore_mem>>) src(%arg8 : memref<32x512xf32, #tpu.memory_space<vmem>>) dst(%dma_wait3A_266 : memref<100000x512xf32, #tpu.memory_space<hbm>>)
    %add3A_267 = arith.constant 352 : i32
    %add3A_268 = arith.addi %mul3A_2, %add3A_267 : i32
    %dma_start3A_269 = arith.constant 0 : i32
    %dma_start3A_270 = tpu.memref_slice %arg2[%add3A_268, %dma_start3A_269] : memref<16384x512xf32, #tpu.memory_space<hbm>> -> memref<32x512xf32, #tpu.memory_space<hbm>>
    %dma_start3A_271 = arith.constant 0 : i32
    %dma_start3A_272 = tpu.memref_slice %arg2[%add3A_268, %dma_start3A_271] : memref<16384x512xf32, #tpu.memory_space<hbm>> -> memref<32x512xf32, #tpu.memory_space<hbm>>
    tpu.enqueue_dma source(%dma_start3A_272 : memref<32x512xf32, #tpu.memory_space<hbm>>) target(%arg8 : memref<32x512xf32, #tpu.memory_space<vmem>>) target_semaphore(%arg10 : memref<!tpu.dma_semaphore, #tpu.memory_space<semaphore_mem>>)
    %add3A_273 = arith.constant 320 : i32
    %add3A_274 = arith.addi %mul3A_2, %add3A_273 : i32
    %dma_wait3A_275 = arith.constant 0 : i32
    %dma_wait3A_276 = tpu.memref_slice %arg2[%add3A_274, %dma_wait3A_275] : memref<16384x512xf32, #tpu.memory_space<hbm>> -> memref<32x512xf32, #tpu.memory_space<hbm>>
    %dma_wait3A_277 = arith.constant 0 : i32
    %dma_wait3A_278 = tpu.memref_slice %arg2[%add3A_274, %dma_wait3A_277] : memref<16384x512xf32, #tpu.memory_space<hbm>> -> memref<32x512xf32, #tpu.memory_space<hbm>>
    tpu.wait_dma2 semaphore(%arg9 : memref<!tpu.dma_semaphore, #tpu.memory_space<semaphore_mem>>) src(%dma_wait3A_278 : memref<32x512xf32, #tpu.memory_space<hbm>>) dst(%arg7 : memref<32x512xf32, #tpu.memory_space<vmem>>)
    %dma_start3A_279 = arith.constant 10 : i32
    %dma_start3A_280 = arith.constant 0 : i32
    %dma_start3A_281 = tpu.memref_slice %arg6[%dma_start3A_279, %dma_start3A_280] : memref<16x32xi32, #tpu.memory_space<vmem>> -> memref<1x32xi32, #tpu.memory_space<vmem>>
    %dma_start3A_282 = tpu.memref_squeeze %dma_start3A_281 : memref<1x32xi32, #tpu.memory_space<vmem>> -> memref<32xi32, #tpu.memory_space<vmem>>
    %dma_start3A_283 = arith.constant 0 : i32
    %dma_start3A_284 = arith.constant 0 : i32
    %dma_start3A_285 = tpu.memref_slice %arg4[%dma_start3A_283, %dma_start3A_284] : memref<100000x512xf32, #tpu.memory_space<hbm>> -> memref<100000x512xf32, #tpu.memory_space<hbm>>
    tpu.enqueue_indirect_dma source(%arg7 : memref<32x512xf32, #tpu.memory_space<vmem>>) target(%dma_start3A_285 : memref<100000x512xf32, #tpu.memory_space<hbm>>) offsets(%dma_start3A_282 : memref<32xi32, #tpu.memory_space<vmem>>) semaphore(%arg11 : memref<!tpu.dma_semaphore, #tpu.memory_space<semaphore_mem>>)
    %dma_wait3A_286 = arith.constant 10 : i32
    %dma_wait3A_287 = arith.constant 0 : i32
    %dma_wait3A_288 = tpu.memref_slice %arg6[%dma_wait3A_286, %dma_wait3A_287] : memref<16x32xi32, #tpu.memory_space<vmem>> -> memref<1x32xi32, #tpu.memory_space<vmem>>
    %dma_wait3A_289 = tpu.memref_squeeze %dma_wait3A_288 : memref<1x32xi32, #tpu.memory_space<vmem>> -> memref<32xi32, #tpu.memory_space<vmem>>
    %dma_wait3A_290 = arith.constant 0 : i32
    %dma_wait3A_291 = arith.constant 0 : i32
    %dma_wait3A_292 = tpu.memref_slice %arg4[%dma_wait3A_290, %dma_wait3A_291] : memref<100000x512xf32, #tpu.memory_space<hbm>> -> memref<100000x512xf32, #tpu.memory_space<hbm>>
    tpu.wait_indirect_dma semaphore(%arg11 : memref<!tpu.dma_semaphore, #tpu.memory_space<semaphore_mem>>) src(%arg7 : memref<32x512xf32, #tpu.memory_space<vmem>>) dst(%dma_wait3A_292 : memref<100000x512xf32, #tpu.memory_space<hbm>>)
    %add3A_293 = arith.constant 384 : i32
    %add3A_294 = arith.addi %mul3A_2, %add3A_293 : i32
    %dma_start3A_295 = arith.constant 0 : i32
    %dma_start3A_296 = tpu.memref_slice %arg2[%add3A_294, %dma_start3A_295] : memref<16384x512xf32, #tpu.memory_space<hbm>> -> memref<32x512xf32, #tpu.memory_space<hbm>>
    %dma_start3A_297 = arith.constant 0 : i32
    %dma_start3A_298 = tpu.memref_slice %arg2[%add3A_294, %dma_start3A_297] : memref<16384x512xf32, #tpu.memory_space<hbm>> -> memref<32x512xf32, #tpu.memory_space<hbm>>
    tpu.enqueue_dma source(%dma_start3A_298 : memref<32x512xf32, #tpu.memory_space<hbm>>) target(%arg7 : memref<32x512xf32, #tpu.memory_space<vmem>>) target_semaphore(%arg9 : memref<!tpu.dma_semaphore, #tpu.memory_space<semaphore_mem>>)
    %add3A_299 = arith.constant 352 : i32
    %add3A_300 = arith.addi %mul3A_2, %add3A_299 : i32
    %dma_wait3A_301 = arith.constant 0 : i32
    %dma_wait3A_302 = tpu.memref_slice %arg2[%add3A_300, %dma_wait3A_301] : memref<16384x512xf32, #tpu.memory_space<hbm>> -> memref<32x512xf32, #tpu.memory_space<hbm>>
    %dma_wait3A_303 = arith.constant 0 : i32
    %dma_wait3A_304 = tpu.memref_slice %arg2[%add3A_300, %dma_wait3A_303] : memref<16384x512xf32, #tpu.memory_space<hbm>> -> memref<32x512xf32, #tpu.memory_space<hbm>>
    tpu.wait_dma2 semaphore(%arg10 : memref<!tpu.dma_semaphore, #tpu.memory_space<semaphore_mem>>) src(%dma_wait3A_304 : memref<32x512xf32, #tpu.memory_space<hbm>>) dst(%arg8 : memref<32x512xf32, #tpu.memory_space<vmem>>)
    %dma_start3A_305 = arith.constant 11 : i32
    %dma_start3A_306 = arith.constant 0 : i32
    %dma_start3A_307 = tpu.memref_slice %arg6[%dma_start3A_305, %dma_start3A_306] : memref<16x32xi32, #tpu.memory_space<vmem>> -> memref<1x32xi32, #tpu.memory_space<vmem>>
    %dma_start3A_308 = tpu.memref_squeeze %dma_start3A_307 : memref<1x32xi32, #tpu.memory_space<vmem>> -> memref<32xi32, #tpu.memory_space<vmem>>
    %dma_start3A_309 = arith.constant 0 : i32
    %dma_start3A_310 = arith.constant 0 : i32
    %dma_start3A_311 = tpu.memref_slice %arg4[%dma_start3A_309, %dma_start3A_310] : memref<100000x512xf32, #tpu.memory_space<hbm>> -> memref<100000x512xf32, #tpu.memory_space<hbm>>
    tpu.enqueue_indirect_dma source(%arg8 : memref<32x512xf32, #tpu.memory_space<vmem>>) target(%dma_start3A_311 : memref<100000x512xf32, #tpu.memory_space<hbm>>) offsets(%dma_start3A_308 : memref<32xi32, #tpu.memory_space<vmem>>) semaphore(%arg12 : memref<!tpu.dma_semaphore, #tpu.memory_space<semaphore_mem>>)
    %dma_wait3A_312 = arith.constant 11 : i32
    %dma_wait3A_313 = arith.constant 0 : i32
    %dma_wait3A_314 = tpu.memref_slice %arg6[%dma_wait3A_312, %dma_wait3A_313] : memref<16x32xi32, #tpu.memory_space<vmem>> -> memref<1x32xi32, #tpu.memory_space<vmem>>
    %dma_wait3A_315 = tpu.memref_squeeze %dma_wait3A_314 : memref<1x32xi32, #tpu.memory_space<vmem>> -> memref<32xi32, #tpu.memory_space<vmem>>
    %dma_wait3A_316 = arith.constant 0 : i32
    %dma_wait3A_317 = arith.constant 0 : i32
    %dma_wait3A_318 = tpu.memref_slice %arg4[%dma_wait3A_316, %dma_wait3A_317] : memref<100000x512xf32, #tpu.memory_space<hbm>> -> memref<100000x512xf32, #tpu.memory_space<hbm>>
    tpu.wait_indirect_dma semaphore(%arg12 : memref<!tpu.dma_semaphore, #tpu.memory_space<semaphore_mem>>) src(%arg8 : memref<32x512xf32, #tpu.memory_space<vmem>>) dst(%dma_wait3A_318 : memref<100000x512xf32, #tpu.memory_space<hbm>>)
    %add3A_319 = arith.constant 416 : i32
    %add3A_320 = arith.addi %mul3A_2, %add3A_319 : i32
    %dma_start3A_321 = arith.constant 0 : i32
    %dma_start3A_322 = tpu.memref_slice %arg2[%add3A_320, %dma_start3A_321] : memref<16384x512xf32, #tpu.memory_space<hbm>> -> memref<32x512xf32, #tpu.memory_space<hbm>>
    %dma_start3A_323 = arith.constant 0 : i32
    %dma_start3A_324 = tpu.memref_slice %arg2[%add3A_320, %dma_start3A_323] : memref<16384x512xf32, #tpu.memory_space<hbm>> -> memref<32x512xf32, #tpu.memory_space<hbm>>
    tpu.enqueue_dma source(%dma_start3A_324 : memref<32x512xf32, #tpu.memory_space<hbm>>) target(%arg8 : memref<32x512xf32, #tpu.memory_space<vmem>>) target_semaphore(%arg10 : memref<!tpu.dma_semaphore, #tpu.memory_space<semaphore_mem>>)
    %add3A_325 = arith.constant 384 : i32
    %add3A_326 = arith.addi %mul3A_2, %add3A_325 : i32
    %dma_wait3A_327 = arith.constant 0 : i32
    %dma_wait3A_328 = tpu.memref_slice %arg2[%add3A_326, %dma_wait3A_327] : memref<16384x512xf32, #tpu.memory_space<hbm>> -> memref<32x512xf32, #tpu.memory_space<hbm>>
    %dma_wait3A_329 = arith.constant 0 : i32
    %dma_wait3A_330 = tpu.memref_slice %arg2[%add3A_326, %dma_wait3A_329] : memref<16384x512xf32, #tpu.memory_space<hbm>> -> memref<32x512xf32, #tpu.memory_space<hbm>>
    tpu.wait_dma2 semaphore(%arg9 : memref<!tpu.dma_semaphore, #tpu.memory_space<semaphore_mem>>) src(%dma_wait3A_330 : memref<32x512xf32, #tpu.memory_space<hbm>>) dst(%arg7 : memref<32x512xf32, #tpu.memory_space<vmem>>)
    %dma_start3A_331 = arith.constant 12 : i32
    %dma_start3A_332 = arith.constant 0 : i32
    %dma_start3A_333 = tpu.memref_slice %arg6[%dma_start3A_331, %dma_start3A_332] : memref<16x32xi32, #tpu.memory_space<vmem>> -> memref<1x32xi32, #tpu.memory_space<vmem>>
    %dma_start3A_334 = tpu.memref_squeeze %dma_start3A_333 : memref<1x32xi32, #tpu.memory_space<vmem>> -> memref<32xi32, #tpu.memory_space<vmem>>
    %dma_start3A_335 = arith.constant 0 : i32
    %dma_start3A_336 = arith.constant 0 : i32
    %dma_start3A_337 = tpu.memref_slice %arg4[%dma_start3A_335, %dma_start3A_336] : memref<100000x512xf32, #tpu.memory_space<hbm>> -> memref<100000x512xf32, #tpu.memory_space<hbm>>
    tpu.enqueue_indirect_dma source(%arg7 : memref<32x512xf32, #tpu.memory_space<vmem>>) target(%dma_start3A_337 : memref<100000x512xf32, #tpu.memory_space<hbm>>) offsets(%dma_start3A_334 : memref<32xi32, #tpu.memory_space<vmem>>) semaphore(%arg11 : memref<!tpu.dma_semaphore, #tpu.memory_space<semaphore_mem>>)
    %dma_wait3A_338 = arith.constant 12 : i32
    %dma_wait3A_339 = arith.constant 0 : i32
    %dma_wait3A_340 = tpu.memref_slice %arg6[%dma_wait3A_338, %dma_wait3A_339] : memref<16x32xi32, #tpu.memory_space<vmem>> -> memref<1x32xi32, #tpu.memory_space<vmem>>
    %dma_wait3A_341 = tpu.memref_squeeze %dma_wait3A_340 : memref<1x32xi32, #tpu.memory_space<vmem>> -> memref<32xi32, #tpu.memory_space<vmem>>
    %dma_wait3A_342 = arith.constant 0 : i32
    %dma_wait3A_343 = arith.constant 0 : i32
    %dma_wait3A_344 = tpu.memref_slice %arg4[%dma_wait3A_342, %dma_wait3A_343] : memref<100000x512xf32, #tpu.memory_space<hbm>> -> memref<100000x512xf32, #tpu.memory_space<hbm>>
    tpu.wait_indirect_dma semaphore(%arg11 : memref<!tpu.dma_semaphore, #tpu.memory_space<semaphore_mem>>) src(%arg7 : memref<32x512xf32, #tpu.memory_space<vmem>>) dst(%dma_wait3A_344 : memref<100000x512xf32, #tpu.memory_space<hbm>>)
    %add3A_345 = arith.constant 448 : i32
    %add3A_346 = arith.addi %mul3A_2, %add3A_345 : i32
    %dma_start3A_347 = arith.constant 0 : i32
    %dma_start3A_348 = tpu.memref_slice %arg2[%add3A_346, %dma_start3A_347] : memref<16384x512xf32, #tpu.memory_space<hbm>> -> memref<32x512xf32, #tpu.memory_space<hbm>>
    %dma_start3A_349 = arith.constant 0 : i32
    %dma_start3A_350 = tpu.memref_slice %arg2[%add3A_346, %dma_start3A_349] : memref<16384x512xf32, #tpu.memory_space<hbm>> -> memref<32x512xf32, #tpu.memory_space<hbm>>
    tpu.enqueue_dma source(%dma_start3A_350 : memref<32x512xf32, #tpu.memory_space<hbm>>) target(%arg7 : memref<32x512xf32, #tpu.memory_space<vmem>>) target_semaphore(%arg9 : memref<!tpu.dma_semaphore, #tpu.memory_space<semaphore_mem>>)
    %add3A_351 = arith.constant 416 : i32
    %add3A_352 = arith.addi %mul3A_2, %add3A_351 : i32
    %dma_wait3A_353 = arith.constant 0 : i32
    %dma_wait3A_354 = tpu.memref_slice %arg2[%add3A_352, %dma_wait3A_353] : memref<16384x512xf32, #tpu.memory_space<hbm>> -> memref<32x512xf32, #tpu.memory_space<hbm>>
    %dma_wait3A_355 = arith.constant 0 : i32
    %dma_wait3A_356 = tpu.memref_slice %arg2[%add3A_352, %dma_wait3A_355] : memref<16384x512xf32, #tpu.memory_space<hbm>> -> memref<32x512xf32, #tpu.memory_space<hbm>>
    tpu.wait_dma2 semaphore(%arg10 : memref<!tpu.dma_semaphore, #tpu.memory_space<semaphore_mem>>) src(%dma_wait3A_356 : memref<32x512xf32, #tpu.memory_space<hbm>>) dst(%arg8 : memref<32x512xf32, #tpu.memory_space<vmem>>)
    %dma_start3A_357 = arith.constant 13 : i32
    %dma_start3A_358 = arith.constant 0 : i32
    %dma_start3A_359 = tpu.memref_slice %arg6[%dma_start3A_357, %dma_start3A_358] : memref<16x32xi32, #tpu.memory_space<vmem>> -> memref<1x32xi32, #tpu.memory_space<vmem>>
    %dma_start3A_360 = tpu.memref_squeeze %dma_start3A_359 : memref<1x32xi32, #tpu.memory_space<vmem>> -> memref<32xi32, #tpu.memory_space<vmem>>
    %dma_start3A_361 = arith.constant 0 : i32
    %dma_start3A_362 = arith.constant 0 : i32
    %dma_start3A_363 = tpu.memref_slice %arg4[%dma_start3A_361, %dma_start3A_362] : memref<100000x512xf32, #tpu.memory_space<hbm>> -> memref<100000x512xf32, #tpu.memory_space<hbm>>
    tpu.enqueue_indirect_dma source(%arg8 : memref<32x512xf32, #tpu.memory_space<vmem>>) target(%dma_start3A_363 : memref<100000x512xf32, #tpu.memory_space<hbm>>) offsets(%dma_start3A_360 : memref<32xi32, #tpu.memory_space<vmem>>) semaphore(%arg12 : memref<!tpu.dma_semaphore, #tpu.memory_space<semaphore_mem>>)
    %dma_wait3A_364 = arith.constant 13 : i32
    %dma_wait3A_365 = arith.constant 0 : i32
    %dma_wait3A_366 = tpu.memref_slice %arg6[%dma_wait3A_364, %dma_wait3A_365] : memref<16x32xi32, #tpu.memory_space<vmem>> -> memref<1x32xi32, #tpu.memory_space<vmem>>
    %dma_wait3A_367 = tpu.memref_squeeze %dma_wait3A_366 : memref<1x32xi32, #tpu.memory_space<vmem>> -> memref<32xi32, #tpu.memory_space<vmem>>
    %dma_wait3A_368 = arith.constant 0 : i32
    %dma_wait3A_369 = arith.constant 0 : i32
    %dma_wait3A_370 = tpu.memref_slice %arg4[%dma_wait3A_368, %dma_wait3A_369] : memref<100000x512xf32, #tpu.memory_space<hbm>> -> memref<100000x512xf32, #tpu.memory_space<hbm>>
    tpu.wait_indirect_dma semaphore(%arg12 : memref<!tpu.dma_semaphore, #tpu.memory_space<semaphore_mem>>) src(%arg8 : memref<32x512xf32, #tpu.memory_space<vmem>>) dst(%dma_wait3A_370 : memref<100000x512xf32, #tpu.memory_space<hbm>>)
    %add3A_371 = arith.constant 480 : i32
    %add3A_372 = arith.addi %mul3A_2, %add3A_371 : i32
    %dma_start3A_373 = arith.constant 0 : i32
    %dma_start3A_374 = tpu.memref_slice %arg2[%add3A_372, %dma_start3A_373] : memref<16384x512xf32, #tpu.memory_space<hbm>> -> memref<32x512xf32, #tpu.memory_space<hbm>>
    %dma_start3A_375 = arith.constant 0 : i32
    %dma_start3A_376 = tpu.memref_slice %arg2[%add3A_372, %dma_start3A_375] : memref<16384x512xf32, #tpu.memory_space<hbm>> -> memref<32x512xf32, #tpu.memory_space<hbm>>
    tpu.enqueue_dma source(%dma_start3A_376 : memref<32x512xf32, #tpu.memory_space<hbm>>) target(%arg8 : memref<32x512xf32, #tpu.memory_space<vmem>>) target_semaphore(%arg10 : memref<!tpu.dma_semaphore, #tpu.memory_space<semaphore_mem>>)
    %add3A_377 = arith.constant 448 : i32
    %add3A_378 = arith.addi %mul3A_2, %add3A_377 : i32
    %dma_wait3A_379 = arith.constant 0 : i32
    %dma_wait3A_380 = tpu.memref_slice %arg2[%add3A_378, %dma_wait3A_379] : memref<16384x512xf32, #tpu.memory_space<hbm>> -> memref<32x512xf32, #tpu.memory_space<hbm>>
    %dma_wait3A_381 = arith.constant 0 : i32
    %dma_wait3A_382 = tpu.memref_slice %arg2[%add3A_378, %dma_wait3A_381] : memref<16384x512xf32, #tpu.memory_space<hbm>> -> memref<32x512xf32, #tpu.memory_space<hbm>>
    tpu.wait_dma2 semaphore(%arg9 : memref<!tpu.dma_semaphore, #tpu.memory_space<semaphore_mem>>) src(%dma_wait3A_382 : memref<32x512xf32, #tpu.memory_space<hbm>>) dst(%arg7 : memref<32x512xf32, #tpu.memory_space<vmem>>)
    %dma_start3A_383 = arith.constant 14 : i32
    %dma_start3A_384 = arith.constant 0 : i32
    %dma_start3A_385 = tpu.memref_slice %arg6[%dma_start3A_383, %dma_start3A_384] : memref<16x32xi32, #tpu.memory_space<vmem>> -> memref<1x32xi32, #tpu.memory_space<vmem>>
    %dma_start3A_386 = tpu.memref_squeeze %dma_start3A_385 : memref<1x32xi32, #tpu.memory_space<vmem>> -> memref<32xi32, #tpu.memory_space<vmem>>
    %dma_start3A_387 = arith.constant 0 : i32
    %dma_start3A_388 = arith.constant 0 : i32
    %dma_start3A_389 = tpu.memref_slice %arg4[%dma_start3A_387, %dma_start3A_388] : memref<100000x512xf32, #tpu.memory_space<hbm>> -> memref<100000x512xf32, #tpu.memory_space<hbm>>
    tpu.enqueue_indirect_dma source(%arg7 : memref<32x512xf32, #tpu.memory_space<vmem>>) target(%dma_start3A_389 : memref<100000x512xf32, #tpu.memory_space<hbm>>) offsets(%dma_start3A_386 : memref<32xi32, #tpu.memory_space<vmem>>) semaphore(%arg11 : memref<!tpu.dma_semaphore, #tpu.memory_space<semaphore_mem>>)
    %dma_wait3A_390 = arith.constant 14 : i32
    %dma_wait3A_391 = arith.constant 0 : i32
    %dma_wait3A_392 = tpu.memref_slice %arg6[%dma_wait3A_390, %dma_wait3A_391] : memref<16x32xi32, #tpu.memory_space<vmem>> -> memref<1x32xi32, #tpu.memory_space<vmem>>
    %dma_wait3A_393 = tpu.memref_squeeze %dma_wait3A_392 : memref<1x32xi32, #tpu.memory_space<vmem>> -> memref<32xi32, #tpu.memory_space<vmem>>
    %dma_wait3A_394 = arith.constant 0 : i32
    %dma_wait3A_395 = arith.constant 0 : i32
    %dma_wait3A_396 = tpu.memref_slice %arg4[%dma_wait3A_394, %dma_wait3A_395] : memref<100000x512xf32, #tpu.memory_space<hbm>> -> memref<100000x512xf32, #tpu.memory_space<hbm>>
    tpu.wait_indirect_dma semaphore(%arg11 : memref<!tpu.dma_semaphore, #tpu.memory_space<semaphore_mem>>) src(%arg7 : memref<32x512xf32, #tpu.memory_space<vmem>>) dst(%dma_wait3A_396 : memref<100000x512xf32, #tpu.memory_space<hbm>>)
    %add3A_397 = arith.constant 480 : i32
    %add3A_398 = arith.addi %mul3A_2, %add3A_397 : i32
    %dma_wait3A_399 = arith.constant 0 : i32
    %dma_wait3A_400 = tpu.memref_slice %arg2[%add3A_398, %dma_wait3A_399] : memref<16384x512xf32, #tpu.memory_space<hbm>> -> memref<32x512xf32, #tpu.memory_space<hbm>>
    %dma_wait3A_401 = arith.constant 0 : i32
    %dma_wait3A_402 = tpu.memref_slice %arg2[%add3A_398, %dma_wait3A_401] : memref<16384x512xf32, #tpu.memory_space<hbm>> -> memref<32x512xf32, #tpu.memory_space<hbm>>
    tpu.wait_dma2 semaphore(%arg10 : memref<!tpu.dma_semaphore, #tpu.memory_space<semaphore_mem>>) src(%dma_wait3A_402 : memref<32x512xf32, #tpu.memory_space<hbm>>) dst(%arg8 : memref<32x512xf32, #tpu.memory_space<vmem>>)
    %dma_start3A_403 = arith.constant 15 : i32
    %dma_start3A_404 = arith.constant 0 : i32
    %dma_start3A_405 = tpu.memref_slice %arg6[%dma_start3A_403, %dma_start3A_404] : memref<16x32xi32, #tpu.memory_space<vmem>> -> memref<1x32xi32, #tpu.memory_space<vmem>>
    %dma_start3A_406 = tpu.memref_squeeze %dma_start3A_405 : memref<1x32xi32, #tpu.memory_space<vmem>> -> memref<32xi32, #tpu.memory_space<vmem>>
    %dma_start3A_407 = arith.constant 0 : i32
    %dma_start3A_408 = arith.constant 0 : i32
    %dma_start3A_409 = tpu.memref_slice %arg4[%dma_start3A_407, %dma_start3A_408] : memref<100000x512xf32, #tpu.memory_space<hbm>> -> memref<100000x512xf32, #tpu.memory_space<hbm>>
    tpu.enqueue_indirect_dma source(%arg8 : memref<32x512xf32, #tpu.memory_space<vmem>>) target(%dma_start3A_409 : memref<100000x512xf32, #tpu.memory_space<hbm>>) offsets(%dma_start3A_406 : memref<32xi32, #tpu.memory_space<vmem>>) semaphore(%arg12 : memref<!tpu.dma_semaphore, #tpu.memory_space<semaphore_mem>>)
    %dma_wait3A_410 = arith.constant 15 : i32
    %dma_wait3A_411 = arith.constant 0 : i32
    %dma_wait3A_412 = tpu.memref_slice %arg6[%dma_wait3A_410, %dma_wait3A_411] : memref<16x32xi32, #tpu.memory_space<vmem>> -> memref<1x32xi32, #tpu.memory_space<vmem>>
    %dma_wait3A_413 = tpu.memref_squeeze %dma_wait3A_412 : memref<1x32xi32, #tpu.memory_space<vmem>> -> memref<32xi32, #tpu.memory_space<vmem>>
    %dma_wait3A_414 = arith.constant 0 : i32
    %dma_wait3A_415 = arith.constant 0 : i32
    %dma_wait3A_416 = tpu.memref_slice %arg4[%dma_wait3A_414, %dma_wait3A_415] : memref<100000x512xf32, #tpu.memory_space<hbm>> -> memref<100000x512xf32, #tpu.memory_space<hbm>>
    tpu.wait_indirect_dma semaphore(%arg12 : memref<!tpu.dma_semaphore, #tpu.memory_space<semaphore_mem>>) src(%arg8 : memref<32x512xf32, #tpu.memory_space<vmem>>) dst(%dma_wait3A_416 : memref<100000x512xf32, #tpu.memory_space<hbm>>)
    return
  }
}

#map = affine_map<(d0, d1) -> (0, 0)>
#map1 = affine_map<(d0, d1) -> (0, 0, 0)>
#map2 = affine_map<(d0, d1) -> (0)>
module attributes {stable_mosaic.version = 14 : i64} {
  func.func @_gather_blend_body(%arg0: i32, %arg1: i32, %arg2: memref<100000x512xf32, #tpu.memory_space<hbm>>, %arg3: memref<16384x512xf32, #tpu.memory_space<hbm>>, %arg4: memref<32x16x32xi32, #tpu.memory_space<hbm>>, %arg5: memref<131072xi32, #tpu.memory_space<hbm>>, %arg6: memref<16384x512xf32, #tpu.memory_space<hbm>>, %arg7: memref<16x32xi32, #tpu.memory_space<vmem>>, %arg8: memref<16x32xi32, #tpu.memory_space<vmem>>, %arg9: memref<32x512xf32, #tpu.memory_space<vmem>>, %arg10: memref<32x512xf32, #tpu.memory_space<vmem>>, %arg11: memref<32x512xf32, #tpu.memory_space<vmem>>, %arg12: memref<32x512xf32, #tpu.memory_space<vmem>>, %arg13: memref<!tpu.dma_semaphore, #tpu.memory_space<semaphore_mem>>, %arg14: memref<!tpu.dma_semaphore, #tpu.memory_space<semaphore_mem>>, %arg15: memref<!tpu.dma_semaphore, #tpu.memory_space<semaphore_mem>>, %arg16: memref<!tpu.dma_semaphore, #tpu.memory_space<semaphore_mem>>, %arg17: memref<!tpu.dma_semaphore, #tpu.memory_space<semaphore_mem>>, %arg18: memref<!tpu.dma_semaphore, #tpu.memory_space<semaphore_mem>>, %arg19: memref<!tpu.dma_semaphore, #tpu.memory_space<semaphore_mem>>) attributes {dimension_semantics = [#tpu.dimension_semantics<core_parallel>, #tpu.dimension_semantics<subcore_parallel>], iteration_bounds = array<i64: 2, 16>, scalar_prefetch = 0 : i64, scratch_operands = 13 : i64, tpu.core_type = #tpu.core_type<sc_vector_subcore>, window_params = [{transform_indices = #map}, {transform_indices = #map}, {transform_indices = #map1}, {transform_indices = #map2}, {transform_indices = #map}]} {
    %mul3A = arith.constant 2 : i32
    %mul3A_0 = arith.muli %arg1, %mul3A : i32
    %add3A = arith.addi %mul3A_0, %arg0 : i32
    %mul3A_1 = arith.constant 512 : i32
    %mul3A_2 = arith.muli %add3A, %mul3A_1 : i32
    "tpu.region"() ({
      %run_scoped3A = tpu.sem_alloc : memref<!tpu.dma_semaphore, #tpu.memory_space<semaphore_mem>>
      %dma_start3A_1008 = arith.constant 0 : i32
      %dma_start3A_1009 = arith.constant 0 : i32
      %dma_start3A_1010 = tpu.memref_slice %arg4[%add3A, %dma_start3A_1008, %dma_start3A_1009] : memref<32x16x32xi32, #tpu.memory_space<hbm>> -> memref<1x16x32xi32, #tpu.memory_space<hbm>>
      %dma_start3A_1011 = tpu.memref_squeeze %dma_start3A_1010 : memref<1x16x32xi32, #tpu.memory_space<hbm>> -> memref<16x32xi32, #tpu.memory_space<hbm>>
      %dma_start3A_1012 = arith.constant 0 : i32
      %dma_start3A_1013 = arith.constant 0 : i32
      %dma_start3A_1014 = tpu.memref_slice %arg4[%add3A, %dma_start3A_1012, %dma_start3A_1013] : memref<32x16x32xi32, #tpu.memory_space<hbm>> -> memref<1x16x32xi32, #tpu.memory_space<hbm>>
      %dma_start3A_1015 = tpu.memref_squeeze %dma_start3A_1014 : memref<1x16x32xi32, #tpu.memory_space<hbm>> -> memref<16x32xi32, #tpu.memory_space<hbm>>
      tpu.enqueue_dma source(%dma_start3A_1015 : memref<16x32xi32, #tpu.memory_space<hbm>>) target(%arg7 : memref<16x32xi32, #tpu.memory_space<vmem>>) target_semaphore(%run_scoped3A : memref<!tpu.dma_semaphore, #tpu.memory_space<semaphore_mem>>)
      %dma_wait3A_1016 = arith.constant 0 : i32
      %dma_wait3A_1017 = arith.constant 0 : i32
      %dma_wait3A_1018 = tpu.memref_slice %arg4[%add3A, %dma_wait3A_1016, %dma_wait3A_1017] : memref<32x16x32xi32, #tpu.memory_space<hbm>> -> memref<1x16x32xi32, #tpu.memory_space<hbm>>
      %dma_wait3A_1019 = tpu.memref_squeeze %dma_wait3A_1018 : memref<1x16x32xi32, #tpu.memory_space<hbm>> -> memref<16x32xi32, #tpu.memory_space<hbm>>
      %dma_wait3A_1020 = arith.constant 0 : i32
      %dma_wait3A_1021 = arith.constant 0 : i32
      %dma_wait3A_1022 = tpu.memref_slice %arg4[%add3A, %dma_wait3A_1020, %dma_wait3A_1021] : memref<32x16x32xi32, #tpu.memory_space<hbm>> -> memref<1x16x32xi32, #tpu.memory_space<hbm>>
      %dma_wait3A_1023 = tpu.memref_squeeze %dma_wait3A_1022 : memref<1x16x32xi32, #tpu.memory_space<hbm>> -> memref<16x32xi32, #tpu.memory_space<hbm>>
      tpu.wait_dma2 semaphore(%run_scoped3A : memref<!tpu.dma_semaphore, #tpu.memory_space<semaphore_mem>>) src(%dma_wait3A_1023 : memref<16x32xi32, #tpu.memory_space<hbm>>) dst(%arg7 : memref<16x32xi32, #tpu.memory_space<vmem>>)
      tpu.yield
    }) : () -> ()
    %dma_start3A = arith.constant 0 : i32
    %dma_start3A_3 = arith.constant 0 : i32
    %dma_start3A_4 = arith.constant 0 : i32
    %dma_start3A_5 = tpu.memref_slice %arg8[%dma_start3A_3, %dma_start3A_4] : memref<16x32xi32, #tpu.memory_space<vmem>> -> memref<1x32xi32, #tpu.memory_space<vmem>>
    %dma_start3A_6 = tpu.memref_squeeze %dma_start3A_5 : memref<1x32xi32, #tpu.memory_space<vmem>> -> memref<32xi32, #tpu.memory_space<vmem>>
    %dma_start3A_7 = arith.constant 0 : i32
    %dma_start3A_8 = tpu.memref_slice %arg7[%dma_start3A, %dma_start3A_7] : memref<16x32xi32, #tpu.memory_space<vmem>> -> memref<1x32xi32, #tpu.memory_space<vmem>>
    %dma_start3A_9 = tpu.memref_squeeze %dma_start3A_8 : memref<1x32xi32, #tpu.memory_space<vmem>> -> memref<32xi32, #tpu.memory_space<vmem>>
    %dma_start3A_10 = arith.constant 0 : i32
    %dma_start3A_11 = tpu.memref_slice %arg5[%dma_start3A_10] : memref<131072xi32, #tpu.memory_space<hbm>> -> memref<131072xi32, #tpu.memory_space<hbm>>
    tpu.enqueue_indirect_dma source(%dma_start3A_11 : memref<131072xi32, #tpu.memory_space<hbm>>) target(%dma_start3A_6 : memref<32xi32, #tpu.memory_space<vmem>>) offsets(%dma_start3A_9 : memref<32xi32, #tpu.memory_space<vmem>>) semaphore(%arg13 : memref<!tpu.dma_semaphore, #tpu.memory_space<semaphore_mem>>)
    %dma_start3A_12 = arith.constant 1 : i32
    %dma_start3A_13 = arith.constant 1 : i32
    %dma_start3A_14 = arith.constant 0 : i32
    %dma_start3A_15 = tpu.memref_slice %arg8[%dma_start3A_13, %dma_start3A_14] : memref<16x32xi32, #tpu.memory_space<vmem>> -> memref<1x32xi32, #tpu.memory_space<vmem>>
    %dma_start3A_16 = tpu.memref_squeeze %dma_start3A_15 : memref<1x32xi32, #tpu.memory_space<vmem>> -> memref<32xi32, #tpu.memory_space<vmem>>
    %dma_start3A_17 = arith.constant 0 : i32
    %dma_start3A_18 = tpu.memref_slice %arg7[%dma_start3A_12, %dma_start3A_17] : memref<16x32xi32, #tpu.memory_space<vmem>> -> memref<1x32xi32, #tpu.memory_space<vmem>>
    %dma_start3A_19 = tpu.memref_squeeze %dma_start3A_18 : memref<1x32xi32, #tpu.memory_space<vmem>> -> memref<32xi32, #tpu.memory_space<vmem>>
    %dma_start3A_20 = arith.constant 0 : i32
    %dma_start3A_21 = tpu.memref_slice %arg5[%dma_start3A_20] : memref<131072xi32, #tpu.memory_space<hbm>> -> memref<131072xi32, #tpu.memory_space<hbm>>
    tpu.enqueue_indirect_dma source(%dma_start3A_21 : memref<131072xi32, #tpu.memory_space<hbm>>) target(%dma_start3A_16 : memref<32xi32, #tpu.memory_space<vmem>>) offsets(%dma_start3A_19 : memref<32xi32, #tpu.memory_space<vmem>>) semaphore(%arg13 : memref<!tpu.dma_semaphore, #tpu.memory_space<semaphore_mem>>)
    %dma_start3A_22 = arith.constant 2 : i32
    %dma_start3A_23 = arith.constant 2 : i32
    %dma_start3A_24 = arith.constant 0 : i32
    %dma_start3A_25 = tpu.memref_slice %arg8[%dma_start3A_23, %dma_start3A_24] : memref<16x32xi32, #tpu.memory_space<vmem>> -> memref<1x32xi32, #tpu.memory_space<vmem>>
    %dma_start3A_26 = tpu.memref_squeeze %dma_start3A_25 : memref<1x32xi32, #tpu.memory_space<vmem>> -> memref<32xi32, #tpu.memory_space<vmem>>
    %dma_start3A_27 = arith.constant 0 : i32
    %dma_start3A_28 = tpu.memref_slice %arg7[%dma_start3A_22, %dma_start3A_27] : memref<16x32xi32, #tpu.memory_space<vmem>> -> memref<1x32xi32, #tpu.memory_space<vmem>>
    %dma_start3A_29 = tpu.memref_squeeze %dma_start3A_28 : memref<1x32xi32, #tpu.memory_space<vmem>> -> memref<32xi32, #tpu.memory_space<vmem>>
    %dma_start3A_30 = arith.constant 0 : i32
    %dma_start3A_31 = tpu.memref_slice %arg5[%dma_start3A_30] : memref<131072xi32, #tpu.memory_space<hbm>> -> memref<131072xi32, #tpu.memory_space<hbm>>
    tpu.enqueue_indirect_dma source(%dma_start3A_31 : memref<131072xi32, #tpu.memory_space<hbm>>) target(%dma_start3A_26 : memref<32xi32, #tpu.memory_space<vmem>>) offsets(%dma_start3A_29 : memref<32xi32, #tpu.memory_space<vmem>>) semaphore(%arg13 : memref<!tpu.dma_semaphore, #tpu.memory_space<semaphore_mem>>)
    %dma_start3A_32 = arith.constant 3 : i32
    %dma_start3A_33 = arith.constant 3 : i32
    %dma_start3A_34 = arith.constant 0 : i32
    %dma_start3A_35 = tpu.memref_slice %arg8[%dma_start3A_33, %dma_start3A_34] : memref<16x32xi32, #tpu.memory_space<vmem>> -> memref<1x32xi32, #tpu.memory_space<vmem>>
    %dma_start3A_36 = tpu.memref_squeeze %dma_start3A_35 : memref<1x32xi32, #tpu.memory_space<vmem>> -> memref<32xi32, #tpu.memory_space<vmem>>
    %dma_start3A_37 = arith.constant 0 : i32
    %dma_start3A_38 = tpu.memref_slice %arg7[%dma_start3A_32, %dma_start3A_37] : memref<16x32xi32, #tpu.memory_space<vmem>> -> memref<1x32xi32, #tpu.memory_space<vmem>>
    %dma_start3A_39 = tpu.memref_squeeze %dma_start3A_38 : memref<1x32xi32, #tpu.memory_space<vmem>> -> memref<32xi32, #tpu.memory_space<vmem>>
    %dma_start3A_40 = arith.constant 0 : i32
    %dma_start3A_41 = tpu.memref_slice %arg5[%dma_start3A_40] : memref<131072xi32, #tpu.memory_space<hbm>> -> memref<131072xi32, #tpu.memory_space<hbm>>
    tpu.enqueue_indirect_dma source(%dma_start3A_41 : memref<131072xi32, #tpu.memory_space<hbm>>) target(%dma_start3A_36 : memref<32xi32, #tpu.memory_space<vmem>>) offsets(%dma_start3A_39 : memref<32xi32, #tpu.memory_space<vmem>>) semaphore(%arg13 : memref<!tpu.dma_semaphore, #tpu.memory_space<semaphore_mem>>)
    %dma_start3A_42 = arith.constant 4 : i32
    %dma_start3A_43 = arith.constant 4 : i32
    %dma_start3A_44 = arith.constant 0 : i32
    %dma_start3A_45 = tpu.memref_slice %arg8[%dma_start3A_43, %dma_start3A_44] : memref<16x32xi32, #tpu.memory_space<vmem>> -> memref<1x32xi32, #tpu.memory_space<vmem>>
    %dma_start3A_46 = tpu.memref_squeeze %dma_start3A_45 : memref<1x32xi32, #tpu.memory_space<vmem>> -> memref<32xi32, #tpu.memory_space<vmem>>
    %dma_start3A_47 = arith.constant 0 : i32
    %dma_start3A_48 = tpu.memref_slice %arg7[%dma_start3A_42, %dma_start3A_47] : memref<16x32xi32, #tpu.memory_space<vmem>> -> memref<1x32xi32, #tpu.memory_space<vmem>>
    %dma_start3A_49 = tpu.memref_squeeze %dma_start3A_48 : memref<1x32xi32, #tpu.memory_space<vmem>> -> memref<32xi32, #tpu.memory_space<vmem>>
    %dma_start3A_50 = arith.constant 0 : i32
    %dma_start3A_51 = tpu.memref_slice %arg5[%dma_start3A_50] : memref<131072xi32, #tpu.memory_space<hbm>> -> memref<131072xi32, #tpu.memory_space<hbm>>
    tpu.enqueue_indirect_dma source(%dma_start3A_51 : memref<131072xi32, #tpu.memory_space<hbm>>) target(%dma_start3A_46 : memref<32xi32, #tpu.memory_space<vmem>>) offsets(%dma_start3A_49 : memref<32xi32, #tpu.memory_space<vmem>>) semaphore(%arg13 : memref<!tpu.dma_semaphore, #tpu.memory_space<semaphore_mem>>)
    %dma_start3A_52 = arith.constant 5 : i32
    %dma_start3A_53 = arith.constant 5 : i32
    %dma_start3A_54 = arith.constant 0 : i32
    %dma_start3A_55 = tpu.memref_slice %arg8[%dma_start3A_53, %dma_start3A_54] : memref<16x32xi32, #tpu.memory_space<vmem>> -> memref<1x32xi32, #tpu.memory_space<vmem>>
    %dma_start3A_56 = tpu.memref_squeeze %dma_start3A_55 : memref<1x32xi32, #tpu.memory_space<vmem>> -> memref<32xi32, #tpu.memory_space<vmem>>
    %dma_start3A_57 = arith.constant 0 : i32
    %dma_start3A_58 = tpu.memref_slice %arg7[%dma_start3A_52, %dma_start3A_57] : memref<16x32xi32, #tpu.memory_space<vmem>> -> memref<1x32xi32, #tpu.memory_space<vmem>>
    %dma_start3A_59 = tpu.memref_squeeze %dma_start3A_58 : memref<1x32xi32, #tpu.memory_space<vmem>> -> memref<32xi32, #tpu.memory_space<vmem>>
    %dma_start3A_60 = arith.constant 0 : i32
    %dma_start3A_61 = tpu.memref_slice %arg5[%dma_start3A_60] : memref<131072xi32, #tpu.memory_space<hbm>> -> memref<131072xi32, #tpu.memory_space<hbm>>
    tpu.enqueue_indirect_dma source(%dma_start3A_61 : memref<131072xi32, #tpu.memory_space<hbm>>) target(%dma_start3A_56 : memref<32xi32, #tpu.memory_space<vmem>>) offsets(%dma_start3A_59 : memref<32xi32, #tpu.memory_space<vmem>>) semaphore(%arg13 : memref<!tpu.dma_semaphore, #tpu.memory_space<semaphore_mem>>)
    %dma_start3A_62 = arith.constant 6 : i32
    %dma_start3A_63 = arith.constant 6 : i32
    %dma_start3A_64 = arith.constant 0 : i32
    %dma_start3A_65 = tpu.memref_slice %arg8[%dma_start3A_63, %dma_start3A_64] : memref<16x32xi32, #tpu.memory_space<vmem>> -> memref<1x32xi32, #tpu.memory_space<vmem>>
    %dma_start3A_66 = tpu.memref_squeeze %dma_start3A_65 : memref<1x32xi32, #tpu.memory_space<vmem>> -> memref<32xi32, #tpu.memory_space<vmem>>
    %dma_start3A_67 = arith.constant 0 : i32
    %dma_start3A_68 = tpu.memref_slice %arg7[%dma_start3A_62, %dma_start3A_67] : memref<16x32xi32, #tpu.memory_space<vmem>> -> memref<1x32xi32, #tpu.memory_space<vmem>>
    %dma_start3A_69 = tpu.memref_squeeze %dma_start3A_68 : memref<1x32xi32, #tpu.memory_space<vmem>> -> memref<32xi32, #tpu.memory_space<vmem>>
    %dma_start3A_70 = arith.constant 0 : i32
    %dma_start3A_71 = tpu.memref_slice %arg5[%dma_start3A_70] : memref<131072xi32, #tpu.memory_space<hbm>> -> memref<131072xi32, #tpu.memory_space<hbm>>
    tpu.enqueue_indirect_dma source(%dma_start3A_71 : memref<131072xi32, #tpu.memory_space<hbm>>) target(%dma_start3A_66 : memref<32xi32, #tpu.memory_space<vmem>>) offsets(%dma_start3A_69 : memref<32xi32, #tpu.memory_space<vmem>>) semaphore(%arg13 : memref<!tpu.dma_semaphore, #tpu.memory_space<semaphore_mem>>)
    %dma_start3A_72 = arith.constant 7 : i32
    %dma_start3A_73 = arith.constant 7 : i32
    %dma_start3A_74 = arith.constant 0 : i32
    %dma_start3A_75 = tpu.memref_slice %arg8[%dma_start3A_73, %dma_start3A_74] : memref<16x32xi32, #tpu.memory_space<vmem>> -> memref<1x32xi32, #tpu.memory_space<vmem>>
    %dma_start3A_76 = tpu.memref_squeeze %dma_start3A_75 : memref<1x32xi32, #tpu.memory_space<vmem>> -> memref<32xi32, #tpu.memory_space<vmem>>
    %dma_start3A_77 = arith.constant 0 : i32
    %dma_start3A_78 = tpu.memref_slice %arg7[%dma_start3A_72, %dma_start3A_77] : memref<16x32xi32, #tpu.memory_space<vmem>> -> memref<1x32xi32, #tpu.memory_space<vmem>>
    %dma_start3A_79 = tpu.memref_squeeze %dma_start3A_78 : memref<1x32xi32, #tpu.memory_space<vmem>> -> memref<32xi32, #tpu.memory_space<vmem>>
    %dma_start3A_80 = arith.constant 0 : i32
    %dma_start3A_81 = tpu.memref_slice %arg5[%dma_start3A_80] : memref<131072xi32, #tpu.memory_space<hbm>> -> memref<131072xi32, #tpu.memory_space<hbm>>
    tpu.enqueue_indirect_dma source(%dma_start3A_81 : memref<131072xi32, #tpu.memory_space<hbm>>) target(%dma_start3A_76 : memref<32xi32, #tpu.memory_space<vmem>>) offsets(%dma_start3A_79 : memref<32xi32, #tpu.memory_space<vmem>>) semaphore(%arg13 : memref<!tpu.dma_semaphore, #tpu.memory_space<semaphore_mem>>)
    %dma_start3A_82 = arith.constant 8 : i32
    %dma_start3A_83 = arith.constant 8 : i32
    %dma_start3A_84 = arith.constant 0 : i32
    %dma_start3A_85 = tpu.memref_slice %arg8[%dma_start3A_83, %dma_start3A_84] : memref<16x32xi32, #tpu.memory_space<vmem>> -> memref<1x32xi32, #tpu.memory_space<vmem>>
    %dma_start3A_86 = tpu.memref_squeeze %dma_start3A_85 : memref<1x32xi32, #tpu.memory_space<vmem>> -> memref<32xi32, #tpu.memory_space<vmem>>
    %dma_start3A_87 = arith.constant 0 : i32
    %dma_start3A_88 = tpu.memref_slice %arg7[%dma_start3A_82, %dma_start3A_87] : memref<16x32xi32, #tpu.memory_space<vmem>> -> memref<1x32xi32, #tpu.memory_space<vmem>>
    %dma_start3A_89 = tpu.memref_squeeze %dma_start3A_88 : memref<1x32xi32, #tpu.memory_space<vmem>> -> memref<32xi32, #tpu.memory_space<vmem>>
    %dma_start3A_90 = arith.constant 0 : i32
    %dma_start3A_91 = tpu.memref_slice %arg5[%dma_start3A_90] : memref<131072xi32, #tpu.memory_space<hbm>> -> memref<131072xi32, #tpu.memory_space<hbm>>
    tpu.enqueue_indirect_dma source(%dma_start3A_91 : memref<131072xi32, #tpu.memory_space<hbm>>) target(%dma_start3A_86 : memref<32xi32, #tpu.memory_space<vmem>>) offsets(%dma_start3A_89 : memref<32xi32, #tpu.memory_space<vmem>>) semaphore(%arg13 : memref<!tpu.dma_semaphore, #tpu.memory_space<semaphore_mem>>)
    %dma_start3A_92 = arith.constant 9 : i32
    %dma_start3A_93 = arith.constant 9 : i32
    %dma_start3A_94 = arith.constant 0 : i32
    %dma_start3A_95 = tpu.memref_slice %arg8[%dma_start3A_93, %dma_start3A_94] : memref<16x32xi32, #tpu.memory_space<vmem>> -> memref<1x32xi32, #tpu.memory_space<vmem>>
    %dma_start3A_96 = tpu.memref_squeeze %dma_start3A_95 : memref<1x32xi32, #tpu.memory_space<vmem>> -> memref<32xi32, #tpu.memory_space<vmem>>
    %dma_start3A_97 = arith.constant 0 : i32
    %dma_start3A_98 = tpu.memref_slice %arg7[%dma_start3A_92, %dma_start3A_97] : memref<16x32xi32, #tpu.memory_space<vmem>> -> memref<1x32xi32, #tpu.memory_space<vmem>>
    %dma_start3A_99 = tpu.memref_squeeze %dma_start3A_98 : memref<1x32xi32, #tpu.memory_space<vmem>> -> memref<32xi32, #tpu.memory_space<vmem>>
    %dma_start3A_100 = arith.constant 0 : i32
    %dma_start3A_101 = tpu.memref_slice %arg5[%dma_start3A_100] : memref<131072xi32, #tpu.memory_space<hbm>> -> memref<131072xi32, #tpu.memory_space<hbm>>
    tpu.enqueue_indirect_dma source(%dma_start3A_101 : memref<131072xi32, #tpu.memory_space<hbm>>) target(%dma_start3A_96 : memref<32xi32, #tpu.memory_space<vmem>>) offsets(%dma_start3A_99 : memref<32xi32, #tpu.memory_space<vmem>>) semaphore(%arg13 : memref<!tpu.dma_semaphore, #tpu.memory_space<semaphore_mem>>)
    %dma_start3A_102 = arith.constant 10 : i32
    %dma_start3A_103 = arith.constant 10 : i32
    %dma_start3A_104 = arith.constant 0 : i32
    %dma_start3A_105 = tpu.memref_slice %arg8[%dma_start3A_103, %dma_start3A_104] : memref<16x32xi32, #tpu.memory_space<vmem>> -> memref<1x32xi32, #tpu.memory_space<vmem>>
    %dma_start3A_106 = tpu.memref_squeeze %dma_start3A_105 : memref<1x32xi32, #tpu.memory_space<vmem>> -> memref<32xi32, #tpu.memory_space<vmem>>
    %dma_start3A_107 = arith.constant 0 : i32
    %dma_start3A_108 = tpu.memref_slice %arg7[%dma_start3A_102, %dma_start3A_107] : memref<16x32xi32, #tpu.memory_space<vmem>> -> memref<1x32xi32, #tpu.memory_space<vmem>>
    %dma_start3A_109 = tpu.memref_squeeze %dma_start3A_108 : memref<1x32xi32, #tpu.memory_space<vmem>> -> memref<32xi32, #tpu.memory_space<vmem>>
    %dma_start3A_110 = arith.constant 0 : i32
    %dma_start3A_111 = tpu.memref_slice %arg5[%dma_start3A_110] : memref<131072xi32, #tpu.memory_space<hbm>> -> memref<131072xi32, #tpu.memory_space<hbm>>
    tpu.enqueue_indirect_dma source(%dma_start3A_111 : memref<131072xi32, #tpu.memory_space<hbm>>) target(%dma_start3A_106 : memref<32xi32, #tpu.memory_space<vmem>>) offsets(%dma_start3A_109 : memref<32xi32, #tpu.memory_space<vmem>>) semaphore(%arg13 : memref<!tpu.dma_semaphore, #tpu.memory_space<semaphore_mem>>)
    %dma_start3A_112 = arith.constant 11 : i32
    %dma_start3A_113 = arith.constant 11 : i32
    %dma_start3A_114 = arith.constant 0 : i32
    %dma_start3A_115 = tpu.memref_slice %arg8[%dma_start3A_113, %dma_start3A_114] : memref<16x32xi32, #tpu.memory_space<vmem>> -> memref<1x32xi32, #tpu.memory_space<vmem>>
    %dma_start3A_116 = tpu.memref_squeeze %dma_start3A_115 : memref<1x32xi32, #tpu.memory_space<vmem>> -> memref<32xi32, #tpu.memory_space<vmem>>
    %dma_start3A_117 = arith.constant 0 : i32
    %dma_start3A_118 = tpu.memref_slice %arg7[%dma_start3A_112, %dma_start3A_117] : memref<16x32xi32, #tpu.memory_space<vmem>> -> memref<1x32xi32, #tpu.memory_space<vmem>>
    %dma_start3A_119 = tpu.memref_squeeze %dma_start3A_118 : memref<1x32xi32, #tpu.memory_space<vmem>> -> memref<32xi32, #tpu.memory_space<vmem>>
    %dma_start3A_120 = arith.constant 0 : i32
    %dma_start3A_121 = tpu.memref_slice %arg5[%dma_start3A_120] : memref<131072xi32, #tpu.memory_space<hbm>> -> memref<131072xi32, #tpu.memory_space<hbm>>
    tpu.enqueue_indirect_dma source(%dma_start3A_121 : memref<131072xi32, #tpu.memory_space<hbm>>) target(%dma_start3A_116 : memref<32xi32, #tpu.memory_space<vmem>>) offsets(%dma_start3A_119 : memref<32xi32, #tpu.memory_space<vmem>>) semaphore(%arg13 : memref<!tpu.dma_semaphore, #tpu.memory_space<semaphore_mem>>)
    %dma_start3A_122 = arith.constant 12 : i32
    %dma_start3A_123 = arith.constant 12 : i32
    %dma_start3A_124 = arith.constant 0 : i32
    %dma_start3A_125 = tpu.memref_slice %arg8[%dma_start3A_123, %dma_start3A_124] : memref<16x32xi32, #tpu.memory_space<vmem>> -> memref<1x32xi32, #tpu.memory_space<vmem>>
    %dma_start3A_126 = tpu.memref_squeeze %dma_start3A_125 : memref<1x32xi32, #tpu.memory_space<vmem>> -> memref<32xi32, #tpu.memory_space<vmem>>
    %dma_start3A_127 = arith.constant 0 : i32
    %dma_start3A_128 = tpu.memref_slice %arg7[%dma_start3A_122, %dma_start3A_127] : memref<16x32xi32, #tpu.memory_space<vmem>> -> memref<1x32xi32, #tpu.memory_space<vmem>>
    %dma_start3A_129 = tpu.memref_squeeze %dma_start3A_128 : memref<1x32xi32, #tpu.memory_space<vmem>> -> memref<32xi32, #tpu.memory_space<vmem>>
    %dma_start3A_130 = arith.constant 0 : i32
    %dma_start3A_131 = tpu.memref_slice %arg5[%dma_start3A_130] : memref<131072xi32, #tpu.memory_space<hbm>> -> memref<131072xi32, #tpu.memory_space<hbm>>
    tpu.enqueue_indirect_dma source(%dma_start3A_131 : memref<131072xi32, #tpu.memory_space<hbm>>) target(%dma_start3A_126 : memref<32xi32, #tpu.memory_space<vmem>>) offsets(%dma_start3A_129 : memref<32xi32, #tpu.memory_space<vmem>>) semaphore(%arg13 : memref<!tpu.dma_semaphore, #tpu.memory_space<semaphore_mem>>)
    %dma_start3A_132 = arith.constant 13 : i32
    %dma_start3A_133 = arith.constant 13 : i32
    %dma_start3A_134 = arith.constant 0 : i32
    %dma_start3A_135 = tpu.memref_slice %arg8[%dma_start3A_133, %dma_start3A_134] : memref<16x32xi32, #tpu.memory_space<vmem>> -> memref<1x32xi32, #tpu.memory_space<vmem>>
    %dma_start3A_136 = tpu.memref_squeeze %dma_start3A_135 : memref<1x32xi32, #tpu.memory_space<vmem>> -> memref<32xi32, #tpu.memory_space<vmem>>
    %dma_start3A_137 = arith.constant 0 : i32
    %dma_start3A_138 = tpu.memref_slice %arg7[%dma_start3A_132, %dma_start3A_137] : memref<16x32xi32, #tpu.memory_space<vmem>> -> memref<1x32xi32, #tpu.memory_space<vmem>>
    %dma_start3A_139 = tpu.memref_squeeze %dma_start3A_138 : memref<1x32xi32, #tpu.memory_space<vmem>> -> memref<32xi32, #tpu.memory_space<vmem>>
    %dma_start3A_140 = arith.constant 0 : i32
    %dma_start3A_141 = tpu.memref_slice %arg5[%dma_start3A_140] : memref<131072xi32, #tpu.memory_space<hbm>> -> memref<131072xi32, #tpu.memory_space<hbm>>
    tpu.enqueue_indirect_dma source(%dma_start3A_141 : memref<131072xi32, #tpu.memory_space<hbm>>) target(%dma_start3A_136 : memref<32xi32, #tpu.memory_space<vmem>>) offsets(%dma_start3A_139 : memref<32xi32, #tpu.memory_space<vmem>>) semaphore(%arg13 : memref<!tpu.dma_semaphore, #tpu.memory_space<semaphore_mem>>)
    %dma_start3A_142 = arith.constant 14 : i32
    %dma_start3A_143 = arith.constant 14 : i32
    %dma_start3A_144 = arith.constant 0 : i32
    %dma_start3A_145 = tpu.memref_slice %arg8[%dma_start3A_143, %dma_start3A_144] : memref<16x32xi32, #tpu.memory_space<vmem>> -> memref<1x32xi32, #tpu.memory_space<vmem>>
    %dma_start3A_146 = tpu.memref_squeeze %dma_start3A_145 : memref<1x32xi32, #tpu.memory_space<vmem>> -> memref<32xi32, #tpu.memory_space<vmem>>
    %dma_start3A_147 = arith.constant 0 : i32
    %dma_start3A_148 = tpu.memref_slice %arg7[%dma_start3A_142, %dma_start3A_147] : memref<16x32xi32, #tpu.memory_space<vmem>> -> memref<1x32xi32, #tpu.memory_space<vmem>>
    %dma_start3A_149 = tpu.memref_squeeze %dma_start3A_148 : memref<1x32xi32, #tpu.memory_space<vmem>> -> memref<32xi32, #tpu.memory_space<vmem>>
    %dma_start3A_150 = arith.constant 0 : i32
    %dma_start3A_151 = tpu.memref_slice %arg5[%dma_start3A_150] : memref<131072xi32, #tpu.memory_space<hbm>> -> memref<131072xi32, #tpu.memory_space<hbm>>
    tpu.enqueue_indirect_dma source(%dma_start3A_151 : memref<131072xi32, #tpu.memory_space<hbm>>) target(%dma_start3A_146 : memref<32xi32, #tpu.memory_space<vmem>>) offsets(%dma_start3A_149 : memref<32xi32, #tpu.memory_space<vmem>>) semaphore(%arg13 : memref<!tpu.dma_semaphore, #tpu.memory_space<semaphore_mem>>)
    %dma_start3A_152 = arith.constant 15 : i32
    %dma_start3A_153 = arith.constant 15 : i32
    %dma_start3A_154 = arith.constant 0 : i32
    %dma_start3A_155 = tpu.memref_slice %arg8[%dma_start3A_153, %dma_start3A_154] : memref<16x32xi32, #tpu.memory_space<vmem>> -> memref<1x32xi32, #tpu.memory_space<vmem>>
    %dma_start3A_156 = tpu.memref_squeeze %dma_start3A_155 : memref<1x32xi32, #tpu.memory_space<vmem>> -> memref<32xi32, #tpu.memory_space<vmem>>
    %dma_start3A_157 = arith.constant 0 : i32
    %dma_start3A_158 = tpu.memref_slice %arg7[%dma_start3A_152, %dma_start3A_157] : memref<16x32xi32, #tpu.memory_space<vmem>> -> memref<1x32xi32, #tpu.memory_space<vmem>>
    %dma_start3A_159 = tpu.memref_squeeze %dma_start3A_158 : memref<1x32xi32, #tpu.memory_space<vmem>> -> memref<32xi32, #tpu.memory_space<vmem>>
    %dma_start3A_160 = arith.constant 0 : i32
    %dma_start3A_161 = tpu.memref_slice %arg5[%dma_start3A_160] : memref<131072xi32, #tpu.memory_space<hbm>> -> memref<131072xi32, #tpu.memory_space<hbm>>
    tpu.enqueue_indirect_dma source(%dma_start3A_161 : memref<131072xi32, #tpu.memory_space<hbm>>) target(%dma_start3A_156 : memref<32xi32, #tpu.memory_space<vmem>>) offsets(%dma_start3A_159 : memref<32xi32, #tpu.memory_space<vmem>>) semaphore(%arg13 : memref<!tpu.dma_semaphore, #tpu.memory_space<semaphore_mem>>)
    %dma_wait3A = arith.constant 0 : i32
    %dma_wait3A_162 = arith.constant 0 : i32
    %dma_wait3A_163 = arith.constant 0 : i32
    %dma_wait3A_164 = tpu.memref_slice %arg8[%dma_wait3A_162, %dma_wait3A_163] : memref<16x32xi32, #tpu.memory_space<vmem>> -> memref<1x32xi32, #tpu.memory_space<vmem>>
    %dma_wait3A_165 = tpu.memref_squeeze %dma_wait3A_164 : memref<1x32xi32, #tpu.memory_space<vmem>> -> memref<32xi32, #tpu.memory_space<vmem>>
    %dma_wait3A_166 = arith.constant 0 : i32
    %dma_wait3A_167 = tpu.memref_slice %arg7[%dma_wait3A, %dma_wait3A_166] : memref<16x32xi32, #tpu.memory_space<vmem>> -> memref<1x32xi32, #tpu.memory_space<vmem>>
    %dma_wait3A_168 = tpu.memref_squeeze %dma_wait3A_167 : memref<1x32xi32, #tpu.memory_space<vmem>> -> memref<32xi32, #tpu.memory_space<vmem>>
    %dma_wait3A_169 = arith.constant 0 : i32
    %dma_wait3A_170 = tpu.memref_slice %arg5[%dma_wait3A_169] : memref<131072xi32, #tpu.memory_space<hbm>> -> memref<131072xi32, #tpu.memory_space<hbm>>
    tpu.wait_indirect_dma semaphore(%arg13 : memref<!tpu.dma_semaphore, #tpu.memory_space<semaphore_mem>>) src(%dma_wait3A_170 : memref<131072xi32, #tpu.memory_space<hbm>>) dst(%dma_wait3A_165 : memref<32xi32, #tpu.memory_space<vmem>>)
    %dma_wait3A_171 = arith.constant 1 : i32
    %dma_wait3A_172 = arith.constant 1 : i32
    %dma_wait3A_173 = arith.constant 0 : i32
    %dma_wait3A_174 = tpu.memref_slice %arg8[%dma_wait3A_172, %dma_wait3A_173] : memref<16x32xi32, #tpu.memory_space<vmem>> -> memref<1x32xi32, #tpu.memory_space<vmem>>
    %dma_wait3A_175 = tpu.memref_squeeze %dma_wait3A_174 : memref<1x32xi32, #tpu.memory_space<vmem>> -> memref<32xi32, #tpu.memory_space<vmem>>
    %dma_wait3A_176 = arith.constant 0 : i32
    %dma_wait3A_177 = tpu.memref_slice %arg7[%dma_wait3A_171, %dma_wait3A_176] : memref<16x32xi32, #tpu.memory_space<vmem>> -> memref<1x32xi32, #tpu.memory_space<vmem>>
    %dma_wait3A_178 = tpu.memref_squeeze %dma_wait3A_177 : memref<1x32xi32, #tpu.memory_space<vmem>> -> memref<32xi32, #tpu.memory_space<vmem>>
    %dma_wait3A_179 = arith.constant 0 : i32
    %dma_wait3A_180 = tpu.memref_slice %arg5[%dma_wait3A_179] : memref<131072xi32, #tpu.memory_space<hbm>> -> memref<131072xi32, #tpu.memory_space<hbm>>
    tpu.wait_indirect_dma semaphore(%arg13 : memref<!tpu.dma_semaphore, #tpu.memory_space<semaphore_mem>>) src(%dma_wait3A_180 : memref<131072xi32, #tpu.memory_space<hbm>>) dst(%dma_wait3A_175 : memref<32xi32, #tpu.memory_space<vmem>>)
    %dma_wait3A_181 = arith.constant 2 : i32
    %dma_wait3A_182 = arith.constant 2 : i32
    %dma_wait3A_183 = arith.constant 0 : i32
    %dma_wait3A_184 = tpu.memref_slice %arg8[%dma_wait3A_182, %dma_wait3A_183] : memref<16x32xi32, #tpu.memory_space<vmem>> -> memref<1x32xi32, #tpu.memory_space<vmem>>
    %dma_wait3A_185 = tpu.memref_squeeze %dma_wait3A_184 : memref<1x32xi32, #tpu.memory_space<vmem>> -> memref<32xi32, #tpu.memory_space<vmem>>
    %dma_wait3A_186 = arith.constant 0 : i32
    %dma_wait3A_187 = tpu.memref_slice %arg7[%dma_wait3A_181, %dma_wait3A_186] : memref<16x32xi32, #tpu.memory_space<vmem>> -> memref<1x32xi32, #tpu.memory_space<vmem>>
    %dma_wait3A_188 = tpu.memref_squeeze %dma_wait3A_187 : memref<1x32xi32, #tpu.memory_space<vmem>> -> memref<32xi32, #tpu.memory_space<vmem>>
    %dma_wait3A_189 = arith.constant 0 : i32
    %dma_wait3A_190 = tpu.memref_slice %arg5[%dma_wait3A_189] : memref<131072xi32, #tpu.memory_space<hbm>> -> memref<131072xi32, #tpu.memory_space<hbm>>
    tpu.wait_indirect_dma semaphore(%arg13 : memref<!tpu.dma_semaphore, #tpu.memory_space<semaphore_mem>>) src(%dma_wait3A_190 : memref<131072xi32, #tpu.memory_space<hbm>>) dst(%dma_wait3A_185 : memref<32xi32, #tpu.memory_space<vmem>>)
    %dma_wait3A_191 = arith.constant 3 : i32
    %dma_wait3A_192 = arith.constant 3 : i32
    %dma_wait3A_193 = arith.constant 0 : i32
    %dma_wait3A_194 = tpu.memref_slice %arg8[%dma_wait3A_192, %dma_wait3A_193] : memref<16x32xi32, #tpu.memory_space<vmem>> -> memref<1x32xi32, #tpu.memory_space<vmem>>
    %dma_wait3A_195 = tpu.memref_squeeze %dma_wait3A_194 : memref<1x32xi32, #tpu.memory_space<vmem>> -> memref<32xi32, #tpu.memory_space<vmem>>
    %dma_wait3A_196 = arith.constant 0 : i32
    %dma_wait3A_197 = tpu.memref_slice %arg7[%dma_wait3A_191, %dma_wait3A_196] : memref<16x32xi32, #tpu.memory_space<vmem>> -> memref<1x32xi32, #tpu.memory_space<vmem>>
    %dma_wait3A_198 = tpu.memref_squeeze %dma_wait3A_197 : memref<1x32xi32, #tpu.memory_space<vmem>> -> memref<32xi32, #tpu.memory_space<vmem>>
    %dma_wait3A_199 = arith.constant 0 : i32
    %dma_wait3A_200 = tpu.memref_slice %arg5[%dma_wait3A_199] : memref<131072xi32, #tpu.memory_space<hbm>> -> memref<131072xi32, #tpu.memory_space<hbm>>
    tpu.wait_indirect_dma semaphore(%arg13 : memref<!tpu.dma_semaphore, #tpu.memory_space<semaphore_mem>>) src(%dma_wait3A_200 : memref<131072xi32, #tpu.memory_space<hbm>>) dst(%dma_wait3A_195 : memref<32xi32, #tpu.memory_space<vmem>>)
    %dma_wait3A_201 = arith.constant 4 : i32
    %dma_wait3A_202 = arith.constant 4 : i32
    %dma_wait3A_203 = arith.constant 0 : i32
    %dma_wait3A_204 = tpu.memref_slice %arg8[%dma_wait3A_202, %dma_wait3A_203] : memref<16x32xi32, #tpu.memory_space<vmem>> -> memref<1x32xi32, #tpu.memory_space<vmem>>
    %dma_wait3A_205 = tpu.memref_squeeze %dma_wait3A_204 : memref<1x32xi32, #tpu.memory_space<vmem>> -> memref<32xi32, #tpu.memory_space<vmem>>
    %dma_wait3A_206 = arith.constant 0 : i32
    %dma_wait3A_207 = tpu.memref_slice %arg7[%dma_wait3A_201, %dma_wait3A_206] : memref<16x32xi32, #tpu.memory_space<vmem>> -> memref<1x32xi32, #tpu.memory_space<vmem>>
    %dma_wait3A_208 = tpu.memref_squeeze %dma_wait3A_207 : memref<1x32xi32, #tpu.memory_space<vmem>> -> memref<32xi32, #tpu.memory_space<vmem>>
    %dma_wait3A_209 = arith.constant 0 : i32
    %dma_wait3A_210 = tpu.memref_slice %arg5[%dma_wait3A_209] : memref<131072xi32, #tpu.memory_space<hbm>> -> memref<131072xi32, #tpu.memory_space<hbm>>
    tpu.wait_indirect_dma semaphore(%arg13 : memref<!tpu.dma_semaphore, #tpu.memory_space<semaphore_mem>>) src(%dma_wait3A_210 : memref<131072xi32, #tpu.memory_space<hbm>>) dst(%dma_wait3A_205 : memref<32xi32, #tpu.memory_space<vmem>>)
    %dma_wait3A_211 = arith.constant 5 : i32
    %dma_wait3A_212 = arith.constant 5 : i32
    %dma_wait3A_213 = arith.constant 0 : i32
    %dma_wait3A_214 = tpu.memref_slice %arg8[%dma_wait3A_212, %dma_wait3A_213] : memref<16x32xi32, #tpu.memory_space<vmem>> -> memref<1x32xi32, #tpu.memory_space<vmem>>
    %dma_wait3A_215 = tpu.memref_squeeze %dma_wait3A_214 : memref<1x32xi32, #tpu.memory_space<vmem>> -> memref<32xi32, #tpu.memory_space<vmem>>
    %dma_wait3A_216 = arith.constant 0 : i32
    %dma_wait3A_217 = tpu.memref_slice %arg7[%dma_wait3A_211, %dma_wait3A_216] : memref<16x32xi32, #tpu.memory_space<vmem>> -> memref<1x32xi32, #tpu.memory_space<vmem>>
    %dma_wait3A_218 = tpu.memref_squeeze %dma_wait3A_217 : memref<1x32xi32, #tpu.memory_space<vmem>> -> memref<32xi32, #tpu.memory_space<vmem>>
    %dma_wait3A_219 = arith.constant 0 : i32
    %dma_wait3A_220 = tpu.memref_slice %arg5[%dma_wait3A_219] : memref<131072xi32, #tpu.memory_space<hbm>> -> memref<131072xi32, #tpu.memory_space<hbm>>
    tpu.wait_indirect_dma semaphore(%arg13 : memref<!tpu.dma_semaphore, #tpu.memory_space<semaphore_mem>>) src(%dma_wait3A_220 : memref<131072xi32, #tpu.memory_space<hbm>>) dst(%dma_wait3A_215 : memref<32xi32, #tpu.memory_space<vmem>>)
    %dma_wait3A_221 = arith.constant 6 : i32
    %dma_wait3A_222 = arith.constant 6 : i32
    %dma_wait3A_223 = arith.constant 0 : i32
    %dma_wait3A_224 = tpu.memref_slice %arg8[%dma_wait3A_222, %dma_wait3A_223] : memref<16x32xi32, #tpu.memory_space<vmem>> -> memref<1x32xi32, #tpu.memory_space<vmem>>
    %dma_wait3A_225 = tpu.memref_squeeze %dma_wait3A_224 : memref<1x32xi32, #tpu.memory_space<vmem>> -> memref<32xi32, #tpu.memory_space<vmem>>
    %dma_wait3A_226 = arith.constant 0 : i32
    %dma_wait3A_227 = tpu.memref_slice %arg7[%dma_wait3A_221, %dma_wait3A_226] : memref<16x32xi32, #tpu.memory_space<vmem>> -> memref<1x32xi32, #tpu.memory_space<vmem>>
    %dma_wait3A_228 = tpu.memref_squeeze %dma_wait3A_227 : memref<1x32xi32, #tpu.memory_space<vmem>> -> memref<32xi32, #tpu.memory_space<vmem>>
    %dma_wait3A_229 = arith.constant 0 : i32
    %dma_wait3A_230 = tpu.memref_slice %arg5[%dma_wait3A_229] : memref<131072xi32, #tpu.memory_space<hbm>> -> memref<131072xi32, #tpu.memory_space<hbm>>
    tpu.wait_indirect_dma semaphore(%arg13 : memref<!tpu.dma_semaphore, #tpu.memory_space<semaphore_mem>>) src(%dma_wait3A_230 : memref<131072xi32, #tpu.memory_space<hbm>>) dst(%dma_wait3A_225 : memref<32xi32, #tpu.memory_space<vmem>>)
    %dma_wait3A_231 = arith.constant 7 : i32
    %dma_wait3A_232 = arith.constant 7 : i32
    %dma_wait3A_233 = arith.constant 0 : i32
    %dma_wait3A_234 = tpu.memref_slice %arg8[%dma_wait3A_232, %dma_wait3A_233] : memref<16x32xi32, #tpu.memory_space<vmem>> -> memref<1x32xi32, #tpu.memory_space<vmem>>
    %dma_wait3A_235 = tpu.memref_squeeze %dma_wait3A_234 : memref<1x32xi32, #tpu.memory_space<vmem>> -> memref<32xi32, #tpu.memory_space<vmem>>
    %dma_wait3A_236 = arith.constant 0 : i32
    %dma_wait3A_237 = tpu.memref_slice %arg7[%dma_wait3A_231, %dma_wait3A_236] : memref<16x32xi32, #tpu.memory_space<vmem>> -> memref<1x32xi32, #tpu.memory_space<vmem>>
    %dma_wait3A_238 = tpu.memref_squeeze %dma_wait3A_237 : memref<1x32xi32, #tpu.memory_space<vmem>> -> memref<32xi32, #tpu.memory_space<vmem>>
    %dma_wait3A_239 = arith.constant 0 : i32
    %dma_wait3A_240 = tpu.memref_slice %arg5[%dma_wait3A_239] : memref<131072xi32, #tpu.memory_space<hbm>> -> memref<131072xi32, #tpu.memory_space<hbm>>
    tpu.wait_indirect_dma semaphore(%arg13 : memref<!tpu.dma_semaphore, #tpu.memory_space<semaphore_mem>>) src(%dma_wait3A_240 : memref<131072xi32, #tpu.memory_space<hbm>>) dst(%dma_wait3A_235 : memref<32xi32, #tpu.memory_space<vmem>>)
    %dma_wait3A_241 = arith.constant 8 : i32
    %dma_wait3A_242 = arith.constant 8 : i32
    %dma_wait3A_243 = arith.constant 0 : i32
    %dma_wait3A_244 = tpu.memref_slice %arg8[%dma_wait3A_242, %dma_wait3A_243] : memref<16x32xi32, #tpu.memory_space<vmem>> -> memref<1x32xi32, #tpu.memory_space<vmem>>
    %dma_wait3A_245 = tpu.memref_squeeze %dma_wait3A_244 : memref<1x32xi32, #tpu.memory_space<vmem>> -> memref<32xi32, #tpu.memory_space<vmem>>
    %dma_wait3A_246 = arith.constant 0 : i32
    %dma_wait3A_247 = tpu.memref_slice %arg7[%dma_wait3A_241, %dma_wait3A_246] : memref<16x32xi32, #tpu.memory_space<vmem>> -> memref<1x32xi32, #tpu.memory_space<vmem>>
    %dma_wait3A_248 = tpu.memref_squeeze %dma_wait3A_247 : memref<1x32xi32, #tpu.memory_space<vmem>> -> memref<32xi32, #tpu.memory_space<vmem>>
    %dma_wait3A_249 = arith.constant 0 : i32
    %dma_wait3A_250 = tpu.memref_slice %arg5[%dma_wait3A_249] : memref<131072xi32, #tpu.memory_space<hbm>> -> memref<131072xi32, #tpu.memory_space<hbm>>
    tpu.wait_indirect_dma semaphore(%arg13 : memref<!tpu.dma_semaphore, #tpu.memory_space<semaphore_mem>>) src(%dma_wait3A_250 : memref<131072xi32, #tpu.memory_space<hbm>>) dst(%dma_wait3A_245 : memref<32xi32, #tpu.memory_space<vmem>>)
    %dma_wait3A_251 = arith.constant 9 : i32
    %dma_wait3A_252 = arith.constant 9 : i32
    %dma_wait3A_253 = arith.constant 0 : i32
    %dma_wait3A_254 = tpu.memref_slice %arg8[%dma_wait3A_252, %dma_wait3A_253] : memref<16x32xi32, #tpu.memory_space<vmem>> -> memref<1x32xi32, #tpu.memory_space<vmem>>
    %dma_wait3A_255 = tpu.memref_squeeze %dma_wait3A_254 : memref<1x32xi32, #tpu.memory_space<vmem>> -> memref<32xi32, #tpu.memory_space<vmem>>
    %dma_wait3A_256 = arith.constant 0 : i32
    %dma_wait3A_257 = tpu.memref_slice %arg7[%dma_wait3A_251, %dma_wait3A_256] : memref<16x32xi32, #tpu.memory_space<vmem>> -> memref<1x32xi32, #tpu.memory_space<vmem>>
    %dma_wait3A_258 = tpu.memref_squeeze %dma_wait3A_257 : memref<1x32xi32, #tpu.memory_space<vmem>> -> memref<32xi32, #tpu.memory_space<vmem>>
    %dma_wait3A_259 = arith.constant 0 : i32
    %dma_wait3A_260 = tpu.memref_slice %arg5[%dma_wait3A_259] : memref<131072xi32, #tpu.memory_space<hbm>> -> memref<131072xi32, #tpu.memory_space<hbm>>
    tpu.wait_indirect_dma semaphore(%arg13 : memref<!tpu.dma_semaphore, #tpu.memory_space<semaphore_mem>>) src(%dma_wait3A_260 : memref<131072xi32, #tpu.memory_space<hbm>>) dst(%dma_wait3A_255 : memref<32xi32, #tpu.memory_space<vmem>>)
    %dma_wait3A_261 = arith.constant 10 : i32
    %dma_wait3A_262 = arith.constant 10 : i32
    %dma_wait3A_263 = arith.constant 0 : i32
    %dma_wait3A_264 = tpu.memref_slice %arg8[%dma_wait3A_262, %dma_wait3A_263] : memref<16x32xi32, #tpu.memory_space<vmem>> -> memref<1x32xi32, #tpu.memory_space<vmem>>
    %dma_wait3A_265 = tpu.memref_squeeze %dma_wait3A_264 : memref<1x32xi32, #tpu.memory_space<vmem>> -> memref<32xi32, #tpu.memory_space<vmem>>
    %dma_wait3A_266 = arith.constant 0 : i32
    %dma_wait3A_267 = tpu.memref_slice %arg7[%dma_wait3A_261, %dma_wait3A_266] : memref<16x32xi32, #tpu.memory_space<vmem>> -> memref<1x32xi32, #tpu.memory_space<vmem>>
    %dma_wait3A_268 = tpu.memref_squeeze %dma_wait3A_267 : memref<1x32xi32, #tpu.memory_space<vmem>> -> memref<32xi32, #tpu.memory_space<vmem>>
    %dma_wait3A_269 = arith.constant 0 : i32
    %dma_wait3A_270 = tpu.memref_slice %arg5[%dma_wait3A_269] : memref<131072xi32, #tpu.memory_space<hbm>> -> memref<131072xi32, #tpu.memory_space<hbm>>
    tpu.wait_indirect_dma semaphore(%arg13 : memref<!tpu.dma_semaphore, #tpu.memory_space<semaphore_mem>>) src(%dma_wait3A_270 : memref<131072xi32, #tpu.memory_space<hbm>>) dst(%dma_wait3A_265 : memref<32xi32, #tpu.memory_space<vmem>>)
    %dma_wait3A_271 = arith.constant 11 : i32
    %dma_wait3A_272 = arith.constant 11 : i32
    %dma_wait3A_273 = arith.constant 0 : i32
    %dma_wait3A_274 = tpu.memref_slice %arg8[%dma_wait3A_272, %dma_wait3A_273] : memref<16x32xi32, #tpu.memory_space<vmem>> -> memref<1x32xi32, #tpu.memory_space<vmem>>
    %dma_wait3A_275 = tpu.memref_squeeze %dma_wait3A_274 : memref<1x32xi32, #tpu.memory_space<vmem>> -> memref<32xi32, #tpu.memory_space<vmem>>
    %dma_wait3A_276 = arith.constant 0 : i32
    %dma_wait3A_277 = tpu.memref_slice %arg7[%dma_wait3A_271, %dma_wait3A_276] : memref<16x32xi32, #tpu.memory_space<vmem>> -> memref<1x32xi32, #tpu.memory_space<vmem>>
    %dma_wait3A_278 = tpu.memref_squeeze %dma_wait3A_277 : memref<1x32xi32, #tpu.memory_space<vmem>> -> memref<32xi32, #tpu.memory_space<vmem>>
    %dma_wait3A_279 = arith.constant 0 : i32
    %dma_wait3A_280 = tpu.memref_slice %arg5[%dma_wait3A_279] : memref<131072xi32, #tpu.memory_space<hbm>> -> memref<131072xi32, #tpu.memory_space<hbm>>
    tpu.wait_indirect_dma semaphore(%arg13 : memref<!tpu.dma_semaphore, #tpu.memory_space<semaphore_mem>>) src(%dma_wait3A_280 : memref<131072xi32, #tpu.memory_space<hbm>>) dst(%dma_wait3A_275 : memref<32xi32, #tpu.memory_space<vmem>>)
    %dma_wait3A_281 = arith.constant 12 : i32
    %dma_wait3A_282 = arith.constant 12 : i32
    %dma_wait3A_283 = arith.constant 0 : i32
    %dma_wait3A_284 = tpu.memref_slice %arg8[%dma_wait3A_282, %dma_wait3A_283] : memref<16x32xi32, #tpu.memory_space<vmem>> -> memref<1x32xi32, #tpu.memory_space<vmem>>
    %dma_wait3A_285 = tpu.memref_squeeze %dma_wait3A_284 : memref<1x32xi32, #tpu.memory_space<vmem>> -> memref<32xi32, #tpu.memory_space<vmem>>
    %dma_wait3A_286 = arith.constant 0 : i32
    %dma_wait3A_287 = tpu.memref_slice %arg7[%dma_wait3A_281, %dma_wait3A_286] : memref<16x32xi32, #tpu.memory_space<vmem>> -> memref<1x32xi32, #tpu.memory_space<vmem>>
    %dma_wait3A_288 = tpu.memref_squeeze %dma_wait3A_287 : memref<1x32xi32, #tpu.memory_space<vmem>> -> memref<32xi32, #tpu.memory_space<vmem>>
    %dma_wait3A_289 = arith.constant 0 : i32
    %dma_wait3A_290 = tpu.memref_slice %arg5[%dma_wait3A_289] : memref<131072xi32, #tpu.memory_space<hbm>> -> memref<131072xi32, #tpu.memory_space<hbm>>
    tpu.wait_indirect_dma semaphore(%arg13 : memref<!tpu.dma_semaphore, #tpu.memory_space<semaphore_mem>>) src(%dma_wait3A_290 : memref<131072xi32, #tpu.memory_space<hbm>>) dst(%dma_wait3A_285 : memref<32xi32, #tpu.memory_space<vmem>>)
    %dma_wait3A_291 = arith.constant 13 : i32
    %dma_wait3A_292 = arith.constant 13 : i32
    %dma_wait3A_293 = arith.constant 0 : i32
    %dma_wait3A_294 = tpu.memref_slice %arg8[%dma_wait3A_292, %dma_wait3A_293] : memref<16x32xi32, #tpu.memory_space<vmem>> -> memref<1x32xi32, #tpu.memory_space<vmem>>
    %dma_wait3A_295 = tpu.memref_squeeze %dma_wait3A_294 : memref<1x32xi32, #tpu.memory_space<vmem>> -> memref<32xi32, #tpu.memory_space<vmem>>
    %dma_wait3A_296 = arith.constant 0 : i32
    %dma_wait3A_297 = tpu.memref_slice %arg7[%dma_wait3A_291, %dma_wait3A_296] : memref<16x32xi32, #tpu.memory_space<vmem>> -> memref<1x32xi32, #tpu.memory_space<vmem>>
    %dma_wait3A_298 = tpu.memref_squeeze %dma_wait3A_297 : memref<1x32xi32, #tpu.memory_space<vmem>> -> memref<32xi32, #tpu.memory_space<vmem>>
    %dma_wait3A_299 = arith.constant 0 : i32
    %dma_wait3A_300 = tpu.memref_slice %arg5[%dma_wait3A_299] : memref<131072xi32, #tpu.memory_space<hbm>> -> memref<131072xi32, #tpu.memory_space<hbm>>
    tpu.wait_indirect_dma semaphore(%arg13 : memref<!tpu.dma_semaphore, #tpu.memory_space<semaphore_mem>>) src(%dma_wait3A_300 : memref<131072xi32, #tpu.memory_space<hbm>>) dst(%dma_wait3A_295 : memref<32xi32, #tpu.memory_space<vmem>>)
    %dma_wait3A_301 = arith.constant 14 : i32
    %dma_wait3A_302 = arith.constant 14 : i32
    %dma_wait3A_303 = arith.constant 0 : i32
    %dma_wait3A_304 = tpu.memref_slice %arg8[%dma_wait3A_302, %dma_wait3A_303] : memref<16x32xi32, #tpu.memory_space<vmem>> -> memref<1x32xi32, #tpu.memory_space<vmem>>
    %dma_wait3A_305 = tpu.memref_squeeze %dma_wait3A_304 : memref<1x32xi32, #tpu.memory_space<vmem>> -> memref<32xi32, #tpu.memory_space<vmem>>
    %dma_wait3A_306 = arith.constant 0 : i32
    %dma_wait3A_307 = tpu.memref_slice %arg7[%dma_wait3A_301, %dma_wait3A_306] : memref<16x32xi32, #tpu.memory_space<vmem>> -> memref<1x32xi32, #tpu.memory_space<vmem>>
    %dma_wait3A_308 = tpu.memref_squeeze %dma_wait3A_307 : memref<1x32xi32, #tpu.memory_space<vmem>> -> memref<32xi32, #tpu.memory_space<vmem>>
    %dma_wait3A_309 = arith.constant 0 : i32
    %dma_wait3A_310 = tpu.memref_slice %arg5[%dma_wait3A_309] : memref<131072xi32, #tpu.memory_space<hbm>> -> memref<131072xi32, #tpu.memory_space<hbm>>
    tpu.wait_indirect_dma semaphore(%arg13 : memref<!tpu.dma_semaphore, #tpu.memory_space<semaphore_mem>>) src(%dma_wait3A_310 : memref<131072xi32, #tpu.memory_space<hbm>>) dst(%dma_wait3A_305 : memref<32xi32, #tpu.memory_space<vmem>>)
    %dma_wait3A_311 = arith.constant 15 : i32
    %dma_wait3A_312 = arith.constant 15 : i32
    %dma_wait3A_313 = arith.constant 0 : i32
    %dma_wait3A_314 = tpu.memref_slice %arg8[%dma_wait3A_312, %dma_wait3A_313] : memref<16x32xi32, #tpu.memory_space<vmem>> -> memref<1x32xi32, #tpu.memory_space<vmem>>
    %dma_wait3A_315 = tpu.memref_squeeze %dma_wait3A_314 : memref<1x32xi32, #tpu.memory_space<vmem>> -> memref<32xi32, #tpu.memory_space<vmem>>
    %dma_wait3A_316 = arith.constant 0 : i32
    %dma_wait3A_317 = tpu.memref_slice %arg7[%dma_wait3A_311, %dma_wait3A_316] : memref<16x32xi32, #tpu.memory_space<vmem>> -> memref<1x32xi32, #tpu.memory_space<vmem>>
    %dma_wait3A_318 = tpu.memref_squeeze %dma_wait3A_317 : memref<1x32xi32, #tpu.memory_space<vmem>> -> memref<32xi32, #tpu.memory_space<vmem>>
    %dma_wait3A_319 = arith.constant 0 : i32
    %dma_wait3A_320 = tpu.memref_slice %arg5[%dma_wait3A_319] : memref<131072xi32, #tpu.memory_space<hbm>> -> memref<131072xi32, #tpu.memory_space<hbm>>
    tpu.wait_indirect_dma semaphore(%arg13 : memref<!tpu.dma_semaphore, #tpu.memory_space<semaphore_mem>>) src(%dma_wait3A_320 : memref<131072xi32, #tpu.memory_space<hbm>>) dst(%dma_wait3A_315 : memref<32xi32, #tpu.memory_space<vmem>>)
    %dma_start3A_321 = arith.constant 0 : i32
    %dma_start3A_322 = arith.constant 0 : i32
    %dma_start3A_323 = tpu.memref_slice %arg7[%dma_start3A_321, %dma_start3A_322] : memref<16x32xi32, #tpu.memory_space<vmem>> -> memref<1x32xi32, #tpu.memory_space<vmem>>
    %dma_start3A_324 = tpu.memref_squeeze %dma_start3A_323 : memref<1x32xi32, #tpu.memory_space<vmem>> -> memref<32xi32, #tpu.memory_space<vmem>>
    %dma_start3A_325 = arith.constant 0 : i32
    %dma_start3A_326 = arith.constant 0 : i32
    %dma_start3A_327 = tpu.memref_slice %arg2[%dma_start3A_325, %dma_start3A_326] : memref<100000x512xf32, #tpu.memory_space<hbm>> -> memref<100000x512xf32, #tpu.memory_space<hbm>>
    tpu.enqueue_indirect_dma source(%dma_start3A_327 : memref<100000x512xf32, #tpu.memory_space<hbm>>) target(%arg9 : memref<32x512xf32, #tpu.memory_space<vmem>>) offsets(%dma_start3A_324 : memref<32xi32, #tpu.memory_space<vmem>>) semaphore(%arg14 : memref<!tpu.dma_semaphore, #tpu.memory_space<semaphore_mem>>)
    %dma_start3A_328 = arith.constant 0 : i32
    %dma_start3A_329 = arith.constant 0 : i32
    %dma_start3A_330 = tpu.memref_slice %arg8[%dma_start3A_328, %dma_start3A_329] : memref<16x32xi32, #tpu.memory_space<vmem>> -> memref<1x32xi32, #tpu.memory_space<vmem>>
    %dma_start3A_331 = tpu.memref_squeeze %dma_start3A_330 : memref<1x32xi32, #tpu.memory_space<vmem>> -> memref<32xi32, #tpu.memory_space<vmem>>
    %dma_start3A_332 = arith.constant 0 : i32
    %dma_start3A_333 = arith.constant 0 : i32
    %dma_start3A_334 = tpu.memref_slice %arg3[%dma_start3A_332, %dma_start3A_333] : memref<16384x512xf32, #tpu.memory_space<hbm>> -> memref<16384x512xf32, #tpu.memory_space<hbm>>
    tpu.enqueue_indirect_dma source(%dma_start3A_334 : memref<16384x512xf32, #tpu.memory_space<hbm>>) target(%arg10 : memref<32x512xf32, #tpu.memory_space<vmem>>) offsets(%dma_start3A_331 : memref<32xi32, #tpu.memory_space<vmem>>) semaphore(%arg15 : memref<!tpu.dma_semaphore, #tpu.memory_space<semaphore_mem>>)
    %dma_start3A_335 = arith.constant 1 : i32
    %dma_start3A_336 = arith.constant 0 : i32
    %dma_start3A_337 = tpu.memref_slice %arg7[%dma_start3A_335, %dma_start3A_336] : memref<16x32xi32, #tpu.memory_space<vmem>> -> memref<1x32xi32, #tpu.memory_space<vmem>>
    %dma_start3A_338 = tpu.memref_squeeze %dma_start3A_337 : memref<1x32xi32, #tpu.memory_space<vmem>> -> memref<32xi32, #tpu.memory_space<vmem>>
    %dma_start3A_339 = arith.constant 0 : i32
    %dma_start3A_340 = arith.constant 0 : i32
    %dma_start3A_341 = tpu.memref_slice %arg2[%dma_start3A_339, %dma_start3A_340] : memref<100000x512xf32, #tpu.memory_space<hbm>> -> memref<100000x512xf32, #tpu.memory_space<hbm>>
    tpu.enqueue_indirect_dma source(%dma_start3A_341 : memref<100000x512xf32, #tpu.memory_space<hbm>>) target(%arg11 : memref<32x512xf32, #tpu.memory_space<vmem>>) offsets(%dma_start3A_338 : memref<32xi32, #tpu.memory_space<vmem>>) semaphore(%arg17 : memref<!tpu.dma_semaphore, #tpu.memory_space<semaphore_mem>>)
    %dma_start3A_342 = arith.constant 1 : i32
    %dma_start3A_343 = arith.constant 0 : i32
    %dma_start3A_344 = tpu.memref_slice %arg8[%dma_start3A_342, %dma_start3A_343] : memref<16x32xi32, #tpu.memory_space<vmem>> -> memref<1x32xi32, #tpu.memory_space<vmem>>
    %dma_start3A_345 = tpu.memref_squeeze %dma_start3A_344 : memref<1x32xi32, #tpu.memory_space<vmem>> -> memref<32xi32, #tpu.memory_space<vmem>>
    %dma_start3A_346 = arith.constant 0 : i32
    %dma_start3A_347 = arith.constant 0 : i32
    %dma_start3A_348 = tpu.memref_slice %arg3[%dma_start3A_346, %dma_start3A_347] : memref<16384x512xf32, #tpu.memory_space<hbm>> -> memref<16384x512xf32, #tpu.memory_space<hbm>>
    tpu.enqueue_indirect_dma source(%dma_start3A_348 : memref<16384x512xf32, #tpu.memory_space<hbm>>) target(%arg12 : memref<32x512xf32, #tpu.memory_space<vmem>>) offsets(%dma_start3A_345 : memref<32xi32, #tpu.memory_space<vmem>>) semaphore(%arg18 : memref<!tpu.dma_semaphore, #tpu.memory_space<semaphore_mem>>)
    %dma_wait3A_349 = arith.constant 0 : i32
    %dma_wait3A_350 = arith.constant 0 : i32
    %dma_wait3A_351 = tpu.memref_slice %arg7[%dma_wait3A_349, %dma_wait3A_350] : memref<16x32xi32, #tpu.memory_space<vmem>> -> memref<1x32xi32, #tpu.memory_space<vmem>>
    %dma_wait3A_352 = tpu.memref_squeeze %dma_wait3A_351 : memref<1x32xi32, #tpu.memory_space<vmem>> -> memref<32xi32, #tpu.memory_space<vmem>>
    %dma_wait3A_353 = arith.constant 0 : i32
    %dma_wait3A_354 = arith.constant 0 : i32
    %dma_wait3A_355 = tpu.memref_slice %arg2[%dma_wait3A_353, %dma_wait3A_354] : memref<100000x512xf32, #tpu.memory_space<hbm>> -> memref<100000x512xf32, #tpu.memory_space<hbm>>
    tpu.wait_indirect_dma semaphore(%arg14 : memref<!tpu.dma_semaphore, #tpu.memory_space<semaphore_mem>>) src(%dma_wait3A_355 : memref<100000x512xf32, #tpu.memory_space<hbm>>) dst(%arg9 : memref<32x512xf32, #tpu.memory_space<vmem>>)
    %dma_wait3A_356 = arith.constant 0 : i32
    %dma_wait3A_357 = arith.constant 0 : i32
    %dma_wait3A_358 = tpu.memref_slice %arg8[%dma_wait3A_356, %dma_wait3A_357] : memref<16x32xi32, #tpu.memory_space<vmem>> -> memref<1x32xi32, #tpu.memory_space<vmem>>
    %dma_wait3A_359 = tpu.memref_squeeze %dma_wait3A_358 : memref<1x32xi32, #tpu.memory_space<vmem>> -> memref<32xi32, #tpu.memory_space<vmem>>
    %dma_wait3A_360 = arith.constant 0 : i32
    %dma_wait3A_361 = arith.constant 0 : i32
    %dma_wait3A_362 = tpu.memref_slice %arg3[%dma_wait3A_360, %dma_wait3A_361] : memref<16384x512xf32, #tpu.memory_space<hbm>> -> memref<16384x512xf32, #tpu.memory_space<hbm>>
    tpu.wait_indirect_dma semaphore(%arg15 : memref<!tpu.dma_semaphore, #tpu.memory_space<semaphore_mem>>) src(%dma_wait3A_362 : memref<16384x512xf32, #tpu.memory_space<hbm>>) dst(%arg10 : memref<32x512xf32, #tpu.memory_space<vmem>>)
    %scan3A = arith.constant 0 : i32
    %scan3A_363 = arith.constant 1024 : i32
    %scan3A_364 = arith.addi %scan3A, %scan3A_363 : i32
    %scan3A_365 = arith.constant 1 : i32
    scf.for %scan3A_1008 = %scan3A to %scan3A_364 step %scan3A_365  : i32 {
      %mul3A_1009 = arith.constant 1 : i32
      %mul3A_1010 = arith.muli %scan3A_1008, %mul3A_1009 : i32
      %add3A_1011 = arith.constant 0 : i32
      %add3A_1012 = arith.addi %add3A_1011, %mul3A_1010 : i32
      %jit3A = arith.constant 32 : i32
      %div3A = arith.divsi %add3A_1012, %jit3A : i32
      %sign3A = arith.constant 0 : i32
      %sign3A_1013 = arith.cmpi sgt, %add3A_1012, %sign3A : i32
      %sign3A_1014 = arith.extui %sign3A_1013 : i1 to i32
      %sign3A_1015 = arith.constant 0 : i32
      %sign3A_1016 = arith.cmpi slt, %add3A_1012, %sign3A_1015 : i32
      %sign3A_1017 = arith.extui %sign3A_1016 : i1 to i32
      %sign3A_1018 = arith.subi %sign3A_1014, %sign3A_1017 : i32
      %sign3A_1019 = arith.constant 0 : i32
      %sign3A_1020 = arith.cmpi sgt, %jit3A, %sign3A_1019 : i32
      %sign3A_1021 = arith.extui %sign3A_1020 : i1 to i32
      %sign3A_1022 = arith.constant 0 : i32
      %sign3A_1023 = arith.cmpi slt, %jit3A, %sign3A_1022 : i32
      %sign3A_1024 = arith.extui %sign3A_1023 : i1 to i32
      %sign3A_1025 = arith.subi %sign3A_1021, %sign3A_1024 : i32
      %ne3A = arith.cmpi ne, %sign3A_1018, %sign3A_1025 : i32
      %rem3A = arith.remsi %add3A_1012, %jit3A : i32
      %ne3A_1026 = arith.constant 0 : i32
      %ne3A_1027 = arith.cmpi ne, %rem3A, %ne3A_1026 : i32
      %and3A = arith.andi %ne3A, %ne3A_1027 : i1
      %sub3A = arith.constant 1 : i32
      %sub3A_1028 = arith.subi %div3A, %sub3A : i32
      %select_n3A = arith.select %and3A, %sub3A_1028, %div3A : i32
      %jit3A_1029 = arith.constant 32 : i32
      %eq3A = arith.constant 0 : i32
      %eq3A_1030 = arith.cmpi eq, %jit3A_1029, %eq3A : i32
      %jit3A_1031 = arith.constant 1 : i32
      %select_n3A_1032 = arith.select %eq3A_1030, %jit3A_1031, %jit3A_1029 : i32
      %rem3A_1033 = arith.remsi %add3A_1012, %select_n3A_1032 : i32
      %ne3A_1034 = arith.constant 0 : i32
      %ne3A_1035 = arith.cmpi ne, %rem3A_1033, %ne3A_1034 : i32
      %lt3A = arith.constant 0 : i32
      %lt3A_1036 = arith.cmpi slt, %rem3A_1033, %lt3A : i32
      %lt3A_1037 = arith.constant 0 : i32
      %lt3A_1038 = arith.cmpi slt, %select_n3A_1032, %lt3A_1037 : i32
      %ne3A_1039 = arith.xori %lt3A_1036, %lt3A_1038 : i1
      %and3A_1040 = arith.andi %ne3A_1039, %ne3A_1035 : i1
      %add3A_1041 = arith.addi %rem3A_1033, %select_n3A_1032 : i32
      %select_n3A_1042 = arith.select %and3A_1040, %add3A_1041, %rem3A_1033 : i32
      %mul3A_1043 = arith.constant 16 : i32
      %mul3A_1044 = arith.muli %select_n3A_1042, %mul3A_1043 : i32
      %get3A = arith.index_cast %select_n3A : i32 to index
      %get3A_1045 = arith.index_cast %mul3A_1044 : i32 to index
      %get3A_1046 = tpu.vector_load %arg9[%get3A, %get3A_1045] {strides = array<i32>} : memref<32x512xf32, #tpu.memory_space<vmem>>, vector<1x16xf32>,
      %get3A_1047 = vector.shape_cast %get3A_1046 : vector<1x16xf32> to vector<16xf32>
      %get3A_1048 = arith.index_cast %select_n3A : i32 to index
      %get3A_1049 = arith.index_cast %mul3A_1044 : i32 to index
      %get3A_1050 = tpu.vector_load %arg10[%get3A_1048, %get3A_1049] {strides = array<i32>} : memref<32x512xf32, #tpu.memory_space<vmem>>, vector<1x16xf32>,
      %get3A_1051 = vector.shape_cast %get3A_1050 : vector<1x16xf32> to vector<16xf32>
      %mul3A_1052 = arith.constant 0.899999976 : f32
      %mul3A_1053 = vector.broadcast %mul3A_1052 : f32 to vector<16xf32>
      %mul3A_1054 = arith.mulf %get3A_1047, %mul3A_1053 : vector<16xf32>
      %mul3A_1055 = arith.constant 1.000000e-01 : f32
      %mul3A_1056 = vector.broadcast %mul3A_1055 : f32 to vector<16xf32>
      %mul3A_1057 = arith.mulf %get3A_1051, %mul3A_1056 : vector<16xf32>
      %add3A_1058 = arith.addf %mul3A_1054, %mul3A_1057 : vector<16xf32>
      %swap3A = arith.index_cast %select_n3A : i32 to index
      %swap3A_1059 = arith.index_cast %mul3A_1044 : i32 to index
      %swap3A_1060 = tpu.vector_load %arg9[%swap3A, %swap3A_1059] {strides = array<i32>} : memref<32x512xf32, #tpu.memory_space<vmem>>, vector<1x16xf32>,
      %swap3A_1061 = vector.shape_cast %swap3A_1060 : vector<1x16xf32> to vector<16xf32>
      %swap3A_1062 = vector.shape_cast %add3A_1058 : vector<16xf32> to vector<1x16xf32>
      tpu.vector_store %arg9[%swap3A, %swap3A_1059], %swap3A_1062 {strides = array<i32>} : memref<32x512xf32, #tpu.memory_space<vmem>>, vector<1x16xf32>,
    }
    %scan3A_366 = arith.constant 1024 : i32
    %add3A_367 = arith.constant 0 : i32
    %add3A_368 = arith.addi %mul3A_2, %add3A_367 : i32
    %dma_start3A_369 = arith.constant 0 : i32
    %dma_start3A_370 = tpu.memref_slice %arg6[%add3A_368, %dma_start3A_369] : memref<16384x512xf32, #tpu.memory_space<hbm>> -> memref<32x512xf32, #tpu.memory_space<hbm>>
    %dma_start3A_371 = arith.constant 0 : i32
    %dma_start3A_372 = tpu.memref_slice %arg6[%add3A_368, %dma_start3A_371] : memref<16384x512xf32, #tpu.memory_space<hbm>> -> memref<32x512xf32, #tpu.memory_space<hbm>>
    tpu.enqueue_dma source(%arg9 : memref<32x512xf32, #tpu.memory_space<vmem>>) target(%dma_start3A_372 : memref<32x512xf32, #tpu.memory_space<hbm>>) target_semaphore(%arg16 : memref<!tpu.dma_semaphore, #tpu.memory_space<semaphore_mem>>)
    %dma_wait3A_373 = arith.constant 0 : i32
    %dma_wait3A_374 = tpu.memref_slice %arg6[%add3A_368, %dma_wait3A_373] : memref<16384x512xf32, #tpu.memory_space<hbm>> -> memref<32x512xf32, #tpu.memory_space<hbm>>
    %dma_wait3A_375 = arith.constant 0 : i32
    %dma_wait3A_376 = tpu.memref_slice %arg6[%add3A_368, %dma_wait3A_375] : memref<16384x512xf32, #tpu.memory_space<hbm>> -> memref<32x512xf32, #tpu.memory_space<hbm>>
    tpu.wait_dma2 semaphore(%arg16 : memref<!tpu.dma_semaphore, #tpu.memory_space<semaphore_mem>>) src(%arg9 : memref<32x512xf32, #tpu.memory_space<vmem>>) dst(%dma_wait3A_376 : memref<32x512xf32, #tpu.memory_space<hbm>>)
    %dma_start3A_377 = arith.constant 2 : i32
    %dma_start3A_378 = arith.constant 0 : i32
    %dma_start3A_379 = tpu.memref_slice %arg7[%dma_start3A_377, %dma_start3A_378] : memref<16x32xi32, #tpu.memory_space<vmem>> -> memref<1x32xi32, #tpu.memory_space<vmem>>
    %dma_start3A_380 = tpu.memref_squeeze %dma_start3A_379 : memref<1x32xi32, #tpu.memory_space<vmem>> -> memref<32xi32, #tpu.memory_space<vmem>>
    %dma_start3A_381 = arith.constant 0 : i32
    %dma_start3A_382 = arith.constant 0 : i32
    %dma_start3A_383 = tpu.memref_slice %arg2[%dma_start3A_381, %dma_start3A_382] : memref<100000x512xf32, #tpu.memory_space<hbm>> -> memref<100000x512xf32, #tpu.memory_space<hbm>>
    tpu.enqueue_indirect_dma source(%dma_start3A_383 : memref<100000x512xf32, #tpu.memory_space<hbm>>) target(%arg9 : memref<32x512xf32, #tpu.memory_space<vmem>>) offsets(%dma_start3A_380 : memref<32xi32, #tpu.memory_space<vmem>>) semaphore(%arg14 : memref<!tpu.dma_semaphore, #tpu.memory_space<semaphore_mem>>)
    %dma_start3A_384 = arith.constant 2 : i32
    %dma_start3A_385 = arith.constant 0 : i32
    %dma_start3A_386 = tpu.memref_slice %arg8[%dma_start3A_384, %dma_start3A_385] : memref<16x32xi32, #tpu.memory_space<vmem>> -> memref<1x32xi32, #tpu.memory_space<vmem>>
    %dma_start3A_387 = tpu.memref_squeeze %dma_start3A_386 : memref<1x32xi32, #tpu.memory_space<vmem>> -> memref<32xi32, #tpu.memory_space<vmem>>
    %dma_start3A_388 = arith.constant 0 : i32
    %dma_start3A_389 = arith.constant 0 : i32
    %dma_start3A_390 = tpu.memref_slice %arg3[%dma_start3A_388, %dma_start3A_389] : memref<16384x512xf32, #tpu.memory_space<hbm>> -> memref<16384x512xf32, #tpu.memory_space<hbm>>
    tpu.enqueue_indirect_dma source(%dma_start3A_390 : memref<16384x512xf32, #tpu.memory_space<hbm>>) target(%arg10 : memref<32x512xf32, #tpu.memory_space<vmem>>) offsets(%dma_start3A_387 : memref<32xi32, #tpu.memory_space<vmem>>) semaphore(%arg15 : memref<!tpu.dma_semaphore, #tpu.memory_space<semaphore_mem>>)
    %dma_wait3A_391 = arith.constant 1 : i32
    %dma_wait3A_392 = arith.constant 0 : i32
    %dma_wait3A_393 = tpu.memref_slice %arg7[%dma_wait3A_391, %dma_wait3A_392] : memref<16x32xi32, #tpu.memory_space<vmem>> -> memref<1x32xi32, #tpu.memory_space<vmem>>
    %dma_wait3A_394 = tpu.memref_squeeze %dma_wait3A_393 : memref<1x32xi32, #tpu.memory_space<vmem>> -> memref<32xi32, #tpu.memory_space<vmem>>
    %dma_wait3A_395 = arith.constant 0 : i32
    %dma_wait3A_396 = arith.constant 0 : i32
    %dma_wait3A_397 = tpu.memref_slice %arg2[%dma_wait3A_395, %dma_wait3A_396] : memref<100000x512xf32, #tpu.memory_space<hbm>> -> memref<100000x512xf32, #tpu.memory_space<hbm>>
    tpu.wait_indirect_dma semaphore(%arg17 : memref<!tpu.dma_semaphore, #tpu.memory_space<semaphore_mem>>) src(%dma_wait3A_397 : memref<100000x512xf32, #tpu.memory_space<hbm>>) dst(%arg11 : memref<32x512xf32, #tpu.memory_space<vmem>>)
    %dma_wait3A_398 = arith.constant 1 : i32
    %dma_wait3A_399 = arith.constant 0 : i32
    %dma_wait3A_400 = tpu.memref_slice %arg8[%dma_wait3A_398, %dma_wait3A_399] : memref<16x32xi32, #tpu.memory_space<vmem>> -> memref<1x32xi32, #tpu.memory_space<vmem>>
    %dma_wait3A_401 = tpu.memref_squeeze %dma_wait3A_400 : memref<1x32xi32, #tpu.memory_space<vmem>> -> memref<32xi32, #tpu.memory_space<vmem>>
    %dma_wait3A_402 = arith.constant 0 : i32
    %dma_wait3A_403 = arith.constant 0 : i32
    %dma_wait3A_404 = tpu.memref_slice %arg3[%dma_wait3A_402, %dma_wait3A_403] : memref<16384x512xf32, #tpu.memory_space<hbm>> -> memref<16384x512xf32, #tpu.memory_space<hbm>>
    tpu.wait_indirect_dma semaphore(%arg18 : memref<!tpu.dma_semaphore, #tpu.memory_space<semaphore_mem>>) src(%dma_wait3A_404 : memref<16384x512xf32, #tpu.memory_space<hbm>>) dst(%arg12 : memref<32x512xf32, #tpu.memory_space<vmem>>)
    %scan3A_405 = arith.constant 0 : i32
    %scan3A_406 = arith.constant 1024 : i32
    %scan3A_407 = arith.addi %scan3A_405, %scan3A_406 : i32
    %scan3A_408 = arith.constant 1 : i32
    scf.for %scan3A_1008 = %scan3A_405 to %scan3A_407 step %scan3A_408  : i32 {
      %mul3A_1009 = arith.constant 1 : i32
      %mul3A_1010 = arith.muli %scan3A_1008, %mul3A_1009 : i32
      %add3A_1011 = arith.constant 0 : i32
      %add3A_1012 = arith.addi %add3A_1011, %mul3A_1010 : i32
      %jit3A = arith.constant 32 : i32
      %div3A = arith.divsi %add3A_1012, %jit3A : i32
      %sign3A = arith.constant 0 : i32
      %sign3A_1013 = arith.cmpi sgt, %add3A_1012, %sign3A : i32
      %sign3A_1014 = arith.extui %sign3A_1013 : i1 to i32
      %sign3A_1015 = arith.constant 0 : i32
      %sign3A_1016 = arith.cmpi slt, %add3A_1012, %sign3A_1015 : i32
      %sign3A_1017 = arith.extui %sign3A_1016 : i1 to i32
      %sign3A_1018 = arith.subi %sign3A_1014, %sign3A_1017 : i32
      %sign3A_1019 = arith.constant 0 : i32
      %sign3A_1020 = arith.cmpi sgt, %jit3A, %sign3A_1019 : i32
      %sign3A_1021 = arith.extui %sign3A_1020 : i1 to i32
      %sign3A_1022 = arith.constant 0 : i32
      %sign3A_1023 = arith.cmpi slt, %jit3A, %sign3A_1022 : i32
      %sign3A_1024 = arith.extui %sign3A_1023 : i1 to i32
      %sign3A_1025 = arith.subi %sign3A_1021, %sign3A_1024 : i32
      %ne3A = arith.cmpi ne, %sign3A_1018, %sign3A_1025 : i32
      %rem3A = arith.remsi %add3A_1012, %jit3A : i32
      %ne3A_1026 = arith.constant 0 : i32
      %ne3A_1027 = arith.cmpi ne, %rem3A, %ne3A_1026 : i32
      %and3A = arith.andi %ne3A, %ne3A_1027 : i1
      %sub3A = arith.constant 1 : i32
      %sub3A_1028 = arith.subi %div3A, %sub3A : i32
      %select_n3A = arith.select %and3A, %sub3A_1028, %div3A : i32
      %jit3A_1029 = arith.constant 32 : i32
      %eq3A = arith.constant 0 : i32
      %eq3A_1030 = arith.cmpi eq, %jit3A_1029, %eq3A : i32
      %jit3A_1031 = arith.constant 1 : i32
      %select_n3A_1032 = arith.select %eq3A_1030, %jit3A_1031, %jit3A_1029 : i32
      %rem3A_1033 = arith.remsi %add3A_1012, %select_n3A_1032 : i32
      %ne3A_1034 = arith.constant 0 : i32
      %ne3A_1035 = arith.cmpi ne, %rem3A_1033, %ne3A_1034 : i32
      %lt3A = arith.constant 0 : i32
      %lt3A_1036 = arith.cmpi slt, %rem3A_1033, %lt3A : i32
      %lt3A_1037 = arith.constant 0 : i32
      %lt3A_1038 = arith.cmpi slt, %select_n3A_1032, %lt3A_1037 : i32
      %ne3A_1039 = arith.xori %lt3A_1036, %lt3A_1038 : i1
      %and3A_1040 = arith.andi %ne3A_1039, %ne3A_1035 : i1
      %add3A_1041 = arith.addi %rem3A_1033, %select_n3A_1032 : i32
      %select_n3A_1042 = arith.select %and3A_1040, %add3A_1041, %rem3A_1033 : i32
      %mul3A_1043 = arith.constant 16 : i32
      %mul3A_1044 = arith.muli %select_n3A_1042, %mul3A_1043 : i32
      %get3A = arith.index_cast %select_n3A : i32 to index
      %get3A_1045 = arith.index_cast %mul3A_1044 : i32 to index
      %get3A_1046 = tpu.vector_load %arg11[%get3A, %get3A_1045] {strides = array<i32>} : memref<32x512xf32, #tpu.memory_space<vmem>>, vector<1x16xf32>,
      %get3A_1047 = vector.shape_cast %get3A_1046 : vector<1x16xf32> to vector<16xf32>
      %get3A_1048 = arith.index_cast %select_n3A : i32 to index
      %get3A_1049 = arith.index_cast %mul3A_1044 : i32 to index
      %get3A_1050 = tpu.vector_load %arg12[%get3A_1048, %get3A_1049] {strides = array<i32>} : memref<32x512xf32, #tpu.memory_space<vmem>>, vector<1x16xf32>,
      %get3A_1051 = vector.shape_cast %get3A_1050 : vector<1x16xf32> to vector<16xf32>
      %mul3A_1052 = arith.constant 0.899999976 : f32
      %mul3A_1053 = vector.broadcast %mul3A_1052 : f32 to vector<16xf32>
      %mul3A_1054 = arith.mulf %get3A_1047, %mul3A_1053 : vector<16xf32>
      %mul3A_1055 = arith.constant 1.000000e-01 : f32
      %mul3A_1056 = vector.broadcast %mul3A_1055 : f32 to vector<16xf32>
      %mul3A_1057 = arith.mulf %get3A_1051, %mul3A_1056 : vector<16xf32>
      %add3A_1058 = arith.addf %mul3A_1054, %mul3A_1057 : vector<16xf32>
      %swap3A = arith.index_cast %select_n3A : i32 to index
      %swap3A_1059 = arith.index_cast %mul3A_1044 : i32 to index
      %swap3A_1060 = tpu.vector_load %arg11[%swap3A, %swap3A_1059] {strides = array<i32>} : memref<32x512xf32, #tpu.memory_space<vmem>>, vector<1x16xf32>,
      %swap3A_1061 = vector.shape_cast %swap3A_1060 : vector<1x16xf32> to vector<16xf32>
      %swap3A_1062 = vector.shape_cast %add3A_1058 : vector<16xf32> to vector<1x16xf32>
      tpu.vector_store %arg11[%swap3A, %swap3A_1059], %swap3A_1062 {strides = array<i32>} : memref<32x512xf32, #tpu.memory_space<vmem>>, vector<1x16xf32>,
    }
    %scan3A_409 = arith.constant 1024 : i32
    %add3A_410 = arith.constant 32 : i32
    %add3A_411 = arith.addi %mul3A_2, %add3A_410 : i32
    %dma_start3A_412 = arith.constant 0 : i32
    %dma_start3A_413 = tpu.memref_slice %arg6[%add3A_411, %dma_start3A_412] : memref<16384x512xf32, #tpu.memory_space<hbm>> -> memref<32x512xf32, #tpu.memory_space<hbm>>
    %dma_start3A_414 = arith.constant 0 : i32
    %dma_start3A_415 = tpu.memref_slice %arg6[%add3A_411, %dma_start3A_414] : memref<16384x512xf32, #tpu.memory_space<hbm>> -> memref<32x512xf32, #tpu.memory_space<hbm>>
    tpu.enqueue_dma source(%arg11 : memref<32x512xf32, #tpu.memory_space<vmem>>) target(%dma_start3A_415 : memref<32x512xf32, #tpu.memory_space<hbm>>) target_semaphore(%arg19 : memref<!tpu.dma_semaphore, #tpu.memory_space<semaphore_mem>>)
    %dma_wait3A_416 = arith.constant 0 : i32
    %dma_wait3A_417 = tpu.memref_slice %arg6[%add3A_411, %dma_wait3A_416] : memref<16384x512xf32, #tpu.memory_space<hbm>> -> memref<32x512xf32, #tpu.memory_space<hbm>>
    %dma_wait3A_418 = arith.constant 0 : i32
    %dma_wait3A_419 = tpu.memref_slice %arg6[%add3A_411, %dma_wait3A_418] : memref<16384x512xf32, #tpu.memory_space<hbm>> -> memref<32x512xf32, #tpu.memory_space<hbm>>
    tpu.wait_dma2 semaphore(%arg19 : memref<!tpu.dma_semaphore, #tpu.memory_space<semaphore_mem>>) src(%arg11 : memref<32x512xf32, #tpu.memory_space<vmem>>) dst(%dma_wait3A_419 : memref<32x512xf32, #tpu.memory_space<hbm>>)
    %dma_start3A_420 = arith.constant 3 : i32
    %dma_start3A_421 = arith.constant 0 : i32
    %dma_start3A_422 = tpu.memref_slice %arg7[%dma_start3A_420, %dma_start3A_421] : memref<16x32xi32, #tpu.memory_space<vmem>> -> memref<1x32xi32, #tpu.memory_space<vmem>>
    %dma_start3A_423 = tpu.memref_squeeze %dma_start3A_422 : memref<1x32xi32, #tpu.memory_space<vmem>> -> memref<32xi32, #tpu.memory_space<vmem>>
    %dma_start3A_424 = arith.constant 0 : i32
    %dma_start3A_425 = arith.constant 0 : i32
    %dma_start3A_426 = tpu.memref_slice %arg2[%dma_start3A_424, %dma_start3A_425] : memref<100000x512xf32, #tpu.memory_space<hbm>> -> memref<100000x512xf32, #tpu.memory_space<hbm>>
    tpu.enqueue_indirect_dma source(%dma_start3A_426 : memref<100000x512xf32, #tpu.memory_space<hbm>>) target(%arg11 : memref<32x512xf32, #tpu.memory_space<vmem>>) offsets(%dma_start3A_423 : memref<32xi32, #tpu.memory_space<vmem>>) semaphore(%arg17 : memref<!tpu.dma_semaphore, #tpu.memory_space<semaphore_mem>>)
    %dma_start3A_427 = arith.constant 3 : i32
    %dma_start3A_428 = arith.constant 0 : i32
    %dma_start3A_429 = tpu.memref_slice %arg8[%dma_start3A_427, %dma_start3A_428] : memref<16x32xi32, #tpu.memory_space<vmem>> -> memref<1x32xi32, #tpu.memory_space<vmem>>
    %dma_start3A_430 = tpu.memref_squeeze %dma_start3A_429 : memref<1x32xi32, #tpu.memory_space<vmem>> -> memref<32xi32, #tpu.memory_space<vmem>>
    %dma_start3A_431 = arith.constant 0 : i32
    %dma_start3A_432 = arith.constant 0 : i32
    %dma_start3A_433 = tpu.memref_slice %arg3[%dma_start3A_431, %dma_start3A_432] : memref<16384x512xf32, #tpu.memory_space<hbm>> -> memref<16384x512xf32, #tpu.memory_space<hbm>>
    tpu.enqueue_indirect_dma source(%dma_start3A_433 : memref<16384x512xf32, #tpu.memory_space<hbm>>) target(%arg12 : memref<32x512xf32, #tpu.memory_space<vmem>>) offsets(%dma_start3A_430 : memref<32xi32, #tpu.memory_space<vmem>>) semaphore(%arg18 : memref<!tpu.dma_semaphore, #tpu.memory_space<semaphore_mem>>)
    %dma_wait3A_434 = arith.constant 2 : i32
    %dma_wait3A_435 = arith.constant 0 : i32
    %dma_wait3A_436 = tpu.memref_slice %arg7[%dma_wait3A_434, %dma_wait3A_435] : memref<16x32xi32, #tpu.memory_space<vmem>> -> memref<1x32xi32, #tpu.memory_space<vmem>>
    %dma_wait3A_437 = tpu.memref_squeeze %dma_wait3A_436 : memref<1x32xi32, #tpu.memory_space<vmem>> -> memref<32xi32, #tpu.memory_space<vmem>>
    %dma_wait3A_438 = arith.constant 0 : i32
    %dma_wait3A_439 = arith.constant 0 : i32
    %dma_wait3A_440 = tpu.memref_slice %arg2[%dma_wait3A_438, %dma_wait3A_439] : memref<100000x512xf32, #tpu.memory_space<hbm>> -> memref<100000x512xf32, #tpu.memory_space<hbm>>
    tpu.wait_indirect_dma semaphore(%arg14 : memref<!tpu.dma_semaphore, #tpu.memory_space<semaphore_mem>>) src(%dma_wait3A_440 : memref<100000x512xf32, #tpu.memory_space<hbm>>) dst(%arg9 : memref<32x512xf32, #tpu.memory_space<vmem>>)
    %dma_wait3A_441 = arith.constant 2 : i32
    %dma_wait3A_442 = arith.constant 0 : i32
    %dma_wait3A_443 = tpu.memref_slice %arg8[%dma_wait3A_441, %dma_wait3A_442] : memref<16x32xi32, #tpu.memory_space<vmem>> -> memref<1x32xi32, #tpu.memory_space<vmem>>
    %dma_wait3A_444 = tpu.memref_squeeze %dma_wait3A_443 : memref<1x32xi32, #tpu.memory_space<vmem>> -> memref<32xi32, #tpu.memory_space<vmem>>
    %dma_wait3A_445 = arith.constant 0 : i32
    %dma_wait3A_446 = arith.constant 0 : i32
    %dma_wait3A_447 = tpu.memref_slice %arg3[%dma_wait3A_445, %dma_wait3A_446] : memref<16384x512xf32, #tpu.memory_space<hbm>> -> memref<16384x512xf32, #tpu.memory_space<hbm>>
    tpu.wait_indirect_dma semaphore(%arg15 : memref<!tpu.dma_semaphore, #tpu.memory_space<semaphore_mem>>) src(%dma_wait3A_447 : memref<16384x512xf32, #tpu.memory_space<hbm>>) dst(%arg10 : memref<32x512xf32, #tpu.memory_space<vmem>>)
    %scan3A_448 = arith.constant 0 : i32
    %scan3A_449 = arith.constant 1024 : i32
    %scan3A_450 = arith.addi %scan3A_448, %scan3A_449 : i32
    %scan3A_451 = arith.constant 1 : i32
    scf.for %scan3A_1008 = %scan3A_448 to %scan3A_450 step %scan3A_451  : i32 {
      %mul3A_1009 = arith.constant 1 : i32
      %mul3A_1010 = arith.muli %scan3A_1008, %mul3A_1009 : i32
      %add3A_1011 = arith.constant 0 : i32
      %add3A_1012 = arith.addi %add3A_1011, %mul3A_1010 : i32
      %jit3A = arith.constant 32 : i32
      %div3A = arith.divsi %add3A_1012, %jit3A : i32
      %sign3A = arith.constant 0 : i32
      %sign3A_1013 = arith.cmpi sgt, %add3A_1012, %sign3A : i32
      %sign3A_1014 = arith.extui %sign3A_1013 : i1 to i32
      %sign3A_1015 = arith.constant 0 : i32
      %sign3A_1016 = arith.cmpi slt, %add3A_1012, %sign3A_1015 : i32
      %sign3A_1017 = arith.extui %sign3A_1016 : i1 to i32
      %sign3A_1018 = arith.subi %sign3A_1014, %sign3A_1017 : i32
      %sign3A_1019 = arith.constant 0 : i32
      %sign3A_1020 = arith.cmpi sgt, %jit3A, %sign3A_1019 : i32
      %sign3A_1021 = arith.extui %sign3A_1020 : i1 to i32
      %sign3A_1022 = arith.constant 0 : i32
      %sign3A_1023 = arith.cmpi slt, %jit3A, %sign3A_1022 : i32
      %sign3A_1024 = arith.extui %sign3A_1023 : i1 to i32
      %sign3A_1025 = arith.subi %sign3A_1021, %sign3A_1024 : i32
      %ne3A = arith.cmpi ne, %sign3A_1018, %sign3A_1025 : i32
      %rem3A = arith.remsi %add3A_1012, %jit3A : i32
      %ne3A_1026 = arith.constant 0 : i32
      %ne3A_1027 = arith.cmpi ne, %rem3A, %ne3A_1026 : i32
      %and3A = arith.andi %ne3A, %ne3A_1027 : i1
      %sub3A = arith.constant 1 : i32
      %sub3A_1028 = arith.subi %div3A, %sub3A : i32
      %select_n3A = arith.select %and3A, %sub3A_1028, %div3A : i32
      %jit3A_1029 = arith.constant 32 : i32
      %eq3A = arith.constant 0 : i32
      %eq3A_1030 = arith.cmpi eq, %jit3A_1029, %eq3A : i32
      %jit3A_1031 = arith.constant 1 : i32
      %select_n3A_1032 = arith.select %eq3A_1030, %jit3A_1031, %jit3A_1029 : i32
      %rem3A_1033 = arith.remsi %add3A_1012, %select_n3A_1032 : i32
      %ne3A_1034 = arith.constant 0 : i32
      %ne3A_1035 = arith.cmpi ne, %rem3A_1033, %ne3A_1034 : i32
      %lt3A = arith.constant 0 : i32
      %lt3A_1036 = arith.cmpi slt, %rem3A_1033, %lt3A : i32
      %lt3A_1037 = arith.constant 0 : i32
      %lt3A_1038 = arith.cmpi slt, %select_n3A_1032, %lt3A_1037 : i32
      %ne3A_1039 = arith.xori %lt3A_1036, %lt3A_1038 : i1
      %and3A_1040 = arith.andi %ne3A_1039, %ne3A_1035 : i1
      %add3A_1041 = arith.addi %rem3A_1033, %select_n3A_1032 : i32
      %select_n3A_1042 = arith.select %and3A_1040, %add3A_1041, %rem3A_1033 : i32
      %mul3A_1043 = arith.constant 16 : i32
      %mul3A_1044 = arith.muli %select_n3A_1042, %mul3A_1043 : i32
      %get3A = arith.index_cast %select_n3A : i32 to index
      %get3A_1045 = arith.index_cast %mul3A_1044 : i32 to index
      %get3A_1046 = tpu.vector_load %arg9[%get3A, %get3A_1045] {strides = array<i32>} : memref<32x512xf32, #tpu.memory_space<vmem>>, vector<1x16xf32>,
      %get3A_1047 = vector.shape_cast %get3A_1046 : vector<1x16xf32> to vector<16xf32>
      %get3A_1048 = arith.index_cast %select_n3A : i32 to index
      %get3A_1049 = arith.index_cast %mul3A_1044 : i32 to index
      %get3A_1050 = tpu.vector_load %arg10[%get3A_1048, %get3A_1049] {strides = array<i32>} : memref<32x512xf32, #tpu.memory_space<vmem>>, vector<1x16xf32>,
      %get3A_1051 = vector.shape_cast %get3A_1050 : vector<1x16xf32> to vector<16xf32>
      %mul3A_1052 = arith.constant 0.899999976 : f32
      %mul3A_1053 = vector.broadcast %mul3A_1052 : f32 to vector<16xf32>
      %mul3A_1054 = arith.mulf %get3A_1047, %mul3A_1053 : vector<16xf32>
      %mul3A_1055 = arith.constant 1.000000e-01 : f32
      %mul3A_1056 = vector.broadcast %mul3A_1055 : f32 to vector<16xf32>
      %mul3A_1057 = arith.mulf %get3A_1051, %mul3A_1056 : vector<16xf32>
      %add3A_1058 = arith.addf %mul3A_1054, %mul3A_1057 : vector<16xf32>
      %swap3A = arith.index_cast %select_n3A : i32 to index
      %swap3A_1059 = arith.index_cast %mul3A_1044 : i32 to index
      %swap3A_1060 = tpu.vector_load %arg9[%swap3A, %swap3A_1059] {strides = array<i32>} : memref<32x512xf32, #tpu.memory_space<vmem>>, vector<1x16xf32>,
      %swap3A_1061 = vector.shape_cast %swap3A_1060 : vector<1x16xf32> to vector<16xf32>
      %swap3A_1062 = vector.shape_cast %add3A_1058 : vector<16xf32> to vector<1x16xf32>
      tpu.vector_store %arg9[%swap3A, %swap3A_1059], %swap3A_1062 {strides = array<i32>} : memref<32x512xf32, #tpu.memory_space<vmem>>, vector<1x16xf32>,
    }
    %scan3A_452 = arith.constant 1024 : i32
    %add3A_453 = arith.constant 64 : i32
    %add3A_454 = arith.addi %mul3A_2, %add3A_453 : i32
    %dma_start3A_455 = arith.constant 0 : i32
    %dma_start3A_456 = tpu.memref_slice %arg6[%add3A_454, %dma_start3A_455] : memref<16384x512xf32, #tpu.memory_space<hbm>> -> memref<32x512xf32, #tpu.memory_space<hbm>>
    %dma_start3A_457 = arith.constant 0 : i32
    %dma_start3A_458 = tpu.memref_slice %arg6[%add3A_454, %dma_start3A_457] : memref<16384x512xf32, #tpu.memory_space<hbm>> -> memref<32x512xf32, #tpu.memory_space<hbm>>
    tpu.enqueue_dma source(%arg9 : memref<32x512xf32, #tpu.memory_space<vmem>>) target(%dma_start3A_458 : memref<32x512xf32, #tpu.memory_space<hbm>>) target_semaphore(%arg16 : memref<!tpu.dma_semaphore, #tpu.memory_space<semaphore_mem>>)
    %dma_wait3A_459 = arith.constant 0 : i32
    %dma_wait3A_460 = tpu.memref_slice %arg6[%add3A_454, %dma_wait3A_459] : memref<16384x512xf32, #tpu.memory_space<hbm>> -> memref<32x512xf32, #tpu.memory_space<hbm>>
    %dma_wait3A_461 = arith.constant 0 : i32
    %dma_wait3A_462 = tpu.memref_slice %arg6[%add3A_454, %dma_wait3A_461] : memref<16384x512xf32, #tpu.memory_space<hbm>> -> memref<32x512xf32, #tpu.memory_space<hbm>>
    tpu.wait_dma2 semaphore(%arg16 : memref<!tpu.dma_semaphore, #tpu.memory_space<semaphore_mem>>) src(%arg9 : memref<32x512xf32, #tpu.memory_space<vmem>>) dst(%dma_wait3A_462 : memref<32x512xf32, #tpu.memory_space<hbm>>)
    %dma_start3A_463 = arith.constant 4 : i32
    %dma_start3A_464 = arith.constant 0 : i32
    %dma_start3A_465 = tpu.memref_slice %arg7[%dma_start3A_463, %dma_start3A_464] : memref<16x32xi32, #tpu.memory_space<vmem>> -> memref<1x32xi32, #tpu.memory_space<vmem>>
    %dma_start3A_466 = tpu.memref_squeeze %dma_start3A_465 : memref<1x32xi32, #tpu.memory_space<vmem>> -> memref<32xi32, #tpu.memory_space<vmem>>
    %dma_start3A_467 = arith.constant 0 : i32
    %dma_start3A_468 = arith.constant 0 : i32
    %dma_start3A_469 = tpu.memref_slice %arg2[%dma_start3A_467, %dma_start3A_468] : memref<100000x512xf32, #tpu.memory_space<hbm>> -> memref<100000x512xf32, #tpu.memory_space<hbm>>
    tpu.enqueue_indirect_dma source(%dma_start3A_469 : memref<100000x512xf32, #tpu.memory_space<hbm>>) target(%arg9 : memref<32x512xf32, #tpu.memory_space<vmem>>) offsets(%dma_start3A_466 : memref<32xi32, #tpu.memory_space<vmem>>) semaphore(%arg14 : memref<!tpu.dma_semaphore, #tpu.memory_space<semaphore_mem>>)
    %dma_start3A_470 = arith.constant 4 : i32
    %dma_start3A_471 = arith.constant 0 : i32
    %dma_start3A_472 = tpu.memref_slice %arg8[%dma_start3A_470, %dma_start3A_471] : memref<16x32xi32, #tpu.memory_space<vmem>> -> memref<1x32xi32, #tpu.memory_space<vmem>>
    %dma_start3A_473 = tpu.memref_squeeze %dma_start3A_472 : memref<1x32xi32, #tpu.memory_space<vmem>> -> memref<32xi32, #tpu.memory_space<vmem>>
    %dma_start3A_474 = arith.constant 0 : i32
    %dma_start3A_475 = arith.constant 0 : i32
    %dma_start3A_476 = tpu.memref_slice %arg3[%dma_start3A_474, %dma_start3A_475] : memref<16384x512xf32, #tpu.memory_space<hbm>> -> memref<16384x512xf32, #tpu.memory_space<hbm>>
    tpu.enqueue_indirect_dma source(%dma_start3A_476 : memref<16384x512xf32, #tpu.memory_space<hbm>>) target(%arg10 : memref<32x512xf32, #tpu.memory_space<vmem>>) offsets(%dma_start3A_473 : memref<32xi32, #tpu.memory_space<vmem>>) semaphore(%arg15 : memref<!tpu.dma_semaphore, #tpu.memory_space<semaphore_mem>>)
    %dma_wait3A_477 = arith.constant 3 : i32
    %dma_wait3A_478 = arith.constant 0 : i32
    %dma_wait3A_479 = tpu.memref_slice %arg7[%dma_wait3A_477, %dma_wait3A_478] : memref<16x32xi32, #tpu.memory_space<vmem>> -> memref<1x32xi32, #tpu.memory_space<vmem>>
    %dma_wait3A_480 = tpu.memref_squeeze %dma_wait3A_479 : memref<1x32xi32, #tpu.memory_space<vmem>> -> memref<32xi32, #tpu.memory_space<vmem>>
    %dma_wait3A_481 = arith.constant 0 : i32
    %dma_wait3A_482 = arith.constant 0 : i32
    %dma_wait3A_483 = tpu.memref_slice %arg2[%dma_wait3A_481, %dma_wait3A_482] : memref<100000x512xf32, #tpu.memory_space<hbm>> -> memref<100000x512xf32, #tpu.memory_space<hbm>>
    tpu.wait_indirect_dma semaphore(%arg17 : memref<!tpu.dma_semaphore, #tpu.memory_space<semaphore_mem>>) src(%dma_wait3A_483 : memref<100000x512xf32, #tpu.memory_space<hbm>>) dst(%arg11 : memref<32x512xf32, #tpu.memory_space<vmem>>)
    %dma_wait3A_484 = arith.constant 3 : i32
    %dma_wait3A_485 = arith.constant 0 : i32
    %dma_wait3A_486 = tpu.memref_slice %arg8[%dma_wait3A_484, %dma_wait3A_485] : memref<16x32xi32, #tpu.memory_space<vmem>> -> memref<1x32xi32, #tpu.memory_space<vmem>>
    %dma_wait3A_487 = tpu.memref_squeeze %dma_wait3A_486 : memref<1x32xi32, #tpu.memory_space<vmem>> -> memref<32xi32, #tpu.memory_space<vmem>>
    %dma_wait3A_488 = arith.constant 0 : i32
    %dma_wait3A_489 = arith.constant 0 : i32
    %dma_wait3A_490 = tpu.memref_slice %arg3[%dma_wait3A_488, %dma_wait3A_489] : memref<16384x512xf32, #tpu.memory_space<hbm>> -> memref<16384x512xf32, #tpu.memory_space<hbm>>
    tpu.wait_indirect_dma semaphore(%arg18 : memref<!tpu.dma_semaphore, #tpu.memory_space<semaphore_mem>>) src(%dma_wait3A_490 : memref<16384x512xf32, #tpu.memory_space<hbm>>) dst(%arg12 : memref<32x512xf32, #tpu.memory_space<vmem>>)
    %scan3A_491 = arith.constant 0 : i32
    %scan3A_492 = arith.constant 1024 : i32
    %scan3A_493 = arith.addi %scan3A_491, %scan3A_492 : i32
    %scan3A_494 = arith.constant 1 : i32
    scf.for %scan3A_1008 = %scan3A_491 to %scan3A_493 step %scan3A_494  : i32 {
      %mul3A_1009 = arith.constant 1 : i32
      %mul3A_1010 = arith.muli %scan3A_1008, %mul3A_1009 : i32
      %add3A_1011 = arith.constant 0 : i32
      %add3A_1012 = arith.addi %add3A_1011, %mul3A_1010 : i32
      %jit3A = arith.constant 32 : i32
      %div3A = arith.divsi %add3A_1012, %jit3A : i32
      %sign3A = arith.constant 0 : i32
      %sign3A_1013 = arith.cmpi sgt, %add3A_1012, %sign3A : i32
      %sign3A_1014 = arith.extui %sign3A_1013 : i1 to i32
      %sign3A_1015 = arith.constant 0 : i32
      %sign3A_1016 = arith.cmpi slt, %add3A_1012, %sign3A_1015 : i32
      %sign3A_1017 = arith.extui %sign3A_1016 : i1 to i32
      %sign3A_1018 = arith.subi %sign3A_1014, %sign3A_1017 : i32
      %sign3A_1019 = arith.constant 0 : i32
      %sign3A_1020 = arith.cmpi sgt, %jit3A, %sign3A_1019 : i32
      %sign3A_1021 = arith.extui %sign3A_1020 : i1 to i32
      %sign3A_1022 = arith.constant 0 : i32
      %sign3A_1023 = arith.cmpi slt, %jit3A, %sign3A_1022 : i32
      %sign3A_1024 = arith.extui %sign3A_1023 : i1 to i32
      %sign3A_1025 = arith.subi %sign3A_1021, %sign3A_1024 : i32
      %ne3A = arith.cmpi ne, %sign3A_1018, %sign3A_1025 : i32
      %rem3A = arith.remsi %add3A_1012, %jit3A : i32
      %ne3A_1026 = arith.constant 0 : i32
      %ne3A_1027 = arith.cmpi ne, %rem3A, %ne3A_1026 : i32
      %and3A = arith.andi %ne3A, %ne3A_1027 : i1
      %sub3A = arith.constant 1 : i32
      %sub3A_1028 = arith.subi %div3A, %sub3A : i32
      %select_n3A = arith.select %and3A, %sub3A_1028, %div3A : i32
      %jit3A_1029 = arith.constant 32 : i32
      %eq3A = arith.constant 0 : i32
      %eq3A_1030 = arith.cmpi eq, %jit3A_1029, %eq3A : i32
      %jit3A_1031 = arith.constant 1 : i32
      %select_n3A_1032 = arith.select %eq3A_1030, %jit3A_1031, %jit3A_1029 : i32
      %rem3A_1033 = arith.remsi %add3A_1012, %select_n3A_1032 : i32
      %ne3A_1034 = arith.constant 0 : i32
      %ne3A_1035 = arith.cmpi ne, %rem3A_1033, %ne3A_1034 : i32
      %lt3A = arith.constant 0 : i32
      %lt3A_1036 = arith.cmpi slt, %rem3A_1033, %lt3A : i32
      %lt3A_1037 = arith.constant 0 : i32
      %lt3A_1038 = arith.cmpi slt, %select_n3A_1032, %lt3A_1037 : i32
      %ne3A_1039 = arith.xori %lt3A_1036, %lt3A_1038 : i1
      %and3A_1040 = arith.andi %ne3A_1039, %ne3A_1035 : i1
      %add3A_1041 = arith.addi %rem3A_1033, %select_n3A_1032 : i32
      %select_n3A_1042 = arith.select %and3A_1040, %add3A_1041, %rem3A_1033 : i32
      %mul3A_1043 = arith.constant 16 : i32
      %mul3A_1044 = arith.muli %select_n3A_1042, %mul3A_1043 : i32
      %get3A = arith.index_cast %select_n3A : i32 to index
      %get3A_1045 = arith.index_cast %mul3A_1044 : i32 to index
      %get3A_1046 = tpu.vector_load %arg11[%get3A, %get3A_1045] {strides = array<i32>} : memref<32x512xf32, #tpu.memory_space<vmem>>, vector<1x16xf32>,
      %get3A_1047 = vector.shape_cast %get3A_1046 : vector<1x16xf32> to vector<16xf32>
      %get3A_1048 = arith.index_cast %select_n3A : i32 to index
      %get3A_1049 = arith.index_cast %mul3A_1044 : i32 to index
      %get3A_1050 = tpu.vector_load %arg12[%get3A_1048, %get3A_1049] {strides = array<i32>} : memref<32x512xf32, #tpu.memory_space<vmem>>, vector<1x16xf32>,
      %get3A_1051 = vector.shape_cast %get3A_1050 : vector<1x16xf32> to vector<16xf32>
      %mul3A_1052 = arith.constant 0.899999976 : f32
      %mul3A_1053 = vector.broadcast %mul3A_1052 : f32 to vector<16xf32>
      %mul3A_1054 = arith.mulf %get3A_1047, %mul3A_1053 : vector<16xf32>
      %mul3A_1055 = arith.constant 1.000000e-01 : f32
      %mul3A_1056 = vector.broadcast %mul3A_1055 : f32 to vector<16xf32>
      %mul3A_1057 = arith.mulf %get3A_1051, %mul3A_1056 : vector<16xf32>
      %add3A_1058 = arith.addf %mul3A_1054, %mul3A_1057 : vector<16xf32>
      %swap3A = arith.index_cast %select_n3A : i32 to index
      %swap3A_1059 = arith.index_cast %mul3A_1044 : i32 to index
      %swap3A_1060 = tpu.vector_load %arg11[%swap3A, %swap3A_1059] {strides = array<i32>} : memref<32x512xf32, #tpu.memory_space<vmem>>, vector<1x16xf32>,
      %swap3A_1061 = vector.shape_cast %swap3A_1060 : vector<1x16xf32> to vector<16xf32>
      %swap3A_1062 = vector.shape_cast %add3A_1058 : vector<16xf32> to vector<1x16xf32>
      tpu.vector_store %arg11[%swap3A, %swap3A_1059], %swap3A_1062 {strides = array<i32>} : memref<32x512xf32, #tpu.memory_space<vmem>>, vector<1x16xf32>,
    }
    %scan3A_495 = arith.constant 1024 : i32
    %add3A_496 = arith.constant 96 : i32
    %add3A_497 = arith.addi %mul3A_2, %add3A_496 : i32
    %dma_start3A_498 = arith.constant 0 : i32
    %dma_start3A_499 = tpu.memref_slice %arg6[%add3A_497, %dma_start3A_498] : memref<16384x512xf32, #tpu.memory_space<hbm>> -> memref<32x512xf32, #tpu.memory_space<hbm>>
    %dma_start3A_500 = arith.constant 0 : i32
    %dma_start3A_501 = tpu.memref_slice %arg6[%add3A_497, %dma_start3A_500] : memref<16384x512xf32, #tpu.memory_space<hbm>> -> memref<32x512xf32, #tpu.memory_space<hbm>>
    tpu.enqueue_dma source(%arg11 : memref<32x512xf32, #tpu.memory_space<vmem>>) target(%dma_start3A_501 : memref<32x512xf32, #tpu.memory_space<hbm>>) target_semaphore(%arg19 : memref<!tpu.dma_semaphore, #tpu.memory_space<semaphore_mem>>)
    %dma_wait3A_502 = arith.constant 0 : i32
    %dma_wait3A_503 = tpu.memref_slice %arg6[%add3A_497, %dma_wait3A_502] : memref<16384x512xf32, #tpu.memory_space<hbm>> -> memref<32x512xf32, #tpu.memory_space<hbm>>
    %dma_wait3A_504 = arith.constant 0 : i32
    %dma_wait3A_505 = tpu.memref_slice %arg6[%add3A_497, %dma_wait3A_504] : memref<16384x512xf32, #tpu.memory_space<hbm>> -> memref<32x512xf32, #tpu.memory_space<hbm>>
    tpu.wait_dma2 semaphore(%arg19 : memref<!tpu.dma_semaphore, #tpu.memory_space<semaphore_mem>>) src(%arg11 : memref<32x512xf32, #tpu.memory_space<vmem>>) dst(%dma_wait3A_505 : memref<32x512xf32, #tpu.memory_space<hbm>>)
    %dma_start3A_506 = arith.constant 5 : i32
    %dma_start3A_507 = arith.constant 0 : i32
    %dma_start3A_508 = tpu.memref_slice %arg7[%dma_start3A_506, %dma_start3A_507] : memref<16x32xi32, #tpu.memory_space<vmem>> -> memref<1x32xi32, #tpu.memory_space<vmem>>
    %dma_start3A_509 = tpu.memref_squeeze %dma_start3A_508 : memref<1x32xi32, #tpu.memory_space<vmem>> -> memref<32xi32, #tpu.memory_space<vmem>>
    %dma_start3A_510 = arith.constant 0 : i32
    %dma_start3A_511 = arith.constant 0 : i32
    %dma_start3A_512 = tpu.memref_slice %arg2[%dma_start3A_510, %dma_start3A_511] : memref<100000x512xf32, #tpu.memory_space<hbm>> -> memref<100000x512xf32, #tpu.memory_space<hbm>>
    tpu.enqueue_indirect_dma source(%dma_start3A_512 : memref<100000x512xf32, #tpu.memory_space<hbm>>) target(%arg11 : memref<32x512xf32, #tpu.memory_space<vmem>>) offsets(%dma_start3A_509 : memref<32xi32, #tpu.memory_space<vmem>>) semaphore(%arg17 : memref<!tpu.dma_semaphore, #tpu.memory_space<semaphore_mem>>)
    %dma_start3A_513 = arith.constant 5 : i32
    %dma_start3A_514 = arith.constant 0 : i32
    %dma_start3A_515 = tpu.memref_slice %arg8[%dma_start3A_513, %dma_start3A_514] : memref<16x32xi32, #tpu.memory_space<vmem>> -> memref<1x32xi32, #tpu.memory_space<vmem>>
    %dma_start3A_516 = tpu.memref_squeeze %dma_start3A_515 : memref<1x32xi32, #tpu.memory_space<vmem>> -> memref<32xi32, #tpu.memory_space<vmem>>
    %dma_start3A_517 = arith.constant 0 : i32
    %dma_start3A_518 = arith.constant 0 : i32
    %dma_start3A_519 = tpu.memref_slice %arg3[%dma_start3A_517, %dma_start3A_518] : memref<16384x512xf32, #tpu.memory_space<hbm>> -> memref<16384x512xf32, #tpu.memory_space<hbm>>
    tpu.enqueue_indirect_dma source(%dma_start3A_519 : memref<16384x512xf32, #tpu.memory_space<hbm>>) target(%arg12 : memref<32x512xf32, #tpu.memory_space<vmem>>) offsets(%dma_start3A_516 : memref<32xi32, #tpu.memory_space<vmem>>) semaphore(%arg18 : memref<!tpu.dma_semaphore, #tpu.memory_space<semaphore_mem>>)
    %dma_wait3A_520 = arith.constant 4 : i32
    %dma_wait3A_521 = arith.constant 0 : i32
    %dma_wait3A_522 = tpu.memref_slice %arg7[%dma_wait3A_520, %dma_wait3A_521] : memref<16x32xi32, #tpu.memory_space<vmem>> -> memref<1x32xi32, #tpu.memory_space<vmem>>
    %dma_wait3A_523 = tpu.memref_squeeze %dma_wait3A_522 : memref<1x32xi32, #tpu.memory_space<vmem>> -> memref<32xi32, #tpu.memory_space<vmem>>
    %dma_wait3A_524 = arith.constant 0 : i32
    %dma_wait3A_525 = arith.constant 0 : i32
    %dma_wait3A_526 = tpu.memref_slice %arg2[%dma_wait3A_524, %dma_wait3A_525] : memref<100000x512xf32, #tpu.memory_space<hbm>> -> memref<100000x512xf32, #tpu.memory_space<hbm>>
    tpu.wait_indirect_dma semaphore(%arg14 : memref<!tpu.dma_semaphore, #tpu.memory_space<semaphore_mem>>) src(%dma_wait3A_526 : memref<100000x512xf32, #tpu.memory_space<hbm>>) dst(%arg9 : memref<32x512xf32, #tpu.memory_space<vmem>>)
    %dma_wait3A_527 = arith.constant 4 : i32
    %dma_wait3A_528 = arith.constant 0 : i32
    %dma_wait3A_529 = tpu.memref_slice %arg8[%dma_wait3A_527, %dma_wait3A_528] : memref<16x32xi32, #tpu.memory_space<vmem>> -> memref<1x32xi32, #tpu.memory_space<vmem>>
    %dma_wait3A_530 = tpu.memref_squeeze %dma_wait3A_529 : memref<1x32xi32, #tpu.memory_space<vmem>> -> memref<32xi32, #tpu.memory_space<vmem>>
    %dma_wait3A_531 = arith.constant 0 : i32
    %dma_wait3A_532 = arith.constant 0 : i32
    %dma_wait3A_533 = tpu.memref_slice %arg3[%dma_wait3A_531, %dma_wait3A_532] : memref<16384x512xf32, #tpu.memory_space<hbm>> -> memref<16384x512xf32, #tpu.memory_space<hbm>>
    tpu.wait_indirect_dma semaphore(%arg15 : memref<!tpu.dma_semaphore, #tpu.memory_space<semaphore_mem>>) src(%dma_wait3A_533 : memref<16384x512xf32, #tpu.memory_space<hbm>>) dst(%arg10 : memref<32x512xf32, #tpu.memory_space<vmem>>)
    %scan3A_534 = arith.constant 0 : i32
    %scan3A_535 = arith.constant 1024 : i32
    %scan3A_536 = arith.addi %scan3A_534, %scan3A_535 : i32
    %scan3A_537 = arith.constant 1 : i32
    scf.for %scan3A_1008 = %scan3A_534 to %scan3A_536 step %scan3A_537  : i32 {
      %mul3A_1009 = arith.constant 1 : i32
      %mul3A_1010 = arith.muli %scan3A_1008, %mul3A_1009 : i32
      %add3A_1011 = arith.constant 0 : i32
      %add3A_1012 = arith.addi %add3A_1011, %mul3A_1010 : i32
      %jit3A = arith.constant 32 : i32
      %div3A = arith.divsi %add3A_1012, %jit3A : i32
      %sign3A = arith.constant 0 : i32
      %sign3A_1013 = arith.cmpi sgt, %add3A_1012, %sign3A : i32
      %sign3A_1014 = arith.extui %sign3A_1013 : i1 to i32
      %sign3A_1015 = arith.constant 0 : i32
      %sign3A_1016 = arith.cmpi slt, %add3A_1012, %sign3A_1015 : i32
      %sign3A_1017 = arith.extui %sign3A_1016 : i1 to i32
      %sign3A_1018 = arith.subi %sign3A_1014, %sign3A_1017 : i32
      %sign3A_1019 = arith.constant 0 : i32
      %sign3A_1020 = arith.cmpi sgt, %jit3A, %sign3A_1019 : i32
      %sign3A_1021 = arith.extui %sign3A_1020 : i1 to i32
      %sign3A_1022 = arith.constant 0 : i32
      %sign3A_1023 = arith.cmpi slt, %jit3A, %sign3A_1022 : i32
      %sign3A_1024 = arith.extui %sign3A_1023 : i1 to i32
      %sign3A_1025 = arith.subi %sign3A_1021, %sign3A_1024 : i32
      %ne3A = arith.cmpi ne, %sign3A_1018, %sign3A_1025 : i32
      %rem3A = arith.remsi %add3A_1012, %jit3A : i32
      %ne3A_1026 = arith.constant 0 : i32
      %ne3A_1027 = arith.cmpi ne, %rem3A, %ne3A_1026 : i32
      %and3A = arith.andi %ne3A, %ne3A_1027 : i1
      %sub3A = arith.constant 1 : i32
      %sub3A_1028 = arith.subi %div3A, %sub3A : i32
      %select_n3A = arith.select %and3A, %sub3A_1028, %div3A : i32
      %jit3A_1029 = arith.constant 32 : i32
      %eq3A = arith.constant 0 : i32
      %eq3A_1030 = arith.cmpi eq, %jit3A_1029, %eq3A : i32
      %jit3A_1031 = arith.constant 1 : i32
      %select_n3A_1032 = arith.select %eq3A_1030, %jit3A_1031, %jit3A_1029 : i32
      %rem3A_1033 = arith.remsi %add3A_1012, %select_n3A_1032 : i32
      %ne3A_1034 = arith.constant 0 : i32
      %ne3A_1035 = arith.cmpi ne, %rem3A_1033, %ne3A_1034 : i32
      %lt3A = arith.constant 0 : i32
      %lt3A_1036 = arith.cmpi slt, %rem3A_1033, %lt3A : i32
      %lt3A_1037 = arith.constant 0 : i32
      %lt3A_1038 = arith.cmpi slt, %select_n3A_1032, %lt3A_1037 : i32
      %ne3A_1039 = arith.xori %lt3A_1036, %lt3A_1038 : i1
      %and3A_1040 = arith.andi %ne3A_1039, %ne3A_1035 : i1
      %add3A_1041 = arith.addi %rem3A_1033, %select_n3A_1032 : i32
      %select_n3A_1042 = arith.select %and3A_1040, %add3A_1041, %rem3A_1033 : i32
      %mul3A_1043 = arith.constant 16 : i32
      %mul3A_1044 = arith.muli %select_n3A_1042, %mul3A_1043 : i32
      %get3A = arith.index_cast %select_n3A : i32 to index
      %get3A_1045 = arith.index_cast %mul3A_1044 : i32 to index
      %get3A_1046 = tpu.vector_load %arg9[%get3A, %get3A_1045] {strides = array<i32>} : memref<32x512xf32, #tpu.memory_space<vmem>>, vector<1x16xf32>,
      %get3A_1047 = vector.shape_cast %get3A_1046 : vector<1x16xf32> to vector<16xf32>
      %get3A_1048 = arith.index_cast %select_n3A : i32 to index
      %get3A_1049 = arith.index_cast %mul3A_1044 : i32 to index
      %get3A_1050 = tpu.vector_load %arg10[%get3A_1048, %get3A_1049] {strides = array<i32>} : memref<32x512xf32, #tpu.memory_space<vmem>>, vector<1x16xf32>,
      %get3A_1051 = vector.shape_cast %get3A_1050 : vector<1x16xf32> to vector<16xf32>
      %mul3A_1052 = arith.constant 0.899999976 : f32
      %mul3A_1053 = vector.broadcast %mul3A_1052 : f32 to vector<16xf32>
      %mul3A_1054 = arith.mulf %get3A_1047, %mul3A_1053 : vector<16xf32>
      %mul3A_1055 = arith.constant 1.000000e-01 : f32
      %mul3A_1056 = vector.broadcast %mul3A_1055 : f32 to vector<16xf32>
      %mul3A_1057 = arith.mulf %get3A_1051, %mul3A_1056 : vector<16xf32>
      %add3A_1058 = arith.addf %mul3A_1054, %mul3A_1057 : vector<16xf32>
      %swap3A = arith.index_cast %select_n3A : i32 to index
      %swap3A_1059 = arith.index_cast %mul3A_1044 : i32 to index
      %swap3A_1060 = tpu.vector_load %arg9[%swap3A, %swap3A_1059] {strides = array<i32>} : memref<32x512xf32, #tpu.memory_space<vmem>>, vector<1x16xf32>,
      %swap3A_1061 = vector.shape_cast %swap3A_1060 : vector<1x16xf32> to vector<16xf32>
      %swap3A_1062 = vector.shape_cast %add3A_1058 : vector<16xf32> to vector<1x16xf32>
      tpu.vector_store %arg9[%swap3A, %swap3A_1059], %swap3A_1062 {strides = array<i32>} : memref<32x512xf32, #tpu.memory_space<vmem>>, vector<1x16xf32>,
    }
    %scan3A_538 = arith.constant 1024 : i32
    %add3A_539 = arith.constant 128 : i32
    %add3A_540 = arith.addi %mul3A_2, %add3A_539 : i32
    %dma_start3A_541 = arith.constant 0 : i32
    %dma_start3A_542 = tpu.memref_slice %arg6[%add3A_540, %dma_start3A_541] : memref<16384x512xf32, #tpu.memory_space<hbm>> -> memref<32x512xf32, #tpu.memory_space<hbm>>
    %dma_start3A_543 = arith.constant 0 : i32
    %dma_start3A_544 = tpu.memref_slice %arg6[%add3A_540, %dma_start3A_543] : memref<16384x512xf32, #tpu.memory_space<hbm>> -> memref<32x512xf32, #tpu.memory_space<hbm>>
    tpu.enqueue_dma source(%arg9 : memref<32x512xf32, #tpu.memory_space<vmem>>) target(%dma_start3A_544 : memref<32x512xf32, #tpu.memory_space<hbm>>) target_semaphore(%arg16 : memref<!tpu.dma_semaphore, #tpu.memory_space<semaphore_mem>>)
    %dma_wait3A_545 = arith.constant 0 : i32
    %dma_wait3A_546 = tpu.memref_slice %arg6[%add3A_540, %dma_wait3A_545] : memref<16384x512xf32, #tpu.memory_space<hbm>> -> memref<32x512xf32, #tpu.memory_space<hbm>>
    %dma_wait3A_547 = arith.constant 0 : i32
    %dma_wait3A_548 = tpu.memref_slice %arg6[%add3A_540, %dma_wait3A_547] : memref<16384x512xf32, #tpu.memory_space<hbm>> -> memref<32x512xf32, #tpu.memory_space<hbm>>
    tpu.wait_dma2 semaphore(%arg16 : memref<!tpu.dma_semaphore, #tpu.memory_space<semaphore_mem>>) src(%arg9 : memref<32x512xf32, #tpu.memory_space<vmem>>) dst(%dma_wait3A_548 : memref<32x512xf32, #tpu.memory_space<hbm>>)
    %dma_start3A_549 = arith.constant 6 : i32
    %dma_start3A_550 = arith.constant 0 : i32
    %dma_start3A_551 = tpu.memref_slice %arg7[%dma_start3A_549, %dma_start3A_550] : memref<16x32xi32, #tpu.memory_space<vmem>> -> memref<1x32xi32, #tpu.memory_space<vmem>>
    %dma_start3A_552 = tpu.memref_squeeze %dma_start3A_551 : memref<1x32xi32, #tpu.memory_space<vmem>> -> memref<32xi32, #tpu.memory_space<vmem>>
    %dma_start3A_553 = arith.constant 0 : i32
    %dma_start3A_554 = arith.constant 0 : i32
    %dma_start3A_555 = tpu.memref_slice %arg2[%dma_start3A_553, %dma_start3A_554] : memref<100000x512xf32, #tpu.memory_space<hbm>> -> memref<100000x512xf32, #tpu.memory_space<hbm>>
    tpu.enqueue_indirect_dma source(%dma_start3A_555 : memref<100000x512xf32, #tpu.memory_space<hbm>>) target(%arg9 : memref<32x512xf32, #tpu.memory_space<vmem>>) offsets(%dma_start3A_552 : memref<32xi32, #tpu.memory_space<vmem>>) semaphore(%arg14 : memref<!tpu.dma_semaphore, #tpu.memory_space<semaphore_mem>>)
    %dma_start3A_556 = arith.constant 6 : i32
    %dma_start3A_557 = arith.constant 0 : i32
    %dma_start3A_558 = tpu.memref_slice %arg8[%dma_start3A_556, %dma_start3A_557] : memref<16x32xi32, #tpu.memory_space<vmem>> -> memref<1x32xi32, #tpu.memory_space<vmem>>
    %dma_start3A_559 = tpu.memref_squeeze %dma_start3A_558 : memref<1x32xi32, #tpu.memory_space<vmem>> -> memref<32xi32, #tpu.memory_space<vmem>>
    %dma_start3A_560 = arith.constant 0 : i32
    %dma_start3A_561 = arith.constant 0 : i32
    %dma_start3A_562 = tpu.memref_slice %arg3[%dma_start3A_560, %dma_start3A_561] : memref<16384x512xf32, #tpu.memory_space<hbm>> -> memref<16384x512xf32, #tpu.memory_space<hbm>>
    tpu.enqueue_indirect_dma source(%dma_start3A_562 : memref<16384x512xf32, #tpu.memory_space<hbm>>) target(%arg10 : memref<32x512xf32, #tpu.memory_space<vmem>>) offsets(%dma_start3A_559 : memref<32xi32, #tpu.memory_space<vmem>>) semaphore(%arg15 : memref<!tpu.dma_semaphore, #tpu.memory_space<semaphore_mem>>)
    %dma_wait3A_563 = arith.constant 5 : i32
    %dma_wait3A_564 = arith.constant 0 : i32
    %dma_wait3A_565 = tpu.memref_slice %arg7[%dma_wait3A_563, %dma_wait3A_564] : memref<16x32xi32, #tpu.memory_space<vmem>> -> memref<1x32xi32, #tpu.memory_space<vmem>>
    %dma_wait3A_566 = tpu.memref_squeeze %dma_wait3A_565 : memref<1x32xi32, #tpu.memory_space<vmem>> -> memref<32xi32, #tpu.memory_space<vmem>>
    %dma_wait3A_567 = arith.constant 0 : i32
    %dma_wait3A_568 = arith.constant 0 : i32
    %dma_wait3A_569 = tpu.memref_slice %arg2[%dma_wait3A_567, %dma_wait3A_568] : memref<100000x512xf32, #tpu.memory_space<hbm>> -> memref<100000x512xf32, #tpu.memory_space<hbm>>
    tpu.wait_indirect_dma semaphore(%arg17 : memref<!tpu.dma_semaphore, #tpu.memory_space<semaphore_mem>>) src(%dma_wait3A_569 : memref<100000x512xf32, #tpu.memory_space<hbm>>) dst(%arg11 : memref<32x512xf32, #tpu.memory_space<vmem>>)
    %dma_wait3A_570 = arith.constant 5 : i32
    %dma_wait3A_571 = arith.constant 0 : i32
    %dma_wait3A_572 = tpu.memref_slice %arg8[%dma_wait3A_570, %dma_wait3A_571] : memref<16x32xi32, #tpu.memory_space<vmem>> -> memref<1x32xi32, #tpu.memory_space<vmem>>
    %dma_wait3A_573 = tpu.memref_squeeze %dma_wait3A_572 : memref<1x32xi32, #tpu.memory_space<vmem>> -> memref<32xi32, #tpu.memory_space<vmem>>
    %dma_wait3A_574 = arith.constant 0 : i32
    %dma_wait3A_575 = arith.constant 0 : i32
    %dma_wait3A_576 = tpu.memref_slice %arg3[%dma_wait3A_574, %dma_wait3A_575] : memref<16384x512xf32, #tpu.memory_space<hbm>> -> memref<16384x512xf32, #tpu.memory_space<hbm>>
    tpu.wait_indirect_dma semaphore(%arg18 : memref<!tpu.dma_semaphore, #tpu.memory_space<semaphore_mem>>) src(%dma_wait3A_576 : memref<16384x512xf32, #tpu.memory_space<hbm>>) dst(%arg12 : memref<32x512xf32, #tpu.memory_space<vmem>>)
    %scan3A_577 = arith.constant 0 : i32
    %scan3A_578 = arith.constant 1024 : i32
    %scan3A_579 = arith.addi %scan3A_577, %scan3A_578 : i32
    %scan3A_580 = arith.constant 1 : i32
    scf.for %scan3A_1008 = %scan3A_577 to %scan3A_579 step %scan3A_580  : i32 {
      %mul3A_1009 = arith.constant 1 : i32
      %mul3A_1010 = arith.muli %scan3A_1008, %mul3A_1009 : i32
      %add3A_1011 = arith.constant 0 : i32
      %add3A_1012 = arith.addi %add3A_1011, %mul3A_1010 : i32
      %jit3A = arith.constant 32 : i32
      %div3A = arith.divsi %add3A_1012, %jit3A : i32
      %sign3A = arith.constant 0 : i32
      %sign3A_1013 = arith.cmpi sgt, %add3A_1012, %sign3A : i32
      %sign3A_1014 = arith.extui %sign3A_1013 : i1 to i32
      %sign3A_1015 = arith.constant 0 : i32
      %sign3A_1016 = arith.cmpi slt, %add3A_1012, %sign3A_1015 : i32
      %sign3A_1017 = arith.extui %sign3A_1016 : i1 to i32
      %sign3A_1018 = arith.subi %sign3A_1014, %sign3A_1017 : i32
      %sign3A_1019 = arith.constant 0 : i32
      %sign3A_1020 = arith.cmpi sgt, %jit3A, %sign3A_1019 : i32
      %sign3A_1021 = arith.extui %sign3A_1020 : i1 to i32
      %sign3A_1022 = arith.constant 0 : i32
      %sign3A_1023 = arith.cmpi slt, %jit3A, %sign3A_1022 : i32
      %sign3A_1024 = arith.extui %sign3A_1023 : i1 to i32
      %sign3A_1025 = arith.subi %sign3A_1021, %sign3A_1024 : i32
      %ne3A = arith.cmpi ne, %sign3A_1018, %sign3A_1025 : i32
      %rem3A = arith.remsi %add3A_1012, %jit3A : i32
      %ne3A_1026 = arith.constant 0 : i32
      %ne3A_1027 = arith.cmpi ne, %rem3A, %ne3A_1026 : i32
      %and3A = arith.andi %ne3A, %ne3A_1027 : i1
      %sub3A = arith.constant 1 : i32
      %sub3A_1028 = arith.subi %div3A, %sub3A : i32
      %select_n3A = arith.select %and3A, %sub3A_1028, %div3A : i32
      %jit3A_1029 = arith.constant 32 : i32
      %eq3A = arith.constant 0 : i32
      %eq3A_1030 = arith.cmpi eq, %jit3A_1029, %eq3A : i32
      %jit3A_1031 = arith.constant 1 : i32
      %select_n3A_1032 = arith.select %eq3A_1030, %jit3A_1031, %jit3A_1029 : i32
      %rem3A_1033 = arith.remsi %add3A_1012, %select_n3A_1032 : i32
      %ne3A_1034 = arith.constant 0 : i32
      %ne3A_1035 = arith.cmpi ne, %rem3A_1033, %ne3A_1034 : i32
      %lt3A = arith.constant 0 : i32
      %lt3A_1036 = arith.cmpi slt, %rem3A_1033, %lt3A : i32
      %lt3A_1037 = arith.constant 0 : i32
      %lt3A_1038 = arith.cmpi slt, %select_n3A_1032, %lt3A_1037 : i32
      %ne3A_1039 = arith.xori %lt3A_1036, %lt3A_1038 : i1
      %and3A_1040 = arith.andi %ne3A_1039, %ne3A_1035 : i1
      %add3A_1041 = arith.addi %rem3A_1033, %select_n3A_1032 : i32
      %select_n3A_1042 = arith.select %and3A_1040, %add3A_1041, %rem3A_1033 : i32
      %mul3A_1043 = arith.constant 16 : i32
      %mul3A_1044 = arith.muli %select_n3A_1042, %mul3A_1043 : i32
      %get3A = arith.index_cast %select_n3A : i32 to index
      %get3A_1045 = arith.index_cast %mul3A_1044 : i32 to index
      %get3A_1046 = tpu.vector_load %arg11[%get3A, %get3A_1045] {strides = array<i32>} : memref<32x512xf32, #tpu.memory_space<vmem>>, vector<1x16xf32>,
      %get3A_1047 = vector.shape_cast %get3A_1046 : vector<1x16xf32> to vector<16xf32>
      %get3A_1048 = arith.index_cast %select_n3A : i32 to index
      %get3A_1049 = arith.index_cast %mul3A_1044 : i32 to index
      %get3A_1050 = tpu.vector_load %arg12[%get3A_1048, %get3A_1049] {strides = array<i32>} : memref<32x512xf32, #tpu.memory_space<vmem>>, vector<1x16xf32>,
      %get3A_1051 = vector.shape_cast %get3A_1050 : vector<1x16xf32> to vector<16xf32>
      %mul3A_1052 = arith.constant 0.899999976 : f32
      %mul3A_1053 = vector.broadcast %mul3A_1052 : f32 to vector<16xf32>
      %mul3A_1054 = arith.mulf %get3A_1047, %mul3A_1053 : vector<16xf32>
      %mul3A_1055 = arith.constant 1.000000e-01 : f32
      %mul3A_1056 = vector.broadcast %mul3A_1055 : f32 to vector<16xf32>
      %mul3A_1057 = arith.mulf %get3A_1051, %mul3A_1056 : vector<16xf32>
      %add3A_1058 = arith.addf %mul3A_1054, %mul3A_1057 : vector<16xf32>
      %swap3A = arith.index_cast %select_n3A : i32 to index
      %swap3A_1059 = arith.index_cast %mul3A_1044 : i32 to index
      %swap3A_1060 = tpu.vector_load %arg11[%swap3A, %swap3A_1059] {strides = array<i32>} : memref<32x512xf32, #tpu.memory_space<vmem>>, vector<1x16xf32>,
      %swap3A_1061 = vector.shape_cast %swap3A_1060 : vector<1x16xf32> to vector<16xf32>
      %swap3A_1062 = vector.shape_cast %add3A_1058 : vector<16xf32> to vector<1x16xf32>
      tpu.vector_store %arg11[%swap3A, %swap3A_1059], %swap3A_1062 {strides = array<i32>} : memref<32x512xf32, #tpu.memory_space<vmem>>, vector<1x16xf32>,
    }
    %scan3A_581 = arith.constant 1024 : i32
    %add3A_582 = arith.constant 160 : i32
    %add3A_583 = arith.addi %mul3A_2, %add3A_582 : i32
    %dma_start3A_584 = arith.constant 0 : i32
    %dma_start3A_585 = tpu.memref_slice %arg6[%add3A_583, %dma_start3A_584] : memref<16384x512xf32, #tpu.memory_space<hbm>> -> memref<32x512xf32, #tpu.memory_space<hbm>>
    %dma_start3A_586 = arith.constant 0 : i32
    %dma_start3A_587 = tpu.memref_slice %arg6[%add3A_583, %dma_start3A_586] : memref<16384x512xf32, #tpu.memory_space<hbm>> -> memref<32x512xf32, #tpu.memory_space<hbm>>
    tpu.enqueue_dma source(%arg11 : memref<32x512xf32, #tpu.memory_space<vmem>>) target(%dma_start3A_587 : memref<32x512xf32, #tpu.memory_space<hbm>>) target_semaphore(%arg19 : memref<!tpu.dma_semaphore, #tpu.memory_space<semaphore_mem>>)
    %dma_wait3A_588 = arith.constant 0 : i32
    %dma_wait3A_589 = tpu.memref_slice %arg6[%add3A_583, %dma_wait3A_588] : memref<16384x512xf32, #tpu.memory_space<hbm>> -> memref<32x512xf32, #tpu.memory_space<hbm>>
    %dma_wait3A_590 = arith.constant 0 : i32
    %dma_wait3A_591 = tpu.memref_slice %arg6[%add3A_583, %dma_wait3A_590] : memref<16384x512xf32, #tpu.memory_space<hbm>> -> memref<32x512xf32, #tpu.memory_space<hbm>>
    tpu.wait_dma2 semaphore(%arg19 : memref<!tpu.dma_semaphore, #tpu.memory_space<semaphore_mem>>) src(%arg11 : memref<32x512xf32, #tpu.memory_space<vmem>>) dst(%dma_wait3A_591 : memref<32x512xf32, #tpu.memory_space<hbm>>)
    %dma_start3A_592 = arith.constant 7 : i32
    %dma_start3A_593 = arith.constant 0 : i32
    %dma_start3A_594 = tpu.memref_slice %arg7[%dma_start3A_592, %dma_start3A_593] : memref<16x32xi32, #tpu.memory_space<vmem>> -> memref<1x32xi32, #tpu.memory_space<vmem>>
    %dma_start3A_595 = tpu.memref_squeeze %dma_start3A_594 : memref<1x32xi32, #tpu.memory_space<vmem>> -> memref<32xi32, #tpu.memory_space<vmem>>
    %dma_start3A_596 = arith.constant 0 : i32
    %dma_start3A_597 = arith.constant 0 : i32
    %dma_start3A_598 = tpu.memref_slice %arg2[%dma_start3A_596, %dma_start3A_597] : memref<100000x512xf32, #tpu.memory_space<hbm>> -> memref<100000x512xf32, #tpu.memory_space<hbm>>
    tpu.enqueue_indirect_dma source(%dma_start3A_598 : memref<100000x512xf32, #tpu.memory_space<hbm>>) target(%arg11 : memref<32x512xf32, #tpu.memory_space<vmem>>) offsets(%dma_start3A_595 : memref<32xi32, #tpu.memory_space<vmem>>) semaphore(%arg17 : memref<!tpu.dma_semaphore, #tpu.memory_space<semaphore_mem>>)
    %dma_start3A_599 = arith.constant 7 : i32
    %dma_start3A_600 = arith.constant 0 : i32
    %dma_start3A_601 = tpu.memref_slice %arg8[%dma_start3A_599, %dma_start3A_600] : memref<16x32xi32, #tpu.memory_space<vmem>> -> memref<1x32xi32, #tpu.memory_space<vmem>>
    %dma_start3A_602 = tpu.memref_squeeze %dma_start3A_601 : memref<1x32xi32, #tpu.memory_space<vmem>> -> memref<32xi32, #tpu.memory_space<vmem>>
    %dma_start3A_603 = arith.constant 0 : i32
    %dma_start3A_604 = arith.constant 0 : i32
    %dma_start3A_605 = tpu.memref_slice %arg3[%dma_start3A_603, %dma_start3A_604] : memref<16384x512xf32, #tpu.memory_space<hbm>> -> memref<16384x512xf32, #tpu.memory_space<hbm>>
    tpu.enqueue_indirect_dma source(%dma_start3A_605 : memref<16384x512xf32, #tpu.memory_space<hbm>>) target(%arg12 : memref<32x512xf32, #tpu.memory_space<vmem>>) offsets(%dma_start3A_602 : memref<32xi32, #tpu.memory_space<vmem>>) semaphore(%arg18 : memref<!tpu.dma_semaphore, #tpu.memory_space<semaphore_mem>>)
    %dma_wait3A_606 = arith.constant 6 : i32
    %dma_wait3A_607 = arith.constant 0 : i32
    %dma_wait3A_608 = tpu.memref_slice %arg7[%dma_wait3A_606, %dma_wait3A_607] : memref<16x32xi32, #tpu.memory_space<vmem>> -> memref<1x32xi32, #tpu.memory_space<vmem>>
    %dma_wait3A_609 = tpu.memref_squeeze %dma_wait3A_608 : memref<1x32xi32, #tpu.memory_space<vmem>> -> memref<32xi32, #tpu.memory_space<vmem>>
    %dma_wait3A_610 = arith.constant 0 : i32
    %dma_wait3A_611 = arith.constant 0 : i32
    %dma_wait3A_612 = tpu.memref_slice %arg2[%dma_wait3A_610, %dma_wait3A_611] : memref<100000x512xf32, #tpu.memory_space<hbm>> -> memref<100000x512xf32, #tpu.memory_space<hbm>>
    tpu.wait_indirect_dma semaphore(%arg14 : memref<!tpu.dma_semaphore, #tpu.memory_space<semaphore_mem>>) src(%dma_wait3A_612 : memref<100000x512xf32, #tpu.memory_space<hbm>>) dst(%arg9 : memref<32x512xf32, #tpu.memory_space<vmem>>)
    %dma_wait3A_613 = arith.constant 6 : i32
    %dma_wait3A_614 = arith.constant 0 : i32
    %dma_wait3A_615 = tpu.memref_slice %arg8[%dma_wait3A_613, %dma_wait3A_614] : memref<16x32xi32, #tpu.memory_space<vmem>> -> memref<1x32xi32, #tpu.memory_space<vmem>>
    %dma_wait3A_616 = tpu.memref_squeeze %dma_wait3A_615 : memref<1x32xi32, #tpu.memory_space<vmem>> -> memref<32xi32, #tpu.memory_space<vmem>>
    %dma_wait3A_617 = arith.constant 0 : i32
    %dma_wait3A_618 = arith.constant 0 : i32
    %dma_wait3A_619 = tpu.memref_slice %arg3[%dma_wait3A_617, %dma_wait3A_618] : memref<16384x512xf32, #tpu.memory_space<hbm>> -> memref<16384x512xf32, #tpu.memory_space<hbm>>
    tpu.wait_indirect_dma semaphore(%arg15 : memref<!tpu.dma_semaphore, #tpu.memory_space<semaphore_mem>>) src(%dma_wait3A_619 : memref<16384x512xf32, #tpu.memory_space<hbm>>) dst(%arg10 : memref<32x512xf32, #tpu.memory_space<vmem>>)
    %scan3A_620 = arith.constant 0 : i32
    %scan3A_621 = arith.constant 1024 : i32
    %scan3A_622 = arith.addi %scan3A_620, %scan3A_621 : i32
    %scan3A_623 = arith.constant 1 : i32
    scf.for %scan3A_1008 = %scan3A_620 to %scan3A_622 step %scan3A_623  : i32 {
      %mul3A_1009 = arith.constant 1 : i32
      %mul3A_1010 = arith.muli %scan3A_1008, %mul3A_1009 : i32
      %add3A_1011 = arith.constant 0 : i32
      %add3A_1012 = arith.addi %add3A_1011, %mul3A_1010 : i32
      %jit3A = arith.constant 32 : i32
      %div3A = arith.divsi %add3A_1012, %jit3A : i32
      %sign3A = arith.constant 0 : i32
      %sign3A_1013 = arith.cmpi sgt, %add3A_1012, %sign3A : i32
      %sign3A_1014 = arith.extui %sign3A_1013 : i1 to i32
      %sign3A_1015 = arith.constant 0 : i32
      %sign3A_1016 = arith.cmpi slt, %add3A_1012, %sign3A_1015 : i32
      %sign3A_1017 = arith.extui %sign3A_1016 : i1 to i32
      %sign3A_1018 = arith.subi %sign3A_1014, %sign3A_1017 : i32
      %sign3A_1019 = arith.constant 0 : i32
      %sign3A_1020 = arith.cmpi sgt, %jit3A, %sign3A_1019 : i32
      %sign3A_1021 = arith.extui %sign3A_1020 : i1 to i32
      %sign3A_1022 = arith.constant 0 : i32
      %sign3A_1023 = arith.cmpi slt, %jit3A, %sign3A_1022 : i32
      %sign3A_1024 = arith.extui %sign3A_1023 : i1 to i32
      %sign3A_1025 = arith.subi %sign3A_1021, %sign3A_1024 : i32
      %ne3A = arith.cmpi ne, %sign3A_1018, %sign3A_1025 : i32
      %rem3A = arith.remsi %add3A_1012, %jit3A : i32
      %ne3A_1026 = arith.constant 0 : i32
      %ne3A_1027 = arith.cmpi ne, %rem3A, %ne3A_1026 : i32
      %and3A = arith.andi %ne3A, %ne3A_1027 : i1
      %sub3A = arith.constant 1 : i32
      %sub3A_1028 = arith.subi %div3A, %sub3A : i32
      %select_n3A = arith.select %and3A, %sub3A_1028, %div3A : i32
      %jit3A_1029 = arith.constant 32 : i32
      %eq3A = arith.constant 0 : i32
      %eq3A_1030 = arith.cmpi eq, %jit3A_1029, %eq3A : i32
      %jit3A_1031 = arith.constant 1 : i32
      %select_n3A_1032 = arith.select %eq3A_1030, %jit3A_1031, %jit3A_1029 : i32
      %rem3A_1033 = arith.remsi %add3A_1012, %select_n3A_1032 : i32
      %ne3A_1034 = arith.constant 0 : i32
      %ne3A_1035 = arith.cmpi ne, %rem3A_1033, %ne3A_1034 : i32
      %lt3A = arith.constant 0 : i32
      %lt3A_1036 = arith.cmpi slt, %rem3A_1033, %lt3A : i32
      %lt3A_1037 = arith.constant 0 : i32
      %lt3A_1038 = arith.cmpi slt, %select_n3A_1032, %lt3A_1037 : i32
      %ne3A_1039 = arith.xori %lt3A_1036, %lt3A_1038 : i1
      %and3A_1040 = arith.andi %ne3A_1039, %ne3A_1035 : i1
      %add3A_1041 = arith.addi %rem3A_1033, %select_n3A_1032 : i32
      %select_n3A_1042 = arith.select %and3A_1040, %add3A_1041, %rem3A_1033 : i32
      %mul3A_1043 = arith.constant 16 : i32
      %mul3A_1044 = arith.muli %select_n3A_1042, %mul3A_1043 : i32
      %get3A = arith.index_cast %select_n3A : i32 to index
      %get3A_1045 = arith.index_cast %mul3A_1044 : i32 to index
      %get3A_1046 = tpu.vector_load %arg9[%get3A, %get3A_1045] {strides = array<i32>} : memref<32x512xf32, #tpu.memory_space<vmem>>, vector<1x16xf32>,
      %get3A_1047 = vector.shape_cast %get3A_1046 : vector<1x16xf32> to vector<16xf32>
      %get3A_1048 = arith.index_cast %select_n3A : i32 to index
      %get3A_1049 = arith.index_cast %mul3A_1044 : i32 to index
      %get3A_1050 = tpu.vector_load %arg10[%get3A_1048, %get3A_1049] {strides = array<i32>} : memref<32x512xf32, #tpu.memory_space<vmem>>, vector<1x16xf32>,
      %get3A_1051 = vector.shape_cast %get3A_1050 : vector<1x16xf32> to vector<16xf32>
      %mul3A_1052 = arith.constant 0.899999976 : f32
      %mul3A_1053 = vector.broadcast %mul3A_1052 : f32 to vector<16xf32>
      %mul3A_1054 = arith.mulf %get3A_1047, %mul3A_1053 : vector<16xf32>
      %mul3A_1055 = arith.constant 1.000000e-01 : f32
      %mul3A_1056 = vector.broadcast %mul3A_1055 : f32 to vector<16xf32>
      %mul3A_1057 = arith.mulf %get3A_1051, %mul3A_1056 : vector<16xf32>
      %add3A_1058 = arith.addf %mul3A_1054, %mul3A_1057 : vector<16xf32>
      %swap3A = arith.index_cast %select_n3A : i32 to index
      %swap3A_1059 = arith.index_cast %mul3A_1044 : i32 to index
      %swap3A_1060 = tpu.vector_load %arg9[%swap3A, %swap3A_1059] {strides = array<i32>} : memref<32x512xf32, #tpu.memory_space<vmem>>, vector<1x16xf32>,
      %swap3A_1061 = vector.shape_cast %swap3A_1060 : vector<1x16xf32> to vector<16xf32>
      %swap3A_1062 = vector.shape_cast %add3A_1058 : vector<16xf32> to vector<1x16xf32>
      tpu.vector_store %arg9[%swap3A, %swap3A_1059], %swap3A_1062 {strides = array<i32>} : memref<32x512xf32, #tpu.memory_space<vmem>>, vector<1x16xf32>,
    }
    %scan3A_624 = arith.constant 1024 : i32
    %add3A_625 = arith.constant 192 : i32
    %add3A_626 = arith.addi %mul3A_2, %add3A_625 : i32
    %dma_start3A_627 = arith.constant 0 : i32
    %dma_start3A_628 = tpu.memref_slice %arg6[%add3A_626, %dma_start3A_627] : memref<16384x512xf32, #tpu.memory_space<hbm>> -> memref<32x512xf32, #tpu.memory_space<hbm>>
    %dma_start3A_629 = arith.constant 0 : i32
    %dma_start3A_630 = tpu.memref_slice %arg6[%add3A_626, %dma_start3A_629] : memref<16384x512xf32, #tpu.memory_space<hbm>> -> memref<32x512xf32, #tpu.memory_space<hbm>>
    tpu.enqueue_dma source(%arg9 : memref<32x512xf32, #tpu.memory_space<vmem>>) target(%dma_start3A_630 : memref<32x512xf32, #tpu.memory_space<hbm>>) target_semaphore(%arg16 : memref<!tpu.dma_semaphore, #tpu.memory_space<semaphore_mem>>)
    %dma_wait3A_631 = arith.constant 0 : i32
    %dma_wait3A_632 = tpu.memref_slice %arg6[%add3A_626, %dma_wait3A_631] : memref<16384x512xf32, #tpu.memory_space<hbm>> -> memref<32x512xf32, #tpu.memory_space<hbm>>
    %dma_wait3A_633 = arith.constant 0 : i32
    %dma_wait3A_634 = tpu.memref_slice %arg6[%add3A_626, %dma_wait3A_633] : memref<16384x512xf32, #tpu.memory_space<hbm>> -> memref<32x512xf32, #tpu.memory_space<hbm>>
    tpu.wait_dma2 semaphore(%arg16 : memref<!tpu.dma_semaphore, #tpu.memory_space<semaphore_mem>>) src(%arg9 : memref<32x512xf32, #tpu.memory_space<vmem>>) dst(%dma_wait3A_634 : memref<32x512xf32, #tpu.memory_space<hbm>>)
    %dma_start3A_635 = arith.constant 8 : i32
    %dma_start3A_636 = arith.constant 0 : i32
    %dma_start3A_637 = tpu.memref_slice %arg7[%dma_start3A_635, %dma_start3A_636] : memref<16x32xi32, #tpu.memory_space<vmem>> -> memref<1x32xi32, #tpu.memory_space<vmem>>
    %dma_start3A_638 = tpu.memref_squeeze %dma_start3A_637 : memref<1x32xi32, #tpu.memory_space<vmem>> -> memref<32xi32, #tpu.memory_space<vmem>>
    %dma_start3A_639 = arith.constant 0 : i32
    %dma_start3A_640 = arith.constant 0 : i32
    %dma_start3A_641 = tpu.memref_slice %arg2[%dma_start3A_639, %dma_start3A_640] : memref<100000x512xf32, #tpu.memory_space<hbm>> -> memref<100000x512xf32, #tpu.memory_space<hbm>>
    tpu.enqueue_indirect_dma source(%dma_start3A_641 : memref<100000x512xf32, #tpu.memory_space<hbm>>) target(%arg9 : memref<32x512xf32, #tpu.memory_space<vmem>>) offsets(%dma_start3A_638 : memref<32xi32, #tpu.memory_space<vmem>>) semaphore(%arg14 : memref<!tpu.dma_semaphore, #tpu.memory_space<semaphore_mem>>)
    %dma_start3A_642 = arith.constant 8 : i32
    %dma_start3A_643 = arith.constant 0 : i32
    %dma_start3A_644 = tpu.memref_slice %arg8[%dma_start3A_642, %dma_start3A_643] : memref<16x32xi32, #tpu.memory_space<vmem>> -> memref<1x32xi32, #tpu.memory_space<vmem>>
    %dma_start3A_645 = tpu.memref_squeeze %dma_start3A_644 : memref<1x32xi32, #tpu.memory_space<vmem>> -> memref<32xi32, #tpu.memory_space<vmem>>
    %dma_start3A_646 = arith.constant 0 : i32
    %dma_start3A_647 = arith.constant 0 : i32
    %dma_start3A_648 = tpu.memref_slice %arg3[%dma_start3A_646, %dma_start3A_647] : memref<16384x512xf32, #tpu.memory_space<hbm>> -> memref<16384x512xf32, #tpu.memory_space<hbm>>
    tpu.enqueue_indirect_dma source(%dma_start3A_648 : memref<16384x512xf32, #tpu.memory_space<hbm>>) target(%arg10 : memref<32x512xf32, #tpu.memory_space<vmem>>) offsets(%dma_start3A_645 : memref<32xi32, #tpu.memory_space<vmem>>) semaphore(%arg15 : memref<!tpu.dma_semaphore, #tpu.memory_space<semaphore_mem>>)
    %dma_wait3A_649 = arith.constant 7 : i32
    %dma_wait3A_650 = arith.constant 0 : i32
    %dma_wait3A_651 = tpu.memref_slice %arg7[%dma_wait3A_649, %dma_wait3A_650] : memref<16x32xi32, #tpu.memory_space<vmem>> -> memref<1x32xi32, #tpu.memory_space<vmem>>
    %dma_wait3A_652 = tpu.memref_squeeze %dma_wait3A_651 : memref<1x32xi32, #tpu.memory_space<vmem>> -> memref<32xi32, #tpu.memory_space<vmem>>
    %dma_wait3A_653 = arith.constant 0 : i32
    %dma_wait3A_654 = arith.constant 0 : i32
    %dma_wait3A_655 = tpu.memref_slice %arg2[%dma_wait3A_653, %dma_wait3A_654] : memref<100000x512xf32, #tpu.memory_space<hbm>> -> memref<100000x512xf32, #tpu.memory_space<hbm>>
    tpu.wait_indirect_dma semaphore(%arg17 : memref<!tpu.dma_semaphore, #tpu.memory_space<semaphore_mem>>) src(%dma_wait3A_655 : memref<100000x512xf32, #tpu.memory_space<hbm>>) dst(%arg11 : memref<32x512xf32, #tpu.memory_space<vmem>>)
    %dma_wait3A_656 = arith.constant 7 : i32
    %dma_wait3A_657 = arith.constant 0 : i32
    %dma_wait3A_658 = tpu.memref_slice %arg8[%dma_wait3A_656, %dma_wait3A_657] : memref<16x32xi32, #tpu.memory_space<vmem>> -> memref<1x32xi32, #tpu.memory_space<vmem>>
    %dma_wait3A_659 = tpu.memref_squeeze %dma_wait3A_658 : memref<1x32xi32, #tpu.memory_space<vmem>> -> memref<32xi32, #tpu.memory_space<vmem>>
    %dma_wait3A_660 = arith.constant 0 : i32
    %dma_wait3A_661 = arith.constant 0 : i32
    %dma_wait3A_662 = tpu.memref_slice %arg3[%dma_wait3A_660, %dma_wait3A_661] : memref<16384x512xf32, #tpu.memory_space<hbm>> -> memref<16384x512xf32, #tpu.memory_space<hbm>>
    tpu.wait_indirect_dma semaphore(%arg18 : memref<!tpu.dma_semaphore, #tpu.memory_space<semaphore_mem>>) src(%dma_wait3A_662 : memref<16384x512xf32, #tpu.memory_space<hbm>>) dst(%arg12 : memref<32x512xf32, #tpu.memory_space<vmem>>)
    %scan3A_663 = arith.constant 0 : i32
    %scan3A_664 = arith.constant 1024 : i32
    %scan3A_665 = arith.addi %scan3A_663, %scan3A_664 : i32
    %scan3A_666 = arith.constant 1 : i32
    scf.for %scan3A_1008 = %scan3A_663 to %scan3A_665 step %scan3A_666  : i32 {
      %mul3A_1009 = arith.constant 1 : i32
      %mul3A_1010 = arith.muli %scan3A_1008, %mul3A_1009 : i32
      %add3A_1011 = arith.constant 0 : i32
      %add3A_1012 = arith.addi %add3A_1011, %mul3A_1010 : i32
      %jit3A = arith.constant 32 : i32
      %div3A = arith.divsi %add3A_1012, %jit3A : i32
      %sign3A = arith.constant 0 : i32
      %sign3A_1013 = arith.cmpi sgt, %add3A_1012, %sign3A : i32
      %sign3A_1014 = arith.extui %sign3A_1013 : i1 to i32
      %sign3A_1015 = arith.constant 0 : i32
      %sign3A_1016 = arith.cmpi slt, %add3A_1012, %sign3A_1015 : i32
      %sign3A_1017 = arith.extui %sign3A_1016 : i1 to i32
      %sign3A_1018 = arith.subi %sign3A_1014, %sign3A_1017 : i32
      %sign3A_1019 = arith.constant 0 : i32
      %sign3A_1020 = arith.cmpi sgt, %jit3A, %sign3A_1019 : i32
      %sign3A_1021 = arith.extui %sign3A_1020 : i1 to i32
      %sign3A_1022 = arith.constant 0 : i32
      %sign3A_1023 = arith.cmpi slt, %jit3A, %sign3A_1022 : i32
      %sign3A_1024 = arith.extui %sign3A_1023 : i1 to i32
      %sign3A_1025 = arith.subi %sign3A_1021, %sign3A_1024 : i32
      %ne3A = arith.cmpi ne, %sign3A_1018, %sign3A_1025 : i32
      %rem3A = arith.remsi %add3A_1012, %jit3A : i32
      %ne3A_1026 = arith.constant 0 : i32
      %ne3A_1027 = arith.cmpi ne, %rem3A, %ne3A_1026 : i32
      %and3A = arith.andi %ne3A, %ne3A_1027 : i1
      %sub3A = arith.constant 1 : i32
      %sub3A_1028 = arith.subi %div3A, %sub3A : i32
      %select_n3A = arith.select %and3A, %sub3A_1028, %div3A : i32
      %jit3A_1029 = arith.constant 32 : i32
      %eq3A = arith.constant 0 : i32
      %eq3A_1030 = arith.cmpi eq, %jit3A_1029, %eq3A : i32
      %jit3A_1031 = arith.constant 1 : i32
      %select_n3A_1032 = arith.select %eq3A_1030, %jit3A_1031, %jit3A_1029 : i32
      %rem3A_1033 = arith.remsi %add3A_1012, %select_n3A_1032 : i32
      %ne3A_1034 = arith.constant 0 : i32
      %ne3A_1035 = arith.cmpi ne, %rem3A_1033, %ne3A_1034 : i32
      %lt3A = arith.constant 0 : i32
      %lt3A_1036 = arith.cmpi slt, %rem3A_1033, %lt3A : i32
      %lt3A_1037 = arith.constant 0 : i32
      %lt3A_1038 = arith.cmpi slt, %select_n3A_1032, %lt3A_1037 : i32
      %ne3A_1039 = arith.xori %lt3A_1036, %lt3A_1038 : i1
      %and3A_1040 = arith.andi %ne3A_1039, %ne3A_1035 : i1
      %add3A_1041 = arith.addi %rem3A_1033, %select_n3A_1032 : i32
      %select_n3A_1042 = arith.select %and3A_1040, %add3A_1041, %rem3A_1033 : i32
      %mul3A_1043 = arith.constant 16 : i32
      %mul3A_1044 = arith.muli %select_n3A_1042, %mul3A_1043 : i32
      %get3A = arith.index_cast %select_n3A : i32 to index
      %get3A_1045 = arith.index_cast %mul3A_1044 : i32 to index
      %get3A_1046 = tpu.vector_load %arg11[%get3A, %get3A_1045] {strides = array<i32>} : memref<32x512xf32, #tpu.memory_space<vmem>>, vector<1x16xf32>,
      %get3A_1047 = vector.shape_cast %get3A_1046 : vector<1x16xf32> to vector<16xf32>
      %get3A_1048 = arith.index_cast %select_n3A : i32 to index
      %get3A_1049 = arith.index_cast %mul3A_1044 : i32 to index
      %get3A_1050 = tpu.vector_load %arg12[%get3A_1048, %get3A_1049] {strides = array<i32>} : memref<32x512xf32, #tpu.memory_space<vmem>>, vector<1x16xf32>,
      %get3A_1051 = vector.shape_cast %get3A_1050 : vector<1x16xf32> to vector<16xf32>
      %mul3A_1052 = arith.constant 0.899999976 : f32
      %mul3A_1053 = vector.broadcast %mul3A_1052 : f32 to vector<16xf32>
      %mul3A_1054 = arith.mulf %get3A_1047, %mul3A_1053 : vector<16xf32>
      %mul3A_1055 = arith.constant 1.000000e-01 : f32
      %mul3A_1056 = vector.broadcast %mul3A_1055 : f32 to vector<16xf32>
      %mul3A_1057 = arith.mulf %get3A_1051, %mul3A_1056 : vector<16xf32>
      %add3A_1058 = arith.addf %mul3A_1054, %mul3A_1057 : vector<16xf32>
      %swap3A = arith.index_cast %select_n3A : i32 to index
      %swap3A_1059 = arith.index_cast %mul3A_1044 : i32 to index
      %swap3A_1060 = tpu.vector_load %arg11[%swap3A, %swap3A_1059] {strides = array<i32>} : memref<32x512xf32, #tpu.memory_space<vmem>>, vector<1x16xf32>,
      %swap3A_1061 = vector.shape_cast %swap3A_1060 : vector<1x16xf32> to vector<16xf32>
      %swap3A_1062 = vector.shape_cast %add3A_1058 : vector<16xf32> to vector<1x16xf32>
      tpu.vector_store %arg11[%swap3A, %swap3A_1059], %swap3A_1062 {strides = array<i32>} : memref<32x512xf32, #tpu.memory_space<vmem>>, vector<1x16xf32>,
    }
    %scan3A_667 = arith.constant 1024 : i32
    %add3A_668 = arith.constant 224 : i32
    %add3A_669 = arith.addi %mul3A_2, %add3A_668 : i32
    %dma_start3A_670 = arith.constant 0 : i32
    %dma_start3A_671 = tpu.memref_slice %arg6[%add3A_669, %dma_start3A_670] : memref<16384x512xf32, #tpu.memory_space<hbm>> -> memref<32x512xf32, #tpu.memory_space<hbm>>
    %dma_start3A_672 = arith.constant 0 : i32
    %dma_start3A_673 = tpu.memref_slice %arg6[%add3A_669, %dma_start3A_672] : memref<16384x512xf32, #tpu.memory_space<hbm>> -> memref<32x512xf32, #tpu.memory_space<hbm>>
    tpu.enqueue_dma source(%arg11 : memref<32x512xf32, #tpu.memory_space<vmem>>) target(%dma_start3A_673 : memref<32x512xf32, #tpu.memory_space<hbm>>) target_semaphore(%arg19 : memref<!tpu.dma_semaphore, #tpu.memory_space<semaphore_mem>>)
    %dma_wait3A_674 = arith.constant 0 : i32
    %dma_wait3A_675 = tpu.memref_slice %arg6[%add3A_669, %dma_wait3A_674] : memref<16384x512xf32, #tpu.memory_space<hbm>> -> memref<32x512xf32, #tpu.memory_space<hbm>>
    %dma_wait3A_676 = arith.constant 0 : i32
    %dma_wait3A_677 = tpu.memref_slice %arg6[%add3A_669, %dma_wait3A_676] : memref<16384x512xf32, #tpu.memory_space<hbm>> -> memref<32x512xf32, #tpu.memory_space<hbm>>
    tpu.wait_dma2 semaphore(%arg19 : memref<!tpu.dma_semaphore, #tpu.memory_space<semaphore_mem>>) src(%arg11 : memref<32x512xf32, #tpu.memory_space<vmem>>) dst(%dma_wait3A_677 : memref<32x512xf32, #tpu.memory_space<hbm>>)
    %dma_start3A_678 = arith.constant 9 : i32
    %dma_start3A_679 = arith.constant 0 : i32
    %dma_start3A_680 = tpu.memref_slice %arg7[%dma_start3A_678, %dma_start3A_679] : memref<16x32xi32, #tpu.memory_space<vmem>> -> memref<1x32xi32, #tpu.memory_space<vmem>>
    %dma_start3A_681 = tpu.memref_squeeze %dma_start3A_680 : memref<1x32xi32, #tpu.memory_space<vmem>> -> memref<32xi32, #tpu.memory_space<vmem>>
    %dma_start3A_682 = arith.constant 0 : i32
    %dma_start3A_683 = arith.constant 0 : i32
    %dma_start3A_684 = tpu.memref_slice %arg2[%dma_start3A_682, %dma_start3A_683] : memref<100000x512xf32, #tpu.memory_space<hbm>> -> memref<100000x512xf32, #tpu.memory_space<hbm>>
    tpu.enqueue_indirect_dma source(%dma_start3A_684 : memref<100000x512xf32, #tpu.memory_space<hbm>>) target(%arg11 : memref<32x512xf32, #tpu.memory_space<vmem>>) offsets(%dma_start3A_681 : memref<32xi32, #tpu.memory_space<vmem>>) semaphore(%arg17 : memref<!tpu.dma_semaphore, #tpu.memory_space<semaphore_mem>>)
    %dma_start3A_685 = arith.constant 9 : i32
    %dma_start3A_686 = arith.constant 0 : i32
    %dma_start3A_687 = tpu.memref_slice %arg8[%dma_start3A_685, %dma_start3A_686] : memref<16x32xi32, #tpu.memory_space<vmem>> -> memref<1x32xi32, #tpu.memory_space<vmem>>
    %dma_start3A_688 = tpu.memref_squeeze %dma_start3A_687 : memref<1x32xi32, #tpu.memory_space<vmem>> -> memref<32xi32, #tpu.memory_space<vmem>>
    %dma_start3A_689 = arith.constant 0 : i32
    %dma_start3A_690 = arith.constant 0 : i32
    %dma_start3A_691 = tpu.memref_slice %arg3[%dma_start3A_689, %dma_start3A_690] : memref<16384x512xf32, #tpu.memory_space<hbm>> -> memref<16384x512xf32, #tpu.memory_space<hbm>>
    tpu.enqueue_indirect_dma source(%dma_start3A_691 : memref<16384x512xf32, #tpu.memory_space<hbm>>) target(%arg12 : memref<32x512xf32, #tpu.memory_space<vmem>>) offsets(%dma_start3A_688 : memref<32xi32, #tpu.memory_space<vmem>>) semaphore(%arg18 : memref<!tpu.dma_semaphore, #tpu.memory_space<semaphore_mem>>)
    %dma_wait3A_692 = arith.constant 8 : i32
    %dma_wait3A_693 = arith.constant 0 : i32
    %dma_wait3A_694 = tpu.memref_slice %arg7[%dma_wait3A_692, %dma_wait3A_693] : memref<16x32xi32, #tpu.memory_space<vmem>> -> memref<1x32xi32, #tpu.memory_space<vmem>>
    %dma_wait3A_695 = tpu.memref_squeeze %dma_wait3A_694 : memref<1x32xi32, #tpu.memory_space<vmem>> -> memref<32xi32, #tpu.memory_space<vmem>>
    %dma_wait3A_696 = arith.constant 0 : i32
    %dma_wait3A_697 = arith.constant 0 : i32
    %dma_wait3A_698 = tpu.memref_slice %arg2[%dma_wait3A_696, %dma_wait3A_697] : memref<100000x512xf32, #tpu.memory_space<hbm>> -> memref<100000x512xf32, #tpu.memory_space<hbm>>
    tpu.wait_indirect_dma semaphore(%arg14 : memref<!tpu.dma_semaphore, #tpu.memory_space<semaphore_mem>>) src(%dma_wait3A_698 : memref<100000x512xf32, #tpu.memory_space<hbm>>) dst(%arg9 : memref<32x512xf32, #tpu.memory_space<vmem>>)
    %dma_wait3A_699 = arith.constant 8 : i32
    %dma_wait3A_700 = arith.constant 0 : i32
    %dma_wait3A_701 = tpu.memref_slice %arg8[%dma_wait3A_699, %dma_wait3A_700] : memref<16x32xi32, #tpu.memory_space<vmem>> -> memref<1x32xi32, #tpu.memory_space<vmem>>
    %dma_wait3A_702 = tpu.memref_squeeze %dma_wait3A_701 : memref<1x32xi32, #tpu.memory_space<vmem>> -> memref<32xi32, #tpu.memory_space<vmem>>
    %dma_wait3A_703 = arith.constant 0 : i32
    %dma_wait3A_704 = arith.constant 0 : i32
    %dma_wait3A_705 = tpu.memref_slice %arg3[%dma_wait3A_703, %dma_wait3A_704] : memref<16384x512xf32, #tpu.memory_space<hbm>> -> memref<16384x512xf32, #tpu.memory_space<hbm>>
    tpu.wait_indirect_dma semaphore(%arg15 : memref<!tpu.dma_semaphore, #tpu.memory_space<semaphore_mem>>) src(%dma_wait3A_705 : memref<16384x512xf32, #tpu.memory_space<hbm>>) dst(%arg10 : memref<32x512xf32, #tpu.memory_space<vmem>>)
    %scan3A_706 = arith.constant 0 : i32
    %scan3A_707 = arith.constant 1024 : i32
    %scan3A_708 = arith.addi %scan3A_706, %scan3A_707 : i32
    %scan3A_709 = arith.constant 1 : i32
    scf.for %scan3A_1008 = %scan3A_706 to %scan3A_708 step %scan3A_709  : i32 {
      %mul3A_1009 = arith.constant 1 : i32
      %mul3A_1010 = arith.muli %scan3A_1008, %mul3A_1009 : i32
      %add3A_1011 = arith.constant 0 : i32
      %add3A_1012 = arith.addi %add3A_1011, %mul3A_1010 : i32
      %jit3A = arith.constant 32 : i32
      %div3A = arith.divsi %add3A_1012, %jit3A : i32
      %sign3A = arith.constant 0 : i32
      %sign3A_1013 = arith.cmpi sgt, %add3A_1012, %sign3A : i32
      %sign3A_1014 = arith.extui %sign3A_1013 : i1 to i32
      %sign3A_1015 = arith.constant 0 : i32
      %sign3A_1016 = arith.cmpi slt, %add3A_1012, %sign3A_1015 : i32
      %sign3A_1017 = arith.extui %sign3A_1016 : i1 to i32
      %sign3A_1018 = arith.subi %sign3A_1014, %sign3A_1017 : i32
      %sign3A_1019 = arith.constant 0 : i32
      %sign3A_1020 = arith.cmpi sgt, %jit3A, %sign3A_1019 : i32
      %sign3A_1021 = arith.extui %sign3A_1020 : i1 to i32
      %sign3A_1022 = arith.constant 0 : i32
      %sign3A_1023 = arith.cmpi slt, %jit3A, %sign3A_1022 : i32
      %sign3A_1024 = arith.extui %sign3A_1023 : i1 to i32
      %sign3A_1025 = arith.subi %sign3A_1021, %sign3A_1024 : i32
      %ne3A = arith.cmpi ne, %sign3A_1018, %sign3A_1025 : i32
      %rem3A = arith.remsi %add3A_1012, %jit3A : i32
      %ne3A_1026 = arith.constant 0 : i32
      %ne3A_1027 = arith.cmpi ne, %rem3A, %ne3A_1026 : i32
      %and3A = arith.andi %ne3A, %ne3A_1027 : i1
      %sub3A = arith.constant 1 : i32
      %sub3A_1028 = arith.subi %div3A, %sub3A : i32
      %select_n3A = arith.select %and3A, %sub3A_1028, %div3A : i32
      %jit3A_1029 = arith.constant 32 : i32
      %eq3A = arith.constant 0 : i32
      %eq3A_1030 = arith.cmpi eq, %jit3A_1029, %eq3A : i32
      %jit3A_1031 = arith.constant 1 : i32
      %select_n3A_1032 = arith.select %eq3A_1030, %jit3A_1031, %jit3A_1029 : i32
      %rem3A_1033 = arith.remsi %add3A_1012, %select_n3A_1032 : i32
      %ne3A_1034 = arith.constant 0 : i32
      %ne3A_1035 = arith.cmpi ne, %rem3A_1033, %ne3A_1034 : i32
      %lt3A = arith.constant 0 : i32
      %lt3A_1036 = arith.cmpi slt, %rem3A_1033, %lt3A : i32
      %lt3A_1037 = arith.constant 0 : i32
      %lt3A_1038 = arith.cmpi slt, %select_n3A_1032, %lt3A_1037 : i32
      %ne3A_1039 = arith.xori %lt3A_1036, %lt3A_1038 : i1
      %and3A_1040 = arith.andi %ne3A_1039, %ne3A_1035 : i1
      %add3A_1041 = arith.addi %rem3A_1033, %select_n3A_1032 : i32
      %select_n3A_1042 = arith.select %and3A_1040, %add3A_1041, %rem3A_1033 : i32
      %mul3A_1043 = arith.constant 16 : i32
      %mul3A_1044 = arith.muli %select_n3A_1042, %mul3A_1043 : i32
      %get3A = arith.index_cast %select_n3A : i32 to index
      %get3A_1045 = arith.index_cast %mul3A_1044 : i32 to index
      %get3A_1046 = tpu.vector_load %arg9[%get3A, %get3A_1045] {strides = array<i32>} : memref<32x512xf32, #tpu.memory_space<vmem>>, vector<1x16xf32>,
      %get3A_1047 = vector.shape_cast %get3A_1046 : vector<1x16xf32> to vector<16xf32>
      %get3A_1048 = arith.index_cast %select_n3A : i32 to index
      %get3A_1049 = arith.index_cast %mul3A_1044 : i32 to index
      %get3A_1050 = tpu.vector_load %arg10[%get3A_1048, %get3A_1049] {strides = array<i32>} : memref<32x512xf32, #tpu.memory_space<vmem>>, vector<1x16xf32>,
      %get3A_1051 = vector.shape_cast %get3A_1050 : vector<1x16xf32> to vector<16xf32>
      %mul3A_1052 = arith.constant 0.899999976 : f32
      %mul3A_1053 = vector.broadcast %mul3A_1052 : f32 to vector<16xf32>
      %mul3A_1054 = arith.mulf %get3A_1047, %mul3A_1053 : vector<16xf32>
      %mul3A_1055 = arith.constant 1.000000e-01 : f32
      %mul3A_1056 = vector.broadcast %mul3A_1055 : f32 to vector<16xf32>
      %mul3A_1057 = arith.mulf %get3A_1051, %mul3A_1056 : vector<16xf32>
      %add3A_1058 = arith.addf %mul3A_1054, %mul3A_1057 : vector<16xf32>
      %swap3A = arith.index_cast %select_n3A : i32 to index
      %swap3A_1059 = arith.index_cast %mul3A_1044 : i32 to index
      %swap3A_1060 = tpu.vector_load %arg9[%swap3A, %swap3A_1059] {strides = array<i32>} : memref<32x512xf32, #tpu.memory_space<vmem>>, vector<1x16xf32>,
      %swap3A_1061 = vector.shape_cast %swap3A_1060 : vector<1x16xf32> to vector<16xf32>
      %swap3A_1062 = vector.shape_cast %add3A_1058 : vector<16xf32> to vector<1x16xf32>
      tpu.vector_store %arg9[%swap3A, %swap3A_1059], %swap3A_1062 {strides = array<i32>} : memref<32x512xf32, #tpu.memory_space<vmem>>, vector<1x16xf32>,
    }
    %scan3A_710 = arith.constant 1024 : i32
    %add3A_711 = arith.constant 256 : i32
    %add3A_712 = arith.addi %mul3A_2, %add3A_711 : i32
    %dma_start3A_713 = arith.constant 0 : i32
    %dma_start3A_714 = tpu.memref_slice %arg6[%add3A_712, %dma_start3A_713] : memref<16384x512xf32, #tpu.memory_space<hbm>> -> memref<32x512xf32, #tpu.memory_space<hbm>>
    %dma_start3A_715 = arith.constant 0 : i32
    %dma_start3A_716 = tpu.memref_slice %arg6[%add3A_712, %dma_start3A_715] : memref<16384x512xf32, #tpu.memory_space<hbm>> -> memref<32x512xf32, #tpu.memory_space<hbm>>
    tpu.enqueue_dma source(%arg9 : memref<32x512xf32, #tpu.memory_space<vmem>>) target(%dma_start3A_716 : memref<32x512xf32, #tpu.memory_space<hbm>>) target_semaphore(%arg16 : memref<!tpu.dma_semaphore, #tpu.memory_space<semaphore_mem>>)
    %dma_wait3A_717 = arith.constant 0 : i32
    %dma_wait3A_718 = tpu.memref_slice %arg6[%add3A_712, %dma_wait3A_717] : memref<16384x512xf32, #tpu.memory_space<hbm>> -> memref<32x512xf32, #tpu.memory_space<hbm>>
    %dma_wait3A_719 = arith.constant 0 : i32
    %dma_wait3A_720 = tpu.memref_slice %arg6[%add3A_712, %dma_wait3A_719] : memref<16384x512xf32, #tpu.memory_space<hbm>> -> memref<32x512xf32, #tpu.memory_space<hbm>>
    tpu.wait_dma2 semaphore(%arg16 : memref<!tpu.dma_semaphore, #tpu.memory_space<semaphore_mem>>) src(%arg9 : memref<32x512xf32, #tpu.memory_space<vmem>>) dst(%dma_wait3A_720 : memref<32x512xf32, #tpu.memory_space<hbm>>)
    %dma_start3A_721 = arith.constant 10 : i32
    %dma_start3A_722 = arith.constant 0 : i32
    %dma_start3A_723 = tpu.memref_slice %arg7[%dma_start3A_721, %dma_start3A_722] : memref<16x32xi32, #tpu.memory_space<vmem>> -> memref<1x32xi32, #tpu.memory_space<vmem>>
    %dma_start3A_724 = tpu.memref_squeeze %dma_start3A_723 : memref<1x32xi32, #tpu.memory_space<vmem>> -> memref<32xi32, #tpu.memory_space<vmem>>
    %dma_start3A_725 = arith.constant 0 : i32
    %dma_start3A_726 = arith.constant 0 : i32
    %dma_start3A_727 = tpu.memref_slice %arg2[%dma_start3A_725, %dma_start3A_726] : memref<100000x512xf32, #tpu.memory_space<hbm>> -> memref<100000x512xf32, #tpu.memory_space<hbm>>
    tpu.enqueue_indirect_dma source(%dma_start3A_727 : memref<100000x512xf32, #tpu.memory_space<hbm>>) target(%arg9 : memref<32x512xf32, #tpu.memory_space<vmem>>) offsets(%dma_start3A_724 : memref<32xi32, #tpu.memory_space<vmem>>) semaphore(%arg14 : memref<!tpu.dma_semaphore, #tpu.memory_space<semaphore_mem>>)
    %dma_start3A_728 = arith.constant 10 : i32
    %dma_start3A_729 = arith.constant 0 : i32
    %dma_start3A_730 = tpu.memref_slice %arg8[%dma_start3A_728, %dma_start3A_729] : memref<16x32xi32, #tpu.memory_space<vmem>> -> memref<1x32xi32, #tpu.memory_space<vmem>>
    %dma_start3A_731 = tpu.memref_squeeze %dma_start3A_730 : memref<1x32xi32, #tpu.memory_space<vmem>> -> memref<32xi32, #tpu.memory_space<vmem>>
    %dma_start3A_732 = arith.constant 0 : i32
    %dma_start3A_733 = arith.constant 0 : i32
    %dma_start3A_734 = tpu.memref_slice %arg3[%dma_start3A_732, %dma_start3A_733] : memref<16384x512xf32, #tpu.memory_space<hbm>> -> memref<16384x512xf32, #tpu.memory_space<hbm>>
    tpu.enqueue_indirect_dma source(%dma_start3A_734 : memref<16384x512xf32, #tpu.memory_space<hbm>>) target(%arg10 : memref<32x512xf32, #tpu.memory_space<vmem>>) offsets(%dma_start3A_731 : memref<32xi32, #tpu.memory_space<vmem>>) semaphore(%arg15 : memref<!tpu.dma_semaphore, #tpu.memory_space<semaphore_mem>>)
    %dma_wait3A_735 = arith.constant 9 : i32
    %dma_wait3A_736 = arith.constant 0 : i32
    %dma_wait3A_737 = tpu.memref_slice %arg7[%dma_wait3A_735, %dma_wait3A_736] : memref<16x32xi32, #tpu.memory_space<vmem>> -> memref<1x32xi32, #tpu.memory_space<vmem>>
    %dma_wait3A_738 = tpu.memref_squeeze %dma_wait3A_737 : memref<1x32xi32, #tpu.memory_space<vmem>> -> memref<32xi32, #tpu.memory_space<vmem>>
    %dma_wait3A_739 = arith.constant 0 : i32
    %dma_wait3A_740 = arith.constant 0 : i32
    %dma_wait3A_741 = tpu.memref_slice %arg2[%dma_wait3A_739, %dma_wait3A_740] : memref<100000x512xf32, #tpu.memory_space<hbm>> -> memref<100000x512xf32, #tpu.memory_space<hbm>>
    tpu.wait_indirect_dma semaphore(%arg17 : memref<!tpu.dma_semaphore, #tpu.memory_space<semaphore_mem>>) src(%dma_wait3A_741 : memref<100000x512xf32, #tpu.memory_space<hbm>>) dst(%arg11 : memref<32x512xf32, #tpu.memory_space<vmem>>)
    %dma_wait3A_742 = arith.constant 9 : i32
    %dma_wait3A_743 = arith.constant 0 : i32
    %dma_wait3A_744 = tpu.memref_slice %arg8[%dma_wait3A_742, %dma_wait3A_743] : memref<16x32xi32, #tpu.memory_space<vmem>> -> memref<1x32xi32, #tpu.memory_space<vmem>>
    %dma_wait3A_745 = tpu.memref_squeeze %dma_wait3A_744 : memref<1x32xi32, #tpu.memory_space<vmem>> -> memref<32xi32, #tpu.memory_space<vmem>>
    %dma_wait3A_746 = arith.constant 0 : i32
    %dma_wait3A_747 = arith.constant 0 : i32
    %dma_wait3A_748 = tpu.memref_slice %arg3[%dma_wait3A_746, %dma_wait3A_747] : memref<16384x512xf32, #tpu.memory_space<hbm>> -> memref<16384x512xf32, #tpu.memory_space<hbm>>
    tpu.wait_indirect_dma semaphore(%arg18 : memref<!tpu.dma_semaphore, #tpu.memory_space<semaphore_mem>>) src(%dma_wait3A_748 : memref<16384x512xf32, #tpu.memory_space<hbm>>) dst(%arg12 : memref<32x512xf32, #tpu.memory_space<vmem>>)
    %scan3A_749 = arith.constant 0 : i32
    %scan3A_750 = arith.constant 1024 : i32
    %scan3A_751 = arith.addi %scan3A_749, %scan3A_750 : i32
    %scan3A_752 = arith.constant 1 : i32
    scf.for %scan3A_1008 = %scan3A_749 to %scan3A_751 step %scan3A_752  : i32 {
      %mul3A_1009 = arith.constant 1 : i32
      %mul3A_1010 = arith.muli %scan3A_1008, %mul3A_1009 : i32
      %add3A_1011 = arith.constant 0 : i32
      %add3A_1012 = arith.addi %add3A_1011, %mul3A_1010 : i32
      %jit3A = arith.constant 32 : i32
      %div3A = arith.divsi %add3A_1012, %jit3A : i32
      %sign3A = arith.constant 0 : i32
      %sign3A_1013 = arith.cmpi sgt, %add3A_1012, %sign3A : i32
      %sign3A_1014 = arith.extui %sign3A_1013 : i1 to i32
      %sign3A_1015 = arith.constant 0 : i32
      %sign3A_1016 = arith.cmpi slt, %add3A_1012, %sign3A_1015 : i32
      %sign3A_1017 = arith.extui %sign3A_1016 : i1 to i32
      %sign3A_1018 = arith.subi %sign3A_1014, %sign3A_1017 : i32
      %sign3A_1019 = arith.constant 0 : i32
      %sign3A_1020 = arith.cmpi sgt, %jit3A, %sign3A_1019 : i32
      %sign3A_1021 = arith.extui %sign3A_1020 : i1 to i32
      %sign3A_1022 = arith.constant 0 : i32
      %sign3A_1023 = arith.cmpi slt, %jit3A, %sign3A_1022 : i32
      %sign3A_1024 = arith.extui %sign3A_1023 : i1 to i32
      %sign3A_1025 = arith.subi %sign3A_1021, %sign3A_1024 : i32
      %ne3A = arith.cmpi ne, %sign3A_1018, %sign3A_1025 : i32
      %rem3A = arith.remsi %add3A_1012, %jit3A : i32
      %ne3A_1026 = arith.constant 0 : i32
      %ne3A_1027 = arith.cmpi ne, %rem3A, %ne3A_1026 : i32
      %and3A = arith.andi %ne3A, %ne3A_1027 : i1
      %sub3A = arith.constant 1 : i32
      %sub3A_1028 = arith.subi %div3A, %sub3A : i32
      %select_n3A = arith.select %and3A, %sub3A_1028, %div3A : i32
      %jit3A_1029 = arith.constant 32 : i32
      %eq3A = arith.constant 0 : i32
      %eq3A_1030 = arith.cmpi eq, %jit3A_1029, %eq3A : i32
      %jit3A_1031 = arith.constant 1 : i32
      %select_n3A_1032 = arith.select %eq3A_1030, %jit3A_1031, %jit3A_1029 : i32
      %rem3A_1033 = arith.remsi %add3A_1012, %select_n3A_1032 : i32
      %ne3A_1034 = arith.constant 0 : i32
      %ne3A_1035 = arith.cmpi ne, %rem3A_1033, %ne3A_1034 : i32
      %lt3A = arith.constant 0 : i32
      %lt3A_1036 = arith.cmpi slt, %rem3A_1033, %lt3A : i32
      %lt3A_1037 = arith.constant 0 : i32
      %lt3A_1038 = arith.cmpi slt, %select_n3A_1032, %lt3A_1037 : i32
      %ne3A_1039 = arith.xori %lt3A_1036, %lt3A_1038 : i1
      %and3A_1040 = arith.andi %ne3A_1039, %ne3A_1035 : i1
      %add3A_1041 = arith.addi %rem3A_1033, %select_n3A_1032 : i32
      %select_n3A_1042 = arith.select %and3A_1040, %add3A_1041, %rem3A_1033 : i32
      %mul3A_1043 = arith.constant 16 : i32
      %mul3A_1044 = arith.muli %select_n3A_1042, %mul3A_1043 : i32
      %get3A = arith.index_cast %select_n3A : i32 to index
      %get3A_1045 = arith.index_cast %mul3A_1044 : i32 to index
      %get3A_1046 = tpu.vector_load %arg11[%get3A, %get3A_1045] {strides = array<i32>} : memref<32x512xf32, #tpu.memory_space<vmem>>, vector<1x16xf32>,
      %get3A_1047 = vector.shape_cast %get3A_1046 : vector<1x16xf32> to vector<16xf32>
      %get3A_1048 = arith.index_cast %select_n3A : i32 to index
      %get3A_1049 = arith.index_cast %mul3A_1044 : i32 to index
      %get3A_1050 = tpu.vector_load %arg12[%get3A_1048, %get3A_1049] {strides = array<i32>} : memref<32x512xf32, #tpu.memory_space<vmem>>, vector<1x16xf32>,
      %get3A_1051 = vector.shape_cast %get3A_1050 : vector<1x16xf32> to vector<16xf32>
      %mul3A_1052 = arith.constant 0.899999976 : f32
      %mul3A_1053 = vector.broadcast %mul3A_1052 : f32 to vector<16xf32>
      %mul3A_1054 = arith.mulf %get3A_1047, %mul3A_1053 : vector<16xf32>
      %mul3A_1055 = arith.constant 1.000000e-01 : f32
      %mul3A_1056 = vector.broadcast %mul3A_1055 : f32 to vector<16xf32>
      %mul3A_1057 = arith.mulf %get3A_1051, %mul3A_1056 : vector<16xf32>
      %add3A_1058 = arith.addf %mul3A_1054, %mul3A_1057 : vector<16xf32>
      %swap3A = arith.index_cast %select_n3A : i32 to index
      %swap3A_1059 = arith.index_cast %mul3A_1044 : i32 to index
      %swap3A_1060 = tpu.vector_load %arg11[%swap3A, %swap3A_1059] {strides = array<i32>} : memref<32x512xf32, #tpu.memory_space<vmem>>, vector<1x16xf32>,
      %swap3A_1061 = vector.shape_cast %swap3A_1060 : vector<1x16xf32> to vector<16xf32>
      %swap3A_1062 = vector.shape_cast %add3A_1058 : vector<16xf32> to vector<1x16xf32>
      tpu.vector_store %arg11[%swap3A, %swap3A_1059], %swap3A_1062 {strides = array<i32>} : memref<32x512xf32, #tpu.memory_space<vmem>>, vector<1x16xf32>,
    }
    %scan3A_753 = arith.constant 1024 : i32
    %add3A_754 = arith.constant 288 : i32
    %add3A_755 = arith.addi %mul3A_2, %add3A_754 : i32
    %dma_start3A_756 = arith.constant 0 : i32
    %dma_start3A_757 = tpu.memref_slice %arg6[%add3A_755, %dma_start3A_756] : memref<16384x512xf32, #tpu.memory_space<hbm>> -> memref<32x512xf32, #tpu.memory_space<hbm>>
    %dma_start3A_758 = arith.constant 0 : i32
    %dma_start3A_759 = tpu.memref_slice %arg6[%add3A_755, %dma_start3A_758] : memref<16384x512xf32, #tpu.memory_space<hbm>> -> memref<32x512xf32, #tpu.memory_space<hbm>>
    tpu.enqueue_dma source(%arg11 : memref<32x512xf32, #tpu.memory_space<vmem>>) target(%dma_start3A_759 : memref<32x512xf32, #tpu.memory_space<hbm>>) target_semaphore(%arg19 : memref<!tpu.dma_semaphore, #tpu.memory_space<semaphore_mem>>)
    %dma_wait3A_760 = arith.constant 0 : i32
    %dma_wait3A_761 = tpu.memref_slice %arg6[%add3A_755, %dma_wait3A_760] : memref<16384x512xf32, #tpu.memory_space<hbm>> -> memref<32x512xf32, #tpu.memory_space<hbm>>
    %dma_wait3A_762 = arith.constant 0 : i32
    %dma_wait3A_763 = tpu.memref_slice %arg6[%add3A_755, %dma_wait3A_762] : memref<16384x512xf32, #tpu.memory_space<hbm>> -> memref<32x512xf32, #tpu.memory_space<hbm>>
    tpu.wait_dma2 semaphore(%arg19 : memref<!tpu.dma_semaphore, #tpu.memory_space<semaphore_mem>>) src(%arg11 : memref<32x512xf32, #tpu.memory_space<vmem>>) dst(%dma_wait3A_763 : memref<32x512xf32, #tpu.memory_space<hbm>>)
    %dma_start3A_764 = arith.constant 11 : i32
    %dma_start3A_765 = arith.constant 0 : i32
    %dma_start3A_766 = tpu.memref_slice %arg7[%dma_start3A_764, %dma_start3A_765] : memref<16x32xi32, #tpu.memory_space<vmem>> -> memref<1x32xi32, #tpu.memory_space<vmem>>
    %dma_start3A_767 = tpu.memref_squeeze %dma_start3A_766 : memref<1x32xi32, #tpu.memory_space<vmem>> -> memref<32xi32, #tpu.memory_space<vmem>>
    %dma_start3A_768 = arith.constant 0 : i32
    %dma_start3A_769 = arith.constant 0 : i32
    %dma_start3A_770 = tpu.memref_slice %arg2[%dma_start3A_768, %dma_start3A_769] : memref<100000x512xf32, #tpu.memory_space<hbm>> -> memref<100000x512xf32, #tpu.memory_space<hbm>>
    tpu.enqueue_indirect_dma source(%dma_start3A_770 : memref<100000x512xf32, #tpu.memory_space<hbm>>) target(%arg11 : memref<32x512xf32, #tpu.memory_space<vmem>>) offsets(%dma_start3A_767 : memref<32xi32, #tpu.memory_space<vmem>>) semaphore(%arg17 : memref<!tpu.dma_semaphore, #tpu.memory_space<semaphore_mem>>)
    %dma_start3A_771 = arith.constant 11 : i32
    %dma_start3A_772 = arith.constant 0 : i32
    %dma_start3A_773 = tpu.memref_slice %arg8[%dma_start3A_771, %dma_start3A_772] : memref<16x32xi32, #tpu.memory_space<vmem>> -> memref<1x32xi32, #tpu.memory_space<vmem>>
    %dma_start3A_774 = tpu.memref_squeeze %dma_start3A_773 : memref<1x32xi32, #tpu.memory_space<vmem>> -> memref<32xi32, #tpu.memory_space<vmem>>
    %dma_start3A_775 = arith.constant 0 : i32
    %dma_start3A_776 = arith.constant 0 : i32
    %dma_start3A_777 = tpu.memref_slice %arg3[%dma_start3A_775, %dma_start3A_776] : memref<16384x512xf32, #tpu.memory_space<hbm>> -> memref<16384x512xf32, #tpu.memory_space<hbm>>
    tpu.enqueue_indirect_dma source(%dma_start3A_777 : memref<16384x512xf32, #tpu.memory_space<hbm>>) target(%arg12 : memref<32x512xf32, #tpu.memory_space<vmem>>) offsets(%dma_start3A_774 : memref<32xi32, #tpu.memory_space<vmem>>) semaphore(%arg18 : memref<!tpu.dma_semaphore, #tpu.memory_space<semaphore_mem>>)
    %dma_wait3A_778 = arith.constant 10 : i32
    %dma_wait3A_779 = arith.constant 0 : i32
    %dma_wait3A_780 = tpu.memref_slice %arg7[%dma_wait3A_778, %dma_wait3A_779] : memref<16x32xi32, #tpu.memory_space<vmem>> -> memref<1x32xi32, #tpu.memory_space<vmem>>
    %dma_wait3A_781 = tpu.memref_squeeze %dma_wait3A_780 : memref<1x32xi32, #tpu.memory_space<vmem>> -> memref<32xi32, #tpu.memory_space<vmem>>
    %dma_wait3A_782 = arith.constant 0 : i32
    %dma_wait3A_783 = arith.constant 0 : i32
    %dma_wait3A_784 = tpu.memref_slice %arg2[%dma_wait3A_782, %dma_wait3A_783] : memref<100000x512xf32, #tpu.memory_space<hbm>> -> memref<100000x512xf32, #tpu.memory_space<hbm>>
    tpu.wait_indirect_dma semaphore(%arg14 : memref<!tpu.dma_semaphore, #tpu.memory_space<semaphore_mem>>) src(%dma_wait3A_784 : memref<100000x512xf32, #tpu.memory_space<hbm>>) dst(%arg9 : memref<32x512xf32, #tpu.memory_space<vmem>>)
    %dma_wait3A_785 = arith.constant 10 : i32
    %dma_wait3A_786 = arith.constant 0 : i32
    %dma_wait3A_787 = tpu.memref_slice %arg8[%dma_wait3A_785, %dma_wait3A_786] : memref<16x32xi32, #tpu.memory_space<vmem>> -> memref<1x32xi32, #tpu.memory_space<vmem>>
    %dma_wait3A_788 = tpu.memref_squeeze %dma_wait3A_787 : memref<1x32xi32, #tpu.memory_space<vmem>> -> memref<32xi32, #tpu.memory_space<vmem>>
    %dma_wait3A_789 = arith.constant 0 : i32
    %dma_wait3A_790 = arith.constant 0 : i32
    %dma_wait3A_791 = tpu.memref_slice %arg3[%dma_wait3A_789, %dma_wait3A_790] : memref<16384x512xf32, #tpu.memory_space<hbm>> -> memref<16384x512xf32, #tpu.memory_space<hbm>>
    tpu.wait_indirect_dma semaphore(%arg15 : memref<!tpu.dma_semaphore, #tpu.memory_space<semaphore_mem>>) src(%dma_wait3A_791 : memref<16384x512xf32, #tpu.memory_space<hbm>>) dst(%arg10 : memref<32x512xf32, #tpu.memory_space<vmem>>)
    %scan3A_792 = arith.constant 0 : i32
    %scan3A_793 = arith.constant 1024 : i32
    %scan3A_794 = arith.addi %scan3A_792, %scan3A_793 : i32
    %scan3A_795 = arith.constant 1 : i32
    scf.for %scan3A_1008 = %scan3A_792 to %scan3A_794 step %scan3A_795  : i32 {
      %mul3A_1009 = arith.constant 1 : i32
      %mul3A_1010 = arith.muli %scan3A_1008, %mul3A_1009 : i32
      %add3A_1011 = arith.constant 0 : i32
      %add3A_1012 = arith.addi %add3A_1011, %mul3A_1010 : i32
      %jit3A = arith.constant 32 : i32
      %div3A = arith.divsi %add3A_1012, %jit3A : i32
      %sign3A = arith.constant 0 : i32
      %sign3A_1013 = arith.cmpi sgt, %add3A_1012, %sign3A : i32
      %sign3A_1014 = arith.extui %sign3A_1013 : i1 to i32
      %sign3A_1015 = arith.constant 0 : i32
      %sign3A_1016 = arith.cmpi slt, %add3A_1012, %sign3A_1015 : i32
      %sign3A_1017 = arith.extui %sign3A_1016 : i1 to i32
      %sign3A_1018 = arith.subi %sign3A_1014, %sign3A_1017 : i32
      %sign3A_1019 = arith.constant 0 : i32
      %sign3A_1020 = arith.cmpi sgt, %jit3A, %sign3A_1019 : i32
      %sign3A_1021 = arith.extui %sign3A_1020 : i1 to i32
      %sign3A_1022 = arith.constant 0 : i32
      %sign3A_1023 = arith.cmpi slt, %jit3A, %sign3A_1022 : i32
      %sign3A_1024 = arith.extui %sign3A_1023 : i1 to i32
      %sign3A_1025 = arith.subi %sign3A_1021, %sign3A_1024 : i32
      %ne3A = arith.cmpi ne, %sign3A_1018, %sign3A_1025 : i32
      %rem3A = arith.remsi %add3A_1012, %jit3A : i32
      %ne3A_1026 = arith.constant 0 : i32
      %ne3A_1027 = arith.cmpi ne, %rem3A, %ne3A_1026 : i32
      %and3A = arith.andi %ne3A, %ne3A_1027 : i1
      %sub3A = arith.constant 1 : i32
      %sub3A_1028 = arith.subi %div3A, %sub3A : i32
      %select_n3A = arith.select %and3A, %sub3A_1028, %div3A : i32
      %jit3A_1029 = arith.constant 32 : i32
      %eq3A = arith.constant 0 : i32
      %eq3A_1030 = arith.cmpi eq, %jit3A_1029, %eq3A : i32
      %jit3A_1031 = arith.constant 1 : i32
      %select_n3A_1032 = arith.select %eq3A_1030, %jit3A_1031, %jit3A_1029 : i32
      %rem3A_1033 = arith.remsi %add3A_1012, %select_n3A_1032 : i32
      %ne3A_1034 = arith.constant 0 : i32
      %ne3A_1035 = arith.cmpi ne, %rem3A_1033, %ne3A_1034 : i32
      %lt3A = arith.constant 0 : i32
      %lt3A_1036 = arith.cmpi slt, %rem3A_1033, %lt3A : i32
      %lt3A_1037 = arith.constant 0 : i32
      %lt3A_1038 = arith.cmpi slt, %select_n3A_1032, %lt3A_1037 : i32
      %ne3A_1039 = arith.xori %lt3A_1036, %lt3A_1038 : i1
      %and3A_1040 = arith.andi %ne3A_1039, %ne3A_1035 : i1
      %add3A_1041 = arith.addi %rem3A_1033, %select_n3A_1032 : i32
      %select_n3A_1042 = arith.select %and3A_1040, %add3A_1041, %rem3A_1033 : i32
      %mul3A_1043 = arith.constant 16 : i32
      %mul3A_1044 = arith.muli %select_n3A_1042, %mul3A_1043 : i32
      %get3A = arith.index_cast %select_n3A : i32 to index
      %get3A_1045 = arith.index_cast %mul3A_1044 : i32 to index
      %get3A_1046 = tpu.vector_load %arg9[%get3A, %get3A_1045] {strides = array<i32>} : memref<32x512xf32, #tpu.memory_space<vmem>>, vector<1x16xf32>,
      %get3A_1047 = vector.shape_cast %get3A_1046 : vector<1x16xf32> to vector<16xf32>
      %get3A_1048 = arith.index_cast %select_n3A : i32 to index
      %get3A_1049 = arith.index_cast %mul3A_1044 : i32 to index
      %get3A_1050 = tpu.vector_load %arg10[%get3A_1048, %get3A_1049] {strides = array<i32>} : memref<32x512xf32, #tpu.memory_space<vmem>>, vector<1x16xf32>,
      %get3A_1051 = vector.shape_cast %get3A_1050 : vector<1x16xf32> to vector<16xf32>
      %mul3A_1052 = arith.constant 0.899999976 : f32
      %mul3A_1053 = vector.broadcast %mul3A_1052 : f32 to vector<16xf32>
      %mul3A_1054 = arith.mulf %get3A_1047, %mul3A_1053 : vector<16xf32>
      %mul3A_1055 = arith.constant 1.000000e-01 : f32
      %mul3A_1056 = vector.broadcast %mul3A_1055 : f32 to vector<16xf32>
      %mul3A_1057 = arith.mulf %get3A_1051, %mul3A_1056 : vector<16xf32>
      %add3A_1058 = arith.addf %mul3A_1054, %mul3A_1057 : vector<16xf32>
      %swap3A = arith.index_cast %select_n3A : i32 to index
      %swap3A_1059 = arith.index_cast %mul3A_1044 : i32 to index
      %swap3A_1060 = tpu.vector_load %arg9[%swap3A, %swap3A_1059] {strides = array<i32>} : memref<32x512xf32, #tpu.memory_space<vmem>>, vector<1x16xf32>,
      %swap3A_1061 = vector.shape_cast %swap3A_1060 : vector<1x16xf32> to vector<16xf32>
      %swap3A_1062 = vector.shape_cast %add3A_1058 : vector<16xf32> to vector<1x16xf32>
      tpu.vector_store %arg9[%swap3A, %swap3A_1059], %swap3A_1062 {strides = array<i32>} : memref<32x512xf32, #tpu.memory_space<vmem>>, vector<1x16xf32>,
    }
    %scan3A_796 = arith.constant 1024 : i32
    %add3A_797 = arith.constant 320 : i32
    %add3A_798 = arith.addi %mul3A_2, %add3A_797 : i32
    %dma_start3A_799 = arith.constant 0 : i32
    %dma_start3A_800 = tpu.memref_slice %arg6[%add3A_798, %dma_start3A_799] : memref<16384x512xf32, #tpu.memory_space<hbm>> -> memref<32x512xf32, #tpu.memory_space<hbm>>
    %dma_start3A_801 = arith.constant 0 : i32
    %dma_start3A_802 = tpu.memref_slice %arg6[%add3A_798, %dma_start3A_801] : memref<16384x512xf32, #tpu.memory_space<hbm>> -> memref<32x512xf32, #tpu.memory_space<hbm>>
    tpu.enqueue_dma source(%arg9 : memref<32x512xf32, #tpu.memory_space<vmem>>) target(%dma_start3A_802 : memref<32x512xf32, #tpu.memory_space<hbm>>) target_semaphore(%arg16 : memref<!tpu.dma_semaphore, #tpu.memory_space<semaphore_mem>>)
    %dma_wait3A_803 = arith.constant 0 : i32
    %dma_wait3A_804 = tpu.memref_slice %arg6[%add3A_798, %dma_wait3A_803] : memref<16384x512xf32, #tpu.memory_space<hbm>> -> memref<32x512xf32, #tpu.memory_space<hbm>>
    %dma_wait3A_805 = arith.constant 0 : i32
    %dma_wait3A_806 = tpu.memref_slice %arg6[%add3A_798, %dma_wait3A_805] : memref<16384x512xf32, #tpu.memory_space<hbm>> -> memref<32x512xf32, #tpu.memory_space<hbm>>
    tpu.wait_dma2 semaphore(%arg16 : memref<!tpu.dma_semaphore, #tpu.memory_space<semaphore_mem>>) src(%arg9 : memref<32x512xf32, #tpu.memory_space<vmem>>) dst(%dma_wait3A_806 : memref<32x512xf32, #tpu.memory_space<hbm>>)
    %dma_start3A_807 = arith.constant 12 : i32
    %dma_start3A_808 = arith.constant 0 : i32
    %dma_start3A_809 = tpu.memref_slice %arg7[%dma_start3A_807, %dma_start3A_808] : memref<16x32xi32, #tpu.memory_space<vmem>> -> memref<1x32xi32, #tpu.memory_space<vmem>>
    %dma_start3A_810 = tpu.memref_squeeze %dma_start3A_809 : memref<1x32xi32, #tpu.memory_space<vmem>> -> memref<32xi32, #tpu.memory_space<vmem>>
    %dma_start3A_811 = arith.constant 0 : i32
    %dma_start3A_812 = arith.constant 0 : i32
    %dma_start3A_813 = tpu.memref_slice %arg2[%dma_start3A_811, %dma_start3A_812] : memref<100000x512xf32, #tpu.memory_space<hbm>> -> memref<100000x512xf32, #tpu.memory_space<hbm>>
    tpu.enqueue_indirect_dma source(%dma_start3A_813 : memref<100000x512xf32, #tpu.memory_space<hbm>>) target(%arg9 : memref<32x512xf32, #tpu.memory_space<vmem>>) offsets(%dma_start3A_810 : memref<32xi32, #tpu.memory_space<vmem>>) semaphore(%arg14 : memref<!tpu.dma_semaphore, #tpu.memory_space<semaphore_mem>>)
    %dma_start3A_814 = arith.constant 12 : i32
    %dma_start3A_815 = arith.constant 0 : i32
    %dma_start3A_816 = tpu.memref_slice %arg8[%dma_start3A_814, %dma_start3A_815] : memref<16x32xi32, #tpu.memory_space<vmem>> -> memref<1x32xi32, #tpu.memory_space<vmem>>
    %dma_start3A_817 = tpu.memref_squeeze %dma_start3A_816 : memref<1x32xi32, #tpu.memory_space<vmem>> -> memref<32xi32, #tpu.memory_space<vmem>>
    %dma_start3A_818 = arith.constant 0 : i32
    %dma_start3A_819 = arith.constant 0 : i32
    %dma_start3A_820 = tpu.memref_slice %arg3[%dma_start3A_818, %dma_start3A_819] : memref<16384x512xf32, #tpu.memory_space<hbm>> -> memref<16384x512xf32, #tpu.memory_space<hbm>>
    tpu.enqueue_indirect_dma source(%dma_start3A_820 : memref<16384x512xf32, #tpu.memory_space<hbm>>) target(%arg10 : memref<32x512xf32, #tpu.memory_space<vmem>>) offsets(%dma_start3A_817 : memref<32xi32, #tpu.memory_space<vmem>>) semaphore(%arg15 : memref<!tpu.dma_semaphore, #tpu.memory_space<semaphore_mem>>)
    %dma_wait3A_821 = arith.constant 11 : i32
    %dma_wait3A_822 = arith.constant 0 : i32
    %dma_wait3A_823 = tpu.memref_slice %arg7[%dma_wait3A_821, %dma_wait3A_822] : memref<16x32xi32, #tpu.memory_space<vmem>> -> memref<1x32xi32, #tpu.memory_space<vmem>>
    %dma_wait3A_824 = tpu.memref_squeeze %dma_wait3A_823 : memref<1x32xi32, #tpu.memory_space<vmem>> -> memref<32xi32, #tpu.memory_space<vmem>>
    %dma_wait3A_825 = arith.constant 0 : i32
    %dma_wait3A_826 = arith.constant 0 : i32
    %dma_wait3A_827 = tpu.memref_slice %arg2[%dma_wait3A_825, %dma_wait3A_826] : memref<100000x512xf32, #tpu.memory_space<hbm>> -> memref<100000x512xf32, #tpu.memory_space<hbm>>
    tpu.wait_indirect_dma semaphore(%arg17 : memref<!tpu.dma_semaphore, #tpu.memory_space<semaphore_mem>>) src(%dma_wait3A_827 : memref<100000x512xf32, #tpu.memory_space<hbm>>) dst(%arg11 : memref<32x512xf32, #tpu.memory_space<vmem>>)
    %dma_wait3A_828 = arith.constant 11 : i32
    %dma_wait3A_829 = arith.constant 0 : i32
    %dma_wait3A_830 = tpu.memref_slice %arg8[%dma_wait3A_828, %dma_wait3A_829] : memref<16x32xi32, #tpu.memory_space<vmem>> -> memref<1x32xi32, #tpu.memory_space<vmem>>
    %dma_wait3A_831 = tpu.memref_squeeze %dma_wait3A_830 : memref<1x32xi32, #tpu.memory_space<vmem>> -> memref<32xi32, #tpu.memory_space<vmem>>
    %dma_wait3A_832 = arith.constant 0 : i32
    %dma_wait3A_833 = arith.constant 0 : i32
    %dma_wait3A_834 = tpu.memref_slice %arg3[%dma_wait3A_832, %dma_wait3A_833] : memref<16384x512xf32, #tpu.memory_space<hbm>> -> memref<16384x512xf32, #tpu.memory_space<hbm>>
    tpu.wait_indirect_dma semaphore(%arg18 : memref<!tpu.dma_semaphore, #tpu.memory_space<semaphore_mem>>) src(%dma_wait3A_834 : memref<16384x512xf32, #tpu.memory_space<hbm>>) dst(%arg12 : memref<32x512xf32, #tpu.memory_space<vmem>>)
    %scan3A_835 = arith.constant 0 : i32
    %scan3A_836 = arith.constant 1024 : i32
    %scan3A_837 = arith.addi %scan3A_835, %scan3A_836 : i32
    %scan3A_838 = arith.constant 1 : i32
    scf.for %scan3A_1008 = %scan3A_835 to %scan3A_837 step %scan3A_838  : i32 {
      %mul3A_1009 = arith.constant 1 : i32
      %mul3A_1010 = arith.muli %scan3A_1008, %mul3A_1009 : i32
      %add3A_1011 = arith.constant 0 : i32
      %add3A_1012 = arith.addi %add3A_1011, %mul3A_1010 : i32
      %jit3A = arith.constant 32 : i32
      %div3A = arith.divsi %add3A_1012, %jit3A : i32
      %sign3A = arith.constant 0 : i32
      %sign3A_1013 = arith.cmpi sgt, %add3A_1012, %sign3A : i32
      %sign3A_1014 = arith.extui %sign3A_1013 : i1 to i32
      %sign3A_1015 = arith.constant 0 : i32
      %sign3A_1016 = arith.cmpi slt, %add3A_1012, %sign3A_1015 : i32
      %sign3A_1017 = arith.extui %sign3A_1016 : i1 to i32
      %sign3A_1018 = arith.subi %sign3A_1014, %sign3A_1017 : i32
      %sign3A_1019 = arith.constant 0 : i32
      %sign3A_1020 = arith.cmpi sgt, %jit3A, %sign3A_1019 : i32
      %sign3A_1021 = arith.extui %sign3A_1020 : i1 to i32
      %sign3A_1022 = arith.constant 0 : i32
      %sign3A_1023 = arith.cmpi slt, %jit3A, %sign3A_1022 : i32
      %sign3A_1024 = arith.extui %sign3A_1023 : i1 to i32
      %sign3A_1025 = arith.subi %sign3A_1021, %sign3A_1024 : i32
      %ne3A = arith.cmpi ne, %sign3A_1018, %sign3A_1025 : i32
      %rem3A = arith.remsi %add3A_1012, %jit3A : i32
      %ne3A_1026 = arith.constant 0 : i32
      %ne3A_1027 = arith.cmpi ne, %rem3A, %ne3A_1026 : i32
      %and3A = arith.andi %ne3A, %ne3A_1027 : i1
      %sub3A = arith.constant 1 : i32
      %sub3A_1028 = arith.subi %div3A, %sub3A : i32
      %select_n3A = arith.select %and3A, %sub3A_1028, %div3A : i32
      %jit3A_1029 = arith.constant 32 : i32
      %eq3A = arith.constant 0 : i32
      %eq3A_1030 = arith.cmpi eq, %jit3A_1029, %eq3A : i32
      %jit3A_1031 = arith.constant 1 : i32
      %select_n3A_1032 = arith.select %eq3A_1030, %jit3A_1031, %jit3A_1029 : i32
      %rem3A_1033 = arith.remsi %add3A_1012, %select_n3A_1032 : i32
      %ne3A_1034 = arith.constant 0 : i32
      %ne3A_1035 = arith.cmpi ne, %rem3A_1033, %ne3A_1034 : i32
      %lt3A = arith.constant 0 : i32
      %lt3A_1036 = arith.cmpi slt, %rem3A_1033, %lt3A : i32
      %lt3A_1037 = arith.constant 0 : i32
      %lt3A_1038 = arith.cmpi slt, %select_n3A_1032, %lt3A_1037 : i32
      %ne3A_1039 = arith.xori %lt3A_1036, %lt3A_1038 : i1
      %and3A_1040 = arith.andi %ne3A_1039, %ne3A_1035 : i1
      %add3A_1041 = arith.addi %rem3A_1033, %select_n3A_1032 : i32
      %select_n3A_1042 = arith.select %and3A_1040, %add3A_1041, %rem3A_1033 : i32
      %mul3A_1043 = arith.constant 16 : i32
      %mul3A_1044 = arith.muli %select_n3A_1042, %mul3A_1043 : i32
      %get3A = arith.index_cast %select_n3A : i32 to index
      %get3A_1045 = arith.index_cast %mul3A_1044 : i32 to index
      %get3A_1046 = tpu.vector_load %arg11[%get3A, %get3A_1045] {strides = array<i32>} : memref<32x512xf32, #tpu.memory_space<vmem>>, vector<1x16xf32>,
      %get3A_1047 = vector.shape_cast %get3A_1046 : vector<1x16xf32> to vector<16xf32>
      %get3A_1048 = arith.index_cast %select_n3A : i32 to index
      %get3A_1049 = arith.index_cast %mul3A_1044 : i32 to index
      %get3A_1050 = tpu.vector_load %arg12[%get3A_1048, %get3A_1049] {strides = array<i32>} : memref<32x512xf32, #tpu.memory_space<vmem>>, vector<1x16xf32>,
      %get3A_1051 = vector.shape_cast %get3A_1050 : vector<1x16xf32> to vector<16xf32>
      %mul3A_1052 = arith.constant 0.899999976 : f32
      %mul3A_1053 = vector.broadcast %mul3A_1052 : f32 to vector<16xf32>
      %mul3A_1054 = arith.mulf %get3A_1047, %mul3A_1053 : vector<16xf32>
      %mul3A_1055 = arith.constant 1.000000e-01 : f32
      %mul3A_1056 = vector.broadcast %mul3A_1055 : f32 to vector<16xf32>
      %mul3A_1057 = arith.mulf %get3A_1051, %mul3A_1056 : vector<16xf32>
      %add3A_1058 = arith.addf %mul3A_1054, %mul3A_1057 : vector<16xf32>
      %swap3A = arith.index_cast %select_n3A : i32 to index
      %swap3A_1059 = arith.index_cast %mul3A_1044 : i32 to index
      %swap3A_1060 = tpu.vector_load %arg11[%swap3A, %swap3A_1059] {strides = array<i32>} : memref<32x512xf32, #tpu.memory_space<vmem>>, vector<1x16xf32>,
      %swap3A_1061 = vector.shape_cast %swap3A_1060 : vector<1x16xf32> to vector<16xf32>
      %swap3A_1062 = vector.shape_cast %add3A_1058 : vector<16xf32> to vector<1x16xf32>
      tpu.vector_store %arg11[%swap3A, %swap3A_1059], %swap3A_1062 {strides = array<i32>} : memref<32x512xf32, #tpu.memory_space<vmem>>, vector<1x16xf32>,
    }
    %scan3A_839 = arith.constant 1024 : i32
    %add3A_840 = arith.constant 352 : i32
    %add3A_841 = arith.addi %mul3A_2, %add3A_840 : i32
    %dma_start3A_842 = arith.constant 0 : i32
    %dma_start3A_843 = tpu.memref_slice %arg6[%add3A_841, %dma_start3A_842] : memref<16384x512xf32, #tpu.memory_space<hbm>> -> memref<32x512xf32, #tpu.memory_space<hbm>>
    %dma_start3A_844 = arith.constant 0 : i32
    %dma_start3A_845 = tpu.memref_slice %arg6[%add3A_841, %dma_start3A_844] : memref<16384x512xf32, #tpu.memory_space<hbm>> -> memref<32x512xf32, #tpu.memory_space<hbm>>
    tpu.enqueue_dma source(%arg11 : memref<32x512xf32, #tpu.memory_space<vmem>>) target(%dma_start3A_845 : memref<32x512xf32, #tpu.memory_space<hbm>>) target_semaphore(%arg19 : memref<!tpu.dma_semaphore, #tpu.memory_space<semaphore_mem>>)
    %dma_wait3A_846 = arith.constant 0 : i32
    %dma_wait3A_847 = tpu.memref_slice %arg6[%add3A_841, %dma_wait3A_846] : memref<16384x512xf32, #tpu.memory_space<hbm>> -> memref<32x512xf32, #tpu.memory_space<hbm>>
    %dma_wait3A_848 = arith.constant 0 : i32
    %dma_wait3A_849 = tpu.memref_slice %arg6[%add3A_841, %dma_wait3A_848] : memref<16384x512xf32, #tpu.memory_space<hbm>> -> memref<32x512xf32, #tpu.memory_space<hbm>>
    tpu.wait_dma2 semaphore(%arg19 : memref<!tpu.dma_semaphore, #tpu.memory_space<semaphore_mem>>) src(%arg11 : memref<32x512xf32, #tpu.memory_space<vmem>>) dst(%dma_wait3A_849 : memref<32x512xf32, #tpu.memory_space<hbm>>)
    %dma_start3A_850 = arith.constant 13 : i32
    %dma_start3A_851 = arith.constant 0 : i32
    %dma_start3A_852 = tpu.memref_slice %arg7[%dma_start3A_850, %dma_start3A_851] : memref<16x32xi32, #tpu.memory_space<vmem>> -> memref<1x32xi32, #tpu.memory_space<vmem>>
    %dma_start3A_853 = tpu.memref_squeeze %dma_start3A_852 : memref<1x32xi32, #tpu.memory_space<vmem>> -> memref<32xi32, #tpu.memory_space<vmem>>
    %dma_start3A_854 = arith.constant 0 : i32
    %dma_start3A_855 = arith.constant 0 : i32
    %dma_start3A_856 = tpu.memref_slice %arg2[%dma_start3A_854, %dma_start3A_855] : memref<100000x512xf32, #tpu.memory_space<hbm>> -> memref<100000x512xf32, #tpu.memory_space<hbm>>
    tpu.enqueue_indirect_dma source(%dma_start3A_856 : memref<100000x512xf32, #tpu.memory_space<hbm>>) target(%arg11 : memref<32x512xf32, #tpu.memory_space<vmem>>) offsets(%dma_start3A_853 : memref<32xi32, #tpu.memory_space<vmem>>) semaphore(%arg17 : memref<!tpu.dma_semaphore, #tpu.memory_space<semaphore_mem>>)
    %dma_start3A_857 = arith.constant 13 : i32
    %dma_start3A_858 = arith.constant 0 : i32
    %dma_start3A_859 = tpu.memref_slice %arg8[%dma_start3A_857, %dma_start3A_858] : memref<16x32xi32, #tpu.memory_space<vmem>> -> memref<1x32xi32, #tpu.memory_space<vmem>>
    %dma_start3A_860 = tpu.memref_squeeze %dma_start3A_859 : memref<1x32xi32, #tpu.memory_space<vmem>> -> memref<32xi32, #tpu.memory_space<vmem>>
    %dma_start3A_861 = arith.constant 0 : i32
    %dma_start3A_862 = arith.constant 0 : i32
    %dma_start3A_863 = tpu.memref_slice %arg3[%dma_start3A_861, %dma_start3A_862] : memref<16384x512xf32, #tpu.memory_space<hbm>> -> memref<16384x512xf32, #tpu.memory_space<hbm>>
    tpu.enqueue_indirect_dma source(%dma_start3A_863 : memref<16384x512xf32, #tpu.memory_space<hbm>>) target(%arg12 : memref<32x512xf32, #tpu.memory_space<vmem>>) offsets(%dma_start3A_860 : memref<32xi32, #tpu.memory_space<vmem>>) semaphore(%arg18 : memref<!tpu.dma_semaphore, #tpu.memory_space<semaphore_mem>>)
    %dma_wait3A_864 = arith.constant 12 : i32
    %dma_wait3A_865 = arith.constant 0 : i32
    %dma_wait3A_866 = tpu.memref_slice %arg7[%dma_wait3A_864, %dma_wait3A_865] : memref<16x32xi32, #tpu.memory_space<vmem>> -> memref<1x32xi32, #tpu.memory_space<vmem>>
    %dma_wait3A_867 = tpu.memref_squeeze %dma_wait3A_866 : memref<1x32xi32, #tpu.memory_space<vmem>> -> memref<32xi32, #tpu.memory_space<vmem>>
    %dma_wait3A_868 = arith.constant 0 : i32
    %dma_wait3A_869 = arith.constant 0 : i32
    %dma_wait3A_870 = tpu.memref_slice %arg2[%dma_wait3A_868, %dma_wait3A_869] : memref<100000x512xf32, #tpu.memory_space<hbm>> -> memref<100000x512xf32, #tpu.memory_space<hbm>>
    tpu.wait_indirect_dma semaphore(%arg14 : memref<!tpu.dma_semaphore, #tpu.memory_space<semaphore_mem>>) src(%dma_wait3A_870 : memref<100000x512xf32, #tpu.memory_space<hbm>>) dst(%arg9 : memref<32x512xf32, #tpu.memory_space<vmem>>)
    %dma_wait3A_871 = arith.constant 12 : i32
    %dma_wait3A_872 = arith.constant 0 : i32
    %dma_wait3A_873 = tpu.memref_slice %arg8[%dma_wait3A_871, %dma_wait3A_872] : memref<16x32xi32, #tpu.memory_space<vmem>> -> memref<1x32xi32, #tpu.memory_space<vmem>>
    %dma_wait3A_874 = tpu.memref_squeeze %dma_wait3A_873 : memref<1x32xi32, #tpu.memory_space<vmem>> -> memref<32xi32, #tpu.memory_space<vmem>>
    %dma_wait3A_875 = arith.constant 0 : i32
    %dma_wait3A_876 = arith.constant 0 : i32
    %dma_wait3A_877 = tpu.memref_slice %arg3[%dma_wait3A_875, %dma_wait3A_876] : memref<16384x512xf32, #tpu.memory_space<hbm>> -> memref<16384x512xf32, #tpu.memory_space<hbm>>
    tpu.wait_indirect_dma semaphore(%arg15 : memref<!tpu.dma_semaphore, #tpu.memory_space<semaphore_mem>>) src(%dma_wait3A_877 : memref<16384x512xf32, #tpu.memory_space<hbm>>) dst(%arg10 : memref<32x512xf32, #tpu.memory_space<vmem>>)
    %scan3A_878 = arith.constant 0 : i32
    %scan3A_879 = arith.constant 1024 : i32
    %scan3A_880 = arith.addi %scan3A_878, %scan3A_879 : i32
    %scan3A_881 = arith.constant 1 : i32
    scf.for %scan3A_1008 = %scan3A_878 to %scan3A_880 step %scan3A_881  : i32 {
      %mul3A_1009 = arith.constant 1 : i32
      %mul3A_1010 = arith.muli %scan3A_1008, %mul3A_1009 : i32
      %add3A_1011 = arith.constant 0 : i32
      %add3A_1012 = arith.addi %add3A_1011, %mul3A_1010 : i32
      %jit3A = arith.constant 32 : i32
      %div3A = arith.divsi %add3A_1012, %jit3A : i32
      %sign3A = arith.constant 0 : i32
      %sign3A_1013 = arith.cmpi sgt, %add3A_1012, %sign3A : i32
      %sign3A_1014 = arith.extui %sign3A_1013 : i1 to i32
      %sign3A_1015 = arith.constant 0 : i32
      %sign3A_1016 = arith.cmpi slt, %add3A_1012, %sign3A_1015 : i32
      %sign3A_1017 = arith.extui %sign3A_1016 : i1 to i32
      %sign3A_1018 = arith.subi %sign3A_1014, %sign3A_1017 : i32
      %sign3A_1019 = arith.constant 0 : i32
      %sign3A_1020 = arith.cmpi sgt, %jit3A, %sign3A_1019 : i32
      %sign3A_1021 = arith.extui %sign3A_1020 : i1 to i32
      %sign3A_1022 = arith.constant 0 : i32
      %sign3A_1023 = arith.cmpi slt, %jit3A, %sign3A_1022 : i32
      %sign3A_1024 = arith.extui %sign3A_1023 : i1 to i32
      %sign3A_1025 = arith.subi %sign3A_1021, %sign3A_1024 : i32
      %ne3A = arith.cmpi ne, %sign3A_1018, %sign3A_1025 : i32
      %rem3A = arith.remsi %add3A_1012, %jit3A : i32
      %ne3A_1026 = arith.constant 0 : i32
      %ne3A_1027 = arith.cmpi ne, %rem3A, %ne3A_1026 : i32
      %and3A = arith.andi %ne3A, %ne3A_1027 : i1
      %sub3A = arith.constant 1 : i32
      %sub3A_1028 = arith.subi %div3A, %sub3A : i32
      %select_n3A = arith.select %and3A, %sub3A_1028, %div3A : i32
      %jit3A_1029 = arith.constant 32 : i32
      %eq3A = arith.constant 0 : i32
      %eq3A_1030 = arith.cmpi eq, %jit3A_1029, %eq3A : i32
      %jit3A_1031 = arith.constant 1 : i32
      %select_n3A_1032 = arith.select %eq3A_1030, %jit3A_1031, %jit3A_1029 : i32
      %rem3A_1033 = arith.remsi %add3A_1012, %select_n3A_1032 : i32
      %ne3A_1034 = arith.constant 0 : i32
      %ne3A_1035 = arith.cmpi ne, %rem3A_1033, %ne3A_1034 : i32
      %lt3A = arith.constant 0 : i32
      %lt3A_1036 = arith.cmpi slt, %rem3A_1033, %lt3A : i32
      %lt3A_1037 = arith.constant 0 : i32
      %lt3A_1038 = arith.cmpi slt, %select_n3A_1032, %lt3A_1037 : i32
      %ne3A_1039 = arith.xori %lt3A_1036, %lt3A_1038 : i1
      %and3A_1040 = arith.andi %ne3A_1039, %ne3A_1035 : i1
      %add3A_1041 = arith.addi %rem3A_1033, %select_n3A_1032 : i32
      %select_n3A_1042 = arith.select %and3A_1040, %add3A_1041, %rem3A_1033 : i32
      %mul3A_1043 = arith.constant 16 : i32
      %mul3A_1044 = arith.muli %select_n3A_1042, %mul3A_1043 : i32
      %get3A = arith.index_cast %select_n3A : i32 to index
      %get3A_1045 = arith.index_cast %mul3A_1044 : i32 to index
      %get3A_1046 = tpu.vector_load %arg9[%get3A, %get3A_1045] {strides = array<i32>} : memref<32x512xf32, #tpu.memory_space<vmem>>, vector<1x16xf32>,
      %get3A_1047 = vector.shape_cast %get3A_1046 : vector<1x16xf32> to vector<16xf32>
      %get3A_1048 = arith.index_cast %select_n3A : i32 to index
      %get3A_1049 = arith.index_cast %mul3A_1044 : i32 to index
      %get3A_1050 = tpu.vector_load %arg10[%get3A_1048, %get3A_1049] {strides = array<i32>} : memref<32x512xf32, #tpu.memory_space<vmem>>, vector<1x16xf32>,
      %get3A_1051 = vector.shape_cast %get3A_1050 : vector<1x16xf32> to vector<16xf32>
      %mul3A_1052 = arith.constant 0.899999976 : f32
      %mul3A_1053 = vector.broadcast %mul3A_1052 : f32 to vector<16xf32>
      %mul3A_1054 = arith.mulf %get3A_1047, %mul3A_1053 : vector<16xf32>
      %mul3A_1055 = arith.constant 1.000000e-01 : f32
      %mul3A_1056 = vector.broadcast %mul3A_1055 : f32 to vector<16xf32>
      %mul3A_1057 = arith.mulf %get3A_1051, %mul3A_1056 : vector<16xf32>
      %add3A_1058 = arith.addf %mul3A_1054, %mul3A_1057 : vector<16xf32>
      %swap3A = arith.index_cast %select_n3A : i32 to index
      %swap3A_1059 = arith.index_cast %mul3A_1044 : i32 to index
      %swap3A_1060 = tpu.vector_load %arg9[%swap3A, %swap3A_1059] {strides = array<i32>} : memref<32x512xf32, #tpu.memory_space<vmem>>, vector<1x16xf32>,
      %swap3A_1061 = vector.shape_cast %swap3A_1060 : vector<1x16xf32> to vector<16xf32>
      %swap3A_1062 = vector.shape_cast %add3A_1058 : vector<16xf32> to vector<1x16xf32>
      tpu.vector_store %arg9[%swap3A, %swap3A_1059], %swap3A_1062 {strides = array<i32>} : memref<32x512xf32, #tpu.memory_space<vmem>>, vector<1x16xf32>,
    }
    %scan3A_882 = arith.constant 1024 : i32
    %add3A_883 = arith.constant 384 : i32
    %add3A_884 = arith.addi %mul3A_2, %add3A_883 : i32
    %dma_start3A_885 = arith.constant 0 : i32
    %dma_start3A_886 = tpu.memref_slice %arg6[%add3A_884, %dma_start3A_885] : memref<16384x512xf32, #tpu.memory_space<hbm>> -> memref<32x512xf32, #tpu.memory_space<hbm>>
    %dma_start3A_887 = arith.constant 0 : i32
    %dma_start3A_888 = tpu.memref_slice %arg6[%add3A_884, %dma_start3A_887] : memref<16384x512xf32, #tpu.memory_space<hbm>> -> memref<32x512xf32, #tpu.memory_space<hbm>>
    tpu.enqueue_dma source(%arg9 : memref<32x512xf32, #tpu.memory_space<vmem>>) target(%dma_start3A_888 : memref<32x512xf32, #tpu.memory_space<hbm>>) target_semaphore(%arg16 : memref<!tpu.dma_semaphore, #tpu.memory_space<semaphore_mem>>)
    %dma_wait3A_889 = arith.constant 0 : i32
    %dma_wait3A_890 = tpu.memref_slice %arg6[%add3A_884, %dma_wait3A_889] : memref<16384x512xf32, #tpu.memory_space<hbm>> -> memref<32x512xf32, #tpu.memory_space<hbm>>
    %dma_wait3A_891 = arith.constant 0 : i32
    %dma_wait3A_892 = tpu.memref_slice %arg6[%add3A_884, %dma_wait3A_891] : memref<16384x512xf32, #tpu.memory_space<hbm>> -> memref<32x512xf32, #tpu.memory_space<hbm>>
    tpu.wait_dma2 semaphore(%arg16 : memref<!tpu.dma_semaphore, #tpu.memory_space<semaphore_mem>>) src(%arg9 : memref<32x512xf32, #tpu.memory_space<vmem>>) dst(%dma_wait3A_892 : memref<32x512xf32, #tpu.memory_space<hbm>>)
    %dma_start3A_893 = arith.constant 14 : i32
    %dma_start3A_894 = arith.constant 0 : i32
    %dma_start3A_895 = tpu.memref_slice %arg7[%dma_start3A_893, %dma_start3A_894] : memref<16x32xi32, #tpu.memory_space<vmem>> -> memref<1x32xi32, #tpu.memory_space<vmem>>
    %dma_start3A_896 = tpu.memref_squeeze %dma_start3A_895 : memref<1x32xi32, #tpu.memory_space<vmem>> -> memref<32xi32, #tpu.memory_space<vmem>>
    %dma_start3A_897 = arith.constant 0 : i32
    %dma_start3A_898 = arith.constant 0 : i32
    %dma_start3A_899 = tpu.memref_slice %arg2[%dma_start3A_897, %dma_start3A_898] : memref<100000x512xf32, #tpu.memory_space<hbm>> -> memref<100000x512xf32, #tpu.memory_space<hbm>>
    tpu.enqueue_indirect_dma source(%dma_start3A_899 : memref<100000x512xf32, #tpu.memory_space<hbm>>) target(%arg9 : memref<32x512xf32, #tpu.memory_space<vmem>>) offsets(%dma_start3A_896 : memref<32xi32, #tpu.memory_space<vmem>>) semaphore(%arg14 : memref<!tpu.dma_semaphore, #tpu.memory_space<semaphore_mem>>)
    %dma_start3A_900 = arith.constant 14 : i32
    %dma_start3A_901 = arith.constant 0 : i32
    %dma_start3A_902 = tpu.memref_slice %arg8[%dma_start3A_900, %dma_start3A_901] : memref<16x32xi32, #tpu.memory_space<vmem>> -> memref<1x32xi32, #tpu.memory_space<vmem>>
    %dma_start3A_903 = tpu.memref_squeeze %dma_start3A_902 : memref<1x32xi32, #tpu.memory_space<vmem>> -> memref<32xi32, #tpu.memory_space<vmem>>
    %dma_start3A_904 = arith.constant 0 : i32
    %dma_start3A_905 = arith.constant 0 : i32
    %dma_start3A_906 = tpu.memref_slice %arg3[%dma_start3A_904, %dma_start3A_905] : memref<16384x512xf32, #tpu.memory_space<hbm>> -> memref<16384x512xf32, #tpu.memory_space<hbm>>
    tpu.enqueue_indirect_dma source(%dma_start3A_906 : memref<16384x512xf32, #tpu.memory_space<hbm>>) target(%arg10 : memref<32x512xf32, #tpu.memory_space<vmem>>) offsets(%dma_start3A_903 : memref<32xi32, #tpu.memory_space<vmem>>) semaphore(%arg15 : memref<!tpu.dma_semaphore, #tpu.memory_space<semaphore_mem>>)
    %dma_wait3A_907 = arith.constant 13 : i32
    %dma_wait3A_908 = arith.constant 0 : i32
    %dma_wait3A_909 = tpu.memref_slice %arg7[%dma_wait3A_907, %dma_wait3A_908] : memref<16x32xi32, #tpu.memory_space<vmem>> -> memref<1x32xi32, #tpu.memory_space<vmem>>
    %dma_wait3A_910 = tpu.memref_squeeze %dma_wait3A_909 : memref<1x32xi32, #tpu.memory_space<vmem>> -> memref<32xi32, #tpu.memory_space<vmem>>
    %dma_wait3A_911 = arith.constant 0 : i32
    %dma_wait3A_912 = arith.constant 0 : i32
    %dma_wait3A_913 = tpu.memref_slice %arg2[%dma_wait3A_911, %dma_wait3A_912] : memref<100000x512xf32, #tpu.memory_space<hbm>> -> memref<100000x512xf32, #tpu.memory_space<hbm>>
    tpu.wait_indirect_dma semaphore(%arg17 : memref<!tpu.dma_semaphore, #tpu.memory_space<semaphore_mem>>) src(%dma_wait3A_913 : memref<100000x512xf32, #tpu.memory_space<hbm>>) dst(%arg11 : memref<32x512xf32, #tpu.memory_space<vmem>>)
    %dma_wait3A_914 = arith.constant 13 : i32
    %dma_wait3A_915 = arith.constant 0 : i32
    %dma_wait3A_916 = tpu.memref_slice %arg8[%dma_wait3A_914, %dma_wait3A_915] : memref<16x32xi32, #tpu.memory_space<vmem>> -> memref<1x32xi32, #tpu.memory_space<vmem>>
    %dma_wait3A_917 = tpu.memref_squeeze %dma_wait3A_916 : memref<1x32xi32, #tpu.memory_space<vmem>> -> memref<32xi32, #tpu.memory_space<vmem>>
    %dma_wait3A_918 = arith.constant 0 : i32
    %dma_wait3A_919 = arith.constant 0 : i32
    %dma_wait3A_920 = tpu.memref_slice %arg3[%dma_wait3A_918, %dma_wait3A_919] : memref<16384x512xf32, #tpu.memory_space<hbm>> -> memref<16384x512xf32, #tpu.memory_space<hbm>>
    tpu.wait_indirect_dma semaphore(%arg18 : memref<!tpu.dma_semaphore, #tpu.memory_space<semaphore_mem>>) src(%dma_wait3A_920 : memref<16384x512xf32, #tpu.memory_space<hbm>>) dst(%arg12 : memref<32x512xf32, #tpu.memory_space<vmem>>)
    %scan3A_921 = arith.constant 0 : i32
    %scan3A_922 = arith.constant 1024 : i32
    %scan3A_923 = arith.addi %scan3A_921, %scan3A_922 : i32
    %scan3A_924 = arith.constant 1 : i32
    scf.for %scan3A_1008 = %scan3A_921 to %scan3A_923 step %scan3A_924  : i32 {
      %mul3A_1009 = arith.constant 1 : i32
      %mul3A_1010 = arith.muli %scan3A_1008, %mul3A_1009 : i32
      %add3A_1011 = arith.constant 0 : i32
      %add3A_1012 = arith.addi %add3A_1011, %mul3A_1010 : i32
      %jit3A = arith.constant 32 : i32
      %div3A = arith.divsi %add3A_1012, %jit3A : i32
      %sign3A = arith.constant 0 : i32
      %sign3A_1013 = arith.cmpi sgt, %add3A_1012, %sign3A : i32
      %sign3A_1014 = arith.extui %sign3A_1013 : i1 to i32
      %sign3A_1015 = arith.constant 0 : i32
      %sign3A_1016 = arith.cmpi slt, %add3A_1012, %sign3A_1015 : i32
      %sign3A_1017 = arith.extui %sign3A_1016 : i1 to i32
      %sign3A_1018 = arith.subi %sign3A_1014, %sign3A_1017 : i32
      %sign3A_1019 = arith.constant 0 : i32
      %sign3A_1020 = arith.cmpi sgt, %jit3A, %sign3A_1019 : i32
      %sign3A_1021 = arith.extui %sign3A_1020 : i1 to i32
      %sign3A_1022 = arith.constant 0 : i32
      %sign3A_1023 = arith.cmpi slt, %jit3A, %sign3A_1022 : i32
      %sign3A_1024 = arith.extui %sign3A_1023 : i1 to i32
      %sign3A_1025 = arith.subi %sign3A_1021, %sign3A_1024 : i32
      %ne3A = arith.cmpi ne, %sign3A_1018, %sign3A_1025 : i32
      %rem3A = arith.remsi %add3A_1012, %jit3A : i32
      %ne3A_1026 = arith.constant 0 : i32
      %ne3A_1027 = arith.cmpi ne, %rem3A, %ne3A_1026 : i32
      %and3A = arith.andi %ne3A, %ne3A_1027 : i1
      %sub3A = arith.constant 1 : i32
      %sub3A_1028 = arith.subi %div3A, %sub3A : i32
      %select_n3A = arith.select %and3A, %sub3A_1028, %div3A : i32
      %jit3A_1029 = arith.constant 32 : i32
      %eq3A = arith.constant 0 : i32
      %eq3A_1030 = arith.cmpi eq, %jit3A_1029, %eq3A : i32
      %jit3A_1031 = arith.constant 1 : i32
      %select_n3A_1032 = arith.select %eq3A_1030, %jit3A_1031, %jit3A_1029 : i32
      %rem3A_1033 = arith.remsi %add3A_1012, %select_n3A_1032 : i32
      %ne3A_1034 = arith.constant 0 : i32
      %ne3A_1035 = arith.cmpi ne, %rem3A_1033, %ne3A_1034 : i32
      %lt3A = arith.constant 0 : i32
      %lt3A_1036 = arith.cmpi slt, %rem3A_1033, %lt3A : i32
      %lt3A_1037 = arith.constant 0 : i32
      %lt3A_1038 = arith.cmpi slt, %select_n3A_1032, %lt3A_1037 : i32
      %ne3A_1039 = arith.xori %lt3A_1036, %lt3A_1038 : i1
      %and3A_1040 = arith.andi %ne3A_1039, %ne3A_1035 : i1
      %add3A_1041 = arith.addi %rem3A_1033, %select_n3A_1032 : i32
      %select_n3A_1042 = arith.select %and3A_1040, %add3A_1041, %rem3A_1033 : i32
      %mul3A_1043 = arith.constant 16 : i32
      %mul3A_1044 = arith.muli %select_n3A_1042, %mul3A_1043 : i32
      %get3A = arith.index_cast %select_n3A : i32 to index
      %get3A_1045 = arith.index_cast %mul3A_1044 : i32 to index
      %get3A_1046 = tpu.vector_load %arg11[%get3A, %get3A_1045] {strides = array<i32>} : memref<32x512xf32, #tpu.memory_space<vmem>>, vector<1x16xf32>,
      %get3A_1047 = vector.shape_cast %get3A_1046 : vector<1x16xf32> to vector<16xf32>
      %get3A_1048 = arith.index_cast %select_n3A : i32 to index
      %get3A_1049 = arith.index_cast %mul3A_1044 : i32 to index
      %get3A_1050 = tpu.vector_load %arg12[%get3A_1048, %get3A_1049] {strides = array<i32>} : memref<32x512xf32, #tpu.memory_space<vmem>>, vector<1x16xf32>,
      %get3A_1051 = vector.shape_cast %get3A_1050 : vector<1x16xf32> to vector<16xf32>
      %mul3A_1052 = arith.constant 0.899999976 : f32
      %mul3A_1053 = vector.broadcast %mul3A_1052 : f32 to vector<16xf32>
      %mul3A_1054 = arith.mulf %get3A_1047, %mul3A_1053 : vector<16xf32>
      %mul3A_1055 = arith.constant 1.000000e-01 : f32
      %mul3A_1056 = vector.broadcast %mul3A_1055 : f32 to vector<16xf32>
      %mul3A_1057 = arith.mulf %get3A_1051, %mul3A_1056 : vector<16xf32>
      %add3A_1058 = arith.addf %mul3A_1054, %mul3A_1057 : vector<16xf32>
      %swap3A = arith.index_cast %select_n3A : i32 to index
      %swap3A_1059 = arith.index_cast %mul3A_1044 : i32 to index
      %swap3A_1060 = tpu.vector_load %arg11[%swap3A, %swap3A_1059] {strides = array<i32>} : memref<32x512xf32, #tpu.memory_space<vmem>>, vector<1x16xf32>,
      %swap3A_1061 = vector.shape_cast %swap3A_1060 : vector<1x16xf32> to vector<16xf32>
      %swap3A_1062 = vector.shape_cast %add3A_1058 : vector<16xf32> to vector<1x16xf32>
      tpu.vector_store %arg11[%swap3A, %swap3A_1059], %swap3A_1062 {strides = array<i32>} : memref<32x512xf32, #tpu.memory_space<vmem>>, vector<1x16xf32>,
    }
    %scan3A_925 = arith.constant 1024 : i32
    %add3A_926 = arith.constant 416 : i32
    %add3A_927 = arith.addi %mul3A_2, %add3A_926 : i32
    %dma_start3A_928 = arith.constant 0 : i32
    %dma_start3A_929 = tpu.memref_slice %arg6[%add3A_927, %dma_start3A_928] : memref<16384x512xf32, #tpu.memory_space<hbm>> -> memref<32x512xf32, #tpu.memory_space<hbm>>
    %dma_start3A_930 = arith.constant 0 : i32
    %dma_start3A_931 = tpu.memref_slice %arg6[%add3A_927, %dma_start3A_930] : memref<16384x512xf32, #tpu.memory_space<hbm>> -> memref<32x512xf32, #tpu.memory_space<hbm>>
    tpu.enqueue_dma source(%arg11 : memref<32x512xf32, #tpu.memory_space<vmem>>) target(%dma_start3A_931 : memref<32x512xf32, #tpu.memory_space<hbm>>) target_semaphore(%arg19 : memref<!tpu.dma_semaphore, #tpu.memory_space<semaphore_mem>>)
    %dma_wait3A_932 = arith.constant 0 : i32
    %dma_wait3A_933 = tpu.memref_slice %arg6[%add3A_927, %dma_wait3A_932] : memref<16384x512xf32, #tpu.memory_space<hbm>> -> memref<32x512xf32, #tpu.memory_space<hbm>>
    %dma_wait3A_934 = arith.constant 0 : i32
    %dma_wait3A_935 = tpu.memref_slice %arg6[%add3A_927, %dma_wait3A_934] : memref<16384x512xf32, #tpu.memory_space<hbm>> -> memref<32x512xf32, #tpu.memory_space<hbm>>
    tpu.wait_dma2 semaphore(%arg19 : memref<!tpu.dma_semaphore, #tpu.memory_space<semaphore_mem>>) src(%arg11 : memref<32x512xf32, #tpu.memory_space<vmem>>) dst(%dma_wait3A_935 : memref<32x512xf32, #tpu.memory_space<hbm>>)
    %dma_start3A_936 = arith.constant 15 : i32
    %dma_start3A_937 = arith.constant 0 : i32
    %dma_start3A_938 = tpu.memref_slice %arg7[%dma_start3A_936, %dma_start3A_937] : memref<16x32xi32, #tpu.memory_space<vmem>> -> memref<1x32xi32, #tpu.memory_space<vmem>>
    %dma_start3A_939 = tpu.memref_squeeze %dma_start3A_938 : memref<1x32xi32, #tpu.memory_space<vmem>> -> memref<32xi32, #tpu.memory_space<vmem>>
    %dma_start3A_940 = arith.constant 0 : i32
    %dma_start3A_941 = arith.constant 0 : i32
    %dma_start3A_942 = tpu.memref_slice %arg2[%dma_start3A_940, %dma_start3A_941] : memref<100000x512xf32, #tpu.memory_space<hbm>> -> memref<100000x512xf32, #tpu.memory_space<hbm>>
    tpu.enqueue_indirect_dma source(%dma_start3A_942 : memref<100000x512xf32, #tpu.memory_space<hbm>>) target(%arg11 : memref<32x512xf32, #tpu.memory_space<vmem>>) offsets(%dma_start3A_939 : memref<32xi32, #tpu.memory_space<vmem>>) semaphore(%arg17 : memref<!tpu.dma_semaphore, #tpu.memory_space<semaphore_mem>>)
    %dma_start3A_943 = arith.constant 15 : i32
    %dma_start3A_944 = arith.constant 0 : i32
    %dma_start3A_945 = tpu.memref_slice %arg8[%dma_start3A_943, %dma_start3A_944] : memref<16x32xi32, #tpu.memory_space<vmem>> -> memref<1x32xi32, #tpu.memory_space<vmem>>
    %dma_start3A_946 = tpu.memref_squeeze %dma_start3A_945 : memref<1x32xi32, #tpu.memory_space<vmem>> -> memref<32xi32, #tpu.memory_space<vmem>>
    %dma_start3A_947 = arith.constant 0 : i32
    %dma_start3A_948 = arith.constant 0 : i32
    %dma_start3A_949 = tpu.memref_slice %arg3[%dma_start3A_947, %dma_start3A_948] : memref<16384x512xf32, #tpu.memory_space<hbm>> -> memref<16384x512xf32, #tpu.memory_space<hbm>>
    tpu.enqueue_indirect_dma source(%dma_start3A_949 : memref<16384x512xf32, #tpu.memory_space<hbm>>) target(%arg12 : memref<32x512xf32, #tpu.memory_space<vmem>>) offsets(%dma_start3A_946 : memref<32xi32, #tpu.memory_space<vmem>>) semaphore(%arg18 : memref<!tpu.dma_semaphore, #tpu.memory_space<semaphore_mem>>)
    %dma_wait3A_950 = arith.constant 14 : i32
    %dma_wait3A_951 = arith.constant 0 : i32
    %dma_wait3A_952 = tpu.memref_slice %arg7[%dma_wait3A_950, %dma_wait3A_951] : memref<16x32xi32, #tpu.memory_space<vmem>> -> memref<1x32xi32, #tpu.memory_space<vmem>>
    %dma_wait3A_953 = tpu.memref_squeeze %dma_wait3A_952 : memref<1x32xi32, #tpu.memory_space<vmem>> -> memref<32xi32, #tpu.memory_space<vmem>>
    %dma_wait3A_954 = arith.constant 0 : i32
    %dma_wait3A_955 = arith.constant 0 : i32
    %dma_wait3A_956 = tpu.memref_slice %arg2[%dma_wait3A_954, %dma_wait3A_955] : memref<100000x512xf32, #tpu.memory_space<hbm>> -> memref<100000x512xf32, #tpu.memory_space<hbm>>
    tpu.wait_indirect_dma semaphore(%arg14 : memref<!tpu.dma_semaphore, #tpu.memory_space<semaphore_mem>>) src(%dma_wait3A_956 : memref<100000x512xf32, #tpu.memory_space<hbm>>) dst(%arg9 : memref<32x512xf32, #tpu.memory_space<vmem>>)
    %dma_wait3A_957 = arith.constant 14 : i32
    %dma_wait3A_958 = arith.constant 0 : i32
    %dma_wait3A_959 = tpu.memref_slice %arg8[%dma_wait3A_957, %dma_wait3A_958] : memref<16x32xi32, #tpu.memory_space<vmem>> -> memref<1x32xi32, #tpu.memory_space<vmem>>
    %dma_wait3A_960 = tpu.memref_squeeze %dma_wait3A_959 : memref<1x32xi32, #tpu.memory_space<vmem>> -> memref<32xi32, #tpu.memory_space<vmem>>
    %dma_wait3A_961 = arith.constant 0 : i32
    %dma_wait3A_962 = arith.constant 0 : i32
    %dma_wait3A_963 = tpu.memref_slice %arg3[%dma_wait3A_961, %dma_wait3A_962] : memref<16384x512xf32, #tpu.memory_space<hbm>> -> memref<16384x512xf32, #tpu.memory_space<hbm>>
    tpu.wait_indirect_dma semaphore(%arg15 : memref<!tpu.dma_semaphore, #tpu.memory_space<semaphore_mem>>) src(%dma_wait3A_963 : memref<16384x512xf32, #tpu.memory_space<hbm>>) dst(%arg10 : memref<32x512xf32, #tpu.memory_space<vmem>>)
    %scan3A_964 = arith.constant 0 : i32
    %scan3A_965 = arith.constant 1024 : i32
    %scan3A_966 = arith.addi %scan3A_964, %scan3A_965 : i32
    %scan3A_967 = arith.constant 1 : i32
    scf.for %scan3A_1008 = %scan3A_964 to %scan3A_966 step %scan3A_967  : i32 {
      %mul3A_1009 = arith.constant 1 : i32
      %mul3A_1010 = arith.muli %scan3A_1008, %mul3A_1009 : i32
      %add3A_1011 = arith.constant 0 : i32
      %add3A_1012 = arith.addi %add3A_1011, %mul3A_1010 : i32
      %jit3A = arith.constant 32 : i32
      %div3A = arith.divsi %add3A_1012, %jit3A : i32
      %sign3A = arith.constant 0 : i32
      %sign3A_1013 = arith.cmpi sgt, %add3A_1012, %sign3A : i32
      %sign3A_1014 = arith.extui %sign3A_1013 : i1 to i32
      %sign3A_1015 = arith.constant 0 : i32
      %sign3A_1016 = arith.cmpi slt, %add3A_1012, %sign3A_1015 : i32
      %sign3A_1017 = arith.extui %sign3A_1016 : i1 to i32
      %sign3A_1018 = arith.subi %sign3A_1014, %sign3A_1017 : i32
      %sign3A_1019 = arith.constant 0 : i32
      %sign3A_1020 = arith.cmpi sgt, %jit3A, %sign3A_1019 : i32
      %sign3A_1021 = arith.extui %sign3A_1020 : i1 to i32
      %sign3A_1022 = arith.constant 0 : i32
      %sign3A_1023 = arith.cmpi slt, %jit3A, %sign3A_1022 : i32
      %sign3A_1024 = arith.extui %sign3A_1023 : i1 to i32
      %sign3A_1025 = arith.subi %sign3A_1021, %sign3A_1024 : i32
      %ne3A = arith.cmpi ne, %sign3A_1018, %sign3A_1025 : i32
      %rem3A = arith.remsi %add3A_1012, %jit3A : i32
      %ne3A_1026 = arith.constant 0 : i32
      %ne3A_1027 = arith.cmpi ne, %rem3A, %ne3A_1026 : i32
      %and3A = arith.andi %ne3A, %ne3A_1027 : i1
      %sub3A = arith.constant 1 : i32
      %sub3A_1028 = arith.subi %div3A, %sub3A : i32
      %select_n3A = arith.select %and3A, %sub3A_1028, %div3A : i32
      %jit3A_1029 = arith.constant 32 : i32
      %eq3A = arith.constant 0 : i32
      %eq3A_1030 = arith.cmpi eq, %jit3A_1029, %eq3A : i32
      %jit3A_1031 = arith.constant 1 : i32
      %select_n3A_1032 = arith.select %eq3A_1030, %jit3A_1031, %jit3A_1029 : i32
      %rem3A_1033 = arith.remsi %add3A_1012, %select_n3A_1032 : i32
      %ne3A_1034 = arith.constant 0 : i32
      %ne3A_1035 = arith.cmpi ne, %rem3A_1033, %ne3A_1034 : i32
      %lt3A = arith.constant 0 : i32
      %lt3A_1036 = arith.cmpi slt, %rem3A_1033, %lt3A : i32
      %lt3A_1037 = arith.constant 0 : i32
      %lt3A_1038 = arith.cmpi slt, %select_n3A_1032, %lt3A_1037 : i32
      %ne3A_1039 = arith.xori %lt3A_1036, %lt3A_1038 : i1
      %and3A_1040 = arith.andi %ne3A_1039, %ne3A_1035 : i1
      %add3A_1041 = arith.addi %rem3A_1033, %select_n3A_1032 : i32
      %select_n3A_1042 = arith.select %and3A_1040, %add3A_1041, %rem3A_1033 : i32
      %mul3A_1043 = arith.constant 16 : i32
      %mul3A_1044 = arith.muli %select_n3A_1042, %mul3A_1043 : i32
      %get3A = arith.index_cast %select_n3A : i32 to index
      %get3A_1045 = arith.index_cast %mul3A_1044 : i32 to index
      %get3A_1046 = tpu.vector_load %arg9[%get3A, %get3A_1045] {strides = array<i32>} : memref<32x512xf32, #tpu.memory_space<vmem>>, vector<1x16xf32>,
      %get3A_1047 = vector.shape_cast %get3A_1046 : vector<1x16xf32> to vector<16xf32>
      %get3A_1048 = arith.index_cast %select_n3A : i32 to index
      %get3A_1049 = arith.index_cast %mul3A_1044 : i32 to index
      %get3A_1050 = tpu.vector_load %arg10[%get3A_1048, %get3A_1049] {strides = array<i32>} : memref<32x512xf32, #tpu.memory_space<vmem>>, vector<1x16xf32>,
      %get3A_1051 = vector.shape_cast %get3A_1050 : vector<1x16xf32> to vector<16xf32>
      %mul3A_1052 = arith.constant 0.899999976 : f32
      %mul3A_1053 = vector.broadcast %mul3A_1052 : f32 to vector<16xf32>
      %mul3A_1054 = arith.mulf %get3A_1047, %mul3A_1053 : vector<16xf32>
      %mul3A_1055 = arith.constant 1.000000e-01 : f32
      %mul3A_1056 = vector.broadcast %mul3A_1055 : f32 to vector<16xf32>
      %mul3A_1057 = arith.mulf %get3A_1051, %mul3A_1056 : vector<16xf32>
      %add3A_1058 = arith.addf %mul3A_1054, %mul3A_1057 : vector<16xf32>
      %swap3A = arith.index_cast %select_n3A : i32 to index
      %swap3A_1059 = arith.index_cast %mul3A_1044 : i32 to index
      %swap3A_1060 = tpu.vector_load %arg9[%swap3A, %swap3A_1059] {strides = array<i32>} : memref<32x512xf32, #tpu.memory_space<vmem>>, vector<1x16xf32>,
      %swap3A_1061 = vector.shape_cast %swap3A_1060 : vector<1x16xf32> to vector<16xf32>
      %swap3A_1062 = vector.shape_cast %add3A_1058 : vector<16xf32> to vector<1x16xf32>
      tpu.vector_store %arg9[%swap3A, %swap3A_1059], %swap3A_1062 {strides = array<i32>} : memref<32x512xf32, #tpu.memory_space<vmem>>, vector<1x16xf32>,
    }
    %scan3A_968 = arith.constant 1024 : i32
    %add3A_969 = arith.constant 448 : i32
    %add3A_970 = arith.addi %mul3A_2, %add3A_969 : i32
    %dma_start3A_971 = arith.constant 0 : i32
    %dma_start3A_972 = tpu.memref_slice %arg6[%add3A_970, %dma_start3A_971] : memref<16384x512xf32, #tpu.memory_space<hbm>> -> memref<32x512xf32, #tpu.memory_space<hbm>>
    %dma_start3A_973 = arith.constant 0 : i32
    %dma_start3A_974 = tpu.memref_slice %arg6[%add3A_970, %dma_start3A_973] : memref<16384x512xf32, #tpu.memory_space<hbm>> -> memref<32x512xf32, #tpu.memory_space<hbm>>
    tpu.enqueue_dma source(%arg9 : memref<32x512xf32, #tpu.memory_space<vmem>>) target(%dma_start3A_974 : memref<32x512xf32, #tpu.memory_space<hbm>>) target_semaphore(%arg16 : memref<!tpu.dma_semaphore, #tpu.memory_space<semaphore_mem>>)
    %dma_wait3A_975 = arith.constant 0 : i32
    %dma_wait3A_976 = tpu.memref_slice %arg6[%add3A_970, %dma_wait3A_975] : memref<16384x512xf32, #tpu.memory_space<hbm>> -> memref<32x512xf32, #tpu.memory_space<hbm>>
    %dma_wait3A_977 = arith.constant 0 : i32
    %dma_wait3A_978 = tpu.memref_slice %arg6[%add3A_970, %dma_wait3A_977] : memref<16384x512xf32, #tpu.memory_space<hbm>> -> memref<32x512xf32, #tpu.memory_space<hbm>>
    tpu.wait_dma2 semaphore(%arg16 : memref<!tpu.dma_semaphore, #tpu.memory_space<semaphore_mem>>) src(%arg9 : memref<32x512xf32, #tpu.memory_space<vmem>>) dst(%dma_wait3A_978 : memref<32x512xf32, #tpu.memory_space<hbm>>)
    %dma_wait3A_979 = arith.constant 15 : i32
    %dma_wait3A_980 = arith.constant 0 : i32
    %dma_wait3A_981 = tpu.memref_slice %arg7[%dma_wait3A_979, %dma_wait3A_980] : memref<16x32xi32, #tpu.memory_space<vmem>> -> memref<1x32xi32, #tpu.memory_space<vmem>>
    %dma_wait3A_982 = tpu.memref_squeeze %dma_wait3A_981 : memref<1x32xi32, #tpu.memory_space<vmem>> -> memref<32xi32, #tpu.memory_space<vmem>>
    %dma_wait3A_983 = arith.constant 0 : i32
    %dma_wait3A_984 = arith.constant 0 : i32
    %dma_wait3A_985 = tpu.memref_slice %arg2[%dma_wait3A_983, %dma_wait3A_984] : memref<100000x512xf32, #tpu.memory_space<hbm>> -> memref<100000x512xf32, #tpu.memory_space<hbm>>
    tpu.wait_indirect_dma semaphore(%arg17 : memref<!tpu.dma_semaphore, #tpu.memory_space<semaphore_mem>>) src(%dma_wait3A_985 : memref<100000x512xf32, #tpu.memory_space<hbm>>) dst(%arg11 : memref<32x512xf32, #tpu.memory_space<vmem>>)
    %dma_wait3A_986 = arith.constant 15 : i32
    %dma_wait3A_987 = arith.constant 0 : i32
    %dma_wait3A_988 = tpu.memref_slice %arg8[%dma_wait3A_986, %dma_wait3A_987] : memref<16x32xi32, #tpu.memory_space<vmem>> -> memref<1x32xi32, #tpu.memory_space<vmem>>
    %dma_wait3A_989 = tpu.memref_squeeze %dma_wait3A_988 : memref<1x32xi32, #tpu.memory_space<vmem>> -> memref<32xi32, #tpu.memory_space<vmem>>
    %dma_wait3A_990 = arith.constant 0 : i32
    %dma_wait3A_991 = arith.constant 0 : i32
    %dma_wait3A_992 = tpu.memref_slice %arg3[%dma_wait3A_990, %dma_wait3A_991] : memref<16384x512xf32, #tpu.memory_space<hbm>> -> memref<16384x512xf32, #tpu.memory_space<hbm>>
    tpu.wait_indirect_dma semaphore(%arg18 : memref<!tpu.dma_semaphore, #tpu.memory_space<semaphore_mem>>) src(%dma_wait3A_992 : memref<16384x512xf32, #tpu.memory_space<hbm>>) dst(%arg12 : memref<32x512xf32, #tpu.memory_space<vmem>>)
    %scan3A_993 = arith.constant 0 : i32
    %scan3A_994 = arith.constant 1024 : i32
    %scan3A_995 = arith.addi %scan3A_993, %scan3A_994 : i32
    %scan3A_996 = arith.constant 1 : i32
    scf.for %scan3A_1008 = %scan3A_993 to %scan3A_995 step %scan3A_996  : i32 {
      %mul3A_1009 = arith.constant 1 : i32
      %mul3A_1010 = arith.muli %scan3A_1008, %mul3A_1009 : i32
      %add3A_1011 = arith.constant 0 : i32
      %add3A_1012 = arith.addi %add3A_1011, %mul3A_1010 : i32
      %jit3A = arith.constant 32 : i32
      %div3A = arith.divsi %add3A_1012, %jit3A : i32
      %sign3A = arith.constant 0 : i32
      %sign3A_1013 = arith.cmpi sgt, %add3A_1012, %sign3A : i32
      %sign3A_1014 = arith.extui %sign3A_1013 : i1 to i32
      %sign3A_1015 = arith.constant 0 : i32
      %sign3A_1016 = arith.cmpi slt, %add3A_1012, %sign3A_1015 : i32
      %sign3A_1017 = arith.extui %sign3A_1016 : i1 to i32
      %sign3A_1018 = arith.subi %sign3A_1014, %sign3A_1017 : i32
      %sign3A_1019 = arith.constant 0 : i32
      %sign3A_1020 = arith.cmpi sgt, %jit3A, %sign3A_1019 : i32
      %sign3A_1021 = arith.extui %sign3A_1020 : i1 to i32
      %sign3A_1022 = arith.constant 0 : i32
      %sign3A_1023 = arith.cmpi slt, %jit3A, %sign3A_1022 : i32
      %sign3A_1024 = arith.extui %sign3A_1023 : i1 to i32
      %sign3A_1025 = arith.subi %sign3A_1021, %sign3A_1024 : i32
      %ne3A = arith.cmpi ne, %sign3A_1018, %sign3A_1025 : i32
      %rem3A = arith.remsi %add3A_1012, %jit3A : i32
      %ne3A_1026 = arith.constant 0 : i32
      %ne3A_1027 = arith.cmpi ne, %rem3A, %ne3A_1026 : i32
      %and3A = arith.andi %ne3A, %ne3A_1027 : i1
      %sub3A = arith.constant 1 : i32
      %sub3A_1028 = arith.subi %div3A, %sub3A : i32
      %select_n3A = arith.select %and3A, %sub3A_1028, %div3A : i32
      %jit3A_1029 = arith.constant 32 : i32
      %eq3A = arith.constant 0 : i32
      %eq3A_1030 = arith.cmpi eq, %jit3A_1029, %eq3A : i32
      %jit3A_1031 = arith.constant 1 : i32
      %select_n3A_1032 = arith.select %eq3A_1030, %jit3A_1031, %jit3A_1029 : i32
      %rem3A_1033 = arith.remsi %add3A_1012, %select_n3A_1032 : i32
      %ne3A_1034 = arith.constant 0 : i32
      %ne3A_1035 = arith.cmpi ne, %rem3A_1033, %ne3A_1034 : i32
      %lt3A = arith.constant 0 : i32
      %lt3A_1036 = arith.cmpi slt, %rem3A_1033, %lt3A : i32
      %lt3A_1037 = arith.constant 0 : i32
      %lt3A_1038 = arith.cmpi slt, %select_n3A_1032, %lt3A_1037 : i32
      %ne3A_1039 = arith.xori %lt3A_1036, %lt3A_1038 : i1
      %and3A_1040 = arith.andi %ne3A_1039, %ne3A_1035 : i1
      %add3A_1041 = arith.addi %rem3A_1033, %select_n3A_1032 : i32
      %select_n3A_1042 = arith.select %and3A_1040, %add3A_1041, %rem3A_1033 : i32
      %mul3A_1043 = arith.constant 16 : i32
      %mul3A_1044 = arith.muli %select_n3A_1042, %mul3A_1043 : i32
      %get3A = arith.index_cast %select_n3A : i32 to index
      %get3A_1045 = arith.index_cast %mul3A_1044 : i32 to index
      %get3A_1046 = tpu.vector_load %arg11[%get3A, %get3A_1045] {strides = array<i32>} : memref<32x512xf32, #tpu.memory_space<vmem>>, vector<1x16xf32>,
      %get3A_1047 = vector.shape_cast %get3A_1046 : vector<1x16xf32> to vector<16xf32>
      %get3A_1048 = arith.index_cast %select_n3A : i32 to index
      %get3A_1049 = arith.index_cast %mul3A_1044 : i32 to index
      %get3A_1050 = tpu.vector_load %arg12[%get3A_1048, %get3A_1049] {strides = array<i32>} : memref<32x512xf32, #tpu.memory_space<vmem>>, vector<1x16xf32>,
      %get3A_1051 = vector.shape_cast %get3A_1050 : vector<1x16xf32> to vector<16xf32>
      %mul3A_1052 = arith.constant 0.899999976 : f32
      %mul3A_1053 = vector.broadcast %mul3A_1052 : f32 to vector<16xf32>
      %mul3A_1054 = arith.mulf %get3A_1047, %mul3A_1053 : vector<16xf32>
      %mul3A_1055 = arith.constant 1.000000e-01 : f32
      %mul3A_1056 = vector.broadcast %mul3A_1055 : f32 to vector<16xf32>
      %mul3A_1057 = arith.mulf %get3A_1051, %mul3A_1056 : vector<16xf32>
      %add3A_1058 = arith.addf %mul3A_1054, %mul3A_1057 : vector<16xf32>
      %swap3A = arith.index_cast %select_n3A : i32 to index
      %swap3A_1059 = arith.index_cast %mul3A_1044 : i32 to index
      %swap3A_1060 = tpu.vector_load %arg11[%swap3A, %swap3A_1059] {strides = array<i32>} : memref<32x512xf32, #tpu.memory_space<vmem>>, vector<1x16xf32>,
      %swap3A_1061 = vector.shape_cast %swap3A_1060 : vector<1x16xf32> to vector<16xf32>
      %swap3A_1062 = vector.shape_cast %add3A_1058 : vector<16xf32> to vector<1x16xf32>
      tpu.vector_store %arg11[%swap3A, %swap3A_1059], %swap3A_1062 {strides = array<i32>} : memref<32x512xf32, #tpu.memory_space<vmem>>, vector<1x16xf32>,
    }
    %scan3A_997 = arith.constant 1024 : i32
    %add3A_998 = arith.constant 480 : i32
    %add3A_999 = arith.addi %mul3A_2, %add3A_998 : i32
    %dma_start3A_1000 = arith.constant 0 : i32
    %dma_start3A_1001 = tpu.memref_slice %arg6[%add3A_999, %dma_start3A_1000] : memref<16384x512xf32, #tpu.memory_space<hbm>> -> memref<32x512xf32, #tpu.memory_space<hbm>>
    %dma_start3A_1002 = arith.constant 0 : i32
    %dma_start3A_1003 = tpu.memref_slice %arg6[%add3A_999, %dma_start3A_1002] : memref<16384x512xf32, #tpu.memory_space<hbm>> -> memref<32x512xf32, #tpu.memory_space<hbm>>
    tpu.enqueue_dma source(%arg11 : memref<32x512xf32, #tpu.memory_space<vmem>>) target(%dma_start3A_1003 : memref<32x512xf32, #tpu.memory_space<hbm>>) target_semaphore(%arg19 : memref<!tpu.dma_semaphore, #tpu.memory_space<semaphore_mem>>)
    %dma_wait3A_1004 = arith.constant 0 : i32
    %dma_wait3A_1005 = tpu.memref_slice %arg6[%add3A_999, %dma_wait3A_1004] : memref<16384x512xf32, #tpu.memory_space<hbm>> -> memref<32x512xf32, #tpu.memory_space<hbm>>
    %dma_wait3A_1006 = arith.constant 0 : i32
    %dma_wait3A_1007 = tpu.memref_slice %arg6[%add3A_999, %dma_wait3A_1006] : memref<16384x512xf32, #tpu.memory_space<hbm>> -> memref<32x512xf32, #tpu.memory_space<hbm>>
    tpu.wait_dma2 semaphore(%arg19 : memref<!tpu.dma_semaphore, #tpu.memory_space<semaphore_mem>>) src(%arg11 : memref<32x512xf32, #tpu.memory_space<vmem>>) dst(%dma_wait3A_1007 : memref<32x512xf32, #tpu.memory_space<hbm>>)
    return
  }
}

</mosaic_0001>

<sc_bundles>
// kernel: kernel.11.cloned.1.call-start
scs
__scs_entry_jumppad:
0x0: {  	(pc) =	sbr.rel $0x88, $3  }
0x1: {  	(tag) =	ssettag $0x0;
	lr =	simm.s32 $0x1  }
0x2: {  	[smem:$0x3F9E] =	sst lr;
	_ =	strace $0xD0000000  }
0x3: {  	_ = 	snop  }
0x4: {  	_ = 	snop  }
0x5: {  	_ = 	snop  }
0x6: {  	_ = 	snop  }
0x7: {  	_ = 	snop  }
__scs_overlays_trampoline_lowered:
0x8: {  	[smem:$0x3FAD] =	sst s0  }
0x9: {  	[smem:$0x3FAE] =	sst s1  }
0xa: {  	[smem:$0x3FAF] =	sst s2  }
0xb: {  	[smem:$0x3FB0] =	sst s3  }
0xc: {  	[smem:$0x3FB1] =	sst s4  }
0xd: {  	[smem:$0x3FB2] =	sst s5  }
0xe: {  	[smem:$0x3FB3] =	sst s6  }
0xf: {  	[smem:$0x3FB4] =	sst s7  }
0x10: {  	[smem:$0x3FB5] =	sst s8  }
0x11: {  	[smem:$0x3FB6] =	sst s9;
	s0 =	simm.s32 @!p0 $0x0  }
0x12: {  	s1 =	sld [smem:$0x3F9C];
	s0 =	simm.s32 @p0 $0x1  }
0x13: {  	[smem:$0x3FB7] =	sst s0;
	s0 =	simm.s32 @!p1 $0x0  }
0x14: {  	s2 =	sld [smem:$0x3F9B];
	s0 =	simm.s32 @p1 $0x1  }
0x15: {  	[smem:$0x3FB8] =	sst s0;
	s0 =	simm.s32 @!p2 $0x0  }
0x16: {  	s3 =	sld [smem:$0x3FDB];
	s0 =	simm.s32 @p2 $0x1  }
0x17: {  	s4 =	simm.s32 $0x1BF5;
	[smem:$0x3FBA] =	sst s0  }
0x18: {  	s0 =	sld [smem:$0x3F9D];
	_ =	swait.ge [sflag:s4], $0x0  }
0x19: {  	s7 =	sld [smem:$0x3F9E]  }
0x1a: {  	s8 =	sadd.s32 $0xFFFFE003, lr  }
0x1b: {  	s9 =	sadd.s32 $0xFFFFFEF7, lr;
	s5 =	simm.s32 $0xFFFFFFFF;
	p2 =	slt.u32 s8, $0xFFFFF086  }
0x1c: {  	p1 =	slt.u32 s9, $0xF7A;
	s5 =	simm.s32 @!p2 $0x0  }
0x1d: {  	s5 =	simm.s32 @p1 $0x1;
	p0 =	seq.s32 s7, s2  }
0x1e: {  	s7 =	smul.u32 @!p0 $0xF7A, s2;
	p2 =	seq.s32 @!p0 s5, $0x0  }
0x1f: {  	s9 =	smul.u32 $0xF7A, s1;
	s8 =	simm.s32 @!p0 $0x1BF5;
	p2 =	por !p2, p0  }
0x20: {  	[sflag:s8] =	ssyncset.s32 @!p0 $0xFFFFF086;
	s6 =	sadd.s32 @!p0 s3, s7;
	s7 =	simm.s32 @!p0 $0x108  }
0x21: {  	s3 =	sadd.s32 s3, s9;
	s6 =	sadd.s32 @!p0 $0x88, s6;
	s7 =	simm.s32 @p2 $0x1082  }
0x22: {  	[simem:s7], [sflag:s8] =	dma.local @!p0 [hbm:s6], $0xF7A  }
0x23: {  	s9 =	sor.u32 $0xD0000000, s2;
	s6 =	simm.s32 $0x108;
	_ =	swait.ge @!p0 [sflag:s8], $0x0  }
0x24: {  	s3 =	sadd.s32 $0x88, s3;
	s6 =	simm.s32 @!p1 $0x1082;
	[sflag:s4] =	ssyncset.s32 $0xFFFFF086  }
0x25: {  	[simem:s6], [sflag:s4] =	dma.local [hbm:s3], $0xF7A  }
0x26: {  	[smem:$0x3F9E] =	sst s1;
	(tag) =	ssettag s2;
	_ =	strace s9  }
0x27: {  	s1 =	sld [smem:$0x3FAE]  }
0x28: {  	s2 =	sld [smem:$0x3FAF]  }
0x29: {  	s4 =	sld [smem:$0x3FB1]  }
0x2a: {  	p0 =	seq.s32 s5, $0x0;
	s5 =	sld [smem:$0x3FB2]  }
0x2b: {  	s6 =	sld [smem:$0x3FB3]  }
0x2c: {  	s7 =	sld [smem:$0x3FB4]  }
0x2d: {  	s3 =	simm.s32 $0x108;
	s8 =	sld [smem:$0x3FB5]  }
0x2e: {  	s3 =	simm.s32 @!p0 $0x1082;
	s9 =	sld [smem:$0x3FB6]  }
0x2f: {  	lr =	sadd.s32 s0, s3;
	s0 =	sld [smem:$0x3FAD]  }
0x30: {  	s3 =	sld [smem:$0x3FB0]  }
0x31: {  	[smem:$0x3FB9] =	sst s10  }
0x32: {  	s10 =	sld [smem:$0x3FB7];
	_ =	sdelay $0x3  }
0x33: {  	p0 =	seq.s32 s10, $0x1;
	s10 =	sld [smem:$0x3FB9];
	_ =	sdelay $0x3  }
0x34: {  	[smem:$0x3FB9] =	sst s10  }
0x35: {  	s10 =	sld [smem:$0x3FB8];
	_ =	sdelay $0x3  }
0x36: {  	p1 =	seq.s32 s10, $0x1;
	s10 =	sld [smem:$0x3FB9];
	_ =	sdelay $0x3  }
0x37: {  	[smem:$0x3FB9] =	sst s10  }
0x38: {  	s10 =	sld [smem:$0x3FBA]  }
0x39: {  	_ = 	snop;
	(pc) =	sbr.ind lr, $3  }
0x3a: {  	_ = 	snop  }
0x3b: {  	_ = 	snop  }
0x3c: {  	p2 =	seq.s32 s10, $0x1;
	s10 =	sld [smem:$0x3FB9]  }
0x3d: {  	_ =	shalt  }
0x3e: {  	_ =	shalt  }
0x3f: {  	_ =	shalt  }
0x40: {  	_ =	shalt  }
0x41: {  	_ =	shalt  }
0x42: {  	_ =	shalt  }
0x43: {  	_ =	shalt  }
0x44: {  	_ =	shalt  }
0x45: {  	_ =	shalt  }
0x46: {  	_ =	shalt  }
0x47: {  	_ =	shalt  }
0x48: {  	_ =	shalt  }
0x49: {  	_ =	shalt  }
0x4a: {  	_ =	shalt  }
0x4b: {  	_ =	shalt  }
0x4c: {  	_ =	shalt  }
0x4d: {  	_ =	shalt  }
0x4e: {  	_ =	shalt  }
0x4f: {  	_ =	shalt  }
0x50: {  	_ =	shalt  }
0x51: {  	_ =	shalt  }
0x52: {  	_ =	shalt  }
0x53: {  	_ =	shalt  }
0x54: {  	_ =	shalt  }
0x55: {  	_ =	shalt  }
0x56: {  	_ =	shalt  }
0x57: {  	_ =	shalt  }
0x58: {  	_ =	shalt  }
0x59: {  	_ =	shalt  }
0x5a: {  	_ =	shalt  }
0x5b: {  	_ =	shalt  }
0x5c: {  	_ =	shalt  }
0x5d: {  	_ =	shalt  }
0x5e: {  	_ =	shalt  }
0x5f: {  	_ =	shalt  }
0x60: {  	_ =	shalt  }
0x61: {  	_ =	shalt  }
0x62: {  	_ =	shalt  }
0x63: {  	_ =	shalt  }
0x64: {  	_ =	shalt  }
0x65: {  	_ =	shalt  }
0x66: {  	_ =	shalt  }
0x67: {  	_ =	shalt  }
0x68: {  	_ =	shalt  }
0x69: {  	_ =	shalt  }
0x6a: {  	_ =	shalt  }
0x6b: {  	_ =	shalt  }
0x6c: {  	_ =	shalt  }
0x6d: {  	_ =	shalt  }
0x6e: {  	_ =	shalt  }
0x6f: {  	_ =	shalt  }
0x70: {  	_ =	shalt  }
0x71: {  	_ =	shalt  }
0x72: {  	_ =	shalt  }
0x73: {  	_ =	shalt  }
0x74: {  	_ =	shalt  }
0x75: {  	_ =	shalt  }
0x76: {  	_ =	shalt  }
0x77: {  	_ =	shalt  }
0x78: {  	_ =	shalt  }
0x79: {  	_ =	shalt  }
0x7a: {  	_ =	shalt  }
0x7b: {  	_ =	shalt  }
0x7c: {  	_ =	shalt  }
0x7d: {  	_ =	shalt  }
0x7e: {  	_ =	shalt  }
0x7f: {  	_ =	shalt  }
0x80: {  	_ =	shalt  }
0x81: {  	_ =	shalt  }
0x82: {  	_ =	shalt  }
0x83: {  	_ =	shalt  }
0x84: {  	_ =	shalt  }
0x85: {  	_ =	shalt  }
0x86: {  	_ =	shalt  }
0x87: {  	_ =	shalt  }
.Lfunc_end0:
.L_simem_size_0:
called_computation.2_lowered:
.L_overlay_start_0:
0x88: {  	s2 =	sld [smem:$0x3FD9]  }
0x89: {  	s3 =	sld [smem:$0x3FFE];
	_ =	sdelay $0x1  }
0x8a: {  	s1 =	srdreg.scid  }
0x8b: {  	s0 =	sand.u32 $0x1, s1  }
0x8c: {  	s16 =	sshll.u32 s0, $0xA;
	s2 =	sadd.s32 s3, s2  }
0x8d: {  	s2 =	sadd.s32 s2, s16  }
0x8e: {  	[smem:$0x3FC5] =	sst s2  }
0x8f: {  	_ = 	snop  }
0x90: {  	(tm) =	ssettm $0x1  }
0x91: {  	s17 =	sld [smem:$0x3FFB];
	_ =	sdelay $0x3  }
0x92: {  	_ =	strace s17  }
0x93: {  	s2 =	sld [smem:$0x3FFC];
	_ =	sdelay $0x3  }
0x94: {  	_ =	strace s2  }
0x95: {  	s2 =	sld [smem:$0x3FFD];
	_ =	sdelay $0x3  }
0x96: {  	_ =	strace s2  }
0x97: {  	_ =	strace $0x8FFFFFFF  }
0x98: {  	s18 =	sld [smem:$0x3FDB];
	_ =	sdelay $0x1  }
0x99: {  	s19 =	simm.s32 $_scs_section_size  }
0x9a: {  	s4 =	simm.s32 $_size__tile_overlayer_lowered;
	s5 =	simm.s32 $_tile_overlayer_lowered  }
0x9b: {  	s22 =	simm.s32 $0x1BFF;
	s21 =	sshll.u32 s5, $0x1;
	s2 =	sadd.s32 s19, s18  }
0x9c: {  	s6 =	simm.s32 $0x0;
	s20 =	sshll.u32 s4, $0x1;
	s4 =	sadd.s32 s21, s2  }
0x9d: {  	[timem:s6], [sflag:s22] =	dma.local [hbm:s4], s20  }
0x9e: {  	_ =	swait.ge [sflag:s22], s20  }
0x9f: {  	s3 =	ssub.s32 $0x0, s20;
	[sflag:s22] =	ssyncset.done $0x0  }
0xa0: {  	[sflag:s22] =	ssyncadd.s32 s3;
	_ =	sdelay $0x1  }
0xa1: {  	s23 =	simm.s32 $0x1B8B  }
0xa2: {  	_ =	swait.ge [sflag:s23], $0x1  }
0xa3: {  	[sflag:s23] =	ssyncset.done $0x0  }
0xa4: {  	s25 =	simm.s32 $0x1B8E;
	s24 =	sld [smem:$0x3FFE];
	[sflag:s23] =	ssyncadd.s32 $0xFFFFFFFF  }
0xa5: {  	s26 =	simm.s32 $execute0_lowered;
	[smem:$0x3FD2] =	sst s25  }
0xa6: {  	s4 =	sshll.u32 s26, $0x1;
	_ =	strace $0x8000004C;
	[dreg:$0x1] =	wrdreg $0xFFFFFFFF  }
0xa7: {  	s28 =	simm.s32 $_size_execute0_lowered;
	s2 =	sadd.s32 s2, s4;
	[dreg:$0x0] =	wrdreg $0x0  }
0xa8: {  	s4 =	sshll.u32 s28, $0x1;
	[dreg:$0x2] =	wrdreg s2  }
0xa9: {  	[dreg:$0x3] =	wrdreg s4  }
0xaa: {  	[dreg:$0x4] =	wrdreg $0xC0  }
0xab: {  	_ =	task [dreg:s6], $0x5FFFF  }
0xac: {  	[dreg:$0x1] =	wrdreg $0xFFFFFFFF  }
0xad: {  	[dreg:$0x0] =	wrdreg $0x60  }
0xae: {  	[dreg:$0x2] =	wrdreg s24  }
0xaf: {  	[dreg:$0x3] =	wrdreg $0x9  }
0xb0: {  	_ =	task.clear_ibuf [dreg:s6], $0x4FFFF;
	_ =	strace $0x9000004C  }
0xb1: {  	s29 =	simm.s32 $0x9;
	_ =	strace $0x8000004E  }
0xb2: {  	_ =	swait.ge [sflag:s29], $0x1  }
0xb3: {  	[sflag:s29] =	ssyncadd.s32 $0xFFFFFFFF  }
0xb4: {  	_ =	strace $0x9000004E  }
0xb5: {  	_ =	sfence  }
0xb6: {  	s30 =	sld [smem:$0x0];
	_ =	sdelay $0x2  }
0xb7: {  	s31 =	sshll.u32 s1, $0xD;
	s1 =	sshrl.u32 s1, $0x2  }
0xb8: {  	s3 =	sand.u32 $0x4000, s31;
	s1 =	sadd.s32 s1, s30  }
0xb9: {  	s0 =	sor.u32 s3, s0;
	s1 =	sshll.u32 s1, $0x11  }
0xba: {  	s0 =	sor.u32 s1, s0  }
0xbb: {  	s0 =	sadd.s32 $0x8F2B, s0  }
0xbc: {  	[sflag:s0] =	ssyncadd.remote.s32 $0x1  }
0xbd: {  	_ =	sfence.sel $0xFFFF  }
0xbe: {  	[dreg:$0x0] =	wrdreg $0xFFFFFFFF;
	(pc) =	sbr.abs _section_cstart, $3  }
0xbf: {  	[dreg:$0x1] =	wrdreg $0xFFFFFFFF  }
0xc0: {  	_ =	task.clear_ibuf [dreg:s6], $0x2FFFF;
	_ =	strace $0x9FFFFFFF  }
0xc1: {  	(tm) =	ssettm $0x7FFFFFFF  }
tec
execute0_lowered:
.L_overlay_start_1:
0x0: {  	(tag) =	ssettag $0x1  }
0x1: {  	s1 =	srdreg.scid  }
0x2: {  	s0 =	stileid.u32;
	s4 =	rddreg [dreg:$0x0];
	s11 =	simm.s32 $0x5  }
0x3: {  	s12 =	simm.s32 $0x800;
	s1 =	sand.u32 $0x1, s1;
	s2 =	sshll.u32 s0, $0x1  }
0x4: {  	s13 =	simm.s32 $0x4800;
	s28 =	simm.s32 $0x6800;
	s3 =	sor.u32 s1, s2  }
0x5: {  	s29 =	simm.s32 $0x7000;
	s30 =	simm.s32 $0x7800;
	s5 =	sshll.u32 s3, $0x8  }
0x6: {  	s2 =	simm.s32 $0x0;
	s3 =	sshll.u32 s3, $0xF;
	s5 =	sadd.s32 s5, s4  }
0x7: {  	[smem:$0x7FF] =	sst s2;
	s9 =	sadd.s32 s3, s4;
	s14 =	sadd.s32 $0x4C00, s5  }
0x8: {  	_ =	strace $0x8000004D;
	s15 =	sadd.s32 $0x621400, s9;
	[dreg:$0x2] =	wrdreg s14  }
0x9: {  	s31 =	simm.s32 $0x8000;
	s16 =	sadd.s32 $0x621C00, s9;
	[dreg:$0x3] =	wrdreg s15  }
0xa: {  	s1 =	ssub.s32 $0x2, s1;
	s17 =	sadd.s32 $0x622400, s9;
	[dreg:$0x4] =	wrdreg s16  }
0xb: {  	s6 =	sshrl.u32 s1, $0x1;
	s18 =	sadd.s32 $0x622C00, s9;
	[dreg:$0x5] =	wrdreg s17  }
0xc: {  	s3 =	sadd.s32 $0x6C00, s4;
	s19 =	sadd.s32 $0x623400, s9;
	[dreg:$0x6] =	wrdreg s18  }
0xd: {  	s1 =	ssub.s32 s1, s6;
	s20 =	sadd.s32 $0x623C00, s9;
	[dreg:$0x7] =	wrdreg s19  }
0xe: {  	s4 =	sadd.s32 $0x6D00, s4;
	s21 =	sadd.s32 $0x624400, s9;
	[dreg:$0x8] =	wrdreg s20  }
0xf: {  	s22 =	sadd.s32 $0x624C00, s9;
	s23 =	sadd.s32 $0x625400, s9;
	[dreg:$0x9] =	wrdreg s21  }
0x10: {  	s24 =	sadd.s32 $0x625C00, s9;
	s25 =	sadd.s32 $0x626400, s9;
	[dreg:$0xa] =	wrdreg s22  }
0x11: {  	s26 =	sadd.s32 $0x626C00, s9;
	s6 =	sadd.s32 $0x627400, s9;
	[dreg:$0xb] =	wrdreg s23  }
0x12: {  	s7 =	sadd.s32 $0x627C00, s9;
	s8 =	sadd.s32 $0x628400, s9;
	[dreg:$0xc] =	wrdreg s24  }
0x13: {  	s9 =	sadd.s32 $0x628C00, s9;
	s10 =	smax.u32 s1, $0x1;
	[dreg:$0xe] =	wrdreg s26  }
0x14: {  	s1 =	simm.s32 $0x4;
	[dreg:$0xd] =	wrdreg s25;
	s14 =	simm.s32 $0x1  }
0x15: {  	s15 =	simm.s32 $0x1000;
	s16 =	simm.s32 $0x1800;
	s17 =	simm.s32 $0x2000  }
0x16: {  	v2 =	vlaneseq.u32;
	s18 =	simm.s32 $0x2800;
	s19 =	simm.s32 $0x3000;
	s20 =	simm.s32 $0x3800  }
0x17: {  	vm0 =	vmmov $0xffff;
	v1 =	vshrl.u32 v2, $0x3;
	s21 =	simm.s32 $0x4000;
	s22 =	simm.s32 $0x3;
	s23 =	simm.s32 $0x2  }
0x18: {  	v0 =	vand.u32 $0x7, v2;
	v2 =	vor.u32 $0x8, v2;
	v1 =	vmul.u32 $0x8, v1;
	s24 =	simm.s32 $0x5000;
	s25 =	simm.s32 $0x5800;
	s26 =	simm.s32 $0x6000  }
.LBB2_1:
0x19: {  	s0 =	rddreg [dreg:$0x2]  }
0x1a: {  	[tilespmem:s2], [sflag:$0x5] =	stream.linear.gather [hbm4b:s0+s2], $0x800, $0x38;
	[tilespmem:$0x8800] =	vst v63  }
0x1b: {  	_ =	swait.ge [sflag:s11], $0x800  }
0x1c: {  	[sflag:s11] =	ssyncset.done $0x0  }
0x1d: {  	s0 =	rddreg [dreg:$0x3];
	[sflag:s11] =	ssyncadd.s32 $0xFFFFF800  }
0x1e: {  	[tilespmem:s12], [sflag:$0x1] =	stream.linear.gather [hbm4b:s0+s2], $0x4000, $0x38;
	[tilespmem:$0x8800] =	vst v63  }
0x1f: {  	s5 =	rddreg [dreg:$0x4]  }
0x20: {  	[tilespmem:s13], [sflag:$0x2] =	stream.linear.gather [hbm4b:s5+s2], $0x4000, $0x38;
	[tilespmem:$0x8800] =	vst v63  }
0x21: {  	_ =	swait.ge [sflag:s14], $0x4000  }
0x22: {  	[sflag:s14] =	ssyncset.done $0x0  }
0x23: {  	[sflag:s14] =	ssyncadd.s32 $0xFFFFC000  }
0x24: {  	v3 =	vld [tilespmem:$0x0];
	_ =	sdelay $0x4  }
0x25: {  	v4 =	vshll.u32 v3, $0x2  }
0x26: {  	v3 =	vand.u32 $0x7, v3;
	v4 =	vand.u32 $0xFFFFFFE0, v4  }
0x27: {  	v3 =	vor.u32 v3, v4  }
0x28: {  	v4 =	vperm.xlane v3, v0;
	_ =	sdelay $0x1  }
0x29: {  	v4 =	vadd.s32 v1, v4;
	_ =	sdelay $0x1  }
0x2a: {  	v3 =	vperm.xlane v3, v2;
	_ =	sdelay $0x1  }
0x2b: {  	v3 =	vadd.s32 v1, v3  }
0x2c: {  	[hbm4b:s3+s2] =	stream.indirect_vreg.scatter [tilespmem:s12], [sflag:$0x3], $0x80, v4, vm0, $0xb8;
	[tilespmem:$0x8800] =	vst v63  }
0x2d: {  	_ = 	snop  }
0x2e: {  	[hbm4b:s4+s2] =	stream.indirect_vreg.scatter [tilespmem:s15], [sflag:$0x3], $0x80, v4, vm0, $0xb8;
	[tilespmem:$0x8800] =	vst v63  }
0x2f: {  	_ = 	snop  }
0x30: {  	[hbm4b:s3+s2] =	stream.indirect_vreg.scatter [tilespmem:s16], [sflag:$0x3], $0x80, v3, vm0, $0xb8;
	[tilespmem:$0x8800] =	vst v63  }
0x31: {  	_ = 	snop  }
0x32: {  	[hbm4b:s4+s2] =	stream.indirect_vreg.scatter [tilespmem:s17], [sflag:$0x3], $0x80, v3, vm0, $0xb8;
	[tilespmem:$0x8800] =	vst v63  }
0x33: {  	v3 =	vld [tilespmem:$0x10];
	_ =	sdelay $0x4  }
0x34: {  	v33 =	vshll.u32 v3, $0x2  }
0x35: {  	v3 =	vand.u32 $0x7, v3;
	v4 =	vand.u32 $0xFFFFFFE0, v33  }
0x36: {  	v3 =	vor.u32 v3, v4  }
0x37: {  	v4 =	vperm.xlane v3, v0;
	_ =	sdelay $0x1  }
0x38: {  	v4 =	vadd.s32 v1, v4;
	_ =	sdelay $0x1  }
0x39: {  	v3 =	vperm.xlane v3, v2;
	_ =	sdelay $0x1  }
0x3a: {  	v3 =	vadd.s32 v1, v3  }
0x3b: {  	[hbm4b:s3+s2] =	stream.indirect_vreg.scatter [tilespmem:s18], [sflag:$0x3], $0x80, v4, vm0, $0xb8;
	[tilespmem:$0x8800] =	vst v63  }
0x3c: {  	_ = 	snop  }
0x3d: {  	[hbm4b:s4+s2] =	stream.indirect_vreg.scatter [tilespmem:s19], [sflag:$0x3], $0x80, v4, vm0, $0xb8;
	[tilespmem:$0x8800] =	vst v63  }
0x3e: {  	_ = 	snop  }
0x3f: {  	[hbm4b:s3+s2] =	stream.indirect_vreg.scatter [tilespmem:s20], [sflag:$0x3], $0x80, v3, vm0, $0xb8;
	[tilespmem:$0x8800] =	vst v63  }
0x40: {  	_ = 	snop  }
0x41: {  	[hbm4b:s4+s2] =	stream.indirect_vreg.scatter [tilespmem:s21], [sflag:$0x3], $0x80, v3, vm0, $0xb8;
	[tilespmem:$0x8800] =	vst v63  }
0x42: {  	_ =	swait.ge [sflag:s22], $0x4000  }
0x43: {  	[sflag:s22] =	ssyncset.done $0x0  }
0x44: {  	s5 =	rddreg [dreg:$0x5];
	[sflag:s22] =	ssyncadd.s32 $0xFFFFC000  }
0x45: {  	[tilespmem:s12], [sflag:$0x1] =	stream.linear.gather [hbm4b:s5+s2], $0x4000, $0x38;
	[tilespmem:$0x8800] =	vst v63  }
0x46: {  	_ =	swait.ge [sflag:s23], $0x4000  }
0x47: {  	[sflag:s23] =	ssyncset.done $0x0  }
0x48: {  	[sflag:s23] =	ssyncadd.s32 $0xFFFFC000  }
0x49: {  	v3 =	vld [tilespmem:$0x80];
	_ =	sdelay $0x4  }
0x4a: {  	v34 =	vshll.u32 v3, $0x2  }
0x4b: {  	v3 =	vand.u32 $0x7, v3;
	v4 =	vand.u32 $0xFFFFFFE0, v34  }
0x4c: {  	v3 =	vor.u32 v3, v4  }
0x4d: {  	v4 =	vperm.xlane v3, v0;
	_ =	sdelay $0x1  }
0x4e: {  	v4 =	vadd.s32 v1, v4;
	_ =	sdelay $0x1  }
0x4f: {  	v3 =	vperm.xlane v3, v2;
	_ =	sdelay $0x1  }
0x50: {  	v3 =	vadd.s32 v1, v3  }
0x51: {  	[hbm4b:s3+s2] =	stream.indirect_vreg.scatter [tilespmem:s13], [sflag:$0x4], $0x80, v4, vm0, $0xb8;
	[tilespmem:$0x8800] =	vst v63  }
0x52: {  	_ = 	snop  }
0x53: {  	[hbm4b:s4+s2] =	stream.indirect_vreg.scatter [tilespmem:s24], [sflag:$0x4], $0x80, v4, vm0, $0xb8;
	[tilespmem:$0x8800] =	vst v63  }
0x54: {  	_ = 	snop  }
0x55: {  	[hbm4b:s3+s2] =	stream.indirect_vreg.scatter [tilespmem:s25], [sflag:$0x4], $0x80, v3, vm0, $0xb8;
	[tilespmem:$0x8800] =	vst v63  }
0x56: {  	_ = 	snop  }
0x57: {  	[hbm4b:s4+s2] =	stream.indirect_vreg.scatter [tilespmem:s26], [sflag:$0x4], $0x80, v3, vm0, $0xb8;
	[tilespmem:$0x8800] =	vst v63  }
0x58: {  	v3 =	vld [tilespmem:$0x90];
	_ =	sdelay $0x4  }
0x59: {  	v35 =	vshll.u32 v3, $0x2  }
0x5a: {  	v3 =	vand.u32 $0x7, v3;
	v4 =	vand.u32 $0xFFFFFFE0, v35  }
0x5b: {  	v3 =	vor.u32 v3, v4  }
0x5c: {  	v4 =	vperm.xlane v3, v0;
	_ =	sdelay $0x1  }
0x5d: {  	v4 =	vadd.s32 v1, v4;
	_ =	sdelay $0x1  }
0x5e: {  	v3 =	vperm.xlane v3, v2;
	_ =	sdelay $0x1  }
0x5f: {  	v3 =	vadd.s32 v1, v3  }
0x60: {  	[hbm4b:s3+s2] =	stream.indirect_vreg.scatter [tilespmem:s28], [sflag:$0x4], $0x80, v4, vm0, $0xb8;
	[tilespmem:$0x8800] =	vst v63  }
0x61: {  	_ = 	snop  }
0x62: {  	[hbm4b:s4+s2] =	stream.indirect_vreg.scatter [tilespmem:s29], [sflag:$0x4], $0x80, v4, vm0, $0xb8;
	[tilespmem:$0x8800] =	vst v63  }
0x63: {  	_ = 	snop  }
0x64: {  	[hbm4b:s3+s2] =	stream.indirect_vreg.scatter [tilespmem:s30], [sflag:$0x4], $0x80, v3, vm0, $0xb8;
	[tilespmem:$0x8800] =	vst v63  }
0x65: {  	_ = 	snop  }
0x66: {  	[hbm4b:s4+s2] =	stream.indirect_vreg.scatter [tilespmem:s31], [sflag:$0x4], $0x80, v3, vm0, $0xb8;
	[tilespmem:$0x8800] =	vst v63  }
0x67: {  	_ =	swait.ge [sflag:s1], $0x4000  }
0x68: {  	[sflag:s1] =	ssyncset.done $0x0  }
0x69: {  	s5 =	rddreg [dreg:$0x6];
	[sflag:s1] =	ssyncadd.s32 $0xFFFFC000  }
0x6a: {  	[tilespmem:s13], [sflag:$0x2] =	stream.linear.gather [hbm4b:s5+s2], $0x4000, $0x38;
	[tilespmem:$0x8800] =	vst v63  }
0x6b: {  	_ =	swait.ge [sflag:s14], $0x4000  }
0x6c: {  	[sflag:s14] =	ssyncset.done $0x0  }
0x6d: {  	[sflag:s14] =	ssyncadd.s32 $0xFFFFC000  }
0x6e: {  	v3 =	vld [tilespmem:$0x100];
	_ =	sdelay $0x4  }
0x6f: {  	v36 =	vshll.u32 v3, $0x2  }
0x70: {  	v3 =	vand.u32 $0x7, v3;
	v4 =	vand.u32 $0xFFFFFFE0, v36  }
0x71: {  	v3 =	vor.u32 v3, v4  }
0x72: {  	v4 =	vperm.xlane v3, v0;
	_ =	sdelay $0x1  }
0x73: {  	v4 =	vadd.s32 v1, v4;
	_ =	sdelay $0x1  }
0x74: {  	v3 =	vperm.xlane v3, v2;
	_ =	sdelay $0x1  }
0x75: {  	v3 =	vadd.s32 v1, v3  }
0x76: {  	[hbm4b:s3+s2] =	stream.indirect_vreg.scatter [tilespmem:s12], [sflag:$0x3], $0x80, v4, vm0, $0xb8;
	[tilespmem:$0x8800] =	vst v63  }
0x77: {  	_ = 	snop  }
0x78: {  	[hbm4b:s4+s2] =	stream.indirect_vreg.scatter [tilespmem:s15], [sflag:$0x3], $0x80, v4, vm0, $0xb8;
	[tilespmem:$0x8800] =	vst v63  }
0x79: {  	_ = 	snop  }
0x7a: {  	[hbm4b:s3+s2] =	stream.indirect_vreg.scatter [tilespmem:s16], [sflag:$0x3], $0x80, v3, vm0, $0xb8;
	[tilespmem:$0x8800] =	vst v63  }
0x7b: {  	_ = 	snop  }
0x7c: {  	[hbm4b:s4+s2] =	stream.indirect_vreg.scatter [tilespmem:s17], [sflag:$0x3], $0x80, v3, vm0, $0xb8;
	[tilespmem:$0x8800] =	vst v63  }
0x7d: {  	v3 =	vld [tilespmem:$0x110];
	_ =	sdelay $0x4  }
0x7e: {  	v37 =	vshll.u32 v3, $0x2  }
0x7f: {  	v3 =	vand.u32 $0x7, v3;
	v4 =	vand.u32 $0xFFFFFFE0, v37  }
0x80: {  	v3 =	vor.u32 v3, v4  }
0x81: {  	v4 =	vperm.xlane v3, v0;
	_ =	sdelay $0x1  }
0x82: {  	v4 =	vadd.s32 v1, v4;
	_ =	sdelay $0x1  }
0x83: {  	v3 =	vperm.xlane v3, v2;
	_ =	sdelay $0x1  }
0x84: {  	v3 =	vadd.s32 v1, v3  }
0x85: {  	[hbm4b:s3+s2] =	stream.indirect_vreg.scatter [tilespmem:s18], [sflag:$0x3], $0x80, v4, vm0, $0xb8;
	[tilespmem:$0x8800] =	vst v63  }
0x86: {  	_ = 	snop  }
0x87: {  	[hbm4b:s4+s2] =	stream.indirect_vreg.scatter [tilespmem:s19], [sflag:$0x3], $0x80, v4, vm0, $0xb8;
	[tilespmem:$0x8800] =	vst v63  }
0x88: {  	_ = 	snop  }
0x89: {  	[hbm4b:s3+s2] =	stream.indirect_vreg.scatter [tilespmem:s20], [sflag:$0x3], $0x80, v3, vm0, $0xb8;
	[tilespmem:$0x8800] =	vst v63  }
0x8a: {  	_ = 	snop  }
0x8b: {  	[hbm4b:s4+s2] =	stream.indirect_vreg.scatter [tilespmem:s21], [sflag:$0x3], $0x80, v3, vm0, $0xb8;
	[tilespmem:$0x8800] =	vst v63  }
0x8c: {  	_ =	swait.ge [sflag:s22], $0x4000  }
0x8d: {  	[sflag:s22] =	ssyncset.done $0x0  }
0x8e: {  	s5 =	rddreg [dreg:$0x7];
	[sflag:s22] =	ssyncadd.s32 $0xFFFFC000  }
0x8f: {  	[tilespmem:s12], [sflag:$0x1] =	stream.linear.gather [hbm4b:s5+s2], $0x4000, $0x38;
	[tilespmem:$0x8800] =	vst v63  }
0x90: {  	_ =	swait.ge [sflag:s23], $0x4000  }
0x91: {  	[sflag:s23] =	ssyncset.done $0x0  }
0x92: {  	[sflag:s23] =	ssyncadd.s32 $0xFFFFC000  }
0x93: {  	v3 =	vld [tilespmem:$0x180];
	_ =	sdelay $0x4  }
0x94: {  	v38 =	vshll.u32 v3, $0x2  }
0x95: {  	v3 =	vand.u32 $0x7, v3;
	v4 =	vand.u32 $0xFFFFFFE0, v38  }
0x96: {  	v3 =	vor.u32 v3, v4  }
0x97: {  	v4 =	vperm.xlane v3, v0;
	_ =	sdelay $0x1  }
0x98: {  	v4 =	vadd.s32 v1, v4;
	_ =	sdelay $0x1  }
0x99: {  	v3 =	vperm.xlane v3, v2;
	_ =	sdelay $0x1  }
0x9a: {  	v3 =	vadd.s32 v1, v3  }
0x9b: {  	[hbm4b:s3+s2] =	stream.indirect_vreg.scatter [tilespmem:s13], [sflag:$0x4], $0x80, v4, vm0, $0xb8;
	[tilespmem:$0x8800] =	vst v63  }
0x9c: {  	_ = 	snop  }
0x9d: {  	[hbm4b:s4+s2] =	stream.indirect_vreg.scatter [tilespmem:s24], [sflag:$0x4], $0x80, v4, vm0, $0xb8;
	[tilespmem:$0x8800] =	vst v63  }
0x9e: {  	_ = 	snop  }
0x9f: {  	[hbm4b:s3+s2] =	stream.indirect_vreg.scatter [tilespmem:s25], [sflag:$0x4], $0x80, v3, vm0, $0xb8;
	[tilespmem:$0x8800] =	vst v63  }
0xa0: {  	_ = 	snop  }
0xa1: {  	[hbm4b:s4+s2] =	stream.indirect_vreg.scatter [tilespmem:s26], [sflag:$0x4], $0x80, v3, vm0, $0xb8;
	[tilespmem:$0x8800] =	vst v63  }
0xa2: {  	v3 =	vld [tilespmem:$0x190];
	_ =	sdelay $0x4  }
0xa3: {  	v39 =	vshll.u32 v3, $0x2  }
0xa4: {  	v3 =	vand.u32 $0x7, v3;
	v4 =	vand.u32 $0xFFFFFFE0, v39  }
0xa5: {  	v3 =	vor.u32 v3, v4  }
0xa6: {  	v4 =	vperm.xlane v3, v0;
	_ =	sdelay $0x1  }
0xa7: {  	v4 =	vadd.s32 v1, v4;
	_ =	sdelay $0x1  }
0xa8: {  	v3 =	vperm.xlane v3, v2;
	_ =	sdelay $0x1  }
0xa9: {  	v3 =	vadd.s32 v1, v3  }
0xaa: {  	[hbm4b:s3+s2] =	stream.indirect_vreg.scatter [tilespmem:s28], [sflag:$0x4], $0x80, v4, vm0, $0xb8;
	[tilespmem:$0x8800] =	vst v63  }
0xab: {  	_ = 	snop  }
0xac: {  	[hbm4b:s4+s2] =	stream.indirect_vreg.scatter [tilespmem:s29], [sflag:$0x4], $0x80, v4, vm0, $0xb8;
	[tilespmem:$0x8800] =	vst v63  }
0xad: {  	_ = 	snop  }
0xae: {  	[hbm4b:s3+s2] =	stream.indirect_vreg.scatter [tilespmem:s30], [sflag:$0x4], $0x80, v3, vm0, $0xb8;
	[tilespmem:$0x8800] =	vst v63  }
0xaf: {  	_ = 	snop  }
0xb0: {  	[hbm4b:s4+s2] =	stream.indirect_vreg.scatter [tilespmem:s31], [sflag:$0x4], $0x80, v3, vm0, $0xb8;
	[tilespmem:$0x8800] =	vst v63  }
0xb1: {  	_ =	swait.ge [sflag:s1], $0x4000  }
0xb2: {  	[sflag:s1] =	ssyncset.done $0x0  }
0xb3: {  	s5 =	rddreg [dreg:$0x8];
	[sflag:s1] =	ssyncadd.s32 $0xFFFFC000  }
0xb4: {  	[tilespmem:s13], [sflag:$0x2] =	stream.linear.gather [hbm4b:s5+s2], $0x4000, $0x38;
	[tilespmem:$0x8800] =	vst v63  }
0xb5: {  	_ =	swait.ge [sflag:s14], $0x4000  }
0xb6: {  	[sflag:s14] =	ssyncset.done $0x0  }
0xb7: {  	[sflag:s14] =	ssyncadd.s32 $0xFFFFC000  }
0xb8: {  	v3 =	vld [tilespmem:$0x200];
	_ =	sdelay $0x4  }
0xb9: {  	v40 =	vshll.u32 v3, $0x2  }
0xba: {  	v3 =	vand.u32 $0x7, v3;
	v4 =	vand.u32 $0xFFFFFFE0, v40  }
0xbb: {  	v3 =	vor.u32 v3, v4  }
0xbc: {  	v4 =	vperm.xlane v3, v0;
	_ =	sdelay $0x1  }
0xbd: {  	v4 =	vadd.s32 v1, v4;
	_ =	sdelay $0x1  }
0xbe: {  	v3 =	vperm.xlane v3, v2;
	_ =	sdelay $0x1  }
0xbf: {  	v3 =	vadd.s32 v1, v3  }
0xc0: {  	[hbm4b:s3+s2] =	stream.indirect_vreg.scatter [tilespmem:s12], [sflag:$0x3], $0x80, v4, vm0, $0xb8;
	[tilespmem:$0x8800] =	vst v63  }
0xc1: {  	_ = 	snop  }
0xc2: {  	[hbm4b:s4+s2] =	stream.indirect_vreg.scatter [tilespmem:s15], [sflag:$0x3], $0x80, v4, vm0, $0xb8;
	[tilespmem:$0x8800] =	vst v63  }
0xc3: {  	_ = 	snop  }
0xc4: {  	[hbm4b:s3+s2] =	stream.indirect_vreg.scatter [tilespmem:s16], [sflag:$0x3], $0x80, v3, vm0, $0xb8;
	[tilespmem:$0x8800] =	vst v63  }
0xc5: {  	_ = 	snop  }
0xc6: {  	[hbm4b:s4+s2] =	stream.indirect_vreg.scatter [tilespmem:s17], [sflag:$0x3], $0x80, v3, vm0, $0xb8;
	[tilespmem:$0x8800] =	vst v63  }
0xc7: {  	v3 =	vld [tilespmem:$0x210];
	_ =	sdelay $0x4  }
0xc8: {  	v41 =	vshll.u32 v3, $0x2  }
0xc9: {  	v3 =	vand.u32 $0x7, v3;
	v4 =	vand.u32 $0xFFFFFFE0, v41  }
0xca: {  	v3 =	vor.u32 v3, v4  }
0xcb: {  	v4 =	vperm.xlane v3, v0;
	_ =	sdelay $0x1  }
0xcc: {  	v4 =	vadd.s32 v1, v4;
	_ =	sdelay $0x1  }
0xcd: {  	v3 =	vperm.xlane v3, v2;
	_ =	sdelay $0x1  }
0xce: {  	v3 =	vadd.s32 v1, v3  }
0xcf: {  	[hbm4b:s3+s2] =	stream.indirect_vreg.scatter [tilespmem:s18], [sflag:$0x3], $0x80, v4, vm0, $0xb8;
	[tilespmem:$0x8800] =	vst v63  }
0xd0: {  	_ = 	snop  }
0xd1: {  	[hbm4b:s4+s2] =	stream.indirect_vreg.scatter [tilespmem:s19], [sflag:$0x3], $0x80, v4, vm0, $0xb8;
	[tilespmem:$0x8800] =	vst v63  }
0xd2: {  	_ = 	snop  }
0xd3: {  	[hbm4b:s3+s2] =	stream.indirect_vreg.scatter [tilespmem:s20], [sflag:$0x3], $0x80, v3, vm0, $0xb8;
	[tilespmem:$0x8800] =	vst v63  }
0xd4: {  	_ = 	snop  }
0xd5: {  	[hbm4b:s4+s2] =	stream.indirect_vreg.scatter [tilespmem:s21], [sflag:$0x3], $0x80, v3, vm0, $0xb8;
	[tilespmem:$0x8800] =	vst v63  }
0xd6: {  	_ =	swait.ge [sflag:s22], $0x4000  }
0xd7: {  	[sflag:s22] =	ssyncset.done $0x0  }
0xd8: {  	s5 =	rddreg [dreg:$0x9];
	[sflag:s22] =	ssyncadd.s32 $0xFFFFC000  }
0xd9: {  	[tilespmem:s12], [sflag:$0x1] =	stream.linear.gather [hbm4b:s5+s2], $0x4000, $0x38;
	[tilespmem:$0x8800] =	vst v63  }
0xda: {  	_ =	swait.ge [sflag:s23], $0x4000  }
0xdb: {  	[sflag:s23] =	ssyncset.done $0x0  }
0xdc: {  	[sflag:s23] =	ssyncadd.s32 $0xFFFFC000  }
0xdd: {  	v3 =	vld [tilespmem:$0x280];
	_ =	sdelay $0x4  }
0xde: {  	v42 =	vshll.u32 v3, $0x2  }
0xdf: {  	v3 =	vand.u32 $0x7, v3;
	v4 =	vand.u32 $0xFFFFFFE0, v42  }
0xe0: {  	v3 =	vor.u32 v3, v4  }
0xe1: {  	v4 =	vperm.xlane v3, v0;
	_ =	sdelay $0x1  }
0xe2: {  	v4 =	vadd.s32 v1, v4;
	_ =	sdelay $0x1  }
0xe3: {  	v3 =	vperm.xlane v3, v2;
	_ =	sdelay $0x1  }
0xe4: {  	v3 =	vadd.s32 v1, v3  }
0xe5: {  	[hbm4b:s3+s2] =	stream.indirect_vreg.scatter [tilespmem:s13], [sflag:$0x4], $0x80, v4, vm0, $0xb8;
	[tilespmem:$0x8800] =	vst v63  }
0xe6: {  	_ = 	snop  }
0xe7: {  	[hbm4b:s4+s2] =	stream.indirect_vreg.scatter [tilespmem:s24], [sflag:$0x4], $0x80, v4, vm0, $0xb8;
	[tilespmem:$0x8800] =	vst v63  }
0xe8: {  	_ = 	snop  }
0xe9: {  	[hbm4b:s3+s2] =	stream.indirect_vreg.scatter [tilespmem:s25], [sflag:$0x4], $0x80, v3, vm0, $0xb8;
	[tilespmem:$0x8800] =	vst v63  }
0xea: {  	_ = 	snop  }
0xeb: {  	[hbm4b:s4+s2] =	stream.indirect_vreg.scatter [tilespmem:s26], [sflag:$0x4], $0x80, v3, vm0, $0xb8;
	[tilespmem:$0x8800] =	vst v63  }
0xec: {  	v3 =	vld [tilespmem:$0x290];
	_ =	sdelay $0x4  }
0xed: {  	v43 =	vshll.u32 v3, $0x2  }
0xee: {  	v3 =	vand.u32 $0x7, v3;
	v4 =	vand.u32 $0xFFFFFFE0, v43  }
0xef: {  	v3 =	vor.u32 v3, v4  }
0xf0: {  	v4 =	vperm.xlane v3, v0;
	_ =	sdelay $0x1  }
0xf1: {  	v4 =	vadd.s32 v1, v4;
	_ =	sdelay $0x1  }
0xf2: {  	v3 =	vperm.xlane v3, v2;
	_ =	sdelay $0x1  }
0xf3: {  	v3 =	vadd.s32 v1, v3  }
0xf4: {  	[hbm4b:s3+s2] =	stream.indirect_vreg.scatter [tilespmem:s28], [sflag:$0x4], $0x80, v4, vm0, $0xb8;
	[tilespmem:$0x8800] =	vst v63  }
0xf5: {  	_ = 	snop  }
0xf6: {  	[hbm4b:s4+s2] =	stream.indirect_vreg.scatter [tilespmem:s29], [sflag:$0x4], $0x80, v4, vm0, $0xb8;
	[tilespmem:$0x8800] =	vst v63  }
0xf7: {  	_ = 	snop  }
0xf8: {  	[hbm4b:s3+s2] =	stream.indirect_vreg.scatter [tilespmem:s30], [sflag:$0x4], $0x80, v3, vm0, $0xb8;
	[tilespmem:$0x8800] =	vst v63  }
0xf9: {  	_ = 	snop  }
0xfa: {  	[hbm4b:s4+s2] =	stream.indirect_vreg.scatter [tilespmem:s31], [sflag:$0x4], $0x80, v3, vm0, $0xb8;
	[tilespmem:$0x8800] =	vst v63  }
0xfb: {  	_ =	swait.ge [sflag:s1], $0x4000  }
0xfc: {  	[sflag:s1] =	ssyncset.done $0x0  }
0xfd: {  	s5 =	rddreg [dreg:$0xa];
	[sflag:s1] =	ssyncadd.s32 $0xFFFFC000  }
0xfe: {  	[tilespmem:s13], [sflag:$0x2] =	stream.linear.gather [hbm4b:s5+s2], $0x4000, $0x38;
	[tilespmem:$0x8800] =	vst v63  }
0xff: {  	_ =	swait.ge [sflag:s14], $0x4000  }
0x100: {  	[sflag:s14] =	ssyncset.done $0x0  }
0x101: {  	[sflag:s14] =	ssyncadd.s32 $0xFFFFC000  }
0x102: {  	v3 =	vld [tilespmem:$0x300];
	_ =	sdelay $0x4  }
0x103: {  	v44 =	vshll.u32 v3, $0x2  }
0x104: {  	v3 =	vand.u32 $0x7, v3;
	v4 =	vand.u32 $0xFFFFFFE0, v44  }
0x105: {  	v3 =	vor.u32 v3, v4  }
0x106: {  	v4 =	vperm.xlane v3, v0;
	_ =	sdelay $0x1  }
0x107: {  	v4 =	vadd.s32 v1, v4;
	_ =	sdelay $0x1  }
0x108: {  	v3 =	vperm.xlane v3, v2;
	_ =	sdelay $0x1  }
0x109: {  	v3 =	vadd.s32 v1, v3  }
0x10a: {  	[hbm4b:s3+s2] =	stream.indirect_vreg.scatter [tilespmem:s12], [sflag:$0x3], $0x80, v4, vm0, $0xb8;
	[tilespmem:$0x8800] =	vst v63  }
0x10b: {  	_ = 	snop  }
0x10c: {  	[hbm4b:s4+s2] =	stream.indirect_vreg.scatter [tilespmem:s15], [sflag:$0x3], $0x80, v4, vm0, $0xb8;
	[tilespmem:$0x8800] =	vst v63  }
0x10d: {  	_ = 	snop  }
0x10e: {  	[hbm4b:s3+s2] =	stream.indirect_vreg.scatter [tilespmem:s16], [sflag:$0x3], $0x80, v3, vm0, $0xb8;
	[tilespmem:$0x8800] =	vst v63  }
0x10f: {  	_ = 	snop  }
0x110: {  	[hbm4b:s4+s2] =	stream.indirect_vreg.scatter [tilespmem:s17], [sflag:$0x3], $0x80, v3, vm0, $0xb8;
	[tilespmem:$0x8800] =	vst v63  }
0x111: {  	v3 =	vld [tilespmem:$0x310];
	_ =	sdelay $0x4  }
0x112: {  	v45 =	vshll.u32 v3, $0x2  }
0x113: {  	v3 =	vand.u32 $0x7, v3;
	v4 =	vand.u32 $0xFFFFFFE0, v45  }
0x114: {  	v3 =	vor.u32 v3, v4  }
0x115: {  	v4 =	vperm.xlane v3, v0;
	_ =	sdelay $0x1  }
0x116: {  	v4 =	vadd.s32 v1, v4;
	_ =	sdelay $0x1  }
0x117: {  	v3 =	vperm.xlane v3, v2;
	_ =	sdelay $0x1  }
0x118: {  	v3 =	vadd.s32 v1, v3  }
0x119: {  	[hbm4b:s3+s2] =	stream.indirect_vreg.scatter [tilespmem:s18], [sflag:$0x3], $0x80, v4, vm0, $0xb8;
	[tilespmem:$0x8800] =	vst v63  }
0x11a: {  	_ = 	snop  }
0x11b: {  	[hbm4b:s4+s2] =	stream.indirect_vreg.scatter [tilespmem:s19], [sflag:$0x3], $0x80, v4, vm0, $0xb8;
	[tilespmem:$0x8800] =	vst v63  }
0x11c: {  	_ = 	snop  }
0x11d: {  	[hbm4b:s3+s2] =	stream.indirect_vreg.scatter [tilespmem:s20], [sflag:$0x3], $0x80, v3, vm0, $0xb8;
	[tilespmem:$0x8800] =	vst v63  }
0x11e: {  	_ = 	snop  }
0x11f: {  	[hbm4b:s4+s2] =	stream.indirect_vreg.scatter [tilespmem:s21], [sflag:$0x3], $0x80, v3, vm0, $0xb8;
	[tilespmem:$0x8800] =	vst v63  }
0x120: {  	_ =	swait.ge [sflag:s22], $0x4000  }
0x121: {  	[sflag:s22] =	ssyncset.done $0x0  }
0x122: {  	s5 =	rddreg [dreg:$0xb];
	[sflag:s22] =	ssyncadd.s32 $0xFFFFC000  }
0x123: {  	[tilespmem:s12], [sflag:$0x1] =	stream.linear.gather [hbm4b:s5+s2], $0x4000, $0x38;
	[tilespmem:$0x8800] =	vst v63  }
0x124: {  	_ =	swait.ge [sflag:s23], $0x4000  }
0x125: {  	[sflag:s23] =	ssyncset.done $0x0  }
0x126: {  	[sflag:s23] =	ssyncadd.s32 $0xFFFFC000  }
0x127: {  	v3 =	vld [tilespmem:$0x380];
	_ =	sdelay $0x4  }
0x128: {  	v46 =	vshll.u32 v3, $0x2  }
0x129: {  	v3 =	vand.u32 $0x7, v3;
	v4 =	vand.u32 $0xFFFFFFE0, v46  }
0x12a: {  	v3 =	vor.u32 v3, v4  }
0x12b: {  	v4 =	vperm.xlane v3, v0;
	_ =	sdelay $0x1  }
0x12c: {  	v4 =	vadd.s32 v1, v4;
	_ =	sdelay $0x1  }
0x12d: {  	v3 =	vperm.xlane v3, v2;
	_ =	sdelay $0x1  }
0x12e: {  	v3 =	vadd.s32 v1, v3  }
0x12f: {  	[hbm4b:s3+s2] =	stream.indirect_vreg.scatter [tilespmem:s13], [sflag:$0x4], $0x80, v4, vm0, $0xb8;
	[tilespmem:$0x8800] =	vst v63  }
0x130: {  	_ = 	snop  }
0x131: {  	[hbm4b:s4+s2] =	stream.indirect_vreg.scatter [tilespmem:s24], [sflag:$0x4], $0x80, v4, vm0, $0xb8;
	[tilespmem:$0x8800] =	vst v63  }
0x132: {  	_ = 	snop  }
0x133: {  	[hbm4b:s3+s2] =	stream.indirect_vreg.scatter [tilespmem:s25], [sflag:$0x4], $0x80, v3, vm0, $0xb8;
	[tilespmem:$0x8800] =	vst v63  }
0x134: {  	_ = 	snop  }
0x135: {  	[hbm4b:s4+s2] =	stream.indirect_vreg.scatter [tilespmem:s26], [sflag:$0x4], $0x80, v3, vm0, $0xb8;
	[tilespmem:$0x8800] =	vst v63  }
0x136: {  	v3 =	vld [tilespmem:$0x390];
	_ =	sdelay $0x4  }
0x137: {  	v47 =	vshll.u32 v3, $0x2  }
0x138: {  	v3 =	vand.u32 $0x7, v3;
	v4 =	vand.u32 $0xFFFFFFE0, v47  }
0x139: {  	v3 =	vor.u32 v3, v4  }
0x13a: {  	v4 =	vperm.xlane v3, v0;
	_ =	sdelay $0x1  }
0x13b: {  	v4 =	vadd.s32 v1, v4;
	_ =	sdelay $0x1  }
0x13c: {  	v3 =	vperm.xlane v3, v2;
	_ =	sdelay $0x1  }
0x13d: {  	v3 =	vadd.s32 v1, v3  }
0x13e: {  	[hbm4b:s3+s2] =	stream.indirect_vreg.scatter [tilespmem:s28], [sflag:$0x4], $0x80, v4, vm0, $0xb8;
	[tilespmem:$0x8800] =	vst v63  }
0x13f: {  	_ = 	snop  }
0x140: {  	[hbm4b:s4+s2] =	stream.indirect_vreg.scatter [tilespmem:s29], [sflag:$0x4], $0x80, v4, vm0, $0xb8;
	[tilespmem:$0x8800] =	vst v63  }
0x141: {  	_ = 	snop  }
0x142: {  	[hbm4b:s3+s2] =	stream.indirect_vreg.scatter [tilespmem:s30], [sflag:$0x4], $0x80, v3, vm0, $0xb8;
	[tilespmem:$0x8800] =	vst v63  }
0x143: {  	_ = 	snop  }
0x144: {  	[hbm4b:s4+s2] =	stream.indirect_vreg.scatter [tilespmem:s31], [sflag:$0x4], $0x80, v3, vm0, $0xb8;
	[tilespmem:$0x8800] =	vst v63  }
0x145: {  	_ =	swait.ge [sflag:s1], $0x4000  }
0x146: {  	[sflag:s1] =	ssyncset.done $0x0  }
0x147: {  	s5 =	rddreg [dreg:$0xc];
	[sflag:s1] =	ssyncadd.s32 $0xFFFFC000  }
0x148: {  	[tilespmem:s13], [sflag:$0x2] =	stream.linear.gather [hbm4b:s5+s2], $0x4000, $0x38;
	[tilespmem:$0x8800] =	vst v63  }
0x149: {  	_ =	swait.ge [sflag:s14], $0x4000  }
0x14a: {  	[sflag:s14] =	ssyncset.done $0x0  }
0x14b: {  	[sflag:s14] =	ssyncadd.s32 $0xFFFFC000  }
0x14c: {  	v3 =	vld [tilespmem:$0x400];
	_ =	sdelay $0x4  }
0x14d: {  	v48 =	vshll.u32 v3, $0x2  }
0x14e: {  	v3 =	vand.u32 $0x7, v3;
	v4 =	vand.u32 $0xFFFFFFE0, v48  }
0x14f: {  	v3 =	vor.u32 v3, v4  }
0x150: {  	v4 =	vperm.xlane v3, v0;
	_ =	sdelay $0x1  }
0x151: {  	v4 =	vadd.s32 v1, v4;
	_ =	sdelay $0x1  }
0x152: {  	v3 =	vperm.xlane v3, v2;
	_ =	sdelay $0x1  }
0x153: {  	v3 =	vadd.s32 v1, v3  }
0x154: {  	[hbm4b:s3+s2] =	stream.indirect_vreg.scatter [tilespmem:s12], [sflag:$0x3], $0x80, v4, vm0, $0xb8;
	[tilespmem:$0x8800] =	vst v63  }
0x155: {  	_ = 	snop  }
0x156: {  	[hbm4b:s4+s2] =	stream.indirect_vreg.scatter [tilespmem:s15], [sflag:$0x3], $0x80, v4, vm0, $0xb8;
	[tilespmem:$0x8800] =	vst v63  }
0x157: {  	_ = 	snop  }
0x158: {  	[hbm4b:s3+s2] =	stream.indirect_vreg.scatter [tilespmem:s16], [sflag:$0x3], $0x80, v3, vm0, $0xb8;
	[tilespmem:$0x8800] =	vst v63  }
0x159: {  	_ = 	snop  }
0x15a: {  	[hbm4b:s4+s2] =	stream.indirect_vreg.scatter [tilespmem:s17], [sflag:$0x3], $0x80, v3, vm0, $0xb8;
	[tilespmem:$0x8800] =	vst v63  }
0x15b: {  	v3 =	vld [tilespmem:$0x410];
	_ =	sdelay $0x4  }
0x15c: {  	v49 =	vshll.u32 v3, $0x2  }
0x15d: {  	v3 =	vand.u32 $0x7, v3;
	v4 =	vand.u32 $0xFFFFFFE0, v49  }
0x15e: {  	v3 =	vor.u32 v3, v4  }
0x15f: {  	v4 =	vperm.xlane v3, v0;
	_ =	sdelay $0x1  }
0x160: {  	v4 =	vadd.s32 v1, v4;
	_ =	sdelay $0x1  }
0x161: {  	v3 =	vperm.xlane v3, v2;
	_ =	sdelay $0x1  }
0x162: {  	v3 =	vadd.s32 v1, v3  }
0x163: {  	[hbm4b:s3+s2] =	stream.indirect_vreg.scatter [tilespmem:s18], [sflag:$0x3], $0x80, v4, vm0, $0xb8;
	[tilespmem:$0x8800] =	vst v63  }
0x164: {  	_ = 	snop  }
0x165: {  	[hbm4b:s4+s2] =	stream.indirect_vreg.scatter [tilespmem:s19], [sflag:$0x3], $0x80, v4, vm0, $0xb8;
	[tilespmem:$0x8800] =	vst v63  }
0x166: {  	_ = 	snop  }
0x167: {  	[hbm4b:s3+s2] =	stream.indirect_vreg.scatter [tilespmem:s20], [sflag:$0x3], $0x80, v3, vm0, $0xb8;
	[tilespmem:$0x8800] =	vst v63  }
0x168: {  	_ = 	snop  }
0x169: {  	[hbm4b:s4+s2] =	stream.indirect_vreg.scatter [tilespmem:s21], [sflag:$0x3], $0x80, v3, vm0, $0xb8;
	[tilespmem:$0x8800] =	vst v63  }
0x16a: {  	_ =	swait.ge [sflag:s22], $0x4000  }
0x16b: {  	[sflag:s22] =	ssyncset.done $0x0  }
0x16c: {  	s5 =	rddreg [dreg:$0xd];
	[sflag:s22] =	ssyncadd.s32 $0xFFFFC000  }
0x16d: {  	[tilespmem:s12], [sflag:$0x1] =	stream.linear.gather [hbm4b:s5+s2], $0x4000, $0x38;
	[tilespmem:$0x8800] =	vst v63  }
0x16e: {  	_ =	swait.ge [sflag:s23], $0x4000  }
0x16f: {  	[sflag:s23] =	ssyncset.done $0x0  }
0x170: {  	[sflag:s23] =	ssyncadd.s32 $0xFFFFC000  }
0x171: {  	v3 =	vld [tilespmem:$0x480];
	_ =	sdelay $0x4  }
0x172: {  	v50 =	vshll.u32 v3, $0x2  }
0x173: {  	v3 =	vand.u32 $0x7, v3;
	v4 =	vand.u32 $0xFFFFFFE0, v50  }
0x174: {  	v3 =	vor.u32 v3, v4  }
0x175: {  	v4 =	vperm.xlane v3, v0;
	_ =	sdelay $0x1  }
0x176: {  	v4 =	vadd.s32 v1, v4;
	_ =	sdelay $0x1  }
0x177: {  	v3 =	vperm.xlane v3, v2;
	_ =	sdelay $0x1  }
0x178: {  	v3 =	vadd.s32 v1, v3  }
0x179: {  	[hbm4b:s3+s2] =	stream.indirect_vreg.scatter [tilespmem:s13], [sflag:$0x4], $0x80, v4, vm0, $0xb8;
	[tilespmem:$0x8800] =	vst v63  }
0x17a: {  	_ = 	snop  }
0x17b: {  	[hbm4b:s4+s2] =	stream.indirect_vreg.scatter [tilespmem:s24], [sflag:$0x4], $0x80, v4, vm0, $0xb8;
	[tilespmem:$0x8800] =	vst v63  }
0x17c: {  	_ = 	snop  }
0x17d: {  	[hbm4b:s3+s2] =	stream.indirect_vreg.scatter [tilespmem:s25], [sflag:$0x4], $0x80, v3, vm0, $0xb8;
	[tilespmem:$0x8800] =	vst v63  }
0x17e: {  	_ = 	snop  }
0x17f: {  	[hbm4b:s4+s2] =	stream.indirect_vreg.scatter [tilespmem:s26], [sflag:$0x4], $0x80, v3, vm0, $0xb8;
	[tilespmem:$0x8800] =	vst v63  }
0x180: {  	v3 =	vld [tilespmem:$0x490];
	_ =	sdelay $0x4  }
0x181: {  	v51 =	vshll.u32 v3, $0x2  }
0x182: {  	v3 =	vand.u32 $0x7, v3;
	v4 =	vand.u32 $0xFFFFFFE0, v51  }
0x183: {  	v3 =	vor.u32 v3, v4  }
0x184: {  	v4 =	vperm.xlane v3, v0;
	_ =	sdelay $0x1  }
0x185: {  	v4 =	vadd.s32 v1, v4;
	_ =	sdelay $0x1  }
0x186: {  	v3 =	vperm.xlane v3, v2;
	_ =	sdelay $0x1  }
0x187: {  	v3 =	vadd.s32 v1, v3  }
0x188: {  	[hbm4b:s3+s2] =	stream.indirect_vreg.scatter [tilespmem:s28], [sflag:$0x4], $0x80, v4, vm0, $0xb8;
	[tilespmem:$0x8800] =	vst v63  }
0x189: {  	_ = 	snop  }
0x18a: {  	[hbm4b:s4+s2] =	stream.indirect_vreg.scatter [tilespmem:s29], [sflag:$0x4], $0x80, v4, vm0, $0xb8;
	[tilespmem:$0x8800] =	vst v63  }
0x18b: {  	_ = 	snop  }
0x18c: {  	[hbm4b:s3+s2] =	stream.indirect_vreg.scatter [tilespmem:s30], [sflag:$0x4], $0x80, v3, vm0, $0xb8;
	[tilespmem:$0x8800] =	vst v63  }
0x18d: {  	_ = 	snop  }
0x18e: {  	[hbm4b:s4+s2] =	stream.indirect_vreg.scatter [tilespmem:s31], [sflag:$0x4], $0x80, v3, vm0, $0xb8;
	[tilespmem:$0x8800] =	vst v63  }
0x18f: {  	_ =	swait.ge [sflag:s1], $0x4000  }
0x190: {  	[sflag:s1] =	ssyncset.done $0x0  }
0x191: {  	s5 =	rddreg [dreg:$0xe];
	[sflag:s1] =	ssyncadd.s32 $0xFFFFC000  }
0x192: {  	[tilespmem:s13], [sflag:$0x2] =	stream.linear.gather [hbm4b:s5+s2], $0x4000, $0x38;
	[tilespmem:$0x8800] =	vst v63  }
0x193: {  	_ =	swait.ge [sflag:s14], $0x4000  }
0x194: {  	[sflag:s14] =	ssyncset.done $0x0  }
0x195: {  	[sflag:s14] =	ssyncadd.s32 $0xFFFFC000  }
0x196: {  	v3 =	vld [tilespmem:$0x500];
	_ =	sdelay $0x4  }
0x197: {  	v52 =	vshll.u32 v3, $0x2  }
0x198: {  	v3 =	vand.u32 $0x7, v3;
	v4 =	vand.u32 $0xFFFFFFE0, v52  }
0x199: {  	v3 =	vor.u32 v3, v4  }
0x19a: {  	v4 =	vperm.xlane v3, v0;
	_ =	sdelay $0x1  }
0x19b: {  	v4 =	vadd.s32 v1, v4;
	_ =	sdelay $0x1  }
0x19c: {  	v3 =	vperm.xlane v3, v2;
	_ =	sdelay $0x1  }
0x19d: {  	v3 =	vadd.s32 v1, v3  }
0x19e: {  	[hbm4b:s3+s2] =	stream.indirect_vreg.scatter [tilespmem:s12], [sflag:$0x3], $0x80, v4, vm0, $0xb8;
	[tilespmem:$0x8800] =	vst v63  }
0x19f: {  	_ = 	snop  }
0x1a0: {  	[hbm4b:s4+s2] =	stream.indirect_vreg.scatter [tilespmem:s15], [sflag:$0x3], $0x80, v4, vm0, $0xb8;
	[tilespmem:$0x8800] =	vst v63  }
0x1a1: {  	_ = 	snop  }
0x1a2: {  	[hbm4b:s3+s2] =	stream.indirect_vreg.scatter [tilespmem:s16], [sflag:$0x3], $0x80, v3, vm0, $0xb8;
	[tilespmem:$0x8800] =	vst v63  }
0x1a3: {  	_ = 	snop  }
0x1a4: {  	[hbm4b:s4+s2] =	stream.indirect_vreg.scatter [tilespmem:s17], [sflag:$0x3], $0x80, v3, vm0, $0xb8;
	[tilespmem:$0x8800] =	vst v63  }
0x1a5: {  	v3 =	vld [tilespmem:$0x510];
	_ =	sdelay $0x4  }
0x1a6: {  	v53 =	vshll.u32 v3, $0x2  }
0x1a7: {  	v3 =	vand.u32 $0x7, v3;
	v4 =	vand.u32 $0xFFFFFFE0, v53  }
0x1a8: {  	v3 =	vor.u32 v3, v4  }
0x1a9: {  	v4 =	vperm.xlane v3, v0;
	_ =	sdelay $0x1  }
0x1aa: {  	v4 =	vadd.s32 v1, v4;
	_ =	sdelay $0x1  }
0x1ab: {  	v3 =	vperm.xlane v3, v2;
	_ =	sdelay $0x1  }
0x1ac: {  	v3 =	vadd.s32 v1, v3  }
0x1ad: {  	[hbm4b:s3+s2] =	stream.indirect_vreg.scatter [tilespmem:s18], [sflag:$0x3], $0x80, v4, vm0, $0xb8;
	[tilespmem:$0x8800] =	vst v63  }
0x1ae: {  	_ = 	snop  }
0x1af: {  	[hbm4b:s4+s2] =	stream.indirect_vreg.scatter [tilespmem:s19], [sflag:$0x3], $0x80, v4, vm0, $0xb8;
	[tilespmem:$0x8800] =	vst v63  }
0x1b0: {  	_ = 	snop  }
0x1b1: {  	[hbm4b:s3+s2] =	stream.indirect_vreg.scatter [tilespmem:s20], [sflag:$0x3], $0x80, v3, vm0, $0xb8;
	[tilespmem:$0x8800] =	vst v63  }
0x1b2: {  	_ = 	snop  }
0x1b3: {  	[hbm4b:s4+s2] =	stream.indirect_vreg.scatter [tilespmem:s21], [sflag:$0x3], $0x80, v3, vm0, $0xb8;
	[tilespmem:$0x8800] =	vst v63  }
0x1b4: {  	_ =	swait.ge [sflag:s22], $0x4000  }
0x1b5: {  	[sflag:s22] =	ssyncset.done $0x0  }
0x1b6: {  	[sflag:s22] =	ssyncadd.s32 $0xFFFFC000  }
0x1b7: {  	[tilespmem:s12], [sflag:$0x1] =	stream.linear.gather [hbm4b:s6+s2], $0x4000, $0x38;
	[tilespmem:$0x8800] =	vst v63  }
0x1b8: {  	_ =	swait.ge [sflag:s23], $0x4000  }
0x1b9: {  	[sflag:s23] =	ssyncset.done $0x0  }
0x1ba: {  	[sflag:s23] =	ssyncadd.s32 $0xFFFFC000  }
0x1bb: {  	v3 =	vld [tilespmem:$0x580];
	_ =	sdelay $0x4  }
0x1bc: {  	v54 =	vshll.u32 v3, $0x2  }
0x1bd: {  	v3 =	vand.u32 $0x7, v3;
	v4 =	vand.u32 $0xFFFFFFE0, v54  }
0x1be: {  	v3 =	vor.u32 v3, v4  }
0x1bf: {  	v4 =	vperm.xlane v3, v0;
	_ =	sdelay $0x1  }
0x1c0: {  	v4 =	vadd.s32 v1, v4;
	_ =	sdelay $0x1  }
0x1c1: {  	v3 =	vperm.xlane v3, v2;
	_ =	sdelay $0x1  }
0x1c2: {  	v3 =	vadd.s32 v1, v3  }
0x1c3: {  	[hbm4b:s3+s2] =	stream.indirect_vreg.scatter [tilespmem:s13], [sflag:$0x4], $0x80, v4, vm0, $0xb8;
	[tilespmem:$0x8800] =	vst v63  }
0x1c4: {  	_ = 	snop  }
0x1c5: {  	[hbm4b:s4+s2] =	stream.indirect_vreg.scatter [tilespmem:s24], [sflag:$0x4], $0x80, v4, vm0, $0xb8;
	[tilespmem:$0x8800] =	vst v63  }
0x1c6: {  	_ = 	snop  }
0x1c7: {  	[hbm4b:s3+s2] =	stream.indirect_vreg.scatter [tilespmem:s25], [sflag:$0x4], $0x80, v3, vm0, $0xb8;
	[tilespmem:$0x8800] =	vst v63  }
0x1c8: {  	_ = 	snop  }
0x1c9: {  	[hbm4b:s4+s2] =	stream.indirect_vreg.scatter [tilespmem:s26], [sflag:$0x4], $0x80, v3, vm0, $0xb8;
	[tilespmem:$0x8800] =	vst v63  }
0x1ca: {  	v3 =	vld [tilespmem:$0x590];
	_ =	sdelay $0x4  }
0x1cb: {  	v55 =	vshll.u32 v3, $0x2  }
0x1cc: {  	v3 =	vand.u32 $0x7, v3;
	v4 =	vand.u32 $0xFFFFFFE0, v55  }
0x1cd: {  	v3 =	vor.u32 v3, v4  }
0x1ce: {  	v4 =	vperm.xlane v3, v0;
	_ =	sdelay $0x1  }
0x1cf: {  	v4 =	vadd.s32 v1, v4;
	_ =	sdelay $0x1  }
0x1d0: {  	v3 =	vperm.xlane v3, v2;
	_ =	sdelay $0x1  }
0x1d1: {  	v3 =	vadd.s32 v1, v3  }
0x1d2: {  	[hbm4b:s3+s2] =	stream.indirect_vreg.scatter [tilespmem:s28], [sflag:$0x4], $0x80, v4, vm0, $0xb8;
	[tilespmem:$0x8800] =	vst v63  }
0x1d3: {  	_ = 	snop  }
0x1d4: {  	[hbm4b:s4+s2] =	stream.indirect_vreg.scatter [tilespmem:s29], [sflag:$0x4], $0x80, v4, vm0, $0xb8;
	[tilespmem:$0x8800] =	vst v63  }
0x1d5: {  	_ = 	snop  }
0x1d6: {  	[hbm4b:s3+s2] =	stream.indirect_vreg.scatter [tilespmem:s30], [sflag:$0x4], $0x80, v3, vm0, $0xb8;
	[tilespmem:$0x8800] =	vst v63  }
0x1d7: {  	_ = 	snop  }
0x1d8: {  	[hbm4b:s4+s2] =	stream.indirect_vreg.scatter [tilespmem:s31], [sflag:$0x4], $0x80, v3, vm0, $0xb8;
	[tilespmem:$0x8800] =	vst v63  }
0x1d9: {  	_ =	swait.ge [sflag:s1], $0x4000  }
0x1da: {  	[sflag:s1] =	ssyncset.done $0x0  }
0x1db: {  	[sflag:s1] =	ssyncadd.s32 $0xFFFFC000  }
0x1dc: {  	[tilespmem:s13], [sflag:$0x2] =	stream.linear.gather [hbm4b:s7+s2], $0x4000, $0x38;
	[tilespmem:$0x8800] =	vst v63  }
0x1dd: {  	_ =	swait.ge [sflag:s14], $0x4000  }
0x1de: {  	[sflag:s14] =	ssyncset.done $0x0  }
0x1df: {  	[sflag:s14] =	ssyncadd.s32 $0xFFFFC000  }
0x1e0: {  	v3 =	vld [tilespmem:$0x600];
	_ =	sdelay $0x4  }
0x1e1: {  	v56 =	vshll.u32 v3, $0x2  }
0x1e2: {  	v3 =	vand.u32 $0x7, v3;
	v4 =	vand.u32 $0xFFFFFFE0, v56  }
0x1e3: {  	v3 =	vor.u32 v3, v4  }
0x1e4: {  	v4 =	vperm.xlane v3, v0;
	_ =	sdelay $0x1  }
0x1e5: {  	v4 =	vadd.s32 v1, v4;
	_ =	sdelay $0x1  }
0x1e6: {  	v3 =	vperm.xlane v3, v2;
	_ =	sdelay $0x1  }
0x1e7: {  	v3 =	vadd.s32 v1, v3  }
0x1e8: {  	[hbm4b:s3+s2] =	stream.indirect_vreg.scatter [tilespmem:s12], [sflag:$0x3], $0x80, v4, vm0, $0xb8;
	[tilespmem:$0x8800] =	vst v63  }
0x1e9: {  	_ = 	snop  }
0x1ea: {  	[hbm4b:s4+s2] =	stream.indirect_vreg.scatter [tilespmem:s15], [sflag:$0x3], $0x80, v4, vm0, $0xb8;
	[tilespmem:$0x8800] =	vst v63  }
0x1eb: {  	_ = 	snop  }
0x1ec: {  	[hbm4b:s3+s2] =	stream.indirect_vreg.scatter [tilespmem:s16], [sflag:$0x3], $0x80, v3, vm0, $0xb8;
	[tilespmem:$0x8800] =	vst v63  }
0x1ed: {  	_ = 	snop  }
0x1ee: {  	[hbm4b:s4+s2] =	stream.indirect_vreg.scatter [tilespmem:s17], [sflag:$0x3], $0x80, v3, vm0, $0xb8;
	[tilespmem:$0x8800] =	vst v63  }
0x1ef: {  	v3 =	vld [tilespmem:$0x610];
	_ =	sdelay $0x4  }
0x1f0: {  	v57 =	vshll.u32 v3, $0x2  }
0x1f1: {  	v3 =	vand.u32 $0x7, v3;
	v4 =	vand.u32 $0xFFFFFFE0, v57  }
0x1f2: {  	v3 =	vor.u32 v3, v4  }
0x1f3: {  	v4 =	vperm.xlane v3, v0;
	_ =	sdelay $0x1  }
0x1f4: {  	v4 =	vadd.s32 v1, v4;
	_ =	sdelay $0x1  }
0x1f5: {  	v3 =	vperm.xlane v3, v2;
	_ =	sdelay $0x1  }
0x1f6: {  	v3 =	vadd.s32 v1, v3  }
0x1f7: {  	[hbm4b:s3+s2] =	stream.indirect_vreg.scatter [tilespmem:s18], [sflag:$0x3], $0x80, v4, vm0, $0xb8;
	[tilespmem:$0x8800] =	vst v63  }
0x1f8: {  	_ = 	snop  }
0x1f9: {  	[hbm4b:s4+s2] =	stream.indirect_vreg.scatter [tilespmem:s19], [sflag:$0x3], $0x80, v4, vm0, $0xb8;
	[tilespmem:$0x8800] =	vst v63  }
0x1fa: {  	_ = 	snop  }
0x1fb: {  	[hbm4b:s3+s2] =	stream.indirect_vreg.scatter [tilespmem:s20], [sflag:$0x3], $0x80, v3, vm0, $0xb8;
	[tilespmem:$0x8800] =	vst v63  }
0x1fc: {  	_ = 	snop  }
0x1fd: {  	[hbm4b:s4+s2] =	stream.indirect_vreg.scatter [tilespmem:s21], [sflag:$0x3], $0x80, v3, vm0, $0xb8;
	[tilespmem:$0x8800] =	vst v63  }
0x1fe: {  	_ =	swait.ge [sflag:s22], $0x4000  }
0x1ff: {  	[sflag:s22] =	ssyncset.done $0x0  }
0x200: {  	[sflag:s22] =	ssyncadd.s32 $0xFFFFC000  }
0x201: {  	[tilespmem:s12], [sflag:$0x1] =	stream.linear.gather [hbm4b:s8+s2], $0x4000, $0x38;
	[tilespmem:$0x8800] =	vst v63  }
0x202: {  	_ =	swait.ge [sflag:s23], $0x4000  }
0x203: {  	[sflag:s23] =	ssyncset.done $0x0  }
0x204: {  	[sflag:s23] =	ssyncadd.s32 $0xFFFFC000  }
0x205: {  	v3 =	vld [tilespmem:$0x680];
	_ =	sdelay $0x4  }
0x206: {  	v58 =	vshll.u32 v3, $0x2  }
0x207: {  	v3 =	vand.u32 $0x7, v3;
	v4 =	vand.u32 $0xFFFFFFE0, v58  }
0x208: {  	v3 =	vor.u32 v3, v4  }
0x209: {  	v4 =	vperm.xlane v3, v0;
	_ =	sdelay $0x1  }
0x20a: {  	v4 =	vadd.s32 v1, v4;
	_ =	sdelay $0x1  }
0x20b: {  	v3 =	vperm.xlane v3, v2;
	_ =	sdelay $0x1  }
0x20c: {  	v3 =	vadd.s32 v1, v3  }
0x20d: {  	[hbm4b:s3+s2] =	stream.indirect_vreg.scatter [tilespmem:s13], [sflag:$0x4], $0x80, v4, vm0, $0xb8;
	[tilespmem:$0x8800] =	vst v63  }
0x20e: {  	_ = 	snop  }
0x20f: {  	[hbm4b:s4+s2] =	stream.indirect_vreg.scatter [tilespmem:s24], [sflag:$0x4], $0x80, v4, vm0, $0xb8;
	[tilespmem:$0x8800] =	vst v63  }
0x210: {  	_ = 	snop  }
0x211: {  	[hbm4b:s3+s2] =	stream.indirect_vreg.scatter [tilespmem:s25], [sflag:$0x4], $0x80, v3, vm0, $0xb8;
	[tilespmem:$0x8800] =	vst v63  }
0x212: {  	_ = 	snop  }
0x213: {  	[hbm4b:s4+s2] =	stream.indirect_vreg.scatter [tilespmem:s26], [sflag:$0x4], $0x80, v3, vm0, $0xb8;
	[tilespmem:$0x8800] =	vst v63  }
0x214: {  	v3 =	vld [tilespmem:$0x690];
	_ =	sdelay $0x4  }
0x215: {  	v59 =	vshll.u32 v3, $0x2  }
0x216: {  	v3 =	vand.u32 $0x7, v3;
	v4 =	vand.u32 $0xFFFFFFE0, v59  }
0x217: {  	v3 =	vor.u32 v3, v4  }
0x218: {  	v4 =	vperm.xlane v3, v0;
	_ =	sdelay $0x1  }
0x219: {  	v4 =	vadd.s32 v1, v4;
	_ =	sdelay $0x1  }
0x21a: {  	v3 =	vperm.xlane v3, v2;
	_ =	sdelay $0x1  }
0x21b: {  	v3 =	vadd.s32 v1, v3  }
0x21c: {  	[hbm4b:s3+s2] =	stream.indirect_vreg.scatter [tilespmem:s28], [sflag:$0x4], $0x80, v4, vm0, $0xb8;
	[tilespmem:$0x8800] =	vst v63  }
0x21d: {  	_ = 	snop  }
0x21e: {  	[hbm4b:s4+s2] =	stream.indirect_vreg.scatter [tilespmem:s29], [sflag:$0x4], $0x80, v4, vm0, $0xb8;
	[tilespmem:$0x8800] =	vst v63  }
0x21f: {  	_ = 	snop  }
0x220: {  	[hbm4b:s3+s2] =	stream.indirect_vreg.scatter [tilespmem:s30], [sflag:$0x4], $0x80, v3, vm0, $0xb8;
	[tilespmem:$0x8800] =	vst v63  }
0x221: {  	_ = 	snop  }
0x222: {  	[hbm4b:s4+s2] =	stream.indirect_vreg.scatter [tilespmem:s31], [sflag:$0x4], $0x80, v3, vm0, $0xb8;
	[tilespmem:$0x8800] =	vst v63  }
0x223: {  	_ =	swait.ge [sflag:s1], $0x4000  }
0x224: {  	[sflag:s1] =	ssyncset.done $0x0  }
0x225: {  	[sflag:s1] =	ssyncadd.s32 $0xFFFFC000  }
0x226: {  	[tilespmem:s13], [sflag:$0x2] =	stream.linear.gather [hbm4b:s9+s2], $0x4000, $0x38;
	[tilespmem:$0x8800] =	vst v63  }
0x227: {  	_ =	swait.ge [sflag:s14], $0x4000  }
0x228: {  	[sflag:s14] =	ssyncset.done $0x0  }
0x229: {  	[sflag:s14] =	ssyncadd.s32 $0xFFFFC000  }
0x22a: {  	v3 =	vld [tilespmem:$0x700];
	_ =	sdelay $0x4  }
0x22b: {  	v60 =	vshll.u32 v3, $0x2  }
0x22c: {  	v3 =	vand.u32 $0x7, v3;
	v4 =	vand.u32 $0xFFFFFFE0, v60  }
0x22d: {  	v3 =	vor.u32 v3, v4  }
0x22e: {  	v4 =	vperm.xlane v3, v0;
	_ =	sdelay $0x1  }
0x22f: {  	v4 =	vadd.s32 v1, v4;
	_ =	sdelay $0x1  }
0x230: {  	v3 =	vperm.xlane v3, v2;
	_ =	sdelay $0x1  }
0x231: {  	v3 =	vadd.s32 v1, v3  }
0x232: {  	[hbm4b:s3+s2] =	stream.indirect_vreg.scatter [tilespmem:s12], [sflag:$0x3], $0x80, v4, vm0, $0xb8;
	[tilespmem:$0x8800] =	vst v63  }
0x233: {  	_ = 	snop  }
0x234: {  	[hbm4b:s4+s2] =	stream.indirect_vreg.scatter [tilespmem:s15], [sflag:$0x3], $0x80, v4, vm0, $0xb8;
	[tilespmem:$0x8800] =	vst v63  }
0x235: {  	_ = 	snop  }
0x236: {  	[hbm4b:s3+s2] =	stream.indirect_vreg.scatter [tilespmem:s16], [sflag:$0x3], $0x80, v3, vm0, $0xb8;
	[tilespmem:$0x8800] =	vst v63  }
0x237: {  	_ = 	snop  }
0x238: {  	[hbm4b:s4+s2] =	stream.indirect_vreg.scatter [tilespmem:s17], [sflag:$0x3], $0x80, v3, vm0, $0xb8;
	[tilespmem:$0x8800] =	vst v63  }
0x239: {  	v3 =	vld [tilespmem:$0x710];
	_ =	sdelay $0x4  }
0x23a: {  	v61 =	vshll.u32 v3, $0x2  }
0x23b: {  	v3 =	vand.u32 $0x7, v3;
	v4 =	vand.u32 $0xFFFFFFE0, v61  }
0x23c: {  	v3 =	vor.u32 v3, v4  }
0x23d: {  	v4 =	vperm.xlane v3, v0;
	_ =	sdelay $0x1  }
0x23e: {  	v4 =	vadd.s32 v1, v4;
	_ =	sdelay $0x1  }
0x23f: {  	v3 =	vperm.xlane v3, v2;
	_ =	sdelay $0x1  }
0x240: {  	v3 =	vadd.s32 v1, v3  }
0x241: {  	[hbm4b:s3+s2] =	stream.indirect_vreg.scatter [tilespmem:s18], [sflag:$0x3], $0x80, v4, vm0, $0xb8;
	[tilespmem:$0x8800] =	vst v63  }
0x242: {  	_ = 	snop  }
0x243: {  	[hbm4b:s4+s2] =	stream.indirect_vreg.scatter [tilespmem:s19], [sflag:$0x3], $0x80, v4, vm0, $0xb8;
	[tilespmem:$0x8800] =	vst v63  }
0x244: {  	_ = 	snop  }
0x245: {  	[hbm4b:s3+s2] =	stream.indirect_vreg.scatter [tilespmem:s20], [sflag:$0x3], $0x80, v3, vm0, $0xb8;
	[tilespmem:$0x8800] =	vst v63  }
0x246: {  	_ = 	snop  }
0x247: {  	[hbm4b:s4+s2] =	stream.indirect_vreg.scatter [tilespmem:s21], [sflag:$0x3], $0x80, v3, vm0, $0xb8;
	[tilespmem:$0x8800] =	vst v63  }
0x248: {  	_ =	swait.ge [sflag:s22], $0x4000  }
0x249: {  	[sflag:s22] =	ssyncset.done $0x0  }
0x24a: {  	[sflag:s22] =	ssyncadd.s32 $0xFFFFC000  }
0x24b: {  	_ =	swait.ge [sflag:s23], $0x4000  }
0x24c: {  	[sflag:s23] =	ssyncset.done $0x0  }
0x24d: {  	[sflag:s23] =	ssyncadd.s32 $0xFFFFC000  }
0x24e: {  	v3 =	vld [tilespmem:$0x780];
	_ =	sdelay $0x4  }
0x24f: {  	v62 =	vshll.u32 v3, $0x2  }
0x250: {  	v3 =	vand.u32 $0x7, v3;
	v4 =	vand.u32 $0xFFFFFFE0, v62  }
0x251: {  	v3 =	vor.u32 v3, v4  }
0x252: {  	v4 =	vperm.xlane v3, v0;
	_ =	sdelay $0x1  }
0x253: {  	v4 =	vadd.s32 v1, v4;
	_ =	sdelay $0x1  }
0x254: {  	v3 =	vperm.xlane v3, v2;
	_ =	sdelay $0x1  }
0x255: {  	v3 =	vadd.s32 v1, v3  }
0x256: {  	[hbm4b:s3+s2] =	stream.indirect_vreg.scatter [tilespmem:s13], [sflag:$0x4], $0x80, v4, vm0, $0xb8;
	[tilespmem:$0x8800] =	vst v63  }
0x257: {  	_ = 	snop  }
0x258: {  	[hbm4b:s4+s2] =	stream.indirect_vreg.scatter [tilespmem:s24], [sflag:$0x4], $0x80, v4, vm0, $0xb8;
	[tilespmem:$0x8800] =	vst v63  }
0x259: {  	_ = 	snop  }
0x25a: {  	[hbm4b:s3+s2] =	stream.indirect_vreg.scatter [tilespmem:s25], [sflag:$0x4], $0x80, v3, vm0, $0xb8;
	[tilespmem:$0x8800] =	vst v63  }
0x25b: {  	_ = 	snop  }
0x25c: {  	[hbm4b:s4+s2] =	stream.indirect_vreg.scatter [tilespmem:s26], [sflag:$0x4], $0x80, v3, vm0, $0xb8;
	[tilespmem:$0x8800] =	vst v63  }
0x25d: {  	v3 =	vld [tilespmem:$0x790];
	_ =	sdelay $0x4  }
0x25e: {  	v63 =	vshll.u32 v3, $0x2  }
0x25f: {  	v3 =	vand.u32 $0x7, v3;
	v4 =	vand.u32 $0xFFFFFFE0, v63  }
0x260: {  	v3 =	vor.u32 v3, v4  }
0x261: {  	v4 =	vperm.xlane v3, v0;
	_ =	sdelay $0x1  }
0x262: {  	v4 =	vadd.s32 v1, v4;
	_ =	sdelay $0x1  }
0x263: {  	v3 =	vperm.xlane v3, v2;
	_ =	sdelay $0x1  }
0x264: {  	v3 =	vadd.s32 v1, v3  }
0x265: {  	[hbm4b:s3+s2] =	stream.indirect_vreg.scatter [tilespmem:s28], [sflag:$0x4], $0x80, v4, vm0, $0xb8;
	[tilespmem:$0x8800] =	vst v63  }
0x266: {  	_ = 	snop  }
0x267: {  	[hbm4b:s4+s2] =	stream.indirect_vreg.scatter [tilespmem:s29], [sflag:$0x4], $0x80, v4, vm0, $0xb8;
	[tilespmem:$0x8800] =	vst v63  }
0x268: {  	p0 =	sne.s32 s10, $0x1  }
0x269: {  	[hbm4b:s3+s2] =	stream.indirect_vreg.scatter [tilespmem:s30], [sflag:$0x4], $0x80, v3, vm0, $0xb8;
	[tilespmem:$0x8800] =	vst v63  }
.Ltmp0:
0x26a: {  	_ = 	snop;
	(pc) =	sbr.rel @p0 .LBB2_1-.Ltmp0, $4  }
0x26b: {  	[hbm4b:s4+s2] =	stream.indirect_vreg.scatter [tilespmem:s31], [sflag:$0x4], $0x80, v3, vm0, $0xb8;
	[tilespmem:$0x8800] =	vst v63  }
0x26c: {  	_ =	swait.ge [sflag:s1], $0x4000  }
0x26d: {  	[sflag:s1] =	ssyncset.done $0x0  }
0x26e: {  	s10 =	sadd.s32 $0xFFFFFFFF, s10;
	[sflag:s1] =	ssyncadd.s32 $0xFFFFC000  }
0x26f: {  	_ =	sfence.sel $0x180000  }
0x270: {  	[bflag:$0x0] =	sbarrier.arrive $0xFFFF  }
0x271: {  	_ =	strace $0x9000004D  }
0x272: {  	s0 =	stileid.u32;
	[bflag:$0x2] =	sbarrier.arrive $0xFFFF  }
0x273: {  	p0 =	sne.s32 s0, $0x0;
	s0 =	rddreg [dreg:$0x1]  }
0x274: {  	s0 =	sadd.s32 @!p0 $0x100000, s0  }
0x275: {  	[sflag:s0] =	ssyncadd.tile.s32 @!p0 $0x1;
	_ =	shalt  }
.Lfunc_end2:
_tile_overlayer_lowered:
.L_overlay_start_2:
0x276: {  	(tag) =	ssettag $0x2  }
0x277: {  	s0 =	rddreg [dreg:$0x0];
	s2 =	stileid.u32  }
0x278: {  	s1 =	rddreg [dreg:$0x1];
	p0 =	sne.s32 s2, $0x0  }
0x279: {  	s3 =	rddreg [dreg:$0x2];
	[bflag:$0x3] =	sbarrier.arrive $0xFFFF;
	s2 =	simm.s32 @!p0 $0x1C05  }
0x27a: {  	[timem:s3], [sflag:s2] =	dma.local @!p0 [hbm:s0], s1  }
0x27b: {  	s0 =	simm.s32 @!p0 $0x5  }
0x27c: {  	_ =	swait.ge @!p0 [sflag:s0], s1  }
0x27d: {  	s1 =	ssub.s32 @!p0 $0x0, s1;
	[sflag:s0] =	ssyncset.done @!p0 $0x0  }
0x27e: {  	[sflag:s0] =	ssyncadd.s32 @!p0 s1  }
0x27f: {  	[bflag:$0x3] =	sbarrier.arrive $0xFFFF  }
0x280: {  	_ =	shalt  }

// kernel: kernel.5.cloned.1.call-start
scs
__scs_entry_jumppad:
0x0: {  	(pc) =	sbr.rel $0x88, $3  }
0x1: {  	(tag) =	ssettag $0x0;
	lr =	simm.s32 $0x1  }
0x2: {  	[smem:$0x3F9E] =	sst lr;
	_ =	strace $0xD0000000  }
0x3: {  	_ = 	snop  }
0x4: {  	_ = 	snop  }
0x5: {  	_ = 	snop  }
0x6: {  	_ = 	snop  }
0x7: {  	_ = 	snop  }
__scs_overlays_trampoline_lowered:
0x8: {  	[smem:$0x3FAD] =	sst s0  }
0x9: {  	[smem:$0x3FAE] =	sst s1  }
0xa: {  	[smem:$0x3FAF] =	sst s2  }
0xb: {  	[smem:$0x3FB0] =	sst s3  }
0xc: {  	[smem:$0x3FB1] =	sst s4  }
0xd: {  	[smem:$0x3FB2] =	sst s5  }
0xe: {  	[smem:$0x3FB3] =	sst s6  }
0xf: {  	[smem:$0x3FB4] =	sst s7  }
0x10: {  	[smem:$0x3FB5] =	sst s8  }
0x11: {  	[smem:$0x3FB6] =	sst s9;
	s0 =	simm.s32 @!p0 $0x0  }
0x12: {  	s1 =	sld [smem:$0x3F9C];
	s0 =	simm.s32 @p0 $0x1  }
0x13: {  	[smem:$0x3FB7] =	sst s0;
	s0 =	simm.s32 @!p1 $0x0  }
0x14: {  	s2 =	sld [smem:$0x3F9B];
	s0 =	simm.s32 @p1 $0x1  }
0x15: {  	[smem:$0x3FB8] =	sst s0;
	s0 =	simm.s32 @!p2 $0x0  }
0x16: {  	s3 =	sld [smem:$0x3FDB];
	s0 =	simm.s32 @p2 $0x1  }
0x17: {  	s4 =	simm.s32 $0x1BF5;
	[smem:$0x3FBA] =	sst s0  }
0x18: {  	s0 =	sld [smem:$0x3F9D];
	_ =	swait.ge [sflag:s4], $0x0  }
0x19: {  	s7 =	sld [smem:$0x3F9E]  }
0x1a: {  	s8 =	sadd.s32 $0xFFFFE003, lr  }
0x1b: {  	s9 =	sadd.s32 $0xFFFFFEF7, lr;
	s5 =	simm.s32 $0xFFFFFFFF;
	p2 =	slt.u32 s8, $0xFFFFF086  }
0x1c: {  	p1 =	slt.u32 s9, $0xF7A;
	s5 =	simm.s32 @!p2 $0x0  }
0x1d: {  	s5 =	simm.s32 @p1 $0x1;
	p0 =	seq.s32 s7, s2  }
0x1e: {  	s7 =	smul.u32 @!p0 $0xF7A, s2;
	p2 =	seq.s32 @!p0 s5, $0x0  }
0x1f: {  	s9 =	smul.u32 $0xF7A, s1;
	s8 =	simm.s32 @!p0 $0x1BF5;
	p2 =	por !p2, p0  }
0x20: {  	[sflag:s8] =	ssyncset.s32 @!p0 $0xFFFFF086;
	s6 =	sadd.s32 @!p0 s3, s7;
	s7 =	simm.s32 @!p0 $0x108  }
0x21: {  	s3 =	sadd.s32 s3, s9;
	s6 =	sadd.s32 @!p0 $0x88, s6;
	s7 =	simm.s32 @p2 $0x1082  }
0x22: {  	[simem:s7], [sflag:s8] =	dma.local @!p0 [hbm:s6], $0xF7A  }
0x23: {  	s9 =	sor.u32 $0xD0000000, s2;
	s6 =	simm.s32 $0x108;
	_ =	swait.ge @!p0 [sflag:s8], $0x0  }
0x24: {  	s3 =	sadd.s32 $0x88, s3;
	s6 =	simm.s32 @!p1 $0x1082;
	[sflag:s4] =	ssyncset.s32 $0xFFFFF086  }
0x25: {  	[simem:s6], [sflag:s4] =	dma.local [hbm:s3], $0xF7A  }
0x26: {  	[smem:$0x3F9E] =	sst s1;
	(tag) =	ssettag s2;
	_ =	strace s9  }
0x27: {  	s1 =	sld [smem:$0x3FAE]  }
0x28: {  	s2 =	sld [smem:$0x3FAF]  }
0x29: {  	s4 =	sld [smem:$0x3FB1]  }
0x2a: {  	p0 =	seq.s32 s5, $0x0;
	s5 =	sld [smem:$0x3FB2]  }
0x2b: {  	s6 =	sld [smem:$0x3FB3]  }
0x2c: {  	s7 =	sld [smem:$0x3FB4]  }
0x2d: {  	s3 =	simm.s32 $0x108;
	s8 =	sld [smem:$0x3FB5]  }
0x2e: {  	s3 =	simm.s32 @!p0 $0x1082;
	s9 =	sld [smem:$0x3FB6]  }
0x2f: {  	lr =	sadd.s32 s0, s3;
	s0 =	sld [smem:$0x3FAD]  }
0x30: {  	s3 =	sld [smem:$0x3FB0]  }
0x31: {  	[smem:$0x3FB9] =	sst s10  }
0x32: {  	s10 =	sld [smem:$0x3FB7];
	_ =	sdelay $0x3  }
0x33: {  	p0 =	seq.s32 s10, $0x1;
	s10 =	sld [smem:$0x3FB9];
	_ =	sdelay $0x3  }
0x34: {  	[smem:$0x3FB9] =	sst s10  }
0x35: {  	s10 =	sld [smem:$0x3FB8];
	_ =	sdelay $0x3  }
0x36: {  	p1 =	seq.s32 s10, $0x1;
	s10 =	sld [smem:$0x3FB9];
	_ =	sdelay $0x3  }
0x37: {  	[smem:$0x3FB9] =	sst s10  }
0x38: {  	s10 =	sld [smem:$0x3FBA]  }
0x39: {  	_ = 	snop;
	(pc) =	sbr.ind lr, $3  }
0x3a: {  	_ = 	snop  }
0x3b: {  	_ = 	snop  }
0x3c: {  	p2 =	seq.s32 s10, $0x1;
	s10 =	sld [smem:$0x3FB9]  }
0x3d: {  	_ =	shalt  }
0x3e: {  	_ =	shalt  }
0x3f: {  	_ =	shalt  }
0x40: {  	_ =	shalt  }
0x41: {  	_ =	shalt  }
0x42: {  	_ =	shalt  }
0x43: {  	_ =	shalt  }
0x44: {  	_ =	shalt  }
0x45: {  	_ =	shalt  }
0x46: {  	_ =	shalt  }
0x47: {  	_ =	shalt  }
0x48: {  	_ =	shalt  }
0x49: {  	_ =	shalt  }
0x4a: {  	_ =	shalt  }
0x4b: {  	_ =	shalt  }
0x4c: {  	_ =	shalt  }
0x4d: {  	_ =	shalt  }
0x4e: {  	_ =	shalt  }
0x4f: {  	_ =	shalt  }
0x50: {  	_ =	shalt  }
0x51: {  	_ =	shalt  }
0x52: {  	_ =	shalt  }
0x53: {  	_ =	shalt  }
0x54: {  	_ =	shalt  }
0x55: {  	_ =	shalt  }
0x56: {  	_ =	shalt  }
0x57: {  	_ =	shalt  }
0x58: {  	_ =	shalt  }
0x59: {  	_ =	shalt  }
0x5a: {  	_ =	shalt  }
0x5b: {  	_ =	shalt  }
0x5c: {  	_ =	shalt  }
0x5d: {  	_ =	shalt  }
0x5e: {  	_ =	shalt  }
0x5f: {  	_ =	shalt  }
0x60: {  	_ =	shalt  }
0x61: {  	_ =	shalt  }
0x62: {  	_ =	shalt  }
0x63: {  	_ =	shalt  }
0x64: {  	_ =	shalt  }
0x65: {  	_ =	shalt  }
0x66: {  	_ =	shalt  }
0x67: {  	_ =	shalt  }
0x68: {  	_ =	shalt  }
0x69: {  	_ =	shalt  }
0x6a: {  	_ =	shalt  }
0x6b: {  	_ =	shalt  }
0x6c: {  	_ =	shalt  }
0x6d: {  	_ =	shalt  }
0x6e: {  	_ =	shalt  }
0x6f: {  	_ =	shalt  }
0x70: {  	_ =	shalt  }
0x71: {  	_ =	shalt  }
0x72: {  	_ =	shalt  }
0x73: {  	_ =	shalt  }
0x74: {  	_ =	shalt  }
0x75: {  	_ =	shalt  }
0x76: {  	_ =	shalt  }
0x77: {  	_ =	shalt  }
0x78: {  	_ =	shalt  }
0x79: {  	_ =	shalt  }
0x7a: {  	_ =	shalt  }
0x7b: {  	_ =	shalt  }
0x7c: {  	_ =	shalt  }
0x7d: {  	_ =	shalt  }
0x7e: {  	_ =	shalt  }
0x7f: {  	_ =	shalt  }
0x80: {  	_ =	shalt  }
0x81: {  	_ =	shalt  }
0x82: {  	_ =	shalt  }
0x83: {  	_ =	shalt  }
0x84: {  	_ =	shalt  }
0x85: {  	_ =	shalt  }
0x86: {  	_ =	shalt  }
0x87: {  	_ =	shalt  }
.Lfunc_end0:
.L_simem_size_0:
called_computation_lowered:
.L_overlay_start_0:
0x88: {  	s2 =	sld [smem:$0x3FD9]  }
0x89: {  	s3 =	sld [smem:$0x3FFE];
	_ =	sdelay $0x1  }
0x8a: {  	s1 =	srdreg.scid  }
0x8b: {  	s0 =	sand.u32 $0x1, s1  }
0x8c: {  	s17 =	sshll.u32 s0, $0xA;
	s2 =	sadd.s32 s3, s2  }
0x8d: {  	s2 =	sadd.s32 s2, s17  }
0x8e: {  	[smem:$0x3FC5] =	sst s2  }
0x8f: {  	_ = 	snop  }
0x90: {  	s2 =	sld [smem:$0x3FC7];
	(tm) =	ssettm $0x1  }
0x91: {  	s18 =	sld [smem:$0x3FFB];
	_ =	sdelay $0x3  }
0x92: {  	_ =	strace s18  }
0x93: {  	s3 =	sld [smem:$0x3FFC];
	_ =	sdelay $0x3  }
0x94: {  	_ =	strace s3  }
0x95: {  	s3 =	sld [smem:$0x3FFD];
	_ =	sdelay $0x3  }
0x96: {  	_ =	strace s3  }
0x97: {  	_ =	strace $0x8FFFFFFF  }
0x98: {  	s19 =	sld [smem:$0x3FDB];
	_ =	sdelay $0x1  }
0x99: {  	s4 =	simm.s32 $_scs_section_size  }
0x9a: {  	s5 =	simm.s32 $_size__tile_overlayer_lowered;
	s6 =	simm.s32 $_tile_overlayer_lowered  }
0x9b: {  	s22 =	simm.s32 $0x1BFF;
	s21 =	sshll.u32 s6, $0x1;
	s3 =	sadd.s32 s4, s19  }
0x9c: {  	s7 =	simm.s32 $0x0;
	s20 =	sshll.u32 s5, $0x1;
	s5 =	sadd.s32 s21, s3  }
0x9d: {  	[timem:s7], [sflag:s22] =	dma.local [hbm:s5], s20  }
0x9e: {  	_ =	swait.ge [sflag:s22], s20  }
0x9f: {  	s4 =	ssub.s32 $0x0, s20;
	[sflag:s22] =	ssyncset.done $0x0  }
0xa0: {  	[sflag:s22] =	ssyncadd.s32 s4;
	_ =	sdelay $0x1  }
0xa1: {  	s23 =	simm.s32 $0x1B8B  }
0xa2: {  	_ =	swait.ge [sflag:s23], $0x1  }
0xa3: {  	[sflag:s23] =	ssyncset.done $0x0  }
0xa4: {  	s25 =	simm.s32 $0x1B8E;
	s24 =	sld [smem:$0x3FFE];
	[sflag:s23] =	ssyncadd.s32 $0xFFFFFFFF  }
0xa5: {  	s26 =	simm.s32 $execute0_lowered;
	[smem:$0x3FD2] =	sst s25  }
0xa6: {  	s5 =	sshll.u32 s26, $0x1;
	_ =	strace $0x80000046;
	[dreg:$0x1] =	wrdreg $0xFFFFFFFF  }
0xa7: {  	s28 =	simm.s32 $_size_execute0_lowered;
	s3 =	sadd.s32 s3, s5;
	[dreg:$0x0] =	wrdreg $0x0  }
0xa8: {  	s5 =	sshll.u32 s28, $0x1;
	[dreg:$0x2] =	wrdreg s3  }
0xa9: {  	[dreg:$0x3] =	wrdreg s5  }
0xaa: {  	[dreg:$0x4] =	wrdreg $0xC0  }
0xab: {  	_ =	task [dreg:s7], $0x5FFFF  }
0xac: {  	[dreg:$0x1] =	wrdreg $0xFFFFFFFF  }
0xad: {  	[dreg:$0x0] =	wrdreg $0x60  }
0xae: {  	[dreg:$0x2] =	wrdreg s2  }
0xaf: {  	[dreg:$0x3] =	wrdreg s24  }
0xb0: {  	[dreg:$0x4] =	wrdreg $0x9  }
0xb1: {  	_ =	task.clear_ibuf [dreg:s7], $0x5FFFF;
	_ =	strace $0x90000046  }
0xb2: {  	s29 =	simm.s32 $0x9;
	_ =	strace $0x80000048  }
0xb3: {  	_ =	swait.ge [sflag:s29], $0x1  }
0xb4: {  	[sflag:s29] =	ssyncadd.s32 $0xFFFFFFFF  }
0xb5: {  	_ =	strace $0x90000048  }
0xb6: {  	_ =	sfence  }
0xb7: {  	s30 =	sld [smem:$0x0];
	_ =	sdelay $0x2  }
0xb8: {  	s31 =	sshll.u32 s1, $0xD;
	s1 =	sshrl.u32 s1, $0x2  }
0xb9: {  	s3 =	sand.u32 $0x4000, s31;
	s1 =	sadd.s32 s1, s30  }
0xba: {  	s0 =	sor.u32 s3, s0;
	s1 =	sshll.u32 s1, $0x11  }
0xbb: {  	s0 =	sor.u32 s1, s0  }
0xbc: {  	s0 =	sadd.s32 $0x8F2B, s0  }
0xbd: {  	[sflag:s0] =	ssyncadd.remote.s32 $0x1  }
0xbe: {  	_ =	sfence.sel $0xFFFF  }
0xbf: {  	[dreg:$0x0] =	wrdreg $0xFFFFFFFF;
	(pc) =	sbr.abs _section_cstart, $3  }
0xc0: {  	[dreg:$0x1] =	wrdreg $0xFFFFFFFF  }
0xc1: {  	_ =	task.clear_ibuf [dreg:s7], $0x2FFFF;
	_ =	strace $0x9FFFFFFF  }
0xc2: {  	(tm) =	ssettm $0x7FFFFFFF  }
0xc3: {  	_ =	shalt  }
tec
execute0_lowered:
.L_overlay_start_1:
0x0: {  	(tag) =	ssettag $0x1  }
0x1: {  	s1 =	srdreg.scid;
	s2 =	rddreg [dreg:$0x0]  }
0x2: {  	s0 =	stileid.u32;
	s4 =	rddreg [dreg:$0x1]  }
0x3: {  	s3 =	sand.u32 $0x1, s1;
	s5 =	sshll.u32 s0, $0xD;
	s1 =	rddreg [dreg:$0x2]  }
0x4: {  	s6 =	sshll.u32 s3, $0xC;
	s31 =	ssub.s32 $0x2, s3;
	s3 =	simm.s32 $0x0  }
0x5: {  	s6 =	sor.u32 s6, s5;
	s8 =	sshrl.u32 s31, $0x1;
	[smem:$0x7FF] =	sst s3  }
0x6: {  	s7 =	sshrl.u32 s6, $0x3;
	s5 =	ssub.s32 s31, s8;
	_ =	strace $0x80000047  }
0x7: {  	v0 =	vmov s6;
	s6 =	simm.s32 $0x1;
	s8 =	simm.s32 $0x0;
	s4 =	sadd.s32 s7, s4  }
0x8: {  	v1 =	vimm.s32 $0xFFFFFFFF;
	v2 =	vlaneseq.u32;
	s5 =	smax.u32 s5, $0x1;
	s7 =	simm.s32 $0x4000;
	s4 =	sadd.s32 $0xC00, s4  }
.LBB2_1:
0x9: {  	[tilespmem:s3], [sflag:$0x1] =	stream.linear.gather [hbm4b:s2+s3], $0x4000, $0x38;
	[tilespmem:$0x5000] =	vst v63  }
0xa: {  	_ =	swait.ge [sflag:s6], $0x4000  }
0xb: {  	[sflag:s6] =	ssyncset.done $0x0  }
0xc: {  	s9 =	simm.s32 $0x0;
	[sflag:s6] =	ssyncadd.s32 $0xFFFFC000  }
.LBB2_2:
0xd: {  	p0 =	sne.s32 s9, $0x3FC0  }
.Ltmp0:
0xe: {  	_ = 	snop;
	(pc) =	sbr.rel @p0 .LBB2_2-.Ltmp0, $3  }
0xf: {  	_ =	sdelay $0x1  }
0x10: {  	s10 =	sshra.s32 s9, $0x2  }
0x11: {  	s9 =	sadd.s32 $0x40, s9;
	[tilespmem:s10+$0x4000] =	vst v1  }
0x12: {  	s9 =	simm.s32 $0xFFFFFFFC;
	s10 =	simm.s32 $0x0;
	s11 =	simm.s32 $0x20  }
.LBB2_4:
0x13: {  	v3 =	vld [tilespmem:s11+$0xFFFFFFE0];
	_ =	sdelay $0x4  }
0x14: {  	v4 =	vsub.s32 v3, v0  }
0x15: {  	vm0 =	vlt.u32 v4, $0x1000  }
0x16: {  	(xrf1) =	vunique.msk.u32 vm0, v3;
	_ =	sdelay $0xd  }
0x17: {  	_, v3, vm1 =	vpop (xrf1)  }
0x18: {  	vm1 =	vmand vm0, vm1  }
0x19: {  	v3 =	vnsel vm0, $0x0, v4;
	_ =	sdelay $0x3  }
0x1a: {  	v57 =	vor.u32 s10, v2  }
0x1b: {  	[tilespmem:v3+s7+$0x0] =	vst.idx.msk vm1, v57  }
0x1c: {  	v3 =	vld [tilespmem:s11+$0xFFFFFFF0];
	_ =	sdelay $0x4  }
0x1d: {  	v58 =	vsub.s32 v3, v0  }
0x1e: {  	vm10 =	vlt.u32 v58, $0x1000  }
0x1f: {  	(xrf1) =	vunique.msk.u32 vm10, v3;
	_ =	sdelay $0xd  }
0x20: {  	_, v3, vm11 =	vpop (xrf1)  }
0x21: {  	vm1 =	vmand vm10, vm11  }
0x22: {  	v3 =	vnsel vm10, $0x0, v58;
	_ =	sdelay $0x2  }
0x23: {  	s12 =	sadd.s32 $0x10, s10  }
0x24: {  	v59 =	vor.u32 s12, v2  }
0x25: {  	[tilespmem:v3+s7+$0x0] =	vst.idx.msk vm1, v59  }
0x26: {  	v3 =	vld [tilespmem:s11+$0x0];
	_ =	sdelay $0x4  }
0x27: {  	v60 =	vsub.s32 v3, v0  }
0x28: {  	vm12 =	vlt.u32 v60, $0x1000  }
0x29: {  	(xrf1) =	vunique.msk.u32 vm12, v3;
	_ =	sdelay $0xd  }
0x2a: {  	_, v3, vm13 =	vpop (xrf1)  }
0x2b: {  	vm1 =	vmand vm12, vm13  }
0x2c: {  	v3 =	vnsel vm12, $0x0, v60;
	_ =	sdelay $0x2  }
0x2d: {  	s30 =	sadd.s32 $0x20, s10  }
0x2e: {  	v61 =	vor.u32 s30, v2  }
0x2f: {  	[tilespmem:v3+s7+$0x0] =	vst.idx.msk vm1, v61  }
0x30: {  	v3 =	vld [tilespmem:s11+$0x10];
	_ =	sdelay $0x4  }
0x31: {  	v62 =	vsub.s32 v3, v0  }
0x32: {  	vm14 =	vlt.u32 v62, $0x1000  }
0x33: {  	(xrf1) =	vunique.msk.u32 vm14, v3;
	_ =	sdelay $0xd  }
0x34: {  	_, v3, vm15 =	vpop (xrf1)  }
0x35: {  	s9 =	sadd.s32 $0x4, s9;
	vm1 =	vmand vm14, vm15  }
0x36: {  	p0 =	slt.u32 s9, $0x3FC;
	v3 =	vnsel vm14, $0x0, v62  }
.Ltmp1:
0x37: {  	_ = 	snop;
	(pc) =	sbr.rel @p0 .LBB2_4-.Ltmp1, $4  }
0x38: {  	_ = 	snop  }
0x39: {  	s31 =	sadd.s32 $0x30, s10  }
0x3a: {  	v63 =	vor.u32 s31, v2  }
0x3b: {  	s10 =	sadd.s32 $0x40, s10;
	s11 =	sadd.s32 $0x40, s11;
	[tilespmem:v3+s7+$0x0] =	vst.idx.msk vm1, v63  }
0x3c: {  	s8 =	sadd.s32 $0x1, s8  }
0x3d: {  	p0 =	sne.s32 s8, s5  }
.Ltmp2:
0x3e: {  	_ = 	snop;
	(pc) =	sbr.rel @p0 .LBB2_1-.Ltmp2, $4  }
0x3f: {  	[hbm4b:s4+s3] =	stream.linear.scatter [tilespmem:s7], [sflag:$0x1], $0x1000, $0x38;
	[tilespmem:$0x5000] =	vst v63  }
0x40: {  	_ =	swait.ge [sflag:s6], $0x1000  }
0x41: {  	[sflag:s6] =	ssyncset.done $0x0  }
0x42: {  	[sflag:s6] =	ssyncadd.s32 $0xFFFFF000  }
0x43: {  	_ =	sfence.sel $0x180000  }
0x44: {  	[bflag:$0x0] =	sbarrier.arrive $0xFFFF  }
0x45: {  	p0 =	sne.s32 s0, $0x0;
	_ =	strace $0x90000047  }
0x46: {  	s0 =	sadd.s32 @!p0 $0x100000, s1;
	[bflag:$0x2] =	sbarrier.arrive $0xFFFF  }
0x47: {  	[sflag:s0] =	ssyncadd.tile.s32 @!p0 $0x1;
	_ =	shalt  }
.Lfunc_end2:
_tile_overlayer_lowered:
.L_overlay_start_2:
0x48: {  	(tag) =	ssettag $0x2  }
0x49: {  	s0 =	rddreg [dreg:$0x0];
	s2 =	stileid.u32  }
0x4a: {  	s1 =	rddreg [dreg:$0x1];
	p0 =	sne.s32 s2, $0x0  }
0x4b: {  	s3 =	rddreg [dreg:$0x2];
	[bflag:$0x3] =	sbarrier.arrive $0xFFFF;
	s2 =	simm.s32 @!p0 $0x1C01  }
0x4c: {  	[timem:s3], [sflag:s2] =	dma.local @!p0 [hbm:s0], s1  }
0x4d: {  	s0 =	simm.s32 @!p0 $0x1  }
0x4e: {  	_ =	swait.ge @!p0 [sflag:s0], s1  }
0x4f: {  	s1 =	ssub.s32 @!p0 $0x0, s1;
	[sflag:s0] =	ssyncset.done @!p0 $0x0  }
0x50: {  	[sflag:s0] =	ssyncadd.s32 @!p0 s1  }
0x51: {  	[bflag:$0x3] =	sbarrier.arrive $0xFFFF  }
0x52: {  	_ =	shalt  }

// kernel: kernel.8.cloned.1.call-start
scs
__scs_entry_jumppad:
0x0: {  	(pc) =	sbr.rel $0x88, $3  }
0x1: {  	(tag) =	ssettag $0x0;
	lr =	simm.s32 $0x1  }
0x2: {  	[smem:$0x3F9E] =	sst lr;
	_ =	strace $0xD0000000  }
0x3: {  	_ = 	snop  }
0x4: {  	_ = 	snop  }
0x5: {  	_ = 	snop  }
0x6: {  	_ = 	snop  }
0x7: {  	_ = 	snop  }
__scs_overlays_trampoline_lowered:
0x8: {  	[smem:$0x3FAD] =	sst s0  }
0x9: {  	[smem:$0x3FAE] =	sst s1  }
0xa: {  	[smem:$0x3FAF] =	sst s2  }
0xb: {  	[smem:$0x3FB0] =	sst s3  }
0xc: {  	[smem:$0x3FB1] =	sst s4  }
0xd: {  	[smem:$0x3FB2] =	sst s5  }
0xe: {  	[smem:$0x3FB3] =	sst s6  }
0xf: {  	[smem:$0x3FB4] =	sst s7  }
0x10: {  	[smem:$0x3FB5] =	sst s8  }
0x11: {  	[smem:$0x3FB6] =	sst s9;
	s0 =	simm.s32 @!p0 $0x0  }
0x12: {  	s1 =	sld [smem:$0x3F9C];
	s0 =	simm.s32 @p0 $0x1  }
0x13: {  	[smem:$0x3FB7] =	sst s0;
	s0 =	simm.s32 @!p1 $0x0  }
0x14: {  	s2 =	sld [smem:$0x3F9B];
	s0 =	simm.s32 @p1 $0x1  }
0x15: {  	[smem:$0x3FB8] =	sst s0;
	s0 =	simm.s32 @!p2 $0x0  }
0x16: {  	s3 =	sld [smem:$0x3FDB];
	s0 =	simm.s32 @p2 $0x1  }
0x17: {  	s4 =	simm.s32 $0x1BF5;
	[smem:$0x3FBA] =	sst s0  }
0x18: {  	s0 =	sld [smem:$0x3F9D];
	_ =	swait.ge [sflag:s4], $0x0  }
0x19: {  	s7 =	sld [smem:$0x3F9E]  }
0x1a: {  	s8 =	sadd.s32 $0xFFFFE003, lr  }
0x1b: {  	s9 =	sadd.s32 $0xFFFFFEF7, lr;
	s5 =	simm.s32 $0xFFFFFFFF;
	p2 =	slt.u32 s8, $0xFFFFF086  }
0x1c: {  	p1 =	slt.u32 s9, $0xF7A;
	s5 =	simm.s32 @!p2 $0x0  }
0x1d: {  	s5 =	simm.s32 @p1 $0x1;
	p0 =	seq.s32 s7, s2  }
0x1e: {  	s7 =	smul.u32 @!p0 $0xF7A, s2;
	p2 =	seq.s32 @!p0 s5, $0x0  }
0x1f: {  	s9 =	smul.u32 $0xF7A, s1;
	s8 =	simm.s32 @!p0 $0x1BF5;
	p2 =	por !p2, p0  }
0x20: {  	[sflag:s8] =	ssyncset.s32 @!p0 $0xFFFFF086;
	s6 =	sadd.s32 @!p0 s3, s7;
	s7 =	simm.s32 @!p0 $0x108  }
0x21: {  	s3 =	sadd.s32 s3, s9;
	s6 =	sadd.s32 @!p0 $0x88, s6;
	s7 =	simm.s32 @p2 $0x1082  }
0x22: {  	[simem:s7], [sflag:s8] =	dma.local @!p0 [hbm:s6], $0xF7A  }
0x23: {  	s9 =	sor.u32 $0xD0000000, s2;
	s6 =	simm.s32 $0x108;
	_ =	swait.ge @!p0 [sflag:s8], $0x0  }
0x24: {  	s3 =	sadd.s32 $0x88, s3;
	s6 =	simm.s32 @!p1 $0x1082;
	[sflag:s4] =	ssyncset.s32 $0xFFFFF086  }
0x25: {  	[simem:s6], [sflag:s4] =	dma.local [hbm:s3], $0xF7A  }
0x26: {  	[smem:$0x3F9E] =	sst s1;
	(tag) =	ssettag s2;
	_ =	strace s9  }
0x27: {  	s1 =	sld [smem:$0x3FAE]  }
0x28: {  	s2 =	sld [smem:$0x3FAF]  }
0x29: {  	s4 =	sld [smem:$0x3FB1]  }
0x2a: {  	p0 =	seq.s32 s5, $0x0;
	s5 =	sld [smem:$0x3FB2]  }
0x2b: {  	s6 =	sld [smem:$0x3FB3]  }
0x2c: {  	s7 =	sld [smem:$0x3FB4]  }
0x2d: {  	s3 =	simm.s32 $0x108;
	s8 =	sld [smem:$0x3FB5]  }
0x2e: {  	s3 =	simm.s32 @!p0 $0x1082;
	s9 =	sld [smem:$0x3FB6]  }
0x2f: {  	lr =	sadd.s32 s0, s3;
	s0 =	sld [smem:$0x3FAD]  }
0x30: {  	s3 =	sld [smem:$0x3FB0]  }
0x31: {  	[smem:$0x3FB9] =	sst s10  }
0x32: {  	s10 =	sld [smem:$0x3FB7];
	_ =	sdelay $0x3  }
0x33: {  	p0 =	seq.s32 s10, $0x1;
	s10 =	sld [smem:$0x3FB9];
	_ =	sdelay $0x3  }
0x34: {  	[smem:$0x3FB9] =	sst s10  }
0x35: {  	s10 =	sld [smem:$0x3FB8];
	_ =	sdelay $0x3  }
0x36: {  	p1 =	seq.s32 s10, $0x1;
	s10 =	sld [smem:$0x3FB9];
	_ =	sdelay $0x3  }
0x37: {  	[smem:$0x3FB9] =	sst s10  }
0x38: {  	s10 =	sld [smem:$0x3FBA]  }
0x39: {  	_ = 	snop;
	(pc) =	sbr.ind lr, $3  }
0x3a: {  	_ = 	snop  }
0x3b: {  	_ = 	snop  }
0x3c: {  	p2 =	seq.s32 s10, $0x1;
	s10 =	sld [smem:$0x3FB9]  }
0x3d: {  	_ =	shalt  }
0x3e: {  	_ =	shalt  }
0x3f: {  	_ =	shalt  }
0x40: {  	_ =	shalt  }
0x41: {  	_ =	shalt  }
0x42: {  	_ =	shalt  }
0x43: {  	_ =	shalt  }
0x44: {  	_ =	shalt  }
0x45: {  	_ =	shalt  }
0x46: {  	_ =	shalt  }
0x47: {  	_ =	shalt  }
0x48: {  	_ =	shalt  }
0x49: {  	_ =	shalt  }
0x4a: {  	_ =	shalt  }
0x4b: {  	_ =	shalt  }
0x4c: {  	_ =	shalt  }
0x4d: {  	_ =	shalt  }
0x4e: {  	_ =	shalt  }
0x4f: {  	_ =	shalt  }
0x50: {  	_ =	shalt  }
0x51: {  	_ =	shalt  }
0x52: {  	_ =	shalt  }
0x53: {  	_ =	shalt  }
0x54: {  	_ =	shalt  }
0x55: {  	_ =	shalt  }
0x56: {  	_ =	shalt  }
0x57: {  	_ =	shalt  }
0x58: {  	_ =	shalt  }
0x59: {  	_ =	shalt  }
0x5a: {  	_ =	shalt  }
0x5b: {  	_ =	shalt  }
0x5c: {  	_ =	shalt  }
0x5d: {  	_ =	shalt  }
0x5e: {  	_ =	shalt  }
0x5f: {  	_ =	shalt  }
0x60: {  	_ =	shalt  }
0x61: {  	_ =	shalt  }
0x62: {  	_ =	shalt  }
0x63: {  	_ =	shalt  }
0x64: {  	_ =	shalt  }
0x65: {  	_ =	shalt  }
0x66: {  	_ =	shalt  }
0x67: {  	_ =	shalt  }
0x68: {  	_ =	shalt  }
0x69: {  	_ =	shalt  }
0x6a: {  	_ =	shalt  }
0x6b: {  	_ =	shalt  }
0x6c: {  	_ =	shalt  }
0x6d: {  	_ =	shalt  }
0x6e: {  	_ =	shalt  }
0x6f: {  	_ =	shalt  }
0x70: {  	_ =	shalt  }
0x71: {  	_ =	shalt  }
0x72: {  	_ =	shalt  }
0x73: {  	_ =	shalt  }
0x74: {  	_ =	shalt  }
0x75: {  	_ =	shalt  }
0x76: {  	_ =	shalt  }
0x77: {  	_ =	shalt  }
0x78: {  	_ =	shalt  }
0x79: {  	_ =	shalt  }
0x7a: {  	_ =	shalt  }
0x7b: {  	_ =	shalt  }
0x7c: {  	_ =	shalt  }
0x7d: {  	_ =	shalt  }
0x7e: {  	_ =	shalt  }
0x7f: {  	_ =	shalt  }
0x80: {  	_ =	shalt  }
0x81: {  	_ =	shalt  }
0x82: {  	_ =	shalt  }
0x83: {  	_ =	shalt  }
0x84: {  	_ =	shalt  }
0x85: {  	_ =	shalt  }
0x86: {  	_ =	shalt  }
0x87: {  	_ =	shalt  }
.Lfunc_end0:
.L_simem_size_0:
called_computation.1_lowered:
.L_overlay_start_0:
0x88: {  	s2 =	sld [smem:$0x3FD9]  }
0x89: {  	s3 =	sld [smem:$0x3FFE];
	_ =	sdelay $0x1  }
0x8a: {  	s1 =	srdreg.scid  }
0x8b: {  	s0 =	sand.u32 $0x1, s1  }
0x8c: {  	s17 =	sshll.u32 s0, $0xA;
	s2 =	sadd.s32 s3, s2  }
0x8d: {  	s2 =	sadd.s32 s2, s17  }
0x8e: {  	[smem:$0x3FC5] =	sst s2  }
0x8f: {  	_ = 	snop  }
0x90: {  	s2 =	sld [smem:$0x3FD0];
	(tm) =	ssettm $0x1  }
0x91: {  	s18 =	sld [smem:$0x3FFB];
	_ =	sdelay $0x3  }
0x92: {  	_ =	strace s18  }
0x93: {  	s3 =	sld [smem:$0x3FFC];
	_ =	sdelay $0x3  }
0x94: {  	_ =	strace s3  }
0x95: {  	s3 =	sld [smem:$0x3FFD];
	_ =	sdelay $0x3  }
0x96: {  	_ =	strace s3  }
0x97: {  	_ =	strace $0x8FFFFFFF  }
0x98: {  	s19 =	sld [smem:$0x3FDB];
	_ =	sdelay $0x1  }
0x99: {  	s4 =	simm.s32 $_scs_section_size  }
0x9a: {  	s5 =	simm.s32 $_size__tile_overlayer_lowered;
	s6 =	simm.s32 $_tile_overlayer_lowered  }
0x9b: {  	s22 =	simm.s32 $0x1BFF;
	s21 =	sshll.u32 s6, $0x1;
	s3 =	sadd.s32 s4, s19  }
0x9c: {  	s7 =	simm.s32 $0x0;
	s20 =	sshll.u32 s5, $0x1;
	s5 =	sadd.s32 s21, s3  }
0x9d: {  	[timem:s7], [sflag:s22] =	dma.local [hbm:s5], s20  }
0x9e: {  	_ =	swait.ge [sflag:s22], s20  }
0x9f: {  	s4 =	ssub.s32 $0x0, s20;
	[sflag:s22] =	ssyncset.done $0x0  }
0xa0: {  	[sflag:s22] =	ssyncadd.s32 s4;
	_ =	sdelay $0x1  }
0xa1: {  	s23 =	simm.s32 $0x1B8B  }
0xa2: {  	_ =	swait.ge [sflag:s23], $0x1  }
0xa3: {  	[sflag:s23] =	ssyncset.done $0x0  }
0xa4: {  	s25 =	simm.s32 $0x1B8E;
	s24 =	sld [smem:$0x3FFE];
	[sflag:s23] =	ssyncadd.s32 $0xFFFFFFFF  }
0xa5: {  	s26 =	simm.s32 $execute0_lowered;
	[smem:$0x3FD2] =	sst s25  }
0xa6: {  	s5 =	sshll.u32 s26, $0x1;
	_ =	strace $0x80000049;
	[dreg:$0x1] =	wrdreg $0xFFFFFFFF  }
0xa7: {  	s28 =	simm.s32 $_size_execute0_lowered;
	s3 =	sadd.s32 s3, s5;
	[dreg:$0x0] =	wrdreg $0x0  }
0xa8: {  	s5 =	sshll.u32 s28, $0x1;
	[dreg:$0x2] =	wrdreg s3  }
0xa9: {  	[dreg:$0x3] =	wrdreg s5  }
0xaa: {  	[dreg:$0x4] =	wrdreg $0xC0  }
0xab: {  	_ =	task [dreg:s7], $0x5FFFF  }
0xac: {  	[dreg:$0x1] =	wrdreg $0xFFFFFFFF  }
0xad: {  	[dreg:$0x0] =	wrdreg $0x60  }
0xae: {  	[dreg:$0x2] =	wrdreg s24  }
0xaf: {  	[dreg:$0x3] =	wrdreg s2  }
0xb0: {  	[dreg:$0x4] =	wrdreg $0x9  }
0xb1: {  	_ =	task.clear_ibuf [dreg:s7], $0x5FFFF;
	_ =	strace $0x90000049  }
0xb2: {  	s29 =	simm.s32 $0x9;
	_ =	strace $0x8000004B  }
0xb3: {  	_ =	swait.ge [sflag:s29], $0x1  }
0xb4: {  	[sflag:s29] =	ssyncadd.s32 $0xFFFFFFFF  }
0xb5: {  	_ =	strace $0x9000004B  }
0xb6: {  	_ =	sfence  }
0xb7: {  	s30 =	sld [smem:$0x0];
	_ =	sdelay $0x2  }
0xb8: {  	s31 =	sshll.u32 s1, $0xD;
	s1 =	sshrl.u32 s1, $0x2  }
0xb9: {  	s3 =	sand.u32 $0x4000, s31;
	s1 =	sadd.s32 s1, s30  }
0xba: {  	s0 =	sor.u32 s3, s0;
	s1 =	sshll.u32 s1, $0x11  }
0xbb: {  	s0 =	sor.u32 s1, s0  }
0xbc: {  	s0 =	sadd.s32 $0x8F2B, s0  }
0xbd: {  	[sflag:s0] =	ssyncadd.remote.s32 $0x1  }
0xbe: {  	_ =	sfence.sel $0xFFFF  }
0xbf: {  	[dreg:$0x0] =	wrdreg $0xFFFFFFFF;
	(pc) =	sbr.abs _section_cstart, $3  }
0xc0: {  	[dreg:$0x1] =	wrdreg $0xFFFFFFFF  }
0xc1: {  	_ =	task.clear_ibuf [dreg:s7], $0x2FFFF;
	_ =	strace $0x9FFFFFFF  }
0xc2: {  	(tm) =	ssettm $0x7FFFFFFF  }
0xc3: {  	_ =	shalt  }
tec
execute0_lowered:
.L_overlay_start_1:
0x0: {  	(tag) =	ssettag $0x1  }
0x1: {  	s1 =	srdreg.scid;
	s3 =	stileid.u32  }
0x2: {  	s1 =	sand.u32 $0x1, s1;
	s4 =	sshll.u32 s3, $0x1  }
0x3: {  	s7 =	sor.u32 s1, s4  }
0x4: {  	s0 =	rddreg [dreg:$0x0];
	s5 =	sshll.u32 s7, $0xF  }
0x5: {  	s2 =	rddreg [dreg:$0x1];
	s3 =	simm.s32 $0x0;
	s8 =	sadd.s32 s5, s0  }
0x6: {  	[smem:$0x7FF] =	sst s3;
	s9 =	sadd.s32 $0x621400, s8  }
0x7: {  	_ =	strace $0x8000004A;
	s12 =	sadd.s32 $0x621C00, s8;
	[dreg:$0x3] =	wrdreg s9  }
0x8: {  	s6 =	sadd.s32 $0x6D00, s0;
	s13 =	sadd.s32 $0x622400, s8;
	[dreg:$0x4] =	wrdreg s12  }
0x9: {  	s4 =	sadd.s32 $0x6C00, s0;
	s14 =	sadd.s32 $0x622C00, s8;
	[dreg:$0x5] =	wrdreg s13  }
0xa: {  	s7 =	sshll.u32 s7, $0x8;
	s15 =	sadd.s32 $0x623400, s8;
	[dreg:$0x6] =	wrdreg s14  }
0xb: {  	s5 =	sadd.s32 $0xC00, s0;
	s16 =	sadd.s32 $0x623C00, s8;
	[dreg:$0x7] =	wrdreg s15  }
0xc: {  	s0 =	sadd.s32 s7, s0;
	s17 =	sadd.s32 $0x624400, s8;
	[dreg:$0x8] =	wrdreg s16  }
0xd: {  	s0 =	sadd.s32 $0x4C00, s0;
	[dreg:$0x9] =	wrdreg s17  }
0xe: {  	s28 =	simm.s32 $0x20;
	s18 =	sadd.s32 $0x624C00, s8;
	[dreg:$0xa] =	wrdreg s0  }
0xf: {  	s30 =	simm.s32 $0x1;
	s19 =	sadd.s32 $0x625400, s8;
	[dreg:$0xb] =	wrdreg s18  }
0x10: {  	s31 =	simm.s32 $0x1000;
	s21 =	sadd.s32 $0x625C00, s8;
	[dreg:$0xc] =	wrdreg s19  }
0x11: {  	s10 =	simm.s32 $0xF800;
	s22 =	sadd.s32 $0x626400, s8;
	[dreg:$0xd] =	wrdreg s21  }
0x12: {  	s11 =	simm.s32 $0x10000;
	s23 =	sadd.s32 $0x626C00, s8;
	[dreg:$0xe] =	wrdreg s22  }
0x13: {  	s1 =	ssub.s32 $0x2, s1;
	s24 =	sadd.s32 $0x627400, s8;
	[dreg:$0xf] =	wrdreg s23  }
0x14: {  	s20 =	sshrl.u32 s1, $0x1;
	s25 =	sadd.s32 $0x627C00, s8;
	[dreg:$0x10] =	wrdreg s24  }
0x15: {  	s7 =	simm.s32 $0xE000;
	s26 =	sadd.s32 $0x628400, s8;
	[dreg:$0x11] =	wrdreg s25  }
0x16: {  	s29 =	sadd.s32 $0x628C00, s8;
	s8 =	simm.s32 $0xE800;
	[dreg:$0x12] =	wrdreg s26  }
0x17: {  	s0 =	ssub.s32 s1, s20;
	s21 =	sadd.s32 $0x100, s2;
	[dreg:$0x13] =	wrdreg s29  }
0x18: {  	s19 =	simm.s32 $0x9000;
	s9 =	simm.s32 $0xF000;
	s12 =	simm.s32 $0x10800  }
0x19: {  	v2 =	vlaneseq.u32;
	s13 =	simm.s32 $0x2;
	s14 =	simm.s32 $0x3;
	s15 =	simm.s32 $0x4  }
0x1a: {  	vm0 =	vmmov $0xffff;
	v1 =	vshrl.u32 v2, $0x3;
	s16 =	simm.s32 $0x5;
	s17 =	simm.s32 $0x6;
	s0 =	smax.u32 s0, $0x1  }
0x1b: {  	v0 =	vand.u32 $0x7, v2;
	v2 =	vor.u32 $0x8, v2;
	v1 =	vmul.u32 $0x8, v1;
	s18 =	simm.s32 $0x7;
	s20 =	simm.s32 $0x0;
	[dreg:$0x14] =	wrdreg s0  }
.LBB2_1:
0x1c: {  	s0 =	rddreg [dreg:$0xa];
	s1 =	simm.s32 $0x8  }
0x1d: {  	[tilespmem:s3], [sflag:$0x8] =	stream.linear.gather [hbm4b:s0+s3], $0x800, $0x38;
	[tilespmem:$0x11000] =	vst v63  }
0x1e: {  	_ =	swait.ge [sflag:s1], $0x800  }
0x1f: {  	[sflag:s1] =	ssyncset.done $0x0  }
0x20: {  	s22 =	simm.s32 $0x800;
	[sflag:s1] =	ssyncadd.s32 $0xFFFFF800  }
0x21: {  	[tilespmem:s22], [sflag:$0x1] =	stream.indirect.gather [hbm4b:s5+s28], $0x1, s3, s28, $0xb8;
	[tilespmem:$0x11000] =	vst v63  }
0x22: {  	s23 =	simm.s32 $0x80;
	s1 =	simm.s32 $0x880  }
0x23: {  	[tilespmem:s1], [sflag:$0x1] =	stream.indirect.gather [hbm4b:s5+s28], $0x1, s23, s28, $0xb8;
	[tilespmem:$0x11000] =	vst v63  }
0x24: {  	s24 =	simm.s32 $0x100;
	s25 =	simm.s32 $0x900  }
0x25: {  	[tilespmem:s25], [sflag:$0x1] =	stream.indirect.gather [hbm4b:s5+s28], $0x1, s24, s28, $0xb8;
	[tilespmem:$0x11000] =	vst v63  }
0x26: {  	s26 =	simm.s32 $0x180;
	s29 =	simm.s32 $0x980  }
0x27: {  	[tilespmem:s29], [sflag:$0x1] =	stream.indirect.gather [hbm4b:s5+s28], $0x1, s26, s28, $0xb8;
	[tilespmem:$0x11000] =	vst v63  }
0x28: {  	s22 =	simm.s32 $0x200;
	s23 =	simm.s32 $0xA00  }
0x29: {  	[tilespmem:s23], [sflag:$0x1] =	stream.indirect.gather [hbm4b:s5+s28], $0x1, s22, s28, $0xb8;
	[tilespmem:$0x11000] =	vst v63  }
0x2a: {  	s24 =	simm.s32 $0x280;
	s25 =	simm.s32 $0xA80  }
0x2b: {  	[tilespmem:s25], [sflag:$0x1] =	stream.indirect.gather [hbm4b:s5+s28], $0x1, s24, s28, $0xb8;
	[tilespmem:$0x11000] =	vst v63  }
0x2c: {  	s26 =	simm.s32 $0x300;
	s29 =	simm.s32 $0xB00  }
0x2d: {  	[tilespmem:s29], [sflag:$0x1] =	stream.indirect.gather [hbm4b:s5+s28], $0x1, s26, s28, $0xb8;
	[tilespmem:$0x11000] =	vst v63  }
0x2e: {  	s22 =	simm.s32 $0x380;
	s23 =	simm.s32 $0xB80  }
0x2f: {  	[tilespmem:s23], [sflag:$0x1] =	stream.indirect.gather [hbm4b:s5+s28], $0x1, s22, s28, $0xb8;
	[tilespmem:$0x11000] =	vst v63  }
0x30: {  	s24 =	simm.s32 $0x400;
	s25 =	simm.s32 $0xC00  }
0x31: {  	[tilespmem:s25], [sflag:$0x1] =	stream.indirect.gather [hbm4b:s5+s28], $0x1, s24, s28, $0xb8;
	[tilespmem:$0x11000] =	vst v63  }
0x32: {  	s26 =	simm.s32 $0x480;
	s29 =	simm.s32 $0xC80  }
0x33: {  	[tilespmem:s29], [sflag:$0x1] =	stream.indirect.gather [hbm4b:s5+s28], $0x1, s26, s28, $0xb8;
	[tilespmem:$0x11000] =	vst v63  }
0x34: {  	s22 =	simm.s32 $0x500;
	s23 =	simm.s32 $0xD00  }
0x35: {  	[tilespmem:s23], [sflag:$0x1] =	stream.indirect.gather [hbm4b:s5+s28], $0x1, s22, s28, $0xb8;
	[tilespmem:$0x11000] =	vst v63  }
0x36: {  	s24 =	simm.s32 $0x580;
	s25 =	simm.s32 $0xD80  }
0x37: {  	[tilespmem:s25], [sflag:$0x1] =	stream.indirect.gather [hbm4b:s5+s28], $0x1, s24, s28, $0xb8;
	[tilespmem:$0x11000] =	vst v63  }
0x38: {  	s26 =	simm.s32 $0x600;
	s29 =	simm.s32 $0xE00  }
0x39: {  	[tilespmem:s29], [sflag:$0x1] =	stream.indirect.gather [hbm4b:s5+s28], $0x1, s26, s28, $0xb8;
	[tilespmem:$0x11000] =	vst v63  }
0x3a: {  	s22 =	simm.s32 $0x680;
	s23 =	simm.s32 $0xE80  }
0x3b: {  	[tilespmem:s23], [sflag:$0x1] =	stream.indirect.gather [hbm4b:s5+s28], $0x1, s22, s28, $0xb8;
	[tilespmem:$0x11000] =	vst v63  }
0x3c: {  	s24 =	simm.s32 $0x700;
	s25 =	simm.s32 $0xF00  }
0x3d: {  	[tilespmem:s25], [sflag:$0x1] =	stream.indirect.gather [hbm4b:s5+s28], $0x1, s24, s28, $0xb8;
	[tilespmem:$0x11000] =	vst v63  }
0x3e: {  	s26 =	simm.s32 $0x780;
	s29 =	simm.s32 $0xF80  }
0x3f: {  	[tilespmem:s29], [sflag:$0x1] =	stream.indirect.gather [hbm4b:s5+s28], $0x1, s26, s28, $0xb8;
	[tilespmem:$0x11000] =	vst v63  }
0x40: {  	_ =	swait.ge [sflag:s30], $0x20  }
0x41: {  	[sflag:s30] =	ssyncset.done $0x0  }
0x42: {  	[sflag:s30] =	ssyncadd.s32 $0xFFFFFFE0  }
0x43: {  	_ =	swait.ge [sflag:s30], $0x20  }
0x44: {  	[sflag:s30] =	ssyncset.done $0x0  }
0x45: {  	[sflag:s30] =	ssyncadd.s32 $0xFFFFFFE0  }
0x46: {  	_ =	swait.ge [sflag:s30], $0x20  }
0x47: {  	[sflag:s30] =	ssyncset.done $0x0  }
0x48: {  	[sflag:s30] =	ssyncadd.s32 $0xFFFFFFE0  }
0x49: {  	_ =	swait.ge [sflag:s30], $0x20  }
0x4a: {  	[sflag:s30] =	ssyncset.done $0x0  }
0x4b: {  	[sflag:s30] =	ssyncadd.s32 $0xFFFFFFE0  }
0x4c: {  	_ =	swait.ge [sflag:s30], $0x20  }
0x4d: {  	[sflag:s30] =	ssyncset.done $0x0  }
0x4e: {  	[sflag:s30] =	ssyncadd.s32 $0xFFFFFFE0  }
0x4f: {  	_ =	swait.ge [sflag:s30], $0x20  }
0x50: {  	[sflag:s30] =	ssyncset.done $0x0  }
0x51: {  	[sflag:s30] =	ssyncadd.s32 $0xFFFFFFE0  }
0x52: {  	_ =	swait.ge [sflag:s30], $0x20  }
0x53: {  	[sflag:s30] =	ssyncset.done $0x0  }
0x54: {  	[sflag:s30] =	ssyncadd.s32 $0xFFFFFFE0  }
0x55: {  	_ =	swait.ge [sflag:s30], $0x20  }
0x56: {  	[sflag:s30] =	ssyncset.done $0x0  }
0x57: {  	[sflag:s30] =	ssyncadd.s32 $0xFFFFFFE0  }
0x58: {  	_ =	swait.ge [sflag:s30], $0x20  }
0x59: {  	[sflag:s30] =	ssyncset.done $0x0  }
0x5a: {  	[sflag:s30] =	ssyncadd.s32 $0xFFFFFFE0  }
0x5b: {  	_ =	swait.ge [sflag:s30], $0x20  }
0x5c: {  	[sflag:s30] =	ssyncset.done $0x0  }
0x5d: {  	[sflag:s30] =	ssyncadd.s32 $0xFFFFFFE0  }
0x5e: {  	_ =	swait.ge [sflag:s30], $0x20  }
0x5f: {  	[sflag:s30] =	ssyncset.done $0x0  }
0x60: {  	[sflag:s30] =	ssyncadd.s32 $0xFFFFFFE0  }
0x61: {  	_ =	swait.ge [sflag:s30], $0x20  }
0x62: {  	[sflag:s30] =	ssyncset.done $0x0  }
0x63: {  	[sflag:s30] =	ssyncadd.s32 $0xFFFFFFE0  }
0x64: {  	_ =	swait.ge [sflag:s30], $0x20  }
0x65: {  	[sflag:s30] =	ssyncset.done $0x0  }
0x66: {  	[sflag:s30] =	ssyncadd.s32 $0xFFFFFFE0  }
0x67: {  	_ =	swait.ge [sflag:s30], $0x20  }
0x68: {  	[sflag:s30] =	ssyncset.done $0x0  }
0x69: {  	[sflag:s30] =	ssyncadd.s32 $0xFFFFFFE0  }
0x6a: {  	_ =	swait.ge [sflag:s30], $0x20  }
0x6b: {  	[sflag:s30] =	ssyncset.done $0x0  }
0x6c: {  	[sflag:s30] =	ssyncadd.s32 $0xFFFFFFE0  }
0x6d: {  	_ =	swait.ge [sflag:s30], $0x20  }
0x6e: {  	[sflag:s30] =	ssyncset.done $0x0  }
0x6f: {  	[sflag:s30] =	ssyncadd.s32 $0xFFFFFFE0  }
0x70: {  	v3 =	vld [tilespmem:$0x0];
	_ =	sdelay $0x4  }
0x71: {  	v4 =	vshll.u32 v3, $0x2  }
0x72: {  	v3 =	vand.u32 $0x7, v3;
	v4 =	vand.u32 $0xFFFFFFE0, v4  }
0x73: {  	v3 =	vor.u32 v3, v4  }
0x74: {  	v4 =	vperm.xlane v3, v0;
	_ =	sdelay $0x1  }
0x75: {  	v4 =	vadd.s32 v1, v4;
	_ =	sdelay $0x1  }
0x76: {  	v3 =	vperm.xlane v3, v2;
	_ =	sdelay $0x1  }
0x77: {  	v3 =	vadd.s32 v1, v3  }
0x78: {  	[tilespmem:s31], [sflag:$0x2] =	stream.indirect_vreg.gather [hbm4b:s4+s3], $0x80, v4, vm0, $0xb8;
	[tilespmem:$0x11000] =	vst v63  }
0x79: {  	s1 =	simm.s32 $0x1800  }
0x7a: {  	[tilespmem:s1], [sflag:$0x2] =	stream.indirect_vreg.gather [hbm4b:s6+s3], $0x80, v4, vm0, $0xb8;
	[tilespmem:$0x11000] =	vst v63  }
0x7b: {  	s22 =	simm.s32 $0x2000  }
0x7c: {  	[tilespmem:s22], [sflag:$0x2] =	stream.indirect_vreg.gather [hbm4b:s4+s3], $0x80, v3, vm0, $0xb8;
	[tilespmem:$0x11000] =	vst v63  }
0x7d: {  	s23 =	simm.s32 $0x2800  }
0x7e: {  	[tilespmem:s23], [sflag:$0x2] =	stream.indirect_vreg.gather [hbm4b:s6+s3], $0x80, v3, vm0, $0xb8;
	[tilespmem:$0x11000] =	vst v63  }
0x7f: {  	v3 =	vld [tilespmem:$0x10];
	_ =	sdelay $0x4  }
0x80: {  	v4 =	vshll.u32 v3, $0x2  }
0x81: {  	v3 =	vand.u32 $0x7, v3;
	v4 =	vand.u32 $0xFFFFFFE0, v4  }
0x82: {  	v3 =	vor.u32 v3, v4  }
0x83: {  	v4 =	vperm.xlane v3, v0;
	_ =	sdelay $0x1  }
0x84: {  	v4 =	vadd.s32 v1, v4;
	_ =	sdelay $0x1  }
0x85: {  	v3 =	vperm.xlane v3, v2;
	_ =	sdelay $0x1  }
0x86: {  	s24 =	simm.s32 $0x3000;
	v3 =	vadd.s32 v1, v3  }
0x87: {  	[tilespmem:s24], [sflag:$0x2] =	stream.indirect_vreg.gather [hbm4b:s4+s3], $0x80, v4, vm0, $0xb8;
	[tilespmem:$0x11000] =	vst v63  }
0x88: {  	s25 =	simm.s32 $0x3800  }
0x89: {  	[tilespmem:s25], [sflag:$0x2] =	stream.indirect_vreg.gather [hbm4b:s6+s3], $0x80, v4, vm0, $0xb8;
	[tilespmem:$0x11000] =	vst v63  }
0x8a: {  	s26 =	simm.s32 $0x4000  }
0x8b: {  	[tilespmem:s26], [sflag:$0x2] =	stream.indirect_vreg.gather [hbm4b:s4+s3], $0x80, v3, vm0, $0xb8;
	[tilespmem:$0x11000] =	vst v63  }
0x8c: {  	s29 =	simm.s32 $0x4800  }
0x8d: {  	[tilespmem:s29], [sflag:$0x2] =	stream.indirect_vreg.gather [hbm4b:s6+s3], $0x80, v3, vm0, $0xb8;
	[tilespmem:$0x11000] =	vst v63  }
0x8e: {  	v3 =	vld [tilespmem:$0x800];
	_ =	sdelay $0x4  }
0x8f: {  	v4 =	vshll.u32 v3, $0x2  }
0x90: {  	v3 =	vand.u32 $0x7, v3;
	v4 =	vand.u32 $0xFFFFFFE0, v4  }
0x91: {  	v3 =	vor.u32 v3, v4  }
0x92: {  	v4 =	vperm.xlane v3, v0;
	_ =	sdelay $0x1  }
0x93: {  	v4 =	vadd.s32 v1, v4;
	_ =	sdelay $0x1  }
0x94: {  	v3 =	vperm.xlane v3, v2;
	_ =	sdelay $0x1  }
0x95: {  	s1 =	simm.s32 $0x5000;
	v3 =	vadd.s32 v1, v3  }
0x96: {  	[tilespmem:s1], [sflag:$0x3] =	stream.indirect_vreg.gather [hbm4b:s2+s3], $0x80, v4, vm0, $0xb8;
	[tilespmem:$0x11000] =	vst v63  }
0x97: {  	s22 =	simm.s32 $0x5800  }
0x98: {  	[tilespmem:s22], [sflag:$0x3] =	stream.indirect_vreg.gather [hbm4b:s21+s3], $0x80, v4, vm0, $0xb8;
	[tilespmem:$0x11000] =	vst v63  }
0x99: {  	s23 =	simm.s32 $0x6000  }
0x9a: {  	[tilespmem:s23], [sflag:$0x3] =	stream.indirect_vreg.gather [hbm4b:s2+s3], $0x80, v3, vm0, $0xb8;
	[tilespmem:$0x11000] =	vst v63  }
0x9b: {  	s24 =	simm.s32 $0x6800  }
0x9c: {  	[tilespmem:s24], [sflag:$0x3] =	stream.indirect_vreg.gather [hbm4b:s21+s3], $0x80, v3, vm0, $0xb8;
	[tilespmem:$0x11000] =	vst v63  }
0x9d: {  	v3 =	vld [tilespmem:$0x810];
	_ =	sdelay $0x4  }
0x9e: {  	v4 =	vshll.u32 v3, $0x2  }
0x9f: {  	v3 =	vand.u32 $0x7, v3;
	v4 =	vand.u32 $0xFFFFFFE0, v4  }
0xa0: {  	v3 =	vor.u32 v3, v4  }
0xa1: {  	v4 =	vperm.xlane v3, v0;
	_ =	sdelay $0x1  }
0xa2: {  	v4 =	vadd.s32 v1, v4;
	_ =	sdelay $0x1  }
0xa3: {  	v3 =	vperm.xlane v3, v2;
	_ =	sdelay $0x1  }
0xa4: {  	s25 =	simm.s32 $0x7000;
	v3 =	vadd.s32 v1, v3  }
0xa5: {  	[tilespmem:s25], [sflag:$0x3] =	stream.indirect_vreg.gather [hbm4b:s2+s3], $0x80, v4, vm0, $0xb8;
	[tilespmem:$0x11000] =	vst v63  }
0xa6: {  	s26 =	simm.s32 $0x7800  }
0xa7: {  	[tilespmem:s26], [sflag:$0x3] =	stream.indirect_vreg.gather [hbm4b:s21+s3], $0x80, v4, vm0, $0xb8;
	[tilespmem:$0x11000] =	vst v63  }
0xa8: {  	s29 =	simm.s32 $0x8000  }
0xa9: {  	[tilespmem:s29], [sflag:$0x3] =	stream.indirect_vreg.gather [hbm4b:s2+s3], $0x80, v3, vm0, $0xb8;
	[tilespmem:$0x11000] =	vst v63  }
0xaa: {  	s1 =	simm.s32 $0x8800  }
0xab: {  	[tilespmem:s1], [sflag:$0x3] =	stream.indirect_vreg.gather [hbm4b:s21+s3], $0x80, v3, vm0, $0xb8;
	[tilespmem:$0x11000] =	vst v63  }
0xac: {  	v3 =	vld [tilespmem:$0x80];
	_ =	sdelay $0x4  }
0xad: {  	v4 =	vshll.u32 v3, $0x2  }
0xae: {  	v3 =	vand.u32 $0x7, v3;
	v4 =	vand.u32 $0xFFFFFFE0, v4  }
0xaf: {  	v3 =	vor.u32 v3, v4  }
0xb0: {  	v4 =	vperm.xlane v3, v0;
	_ =	sdelay $0x1  }
0xb1: {  	v4 =	vadd.s32 v1, v4;
	_ =	sdelay $0x1  }
0xb2: {  	v3 =	vperm.xlane v3, v2;
	_ =	sdelay $0x1  }
0xb3: {  	v3 =	vadd.s32 v1, v3  }
0xb4: {  	[tilespmem:s19], [sflag:$0x5] =	stream.indirect_vreg.gather [hbm4b:s4+s3], $0x80, v4, vm0, $0xb8;
	[tilespmem:$0x11000] =	vst v63  }
0xb5: {  	s22 =	simm.s32 $0x9800  }
0xb6: {  	[tilespmem:s22], [sflag:$0x5] =	stream.indirect_vreg.gather [hbm4b:s6+s3], $0x80, v4, vm0, $0xb8;
	[tilespmem:$0x11000] =	vst v63  }
0xb7: {  	s23 =	simm.s32 $0xA000  }
0xb8: {  	[tilespmem:s23], [sflag:$0x5] =	stream.indirect_vreg.gather [hbm4b:s4+s3], $0x80, v3, vm0, $0xb8;
	[tilespmem:$0x11000] =	vst v63  }
0xb9: {  	s24 =	simm.s32 $0xA800  }
0xba: {  	[tilespmem:s24], [sflag:$0x5] =	stream.indirect_vreg.gather [hbm4b:s6+s3], $0x80, v3, vm0, $0xb8;
	[tilespmem:$0x11000] =	vst v63  }
0xbb: {  	v3 =	vld [tilespmem:$0x90];
	_ =	sdelay $0x4  }
0xbc: {  	v4 =	vshll.u32 v3, $0x2  }
0xbd: {  	v3 =	vand.u32 $0x7, v3;
	v4 =	vand.u32 $0xFFFFFFE0, v4  }
0xbe: {  	v3 =	vor.u32 v3, v4  }
0xbf: {  	v4 =	vperm.xlane v3, v0;
	_ =	sdelay $0x1  }
0xc0: {  	v4 =	vadd.s32 v1, v4;
	_ =	sdelay $0x1  }
0xc1: {  	v3 =	vperm.xlane v3, v2;
	_ =	sdelay $0x1  }
0xc2: {  	s25 =	simm.s32 $0xB000;
	v3 =	vadd.s32 v1, v3  }
0xc3: {  	[tilespmem:s25], [sflag:$0x5] =	stream.indirect_vreg.gather [hbm4b:s4+s3], $0x80, v4, vm0, $0xb8;
	[tilespmem:$0x11000] =	vst v63  }
0xc4: {  	s26 =	simm.s32 $0xB800  }
0xc5: {  	[tilespmem:s26], [sflag:$0x5] =	stream.indirect_vreg.gather [hbm4b:s6+s3], $0x80, v4, vm0, $0xb8;
	[tilespmem:$0x11000] =	vst v63  }
0xc6: {  	s29 =	simm.s32 $0xC000  }
0xc7: {  	[tilespmem:s29], [sflag:$0x5] =	stream.indirect_vreg.gather [hbm4b:s4+s3], $0x80, v3, vm0, $0xb8;
	[tilespmem:$0x11000] =	vst v63  }
0xc8: {  	s1 =	simm.s32 $0xC800  }
0xc9: {  	[tilespmem:s1], [sflag:$0x5] =	stream.indirect_vreg.gather [hbm4b:s6+s3], $0x80, v3, vm0, $0xb8;
	[tilespmem:$0x11000] =	vst v63  }
0xca: {  	v3 =	vld [tilespmem:$0x880];
	_ =	sdelay $0x4  }
0xcb: {  	v4 =	vshll.u32 v3, $0x2  }
0xcc: {  	v3 =	vand.u32 $0x7, v3;
	v4 =	vand.u32 $0xFFFFFFE0, v4  }
0xcd: {  	v3 =	vor.u32 v3, v4  }
0xce: {  	v4 =	vperm.xlane v3, v0;
	_ =	sdelay $0x1  }
0xcf: {  	v4 =	vadd.s32 v1, v4;
	_ =	sdelay $0x1  }
0xd0: {  	v3 =	vperm.xlane v3, v2;
	_ =	sdelay $0x1  }
0xd1: {  	s22 =	simm.s32 $0xD000;
	v3 =	vadd.s32 v1, v3  }
0xd2: {  	[tilespmem:s22], [sflag:$0x6] =	stream.indirect_vreg.gather [hbm4b:s2+s3], $0x80, v4, vm0, $0xb8;
	[tilespmem:$0x11000] =	vst v63  }
0xd3: {  	s23 =	simm.s32 $0xD800  }
0xd4: {  	[tilespmem:s23], [sflag:$0x6] =	stream.indirect_vreg.gather [hbm4b:s21+s3], $0x80, v4, vm0, $0xb8;
	[tilespmem:$0x11000] =	vst v63  }
0xd5: {  	_ = 	snop  }
0xd6: {  	[tilespmem:s7], [sflag:$0x6] =	stream.indirect_vreg.gather [hbm4b:s2+s3], $0x80, v3, vm0, $0xb8;
	[tilespmem:$0x11000] =	vst v63  }
0xd7: {  	_ = 	snop  }
0xd8: {  	[tilespmem:s8], [sflag:$0x6] =	stream.indirect_vreg.gather [hbm4b:s21+s3], $0x80, v3, vm0, $0xb8;
	[tilespmem:$0x11000] =	vst v63  }
0xd9: {  	v3 =	vld [tilespmem:$0x890];
	_ =	sdelay $0x4  }
0xda: {  	v4 =	vshll.u32 v3, $0x2  }
0xdb: {  	v3 =	vand.u32 $0x7, v3;
	v4 =	vand.u32 $0xFFFFFFE0, v4  }
0xdc: {  	v3 =	vor.u32 v3, v4  }
0xdd: {  	v4 =	vperm.xlane v3, v0;
	_ =	sdelay $0x1  }
0xde: {  	v4 =	vadd.s32 v1, v4;
	_ =	sdelay $0x1  }
0xdf: {  	v3 =	vperm.xlane v3, v2;
	_ =	sdelay $0x1  }
0xe0: {  	v3 =	vadd.s32 v1, v3  }
0xe1: {  	[tilespmem:s9], [sflag:$0x6] =	stream.indirect_vreg.gather [hbm4b:s2+s3], $0x80, v4, vm0, $0xb8;
	[tilespmem:$0x11000] =	vst v63  }
0xe2: {  	_ = 	snop  }
0xe3: {  	[tilespmem:s10], [sflag:$0x6] =	stream.indirect_vreg.gather [hbm4b:s21+s3], $0x80, v4, vm0, $0xb8;
	[tilespmem:$0x11000] =	vst v63  }
0xe4: {  	_ = 	snop  }
0xe5: {  	[tilespmem:s11], [sflag:$0x6] =	stream.indirect_vreg.gather [hbm4b:s2+s3], $0x80, v3, vm0, $0xb8;
	[tilespmem:$0x11000] =	vst v63  }
0xe6: {  	_ = 	snop  }
0xe7: {  	[tilespmem:s12], [sflag:$0x6] =	stream.indirect_vreg.gather [hbm4b:s21+s3], $0x80, v3, vm0, $0xb8;
	[tilespmem:$0x11000] =	vst v63  }
0xe8: {  	_ =	swait.ge [sflag:s13], $0x4000  }
0xe9: {  	s24 =	sand.u32 $0x70, s3;
	s25 =	simm.s32 $0x0;
	[sflag:s13] =	ssyncset.done $0x0  }
0xea: {  	s1 =	sand.u32 $0x3000, s25;
	s22 =	sand.u32 $0xC00, s3;
	[sflag:s13] =	ssyncadd.s32 $0xFFFFC000  }
0xeb: {  	s0 =	sor.u32 s22, s24;
	s23 =	simm.s32 $0x0;
	_ =	swait.ge [sflag:s14], $0x4000  }
0xec: {  	s0 =	sor.u32 s1, s0;
	s26 =	sand.u32 $0x380, s23;
	[sflag:s14] =	ssyncset.done $0x0  }
0xed: {  	s22 =	sor.u32 s26, s0;
	[sflag:s14] =	ssyncadd.s32 $0xFFFFC000  }
0xee: {  	v4 =	vld [tilespmem:s22+$0x5000]  }
0xef: {  	v3 =	vld [tilespmem:s22+$0x1000];
	_ =	sdelay $0x2  }
0xf0: {  	s24 =	simm.s32 $0x80  }
0xf1: {  	s29 =	simm.s32 $0x10;
	s25 =	sand.u32 $0xC00, s24;
	s23 =	simm.s32 $0x10  }
0xf2: {  	s1 =	sand.u32 $0x3000, s29;
	s0 =	sand.u32 $0x70, s23;
	v3 =	vmul.f32 $8.999999760e-01, v3;
	v4 =	vmul.f32 $1.000000010e-01, v4  }
0xf3: {  	s26 =	simm.s32 $0x4;
	s0 =	sor.u32 s25, s0;
	s25 =	simm.s32 $0x2  }
.LBB2_2:
0xf4: {  	p0 =	sne.s32 s25, $0x3FF;
	s26 =	sand.u32 $0x380, s26;
	s0 =	sor.u32 s1, s0;
	v3 =	vadd.f32 v4, v3  }
0xf5: {  	s0 =	sor.u32 s26, s0  }
0xf6: {  	v4 =	vld [tilespmem:s0+$0x5000];
	[tilespmem:s22+$0x1000] =	vst v3;
	s22 =	smov.u32 s0  }
0xf7: {  	v3 =	vld [tilespmem:s22+$0x1000];
	_ =	sdelay $0x1  }
.Ltmp0:
0xf8: {  	(pc) =	sbr.rel @p0 .LBB2_2-.Ltmp0, $4  }
0xf9: {  	_ = 	snop  }
0xfa: {  	s23 =	sadd.s32 $0x10, s23;
	s24 =	sadd.s32 $0x80, s24;
	s26 =	sshll.u32 s25, $0x2  }
0xfb: {  	s1 =	sshll.u32 s25, $0x4;
	s29 =	sand.u32 $0xC00, s24;
	s0 =	sand.u32 $0x70, s23;
	v4 =	vmul.f32 $1.000000010e-01, v4;
	v3 =	vmul.f32 $8.999999760e-01, v3  }
0xfc: {  	s1 =	sand.u32 $0x3000, s1;
	s25 =	sadd.s32 $0x1, s25;
	s0 =	sor.u32 s29, s0  }
0xfd: {  	s23 =	sand.u32 $0x380, s26;
	s0 =	sor.u32 s1, s0;
	v3 =	vadd.f32 v4, v3  }
0xfe: {  	s0 =	sor.u32 s23, s0  }
0xff: {  	v4 =	vld [tilespmem:s0+$0x5000];
	[tilespmem:s22+$0x1000] =	vst v3  }
0x100: {  	v3 =	vld [tilespmem:s0+$0x1000];
	_ =	sdelay $0x4  }
0x101: {  	v4 =	vmul.f32 $1.000000010e-01, v4;
	v3 =	vmul.f32 $8.999999760e-01, v3;
	_ =	sdelay $0x1  }
0x102: {  	v3 =	vadd.f32 v4, v3;
	_ =	sdelay $0x1  }
0x103: {  	s25 =	rddreg [dreg:$0x3];
	s22 =	simm.s32 $0x0;
	[tilespmem:s0+$0x1000] =	vst v3  }
0x104: {  	[hbm4b:s25+s22] =	stream.linear.scatter [tilespmem:s31], [sflag:$0x4], $0x4000, $0x38;
	[tilespmem:$0x11000] =	vst v63  }
0x105: {  	_ =	swait.ge [sflag:s15], $0x4000  }
0x106: {  	[sflag:s15] =	ssyncset.done $0x0  }
0x107: {  	[sflag:s15] =	ssyncadd.s32 $0xFFFFC000  }
0x108: {  	v3 =	vld [tilespmem:$0x100];
	_ =	sdelay $0x4  }
0x109: {  	v4 =	vshll.u32 v3, $0x2  }
0x10a: {  	v3 =	vand.u32 $0x7, v3;
	v4 =	vand.u32 $0xFFFFFFE0, v4  }
0x10b: {  	v3 =	vor.u32 v3, v4  }
0x10c: {  	v4 =	vperm.xlane v3, v0;
	_ =	sdelay $0x1  }
0x10d: {  	v4 =	vadd.s32 v1, v4;
	_ =	sdelay $0x1  }
0x10e: {  	v3 =	vperm.xlane v3, v2;
	_ =	sdelay $0x1  }
0x10f: {  	v3 =	vadd.s32 v1, v3  }
0x110: {  	[tilespmem:s31], [sflag:$0x2] =	stream.indirect_vreg.gather [hbm4b:s4+s22], $0x80, v4, vm0, $0xb8;
	[tilespmem:$0x11000] =	vst v63  }
0x111: {  	s26 =	simm.s32 $0x1800  }
0x112: {  	[tilespmem:s26], [sflag:$0x2] =	stream.indirect_vreg.gather [hbm4b:s6+s22], $0x80, v4, vm0, $0xb8;
	[tilespmem:$0x11000] =	vst v63  }
0x113: {  	s29 =	simm.s32 $0x2000  }
0x114: {  	[tilespmem:s29], [sflag:$0x2] =	stream.indirect_vreg.gather [hbm4b:s4+s22], $0x80, v3, vm0, $0xb8;
	[tilespmem:$0x11000] =	vst v63  }
0x115: {  	s1 =	simm.s32 $0x2800  }
0x116: {  	[tilespmem:s1], [sflag:$0x2] =	stream.indirect_vreg.gather [hbm4b:s6+s22], $0x80, v3, vm0, $0xb8;
	[tilespmem:$0x11000] =	vst v63  }
0x117: {  	v3 =	vld [tilespmem:$0x110];
	_ =	sdelay $0x4  }
0x118: {  	v4 =	vshll.u32 v3, $0x2  }
0x119: {  	v3 =	vand.u32 $0x7, v3;
	v4 =	vand.u32 $0xFFFFFFE0, v4  }
0x11a: {  	v3 =	vor.u32 v3, v4  }
0x11b: {  	v4 =	vperm.xlane v3, v0;
	_ =	sdelay $0x1  }
0x11c: {  	v4 =	vadd.s32 v1, v4;
	_ =	sdelay $0x1  }
0x11d: {  	v3 =	vperm.xlane v3, v2;
	_ =	sdelay $0x1  }
0x11e: {  	s23 =	simm.s32 $0x3000;
	v3 =	vadd.s32 v1, v3  }
0x11f: {  	[tilespmem:s23], [sflag:$0x2] =	stream.indirect_vreg.gather [hbm4b:s4+s22], $0x80, v4, vm0, $0xb8;
	[tilespmem:$0x11000] =	vst v63  }
0x120: {  	s24 =	simm.s32 $0x3800  }
0x121: {  	[tilespmem:s24], [sflag:$0x2] =	stream.indirect_vreg.gather [hbm4b:s6+s22], $0x80, v4, vm0, $0xb8;
	[tilespmem:$0x11000] =	vst v63  }
0x122: {  	s25 =	simm.s32 $0x4000  }
0x123: {  	[tilespmem:s25], [sflag:$0x2] =	stream.indirect_vreg.gather [hbm4b:s4+s22], $0x80, v3, vm0, $0xb8;
	[tilespmem:$0x11000] =	vst v63  }
0x124: {  	s26 =	simm.s32 $0x4800  }
0x125: {  	[tilespmem:s26], [sflag:$0x2] =	stream.indirect_vreg.gather [hbm4b:s6+s22], $0x80, v3, vm0, $0xb8;
	[tilespmem:$0x11000] =	vst v63  }
0x126: {  	v3 =	vld [tilespmem:$0x900];
	_ =	sdelay $0x4  }
0x127: {  	v4 =	vshll.u32 v3, $0x2  }
0x128: {  	v3 =	vand.u32 $0x7, v3;
	v4 =	vand.u32 $0xFFFFFFE0, v4  }
0x129: {  	v3 =	vor.u32 v3, v4  }
0x12a: {  	v4 =	vperm.xlane v3, v0;
	_ =	sdelay $0x1  }
0x12b: {  	v4 =	vadd.s32 v1, v4;
	_ =	sdelay $0x1  }
0x12c: {  	v3 =	vperm.xlane v3, v2;
	_ =	sdelay $0x1  }
0x12d: {  	s29 =	simm.s32 $0x5000;
	v3 =	vadd.s32 v1, v3  }
0x12e: {  	[tilespmem:s29], [sflag:$0x3] =	stream.indirect_vreg.gather [hbm4b:s2+s22], $0x80, v4, vm0, $0xb8;
	[tilespmem:$0x11000] =	vst v63  }
0x12f: {  	s1 =	simm.s32 $0x5800  }
0x130: {  	[tilespmem:s1], [sflag:$0x3] =	stream.indirect_vreg.gather [hbm4b:s21+s22], $0x80, v4, vm0, $0xb8;
	[tilespmem:$0x11000] =	vst v63  }
0x131: {  	s23 =	simm.s32 $0x6000  }
0x132: {  	[tilespmem:s23], [sflag:$0x3] =	stream.indirect_vreg.gather [hbm4b:s2+s22], $0x80, v3, vm0, $0xb8;
	[tilespmem:$0x11000] =	vst v63  }
0x133: {  	s24 =	simm.s32 $0x6800  }
0x134: {  	[tilespmem:s24], [sflag:$0x3] =	stream.indirect_vreg.gather [hbm4b:s21+s22], $0x80, v3, vm0, $0xb8;
	[tilespmem:$0x11000] =	vst v63  }
0x135: {  	v3 =	vld [tilespmem:$0x910];
	_ =	sdelay $0x4  }
0x136: {  	v4 =	vshll.u32 v3, $0x2  }
0x137: {  	v3 =	vand.u32 $0x7, v3;
	v4 =	vand.u32 $0xFFFFFFE0, v4  }
0x138: {  	v3 =	vor.u32 v3, v4  }
0x139: {  	v4 =	vperm.xlane v3, v0;
	_ =	sdelay $0x1  }
0x13a: {  	v4 =	vadd.s32 v1, v4;
	_ =	sdelay $0x1  }
0x13b: {  	v3 =	vperm.xlane v3, v2;
	_ =	sdelay $0x1  }
0x13c: {  	s25 =	simm.s32 $0x7000;
	v3 =	vadd.s32 v1, v3  }
0x13d: {  	[tilespmem:s25], [sflag:$0x3] =	stream.indirect_vreg.gather [hbm4b:s2+s22], $0x80, v4, vm0, $0xb8;
	[tilespmem:$0x11000] =	vst v63  }
0x13e: {  	s26 =	simm.s32 $0x7800  }
0x13f: {  	[tilespmem:s26], [sflag:$0x3] =	stream.indirect_vreg.gather [hbm4b:s21+s22], $0x80, v4, vm0, $0xb8;
	[tilespmem:$0x11000] =	vst v63  }
0x140: {  	s29 =	simm.s32 $0x8000  }
0x141: {  	[tilespmem:s29], [sflag:$0x3] =	stream.indirect_vreg.gather [hbm4b:s2+s22], $0x80, v3, vm0, $0xb8;
	[tilespmem:$0x11000] =	vst v63  }
0x142: {  	s1 =	simm.s32 $0x8800  }
0x143: {  	[tilespmem:s1], [sflag:$0x3] =	stream.indirect_vreg.gather [hbm4b:s21+s22], $0x80, v3, vm0, $0xb8;
	[tilespmem:$0x11000] =	vst v63  }
0x144: {  	_ =	swait.ge [sflag:s16], $0x4000  }
0x145: {  	s23 =	sand.u32 $0x70, s22;
	s24 =	simm.s32 $0x0;
	[sflag:s16] =	ssyncset.done $0x0  }
0x146: {  	s25 =	simm.s32 $0x0;
	s22 =	sand.u32 $0xC00, s22;
	[sflag:s16] =	ssyncadd.s32 $0xFFFFC000  }
0x147: {  	s1 =	sand.u32 $0x3000, s24;
	s0 =	sor.u32 s22, s23;
	_ =	swait.ge [sflag:s17], $0x4000  }
0x148: {  	s26 =	sand.u32 $0x380, s25;
	s0 =	sor.u32 s1, s0;
	[sflag:s17] =	ssyncset.done $0x0  }
0x149: {  	s22 =	sor.u32 s26, s0;
	[sflag:s17] =	ssyncadd.s32 $0xFFFFC000  }
0x14a: {  	v4 =	vld [tilespmem:s22+$0xD000]  }
0x14b: {  	v3 =	vld [tilespmem:s22+$0x9000];
	_ =	sdelay $0x2  }
0x14c: {  	s24 =	simm.s32 $0x80  }
0x14d: {  	s29 =	simm.s32 $0x10;
	s23 =	simm.s32 $0x10;
	s25 =	sand.u32 $0xC00, s24  }
0x14e: {  	s1 =	sand.u32 $0x3000, s29;
	s0 =	sand.u32 $0x70, s23;
	v3 =	vmul.f32 $8.999999760e-01, v3;
	v4 =	vmul.f32 $1.000000010e-01, v4  }
0x14f: {  	s26 =	simm.s32 $0x4;
	s0 =	sor.u32 s25, s0;
	s25 =	simm.s32 $0x2  }
.LBB2_4:
0x150: {  	p0 =	sne.s32 s25, $0x3FF;
	s26 =	sand.u32 $0x380, s26;
	s0 =	sor.u32 s1, s0;
	v3 =	vadd.f32 v4, v3  }
0x151: {  	s0 =	sor.u32 s26, s0  }
0x152: {  	v4 =	vld [tilespmem:s0+$0xD000];
	[tilespmem:s22+$0x9000] =	vst v3;
	s22 =	smov.u32 s0  }
0x153: {  	v3 =	vld [tilespmem:s22+$0x9000];
	_ =	sdelay $0x1  }
.Ltmp1:
0x154: {  	(pc) =	sbr.rel @p0 .LBB2_4-.Ltmp1, $4  }
0x155: {  	_ = 	snop  }
0x156: {  	s23 =	sadd.s32 $0x10, s23;
	s24 =	sadd.s32 $0x80, s24;
	s26 =	sshll.u32 s25, $0x2  }
0x157: {  	s1 =	sshll.u32 s25, $0x4;
	s29 =	sand.u32 $0xC00, s24;
	s0 =	sand.u32 $0x70, s23;
	v4 =	vmul.f32 $1.000000010e-01, v4;
	v3 =	vmul.f32 $8.999999760e-01, v3  }
0x158: {  	s1 =	sand.u32 $0x3000, s1;
	s25 =	sadd.s32 $0x1, s25;
	s0 =	sor.u32 s29, s0  }
0x159: {  	s23 =	sand.u32 $0x380, s26;
	s0 =	sor.u32 s1, s0;
	v3 =	vadd.f32 v4, v3  }
0x15a: {  	s0 =	sor.u32 s23, s0  }
0x15b: {  	v4 =	vld [tilespmem:s0+$0xD000];
	[tilespmem:s22+$0x9000] =	vst v3  }
0x15c: {  	v3 =	vld [tilespmem:s0+$0x9000];
	_ =	sdelay $0x4  }
0x15d: {  	v4 =	vmul.f32 $1.000000010e-01, v4;
	v3 =	vmul.f32 $8.999999760e-01, v3;
	_ =	sdelay $0x1  }
0x15e: {  	v3 =	vadd.f32 v4, v3;
	_ =	sdelay $0x1  }
0x15f: {  	s25 =	rddreg [dreg:$0x4];
	s22 =	simm.s32 $0x0;
	[tilespmem:s0+$0x9000] =	vst v3  }
0x160: {  	[hbm4b:s25+s22] =	stream.linear.scatter [tilespmem:s19], [sflag:$0x7], $0x4000, $0x38;
	[tilespmem:$0x11000] =	vst v63  }
0x161: {  	_ =	swait.ge [sflag:s18], $0x4000  }
0x162: {  	[sflag:s18] =	ssyncset.done $0x0  }
0x163: {  	[sflag:s18] =	ssyncadd.s32 $0xFFFFC000  }
0x164: {  	v3 =	vld [tilespmem:$0x180];
	_ =	sdelay $0x4  }
0x165: {  	v4 =	vshll.u32 v3, $0x2  }
0x166: {  	v3 =	vand.u32 $0x7, v3;
	v4 =	vand.u32 $0xFFFFFFE0, v4  }
0x167: {  	v3 =	vor.u32 v3, v4  }
0x168: {  	v4 =	vperm.xlane v3, v0;
	_ =	sdelay $0x1  }
0x169: {  	v4 =	vadd.s32 v1, v4;
	_ =	sdelay $0x1  }
0x16a: {  	v3 =	vperm.xlane v3, v2;
	_ =	sdelay $0x1  }
0x16b: {  	v3 =	vadd.s32 v1, v3  }
0x16c: {  	[tilespmem:s19], [sflag:$0x5] =	stream.indirect_vreg.gather [hbm4b:s4+s22], $0x80, v4, vm0, $0xb8;
	[tilespmem:$0x11000] =	vst v63  }
0x16d: {  	s26 =	simm.s32 $0x9800  }
0x16e: {  	[tilespmem:s26], [sflag:$0x5] =	stream.indirect_vreg.gather [hbm4b:s6+s22], $0x80, v4, vm0, $0xb8;
	[tilespmem:$0x11000] =	vst v63  }
0x16f: {  	s29 =	simm.s32 $0xA000  }
0x170: {  	[tilespmem:s29], [sflag:$0x5] =	stream.indirect_vreg.gather [hbm4b:s4+s22], $0x80, v3, vm0, $0xb8;
	[tilespmem:$0x11000] =	vst v63  }
0x171: {  	s1 =	simm.s32 $0xA800  }
0x172: {  	[tilespmem:s1], [sflag:$0x5] =	stream.indirect_vreg.gather [hbm4b:s6+s22], $0x80, v3, vm0, $0xb8;
	[tilespmem:$0x11000] =	vst v63  }
0x173: {  	v3 =	vld [tilespmem:$0x190];
	_ =	sdelay $0x4  }
0x174: {  	v4 =	vshll.u32 v3, $0x2  }
0x175: {  	v3 =	vand.u32 $0x7, v3;
	v4 =	vand.u32 $0xFFFFFFE0, v4  }
0x176: {  	v3 =	vor.u32 v3, v4  }
0x177: {  	v4 =	vperm.xlane v3, v0;
	_ =	sdelay $0x1  }
0x178: {  	v4 =	vadd.s32 v1, v4;
	_ =	sdelay $0x1  }
0x179: {  	v3 =	vperm.xlane v3, v2;
	_ =	sdelay $0x1  }
0x17a: {  	s23 =	simm.s32 $0xB000;
	v3 =	vadd.s32 v1, v3  }
0x17b: {  	[tilespmem:s23], [sflag:$0x5] =	stream.indirect_vreg.gather [hbm4b:s4+s22], $0x80, v4, vm0, $0xb8;
	[tilespmem:$0x11000] =	vst v63  }
0x17c: {  	s24 =	simm.s32 $0xB800  }
0x17d: {  	[tilespmem:s24], [sflag:$0x5] =	stream.indirect_vreg.gather [hbm4b:s6+s22], $0x80, v4, vm0, $0xb8;
	[tilespmem:$0x11000] =	vst v63  }
0x17e: {  	s25 =	simm.s32 $0xC000  }
0x17f: {  	[tilespmem:s25], [sflag:$0x5] =	stream.indirect_vreg.gather [hbm4b:s4+s22], $0x80, v3, vm0, $0xb8;
	[tilespmem:$0x11000] =	vst v63  }
0x180: {  	s26 =	simm.s32 $0xC800  }
0x181: {  	[tilespmem:s26], [sflag:$0x5] =	stream.indirect_vreg.gather [hbm4b:s6+s22], $0x80, v3, vm0, $0xb8;
	[tilespmem:$0x11000] =	vst v63  }
0x182: {  	v3 =	vld [tilespmem:$0x980];
	_ =	sdelay $0x4  }
0x183: {  	v4 =	vshll.u32 v3, $0x2  }
0x184: {  	v3 =	vand.u32 $0x7, v3;
	v4 =	vand.u32 $0xFFFFFFE0, v4  }
0x185: {  	v3 =	vor.u32 v3, v4  }
0x186: {  	v4 =	vperm.xlane v3, v0;
	_ =	sdelay $0x1  }
0x187: {  	v4 =	vadd.s32 v1, v4;
	_ =	sdelay $0x1  }
0x188: {  	v3 =	vperm.xlane v3, v2;
	_ =	sdelay $0x1  }
0x189: {  	s29 =	simm.s32 $0xD000;
	v3 =	vadd.s32 v1, v3  }
0x18a: {  	[tilespmem:s29], [sflag:$0x6] =	stream.indirect_vreg.gather [hbm4b:s2+s22], $0x80, v4, vm0, $0xb8;
	[tilespmem:$0x11000] =	vst v63  }
0x18b: {  	s1 =	simm.s32 $0xD800  }
0x18c: {  	[tilespmem:s1], [sflag:$0x6] =	stream.indirect_vreg.gather [hbm4b:s21+s22], $0x80, v4, vm0, $0xb8;
	[tilespmem:$0x11000] =	vst v63  }
0x18d: {  	_ = 	snop  }
0x18e: {  	[tilespmem:s7], [sflag:$0x6] =	stream.indirect_vreg.gather [hbm4b:s2+s22], $0x80, v3, vm0, $0xb8;
	[tilespmem:$0x11000] =	vst v63  }
0x18f: {  	_ = 	snop  }
0x190: {  	[tilespmem:s8], [sflag:$0x6] =	stream.indirect_vreg.gather [hbm4b:s21+s22], $0x80, v3, vm0, $0xb8;
	[tilespmem:$0x11000] =	vst v63  }
0x191: {  	v3 =	vld [tilespmem:$0x990];
	_ =	sdelay $0x4  }
0x192: {  	v4 =	vshll.u32 v3, $0x2  }
0x193: {  	v3 =	vand.u32 $0x7, v3;
	v4 =	vand.u32 $0xFFFFFFE0, v4  }
0x194: {  	v3 =	vor.u32 v3, v4  }
0x195: {  	v4 =	vperm.xlane v3, v0;
	_ =	sdelay $0x1  }
0x196: {  	v4 =	vadd.s32 v1, v4;
	_ =	sdelay $0x1  }
0x197: {  	v3 =	vperm.xlane v3, v2;
	_ =	sdelay $0x1  }
0x198: {  	v3 =	vadd.s32 v1, v3  }
0x199: {  	[tilespmem:s9], [sflag:$0x6] =	stream.indirect_vreg.gather [hbm4b:s2+s22], $0x80, v4, vm0, $0xb8;
	[tilespmem:$0x11000] =	vst v63  }
0x19a: {  	_ = 	snop  }
0x19b: {  	[tilespmem:s10], [sflag:$0x6] =	stream.indirect_vreg.gather [hbm4b:s21+s22], $0x80, v4, vm0, $0xb8;
	[tilespmem:$0x11000] =	vst v63  }
0x19c: {  	_ = 	snop  }
0x19d: {  	[tilespmem:s11], [sflag:$0x6] =	stream.indirect_vreg.gather [hbm4b:s2+s22], $0x80, v3, vm0, $0xb8;
	[tilespmem:$0x11000] =	vst v63  }
0x19e: {  	_ = 	snop  }
0x19f: {  	[tilespmem:s12], [sflag:$0x6] =	stream.indirect_vreg.gather [hbm4b:s21+s22], $0x80, v3, vm0, $0xb8;
	[tilespmem:$0x11000] =	vst v63  }
0x1a0: {  	_ =	swait.ge [sflag:s13], $0x4000  }
0x1a1: {  	s23 =	sand.u32 $0x70, s22;
	s24 =	simm.s32 $0x0;
	[sflag:s13] =	ssyncset.done $0x0  }
0x1a2: {  	s25 =	simm.s32 $0x0;
	s22 =	sand.u32 $0xC00, s22;
	[sflag:s13] =	ssyncadd.s32 $0xFFFFC000  }
0x1a3: {  	s1 =	sand.u32 $0x3000, s24;
	s0 =	sor.u32 s22, s23;
	_ =	swait.ge [sflag:s14], $0x4000  }
0x1a4: {  	s26 =	sand.u32 $0x380, s25;
	s0 =	sor.u32 s1, s0;
	[sflag:s14] =	ssyncset.done $0x0  }
0x1a5: {  	s22 =	sor.u32 s26, s0;
	[sflag:s14] =	ssyncadd.s32 $0xFFFFC000  }
0x1a6: {  	v4 =	vld [tilespmem:s22+$0x5000]  }
0x1a7: {  	v3 =	vld [tilespmem:s22+$0x1000];
	_ =	sdelay $0x2  }
0x1a8: {  	s24 =	simm.s32 $0x80  }
0x1a9: {  	s29 =	simm.s32 $0x10;
	s25 =	sand.u32 $0xC00, s24;
	s23 =	simm.s32 $0x10  }
0x1aa: {  	s1 =	sand.u32 $0x3000, s29;
	s0 =	sand.u32 $0x70, s23;
	v3 =	vmul.f32 $8.999999760e-01, v3;
	v4 =	vmul.f32 $1.000000010e-01, v4  }
0x1ab: {  	s26 =	simm.s32 $0x4;
	s0 =	sor.u32 s25, s0;
	s25 =	simm.s32 $0x2  }
.LBB2_6:
0x1ac: {  	p0 =	sne.s32 s25, $0x3FF;
	s26 =	sand.u32 $0x380, s26;
	s0 =	sor.u32 s1, s0;
	v3 =	vadd.f32 v4, v3  }
0x1ad: {  	s0 =	sor.u32 s26, s0  }
0x1ae: {  	v4 =	vld [tilespmem:s0+$0x5000];
	[tilespmem:s22+$0x1000] =	vst v3;
	s22 =	smov.u32 s0  }
0x1af: {  	v3 =	vld [tilespmem:s22+$0x1000];
	_ =	sdelay $0x1  }
.Ltmp2:
0x1b0: {  	(pc) =	sbr.rel @p0 .LBB2_6-.Ltmp2, $4  }
0x1b1: {  	_ = 	snop  }
0x1b2: {  	s23 =	sadd.s32 $0x10, s23;
	s24 =	sadd.s32 $0x80, s24;
	s26 =	sshll.u32 s25, $0x2  }
0x1b3: {  	s1 =	sshll.u32 s25, $0x4;
	s29 =	sand.u32 $0xC00, s24;
	s0 =	sand.u32 $0x70, s23;
	v4 =	vmul.f32 $1.000000010e-01, v4;
	v3 =	vmul.f32 $8.999999760e-01, v3  }
0x1b4: {  	s1 =	sand.u32 $0x3000, s1;
	s25 =	sadd.s32 $0x1, s25;
	s0 =	sor.u32 s29, s0  }
0x1b5: {  	s23 =	sand.u32 $0x380, s26;
	s0 =	sor.u32 s1, s0;
	v3 =	vadd.f32 v4, v3  }
0x1b6: {  	s0 =	sor.u32 s23, s0  }
0x1b7: {  	v4 =	vld [tilespmem:s0+$0x5000];
	[tilespmem:s22+$0x1000] =	vst v3  }
0x1b8: {  	v3 =	vld [tilespmem:s0+$0x1000];
	_ =	sdelay $0x4  }
0x1b9: {  	v4 =	vmul.f32 $1.000000010e-01, v4;
	v3 =	vmul.f32 $8.999999760e-01, v3;
	_ =	sdelay $0x1  }
0x1ba: {  	v3 =	vadd.f32 v4, v3;
	_ =	sdelay $0x1  }
0x1bb: {  	s25 =	rddreg [dreg:$0x5];
	s22 =	simm.s32 $0x0;
	[tilespmem:s0+$0x1000] =	vst v3  }
0x1bc: {  	[hbm4b:s25+s22] =	stream.linear.scatter [tilespmem:s31], [sflag:$0x4], $0x4000, $0x38;
	[tilespmem:$0x11000] =	vst v63  }
0x1bd: {  	_ =	swait.ge [sflag:s15], $0x4000  }
0x1be: {  	[sflag:s15] =	ssyncset.done $0x0  }
0x1bf: {  	[sflag:s15] =	ssyncadd.s32 $0xFFFFC000  }
0x1c0: {  	v3 =	vld [tilespmem:$0x200];
	_ =	sdelay $0x4  }
0x1c1: {  	v4 =	vshll.u32 v3, $0x2  }
0x1c2: {  	v3 =	vand.u32 $0x7, v3;
	v4 =	vand.u32 $0xFFFFFFE0, v4  }
0x1c3: {  	v3 =	vor.u32 v3, v4  }
0x1c4: {  	v4 =	vperm.xlane v3, v0;
	_ =	sdelay $0x1  }
0x1c5: {  	v4 =	vadd.s32 v1, v4;
	_ =	sdelay $0x1  }
0x1c6: {  	v3 =	vperm.xlane v3, v2;
	_ =	sdelay $0x1  }
0x1c7: {  	v3 =	vadd.s32 v1, v3  }
0x1c8: {  	[tilespmem:s31], [sflag:$0x2] =	stream.indirect_vreg.gather [hbm4b:s4+s22], $0x80, v4, vm0, $0xb8;
	[tilespmem:$0x11000] =	vst v63  }
0x1c9: {  	s26 =	simm.s32 $0x1800  }
0x1ca: {  	[tilespmem:s26], [sflag:$0x2] =	stream.indirect_vreg.gather [hbm4b:s6+s22], $0x80, v4, vm0, $0xb8;
	[tilespmem:$0x11000] =	vst v63  }
0x1cb: {  	s29 =	simm.s32 $0x2000  }
0x1cc: {  	[tilespmem:s29], [sflag:$0x2] =	stream.indirect_vreg.gather [hbm4b:s4+s22], $0x80, v3, vm0, $0xb8;
	[tilespmem:$0x11000] =	vst v63  }
0x1cd: {  	s1 =	simm.s32 $0x2800  }
0x1ce: {  	[tilespmem:s1], [sflag:$0x2] =	stream.indirect_vreg.gather [hbm4b:s6+s22], $0x80, v3, vm0, $0xb8;
	[tilespmem:$0x11000] =	vst v63  }
0x1cf: {  	v3 =	vld [tilespmem:$0x210];
	_ =	sdelay $0x4  }
0x1d0: {  	v4 =	vshll.u32 v3, $0x2  }
0x1d1: {  	v3 =	vand.u32 $0x7, v3;
	v4 =	vand.u32 $0xFFFFFFE0, v4  }
0x1d2: {  	v3 =	vor.u32 v3, v4  }
0x1d3: {  	v4 =	vperm.xlane v3, v0;
	_ =	sdelay $0x1  }
0x1d4: {  	v4 =	vadd.s32 v1, v4;
	_ =	sdelay $0x1  }
0x1d5: {  	v3 =	vperm.xlane v3, v2;
	_ =	sdelay $0x1  }
0x1d6: {  	s23 =	simm.s32 $0x3000;
	v3 =	vadd.s32 v1, v3  }
0x1d7: {  	[tilespmem:s23], [sflag:$0x2] =	stream.indirect_vreg.gather [hbm4b:s4+s22], $0x80, v4, vm0, $0xb8;
	[tilespmem:$0x11000] =	vst v63  }
0x1d8: {  	s24 =	simm.s32 $0x3800  }
0x1d9: {  	[tilespmem:s24], [sflag:$0x2] =	stream.indirect_vreg.gather [hbm4b:s6+s22], $0x80, v4, vm0, $0xb8;
	[tilespmem:$0x11000] =	vst v63  }
0x1da: {  	s25 =	simm.s32 $0x4000  }
0x1db: {  	[tilespmem:s25], [sflag:$0x2] =	stream.indirect_vreg.gather [hbm4b:s4+s22], $0x80, v3, vm0, $0xb8;
	[tilespmem:$0x11000] =	vst v63  }
0x1dc: {  	s26 =	simm.s32 $0x4800  }
0x1dd: {  	[tilespmem:s26], [sflag:$0x2] =	stream.indirect_vreg.gather [hbm4b:s6+s22], $0x80, v3, vm0, $0xb8;
	[tilespmem:$0x11000] =	vst v63  }
0x1de: {  	v3 =	vld [tilespmem:$0xA00];
	_ =	sdelay $0x4  }
0x1df: {  	v4 =	vshll.u32 v3, $0x2  }
0x1e0: {  	v3 =	vand.u32 $0x7, v3;
	v4 =	vand.u32 $0xFFFFFFE0, v4  }
0x1e1: {  	v3 =	vor.u32 v3, v4  }
0x1e2: {  	v4 =	vperm.xlane v3, v0;
	_ =	sdelay $0x1  }
0x1e3: {  	v4 =	vadd.s32 v1, v4;
	_ =	sdelay $0x1  }
0x1e4: {  	v3 =	vperm.xlane v3, v2;
	_ =	sdelay $0x1  }
0x1e5: {  	s29 =	simm.s32 $0x5000;
	v3 =	vadd.s32 v1, v3  }
0x1e6: {  	[tilespmem:s29], [sflag:$0x3] =	stream.indirect_vreg.gather [hbm4b:s2+s22], $0x80, v4, vm0, $0xb8;
	[tilespmem:$0x11000] =	vst v63  }
0x1e7: {  	s1 =	simm.s32 $0x5800  }
0x1e8: {  	[tilespmem:s1], [sflag:$0x3] =	stream.indirect_vreg.gather [hbm4b:s21+s22], $0x80, v4, vm0, $0xb8;
	[tilespmem:$0x11000] =	vst v63  }
0x1e9: {  	s23 =	simm.s32 $0x6000  }
0x1ea: {  	[tilespmem:s23], [sflag:$0x3] =	stream.indirect_vreg.gather [hbm4b:s2+s22], $0x80, v3, vm0, $0xb8;
	[tilespmem:$0x11000] =	vst v63  }
0x1eb: {  	s24 =	simm.s32 $0x6800  }
0x1ec: {  	[tilespmem:s24], [sflag:$0x3] =	stream.indirect_vreg.gather [hbm4b:s21+s22], $0x80, v3, vm0, $0xb8;
	[tilespmem:$0x11000] =	vst v63  }
0x1ed: {  	v3 =	vld [tilespmem:$0xA10];
	_ =	sdelay $0x4  }
0x1ee: {  	v4 =	vshll.u32 v3, $0x2  }
0x1ef: {  	v3 =	vand.u32 $0x7, v3;
	v4 =	vand.u32 $0xFFFFFFE0, v4  }
0x1f0: {  	v3 =	vor.u32 v3, v4  }
0x1f1: {  	v4 =	vperm.xlane v3, v0;
	_ =	sdelay $0x1  }
0x1f2: {  	v4 =	vadd.s32 v1, v4;
	_ =	sdelay $0x1  }
0x1f3: {  	v3 =	vperm.xlane v3, v2;
	_ =	sdelay $0x1  }
0x1f4: {  	s25 =	simm.s32 $0x7000;
	v3 =	vadd.s32 v1, v3  }
0x1f5: {  	[tilespmem:s25], [sflag:$0x3] =	stream.indirect_vreg.gather [hbm4b:s2+s22], $0x80, v4, vm0, $0xb8;
	[tilespmem:$0x11000] =	vst v63  }
0x1f6: {  	s26 =	simm.s32 $0x7800  }
0x1f7: {  	[tilespmem:s26], [sflag:$0x3] =	stream.indirect_vreg.gather [hbm4b:s21+s22], $0x80, v4, vm0, $0xb8;
	[tilespmem:$0x11000] =	vst v63  }
0x1f8: {  	s29 =	simm.s32 $0x8000  }
0x1f9: {  	[tilespmem:s29], [sflag:$0x3] =	stream.indirect_vreg.gather [hbm4b:s2+s22], $0x80, v3, vm0, $0xb8;
	[tilespmem:$0x11000] =	vst v63  }
0x1fa: {  	s1 =	simm.s32 $0x8800  }
0x1fb: {  	[tilespmem:s1], [sflag:$0x3] =	stream.indirect_vreg.gather [hbm4b:s21+s22], $0x80, v3, vm0, $0xb8;
	[tilespmem:$0x11000] =	vst v63  }
0x1fc: {  	_ =	swait.ge [sflag:s16], $0x4000  }
0x1fd: {  	s23 =	sand.u32 $0x70, s22;
	s24 =	simm.s32 $0x0;
	[sflag:s16] =	ssyncset.done $0x0  }
0x1fe: {  	s25 =	simm.s32 $0x0;
	s22 =	sand.u32 $0xC00, s22;
	[sflag:s16] =	ssyncadd.s32 $0xFFFFC000  }
0x1ff: {  	s1 =	sand.u32 $0x3000, s24;
	s0 =	sor.u32 s22, s23;
	_ =	swait.ge [sflag:s17], $0x4000  }
0x200: {  	s26 =	sand.u32 $0x380, s25;
	s0 =	sor.u32 s1, s0;
	[sflag:s17] =	ssyncset.done $0x0  }
0x201: {  	s22 =	sor.u32 s26, s0;
	[sflag:s17] =	ssyncadd.s32 $0xFFFFC000  }
0x202: {  	v4 =	vld [tilespmem:s22+$0xD000]  }
0x203: {  	v3 =	vld [tilespmem:s22+$0x9000];
	_ =	sdelay $0x2  }
0x204: {  	s24 =	simm.s32 $0x80  }
0x205: {  	s29 =	simm.s32 $0x10;
	s23 =	simm.s32 $0x10;
	s25 =	sand.u32 $0xC00, s24  }
0x206: {  	s1 =	sand.u32 $0x3000, s29;
	s0 =	sand.u32 $0x70, s23;
	v3 =	vmul.f32 $8.999999760e-01, v3;
	v4 =	vmul.f32 $1.000000010e-01, v4  }
0x207: {  	s26 =	simm.s32 $0x4;
	s0 =	sor.u32 s25, s0;
	s25 =	simm.s32 $0x2  }
.LBB2_8:
0x208: {  	p0 =	sne.s32 s25, $0x3FF;
	s26 =	sand.u32 $0x380, s26;
	s0 =	sor.u32 s1, s0;
	v3 =	vadd.f32 v4, v3  }
0x209: {  	s0 =	sor.u32 s26, s0  }
0x20a: {  	v4 =	vld [tilespmem:s0+$0xD000];
	[tilespmem:s22+$0x9000] =	vst v3;
	s22 =	smov.u32 s0  }
0x20b: {  	v3 =	vld [tilespmem:s22+$0x9000];
	_ =	sdelay $0x1  }
.Ltmp3:
0x20c: {  	(pc) =	sbr.rel @p0 .LBB2_8-.Ltmp3, $4  }
0x20d: {  	_ = 	snop  }
0x20e: {  	s23 =	sadd.s32 $0x10, s23;
	s24 =	sadd.s32 $0x80, s24;
	s26 =	sshll.u32 s25, $0x2  }
0x20f: {  	s1 =	sshll.u32 s25, $0x4;
	s29 =	sand.u32 $0xC00, s24;
	s0 =	sand.u32 $0x70, s23;
	v4 =	vmul.f32 $1.000000010e-01, v4;
	v3 =	vmul.f32 $8.999999760e-01, v3  }
0x210: {  	s1 =	sand.u32 $0x3000, s1;
	s25 =	sadd.s32 $0x1, s25;
	s0 =	sor.u32 s29, s0  }
0x211: {  	s23 =	sand.u32 $0x380, s26;
	s0 =	sor.u32 s1, s0;
	v3 =	vadd.f32 v4, v3  }
0x212: {  	s0 =	sor.u32 s23, s0  }
0x213: {  	v4 =	vld [tilespmem:s0+$0xD000];
	[tilespmem:s22+$0x9000] =	vst v3  }
0x214: {  	v3 =	vld [tilespmem:s0+$0x9000];
	_ =	sdelay $0x4  }
0x215: {  	v4 =	vmul.f32 $1.000000010e-01, v4;
	v3 =	vmul.f32 $8.999999760e-01, v3;
	_ =	sdelay $0x1  }
0x216: {  	v3 =	vadd.f32 v4, v3;
	_ =	sdelay $0x1  }
0x217: {  	s25 =	rddreg [dreg:$0x6];
	s22 =	simm.s32 $0x0;
	[tilespmem:s0+$0x9000] =	vst v3  }
0x218: {  	[hbm4b:s25+s22] =	stream.linear.scatter [tilespmem:s19], [sflag:$0x7], $0x4000, $0x38;
	[tilespmem:$0x11000] =	vst v63  }
0x219: {  	_ =	swait.ge [sflag:s18], $0x4000  }
0x21a: {  	[sflag:s18] =	ssyncset.done $0x0  }
0x21b: {  	[sflag:s18] =	ssyncadd.s32 $0xFFFFC000  }
0x21c: {  	v3 =	vld [tilespmem:$0x280];
	_ =	sdelay $0x4  }
0x21d: {  	v4 =	vshll.u32 v3, $0x2  }
0x21e: {  	v3 =	vand.u32 $0x7, v3;
	v4 =	vand.u32 $0xFFFFFFE0, v4  }
0x21f: {  	v3 =	vor.u32 v3, v4  }
0x220: {  	v4 =	vperm.xlane v3, v0;
	_ =	sdelay $0x1  }
0x221: {  	v4 =	vadd.s32 v1, v4;
	_ =	sdelay $0x1  }
0x222: {  	v3 =	vperm.xlane v3, v2;
	_ =	sdelay $0x1  }
0x223: {  	v3 =	vadd.s32 v1, v3  }
0x224: {  	[tilespmem:s19], [sflag:$0x5] =	stream.indirect_vreg.gather [hbm4b:s4+s22], $0x80, v4, vm0, $0xb8;
	[tilespmem:$0x11000] =	vst v63  }
0x225: {  	s26 =	simm.s32 $0x9800  }
0x226: {  	[tilespmem:s26], [sflag:$0x5] =	stream.indirect_vreg.gather [hbm4b:s6+s22], $0x80, v4, vm0, $0xb8;
	[tilespmem:$0x11000] =	vst v63  }
0x227: {  	s29 =	simm.s32 $0xA000  }
0x228: {  	[tilespmem:s29], [sflag:$0x5] =	stream.indirect_vreg.gather [hbm4b:s4+s22], $0x80, v3, vm0, $0xb8;
	[tilespmem:$0x11000] =	vst v63  }
0x229: {  	s1 =	simm.s32 $0xA800  }
0x22a: {  	[tilespmem:s1], [sflag:$0x5] =	stream.indirect_vreg.gather [hbm4b:s6+s22], $0x80, v3, vm0, $0xb8;
	[tilespmem:$0x11000] =	vst v63  }
0x22b: {  	v3 =	vld [tilespmem:$0x290];
	_ =	sdelay $0x4  }
0x22c: {  	v4 =	vshll.u32 v3, $0x2  }
0x22d: {  	v3 =	vand.u32 $0x7, v3;
	v4 =	vand.u32 $0xFFFFFFE0, v4  }
0x22e: {  	v3 =	vor.u32 v3, v4  }
0x22f: {  	v4 =	vperm.xlane v3, v0;
	_ =	sdelay $0x1  }
0x230: {  	v4 =	vadd.s32 v1, v4;
	_ =	sdelay $0x1  }
0x231: {  	v3 =	vperm.xlane v3, v2;
	_ =	sdelay $0x1  }
0x232: {  	s23 =	simm.s32 $0xB000;
	v3 =	vadd.s32 v1, v3  }
0x233: {  	[tilespmem:s23], [sflag:$0x5] =	stream.indirect_vreg.gather [hbm4b:s4+s22], $0x80, v4, vm0, $0xb8;
	[tilespmem:$0x11000] =	vst v63  }
0x234: {  	s24 =	simm.s32 $0xB800  }
0x235: {  	[tilespmem:s24], [sflag:$0x5] =	stream.indirect_vreg.gather [hbm4b:s6+s22], $0x80, v4, vm0, $0xb8;
	[tilespmem:$0x11000] =	vst v63  }
0x236: {  	s25 =	simm.s32 $0xC000  }
0x237: {  	[tilespmem:s25], [sflag:$0x5] =	stream.indirect_vreg.gather [hbm4b:s4+s22], $0x80, v3, vm0, $0xb8;
	[tilespmem:$0x11000] =	vst v63  }
0x238: {  	s26 =	simm.s32 $0xC800  }
0x239: {  	[tilespmem:s26], [sflag:$0x5] =	stream.indirect_vreg.gather [hbm4b:s6+s22], $0x80, v3, vm0, $0xb8;
	[tilespmem:$0x11000] =	vst v63  }
0x23a: {  	v3 =	vld [tilespmem:$0xA80];
	_ =	sdelay $0x4  }
0x23b: {  	v4 =	vshll.u32 v3, $0x2  }
0x23c: {  	v3 =	vand.u32 $0x7, v3;
	v4 =	vand.u32 $0xFFFFFFE0, v4  }
0x23d: {  	v3 =	vor.u32 v3, v4  }
0x23e: {  	v4 =	vperm.xlane v3, v0;
	_ =	sdelay $0x1  }
0x23f: {  	v4 =	vadd.s32 v1, v4;
	_ =	sdelay $0x1  }
0x240: {  	v3 =	vperm.xlane v3, v2;
	_ =	sdelay $0x1  }
0x241: {  	s29 =	simm.s32 $0xD000;
	v3 =	vadd.s32 v1, v3  }
0x242: {  	[tilespmem:s29], [sflag:$0x6] =	stream.indirect_vreg.gather [hbm4b:s2+s22], $0x80, v4, vm0, $0xb8;
	[tilespmem:$0x11000] =	vst v63  }
0x243: {  	s1 =	simm.s32 $0xD800  }
0x244: {  	[tilespmem:s1], [sflag:$0x6] =	stream.indirect_vreg.gather [hbm4b:s21+s22], $0x80, v4, vm0, $0xb8;
	[tilespmem:$0x11000] =	vst v63  }
0x245: {  	_ = 	snop  }
0x246: {  	[tilespmem:s7], [sflag:$0x6] =	stream.indirect_vreg.gather [hbm4b:s2+s22], $0x80, v3, vm0, $0xb8;
	[tilespmem:$0x11000] =	vst v63  }
0x247: {  	_ = 	snop  }
0x248: {  	[tilespmem:s8], [sflag:$0x6] =	stream.indirect_vreg.gather [hbm4b:s21+s22], $0x80, v3, vm0, $0xb8;
	[tilespmem:$0x11000] =	vst v63  }
0x249: {  	v3 =	vld [tilespmem:$0xA90];
	_ =	sdelay $0x4  }
0x24a: {  	v4 =	vshll.u32 v3, $0x2  }
0x24b: {  	v3 =	vand.u32 $0x7, v3;
	v4 =	vand.u32 $0xFFFFFFE0, v4  }
0x24c: {  	v3 =	vor.u32 v3, v4  }
0x24d: {  	v4 =	vperm.xlane v3, v0;
	_ =	sdelay $0x1  }
0x24e: {  	v4 =	vadd.s32 v1, v4;
	_ =	sdelay $0x1  }
0x24f: {  	v3 =	vperm.xlane v3, v2;
	_ =	sdelay $0x1  }
0x250: {  	v3 =	vadd.s32 v1, v3  }
0x251: {  	[tilespmem:s9], [sflag:$0x6] =	stream.indirect_vreg.gather [hbm4b:s2+s22], $0x80, v4, vm0, $0xb8;
	[tilespmem:$0x11000] =	vst v63  }
0x252: {  	_ = 	snop  }
0x253: {  	[tilespmem:s10], [sflag:$0x6] =	stream.indirect_vreg.gather [hbm4b:s21+s22], $0x80, v4, vm0, $0xb8;
	[tilespmem:$0x11000] =	vst v63  }
0x254: {  	_ = 	snop  }
0x255: {  	[tilespmem:s11], [sflag:$0x6] =	stream.indirect_vreg.gather [hbm4b:s2+s22], $0x80, v3, vm0, $0xb8;
	[tilespmem:$0x11000] =	vst v63  }
0x256: {  	_ = 	snop  }
0x257: {  	[tilespmem:s12], [sflag:$0x6] =	stream.indirect_vreg.gather [hbm4b:s21+s22], $0x80, v3, vm0, $0xb8;
	[tilespmem:$0x11000] =	vst v63  }
0x258: {  	_ =	swait.ge [sflag:s13], $0x4000  }
0x259: {  	s23 =	sand.u32 $0x70, s22;
	s24 =	simm.s32 $0x0;
	[sflag:s13] =	ssyncset.done $0x0  }
0x25a: {  	s25 =	simm.s32 $0x0;
	s22 =	sand.u32 $0xC00, s22;
	[sflag:s13] =	ssyncadd.s32 $0xFFFFC000  }
0x25b: {  	s1 =	sand.u32 $0x3000, s24;
	s0 =	sor.u32 s22, s23;
	_ =	swait.ge [sflag:s14], $0x4000  }
0x25c: {  	s26 =	sand.u32 $0x380, s25;
	s0 =	sor.u32 s1, s0;
	[sflag:s14] =	ssyncset.done $0x0  }
0x25d: {  	s22 =	sor.u32 s26, s0;
	[sflag:s14] =	ssyncadd.s32 $0xFFFFC000  }
0x25e: {  	v4 =	vld [tilespmem:s22+$0x5000]  }
0x25f: {  	v3 =	vld [tilespmem:s22+$0x1000];
	_ =	sdelay $0x2  }
0x260: {  	s24 =	simm.s32 $0x80  }
0x261: {  	s29 =	simm.s32 $0x10;
	s25 =	sand.u32 $0xC00, s24;
	s23 =	simm.s32 $0x10  }
0x262: {  	s1 =	sand.u32 $0x3000, s29;
	s0 =	sand.u32 $0x70, s23;
	v3 =	vmul.f32 $8.999999760e-01, v3;
	v4 =	vmul.f32 $1.000000010e-01, v4  }
0x263: {  	s26 =	simm.s32 $0x4;
	s0 =	sor.u32 s25, s0;
	s25 =	simm.s32 $0x2  }
.LBB2_10:
0x264: {  	p0 =	sne.s32 s25, $0x3FF;
	s26 =	sand.u32 $0x380, s26;
	s0 =	sor.u32 s1, s0;
	v3 =	vadd.f32 v4, v3  }
0x265: {  	s0 =	sor.u32 s26, s0  }
0x266: {  	v4 =	vld [tilespmem:s0+$0x5000];
	[tilespmem:s22+$0x1000] =	vst v3;
	s22 =	smov.u32 s0  }
0x267: {  	v3 =	vld [tilespmem:s22+$0x1000];
	_ =	sdelay $0x1  }
.Ltmp4:
0x268: {  	(pc) =	sbr.rel @p0 .LBB2_10-.Ltmp4, $4  }
0x269: {  	_ = 	snop  }
0x26a: {  	s23 =	sadd.s32 $0x10, s23;
	s24 =	sadd.s32 $0x80, s24;
	s26 =	sshll.u32 s25, $0x2  }
0x26b: {  	s1 =	sshll.u32 s25, $0x4;
	s29 =	sand.u32 $0xC00, s24;
	s0 =	sand.u32 $0x70, s23;
	v4 =	vmul.f32 $1.000000010e-01, v4;
	v3 =	vmul.f32 $8.999999760e-01, v3  }
0x26c: {  	s1 =	sand.u32 $0x3000, s1;
	s25 =	sadd.s32 $0x1, s25;
	s0 =	sor.u32 s29, s0  }
0x26d: {  	s23 =	sand.u32 $0x380, s26;
	s0 =	sor.u32 s1, s0;
	v3 =	vadd.f32 v4, v3  }
0x26e: {  	s0 =	sor.u32 s23, s0  }
0x26f: {  	v4 =	vld [tilespmem:s0+$0x5000];
	[tilespmem:s22+$0x1000] =	vst v3  }
0x270: {  	v3 =	vld [tilespmem:s0+$0x1000];
	_ =	sdelay $0x4  }
0x271: {  	v4 =	vmul.f32 $1.000000010e-01, v4;
	v3 =	vmul.f32 $8.999999760e-01, v3;
	_ =	sdelay $0x1  }
0x272: {  	v3 =	vadd.f32 v4, v3;
	_ =	sdelay $0x1  }
0x273: {  	s25 =	rddreg [dreg:$0x7];
	s22 =	simm.s32 $0x0;
	[tilespmem:s0+$0x1000] =	vst v3  }
0x274: {  	[hbm4b:s25+s22] =	stream.linear.scatter [tilespmem:s31], [sflag:$0x4], $0x4000, $0x38;
	[tilespmem:$0x11000] =	vst v63  }
0x275: {  	_ =	swait.ge [sflag:s15], $0x4000  }
0x276: {  	[sflag:s15] =	ssyncset.done $0x0  }
0x277: {  	[sflag:s15] =	ssyncadd.s32 $0xFFFFC000  }
0x278: {  	v3 =	vld [tilespmem:$0x300];
	_ =	sdelay $0x4  }
0x279: {  	v4 =	vshll.u32 v3, $0x2  }
0x27a: {  	v3 =	vand.u32 $0x7, v3;
	v4 =	vand.u32 $0xFFFFFFE0, v4  }
0x27b: {  	v3 =	vor.u32 v3, v4  }
0x27c: {  	v4 =	vperm.xlane v3, v0;
	_ =	sdelay $0x1  }
0x27d: {  	v4 =	vadd.s32 v1, v4;
	_ =	sdelay $0x1  }
0x27e: {  	v3 =	vperm.xlane v3, v2;
	_ =	sdelay $0x1  }
0x27f: {  	v3 =	vadd.s32 v1, v3  }
0x280: {  	[tilespmem:s31], [sflag:$0x2] =	stream.indirect_vreg.gather [hbm4b:s4+s22], $0x80, v4, vm0, $0xb8;
	[tilespmem:$0x11000] =	vst v63  }
0x281: {  	s26 =	simm.s32 $0x1800  }
0x282: {  	[tilespmem:s26], [sflag:$0x2] =	stream.indirect_vreg.gather [hbm4b:s6+s22], $0x80, v4, vm0, $0xb8;
	[tilespmem:$0x11000] =	vst v63  }
0x283: {  	s29 =	simm.s32 $0x2000  }
0x284: {  	[tilespmem:s29], [sflag:$0x2] =	stream.indirect_vreg.gather [hbm4b:s4+s22], $0x80, v3, vm0, $0xb8;
	[tilespmem:$0x11000] =	vst v63  }
0x285: {  	s1 =	simm.s32 $0x2800  }
0x286: {  	[tilespmem:s1], [sflag:$0x2] =	stream.indirect_vreg.gather [hbm4b:s6+s22], $0x80, v3, vm0, $0xb8;
	[tilespmem:$0x11000] =	vst v63  }
0x287: {  	v3 =	vld [tilespmem:$0x310];
	_ =	sdelay $0x4  }
0x288: {  	v4 =	vshll.u32 v3, $0x2  }
0x289: {  	v3 =	vand.u32 $0x7, v3;
	v4 =	vand.u32 $0xFFFFFFE0, v4  }
0x28a: {  	v3 =	vor.u32 v3, v4  }
0x28b: {  	v4 =	vperm.xlane v3, v0;
	_ =	sdelay $0x1  }
0x28c: {  	v4 =	vadd.s32 v1, v4;
	_ =	sdelay $0x1  }
0x28d: {  	v3 =	vperm.xlane v3, v2;
	_ =	sdelay $0x1  }
0x28e: {  	s23 =	simm.s32 $0x3000;
	v3 =	vadd.s32 v1, v3  }
0x28f: {  	[tilespmem:s23], [sflag:$0x2] =	stream.indirect_vreg.gather [hbm4b:s4+s22], $0x80, v4, vm0, $0xb8;
	[tilespmem:$0x11000] =	vst v63  }
0x290: {  	s24 =	simm.s32 $0x3800  }
0x291: {  	[tilespmem:s24], [sflag:$0x2] =	stream.indirect_vreg.gather [hbm4b:s6+s22], $0x80, v4, vm0, $0xb8;
	[tilespmem:$0x11000] =	vst v63  }
0x292: {  	s25 =	simm.s32 $0x4000  }
0x293: {  	[tilespmem:s25], [sflag:$0x2] =	stream.indirect_vreg.gather [hbm4b:s4+s22], $0x80, v3, vm0, $0xb8;
	[tilespmem:$0x11000] =	vst v63  }
0x294: {  	s26 =	simm.s32 $0x4800  }
0x295: {  	[tilespmem:s26], [sflag:$0x2] =	stream.indirect_vreg.gather [hbm4b:s6+s22], $0x80, v3, vm0, $0xb8;
	[tilespmem:$0x11000] =	vst v63  }
0x296: {  	v3 =	vld [tilespmem:$0xB00];
	_ =	sdelay $0x4  }
0x297: {  	v4 =	vshll.u32 v3, $0x2  }
0x298: {  	v3 =	vand.u32 $0x7, v3;
	v4 =	vand.u32 $0xFFFFFFE0, v4  }
0x299: {  	v3 =	vor.u32 v3, v4  }
0x29a: {  	v4 =	vperm.xlane v3, v0;
	_ =	sdelay $0x1  }
0x29b: {  	v4 =	vadd.s32 v1, v4;
	_ =	sdelay $0x1  }
0x29c: {  	v3 =	vperm.xlane v3, v2;
	_ =	sdelay $0x1  }
0x29d: {  	s29 =	simm.s32 $0x5000;
	v3 =	vadd.s32 v1, v3  }
0x29e: {  	[tilespmem:s29], [sflag:$0x3] =	stream.indirect_vreg.gather [hbm4b:s2+s22], $0x80, v4, vm0, $0xb8;
	[tilespmem:$0x11000] =	vst v63  }
0x29f: {  	s1 =	simm.s32 $0x5800  }
0x2a0: {  	[tilespmem:s1], [sflag:$0x3] =	stream.indirect_vreg.gather [hbm4b:s21+s22], $0x80, v4, vm0, $0xb8;
	[tilespmem:$0x11000] =	vst v63  }
0x2a1: {  	s23 =	simm.s32 $0x6000  }
0x2a2: {  	[tilespmem:s23], [sflag:$0x3] =	stream.indirect_vreg.gather [hbm4b:s2+s22], $0x80, v3, vm0, $0xb8;
	[tilespmem:$0x11000] =	vst v63  }
0x2a3: {  	s24 =	simm.s32 $0x6800  }
0x2a4: {  	[tilespmem:s24], [sflag:$0x3] =	stream.indirect_vreg.gather [hbm4b:s21+s22], $0x80, v3, vm0, $0xb8;
	[tilespmem:$0x11000] =	vst v63  }
0x2a5: {  	v3 =	vld [tilespmem:$0xB10];
	_ =	sdelay $0x4  }
0x2a6: {  	v4 =	vshll.u32 v3, $0x2  }
0x2a7: {  	v3 =	vand.u32 $0x7, v3;
	v4 =	vand.u32 $0xFFFFFFE0, v4  }
0x2a8: {  	v3 =	vor.u32 v3, v4  }
0x2a9: {  	v4 =	vperm.xlane v3, v0;
	_ =	sdelay $0x1  }
0x2aa: {  	v4 =	vadd.s32 v1, v4;
	_ =	sdelay $0x1  }
0x2ab: {  	v3 =	vperm.xlane v3, v2;
	_ =	sdelay $0x1  }
0x2ac: {  	s25 =	simm.s32 $0x7000;
	v3 =	vadd.s32 v1, v3  }
0x2ad: {  	[tilespmem:s25], [sflag:$0x3] =	stream.indirect_vreg.gather [hbm4b:s2+s22], $0x80, v4, vm0, $0xb8;
	[tilespmem:$0x11000] =	vst v63  }
0x2ae: {  	s26 =	simm.s32 $0x7800  }
0x2af: {  	[tilespmem:s26], [sflag:$0x3] =	stream.indirect_vreg.gather [hbm4b:s21+s22], $0x80, v4, vm0, $0xb8;
	[tilespmem:$0x11000] =	vst v63  }
0x2b0: {  	s29 =	simm.s32 $0x8000  }
0x2b1: {  	[tilespmem:s29], [sflag:$0x3] =	stream.indirect_vreg.gather [hbm4b:s2+s22], $0x80, v3, vm0, $0xb8;
	[tilespmem:$0x11000] =	vst v63  }
0x2b2: {  	s1 =	simm.s32 $0x8800  }
0x2b3: {  	[tilespmem:s1], [sflag:$0x3] =	stream.indirect_vreg.gather [hbm4b:s21+s22], $0x80, v3, vm0, $0xb8;
	[tilespmem:$0x11000] =	vst v63  }
0x2b4: {  	_ =	swait.ge [sflag:s16], $0x4000  }
0x2b5: {  	s23 =	sand.u32 $0x70, s22;
	s24 =	simm.s32 $0x0;
	[sflag:s16] =	ssyncset.done $0x0  }
0x2b6: {  	s25 =	simm.s32 $0x0;
	s22 =	sand.u32 $0xC00, s22;
	[sflag:s16] =	ssyncadd.s32 $0xFFFFC000  }
0x2b7: {  	s1 =	sand.u32 $0x3000, s24;
	s0 =	sor.u32 s22, s23;
	_ =	swait.ge [sflag:s17], $0x4000  }
0x2b8: {  	s26 =	sand.u32 $0x380, s25;
	s0 =	sor.u32 s1, s0;
	[sflag:s17] =	ssyncset.done $0x0  }
0x2b9: {  	s22 =	sor.u32 s26, s0;
	[sflag:s17] =	ssyncadd.s32 $0xFFFFC000  }
0x2ba: {  	v4 =	vld [tilespmem:s22+$0xD000]  }
0x2bb: {  	v3 =	vld [tilespmem:s22+$0x9000];
	_ =	sdelay $0x2  }
0x2bc: {  	s24 =	simm.s32 $0x80  }
0x2bd: {  	s29 =	simm.s32 $0x10;
	s23 =	simm.s32 $0x10;
	s25 =	sand.u32 $0xC00, s24  }
0x2be: {  	s1 =	sand.u32 $0x3000, s29;
	s0 =	sand.u32 $0x70, s23;
	v3 =	vmul.f32 $8.999999760e-01, v3;
	v4 =	vmul.f32 $1.000000010e-01, v4  }
0x2bf: {  	s26 =	simm.s32 $0x4;
	s0 =	sor.u32 s25, s0;
	s25 =	simm.s32 $0x2  }
.LBB2_12:
0x2c0: {  	p0 =	sne.s32 s25, $0x3FF;
	s26 =	sand.u32 $0x380, s26;
	s0 =	sor.u32 s1, s0;
	v3 =	vadd.f32 v4, v3  }
0x2c1: {  	s0 =	sor.u32 s26, s0  }
0x2c2: {  	v4 =	vld [tilespmem:s0+$0xD000];
	[tilespmem:s22+$0x9000] =	vst v3;
	s22 =	smov.u32 s0  }
0x2c3: {  	v3 =	vld [tilespmem:s22+$0x9000];
	_ =	sdelay $0x1  }
.Ltmp5:
0x2c4: {  	(pc) =	sbr.rel @p0 .LBB2_12-.Ltmp5, $4  }
0x2c5: {  	_ = 	snop  }
0x2c6: {  	s23 =	sadd.s32 $0x10, s23;
	s24 =	sadd.s32 $0x80, s24;
	s26 =	sshll.u32 s25, $0x2  }
0x2c7: {  	s1 =	sshll.u32 s25, $0x4;
	s29 =	sand.u32 $0xC00, s24;
	s0 =	sand.u32 $0x70, s23;
	v4 =	vmul.f32 $1.000000010e-01, v4;
	v3 =	vmul.f32 $8.999999760e-01, v3  }
0x2c8: {  	s1 =	sand.u32 $0x3000, s1;
	s25 =	sadd.s32 $0x1, s25;
	s0 =	sor.u32 s29, s0  }
0x2c9: {  	s23 =	sand.u32 $0x380, s26;
	s0 =	sor.u32 s1, s0;
	v3 =	vadd.f32 v4, v3  }
0x2ca: {  	s0 =	sor.u32 s23, s0  }
0x2cb: {  	v4 =	vld [tilespmem:s0+$0xD000];
	[tilespmem:s22+$0x9000] =	vst v3  }
0x2cc: {  	v3 =	vld [tilespmem:s0+$0x9000];
	_ =	sdelay $0x4  }
0x2cd: {  	v4 =	vmul.f32 $1.000000010e-01, v4;
	v3 =	vmul.f32 $8.999999760e-01, v3;
	_ =	sdelay $0x1  }
0x2ce: {  	v3 =	vadd.f32 v4, v3;
	_ =	sdelay $0x1  }
0x2cf: {  	s25 =	rddreg [dreg:$0x8];
	s22 =	simm.s32 $0x0;
	[tilespmem:s0+$0x9000] =	vst v3  }
0x2d0: {  	[hbm4b:s25+s22] =	stream.linear.scatter [tilespmem:s19], [sflag:$0x7], $0x4000, $0x38;
	[tilespmem:$0x11000] =	vst v63  }
0x2d1: {  	_ =	swait.ge [sflag:s18], $0x4000  }
0x2d2: {  	[sflag:s18] =	ssyncset.done $0x0  }
0x2d3: {  	[sflag:s18] =	ssyncadd.s32 $0xFFFFC000  }
0x2d4: {  	v3 =	vld [tilespmem:$0x380];
	_ =	sdelay $0x4  }
0x2d5: {  	v4 =	vshll.u32 v3, $0x2  }
0x2d6: {  	v3 =	vand.u32 $0x7, v3;
	v4 =	vand.u32 $0xFFFFFFE0, v4  }
0x2d7: {  	v3 =	vor.u32 v3, v4  }
0x2d8: {  	v4 =	vperm.xlane v3, v0;
	_ =	sdelay $0x1  }
0x2d9: {  	v4 =	vadd.s32 v1, v4;
	_ =	sdelay $0x1  }
0x2da: {  	v3 =	vperm.xlane v3, v2;
	_ =	sdelay $0x1  }
0x2db: {  	v3 =	vadd.s32 v1, v3  }
0x2dc: {  	[tilespmem:s19], [sflag:$0x5] =	stream.indirect_vreg.gather [hbm4b:s4+s22], $0x80, v4, vm0, $0xb8;
	[tilespmem:$0x11000] =	vst v63  }
0x2dd: {  	s26 =	simm.s32 $0x9800  }
0x2de: {  	[tilespmem:s26], [sflag:$0x5] =	stream.indirect_vreg.gather [hbm4b:s6+s22], $0x80, v4, vm0, $0xb8;
	[tilespmem:$0x11000] =	vst v63  }
0x2df: {  	s29 =	simm.s32 $0xA000  }
0x2e0: {  	[tilespmem:s29], [sflag:$0x5] =	stream.indirect_vreg.gather [hbm4b:s4+s22], $0x80, v3, vm0, $0xb8;
	[tilespmem:$0x11000] =	vst v63  }
0x2e1: {  	s1 =	simm.s32 $0xA800  }
0x2e2: {  	[tilespmem:s1], [sflag:$0x5] =	stream.indirect_vreg.gather [hbm4b:s6+s22], $0x80, v3, vm0, $0xb8;
	[tilespmem:$0x11000] =	vst v63  }
0x2e3: {  	v3 =	vld [tilespmem:$0x390];
	_ =	sdelay $0x4  }
0x2e4: {  	v4 =	vshll.u32 v3, $0x2  }
0x2e5: {  	v3 =	vand.u32 $0x7, v3;
	v4 =	vand.u32 $0xFFFFFFE0, v4  }
0x2e6: {  	v3 =	vor.u32 v3, v4  }
0x2e7: {  	v4 =	vperm.xlane v3, v0;
	_ =	sdelay $0x1  }
0x2e8: {  	v4 =	vadd.s32 v1, v4;
	_ =	sdelay $0x1  }
0x2e9: {  	v3 =	vperm.xlane v3, v2;
	_ =	sdelay $0x1  }
0x2ea: {  	s23 =	simm.s32 $0xB000;
	v3 =	vadd.s32 v1, v3  }
0x2eb: {  	[tilespmem:s23], [sflag:$0x5] =	stream.indirect_vreg.gather [hbm4b:s4+s22], $0x80, v4, vm0, $0xb8;
	[tilespmem:$0x11000] =	vst v63  }
0x2ec: {  	s24 =	simm.s32 $0xB800  }
0x2ed: {  	[tilespmem:s24], [sflag:$0x5] =	stream.indirect_vreg.gather [hbm4b:s6+s22], $0x80, v4, vm0, $0xb8;
	[tilespmem:$0x11000] =	vst v63  }
0x2ee: {  	s25 =	simm.s32 $0xC000  }
0x2ef: {  	[tilespmem:s25], [sflag:$0x5] =	stream.indirect_vreg.gather [hbm4b:s4+s22], $0x80, v3, vm0, $0xb8;
	[tilespmem:$0x11000] =	vst v63  }
0x2f0: {  	s26 =	simm.s32 $0xC800  }
0x2f1: {  	[tilespmem:s26], [sflag:$0x5] =	stream.indirect_vreg.gather [hbm4b:s6+s22], $0x80, v3, vm0, $0xb8;
	[tilespmem:$0x11000] =	vst v63  }
0x2f2: {  	v3 =	vld [tilespmem:$0xB80];
	_ =	sdelay $0x4  }
0x2f3: {  	v4 =	vshll.u32 v3, $0x2  }
0x2f4: {  	v3 =	vand.u32 $0x7, v3;
	v4 =	vand.u32 $0xFFFFFFE0, v4  }
0x2f5: {  	v3 =	vor.u32 v3, v4  }
0x2f6: {  	v4 =	vperm.xlane v3, v0;
	_ =	sdelay $0x1  }
0x2f7: {  	v4 =	vadd.s32 v1, v4;
	_ =	sdelay $0x1  }
0x2f8: {  	v3 =	vperm.xlane v3, v2;
	_ =	sdelay $0x1  }
0x2f9: {  	s29 =	simm.s32 $0xD000;
	v3 =	vadd.s32 v1, v3  }
0x2fa: {  	[tilespmem:s29], [sflag:$0x6] =	stream.indirect_vreg.gather [hbm4b:s2+s22], $0x80, v4, vm0, $0xb8;
	[tilespmem:$0x11000] =	vst v63  }
0x2fb: {  	s1 =	simm.s32 $0xD800  }
0x2fc: {  	[tilespmem:s1], [sflag:$0x6] =	stream.indirect_vreg.gather [hbm4b:s21+s22], $0x80, v4, vm0, $0xb8;
	[tilespmem:$0x11000] =	vst v63  }
0x2fd: {  	_ = 	snop  }
0x2fe: {  	[tilespmem:s7], [sflag:$0x6] =	stream.indirect_vreg.gather [hbm4b:s2+s22], $0x80, v3, vm0, $0xb8;
	[tilespmem:$0x11000] =	vst v63  }
0x2ff: {  	_ = 	snop  }
0x300: {  	[tilespmem:s8], [sflag:$0x6] =	stream.indirect_vreg.gather [hbm4b:s21+s22], $0x80, v3, vm0, $0xb8;
	[tilespmem:$0x11000] =	vst v63  }
0x301: {  	v3 =	vld [tilespmem:$0xB90];
	_ =	sdelay $0x4  }
0x302: {  	v4 =	vshll.u32 v3, $0x2  }
0x303: {  	v3 =	vand.u32 $0x7, v3;
	v4 =	vand.u32 $0xFFFFFFE0, v4  }
0x304: {  	v3 =	vor.u32 v3, v4  }
0x305: {  	v4 =	vperm.xlane v3, v0;
	_ =	sdelay $0x1  }
0x306: {  	v4 =	vadd.s32 v1, v4;
	_ =	sdelay $0x1  }
0x307: {  	v3 =	vperm.xlane v3, v2;
	_ =	sdelay $0x1  }
0x308: {  	v3 =	vadd.s32 v1, v3  }
0x309: {  	[tilespmem:s9], [sflag:$0x6] =	stream.indirect_vreg.gather [hbm4b:s2+s22], $0x80, v4, vm0, $0xb8;
	[tilespmem:$0x11000] =	vst v63  }
0x30a: {  	_ = 	snop  }
0x30b: {  	[tilespmem:s10], [sflag:$0x6] =	stream.indirect_vreg.gather [hbm4b:s21+s22], $0x80, v4, vm0, $0xb8;
	[tilespmem:$0x11000] =	vst v63  }
0x30c: {  	_ = 	snop  }
0x30d: {  	[tilespmem:s11], [sflag:$0x6] =	stream.indirect_vreg.gather [hbm4b:s2+s22], $0x80, v3, vm0, $0xb8;
	[tilespmem:$0x11000] =	vst v63  }
0x30e: {  	_ = 	snop  }
0x30f: {  	[tilespmem:s12], [sflag:$0x6] =	stream.indirect_vreg.gather [hbm4b:s21+s22], $0x80, v3, vm0, $0xb8;
	[tilespmem:$0x11000] =	vst v63  }
0x310: {  	_ =	swait.ge [sflag:s13], $0x4000  }
0x311: {  	s23 =	sand.u32 $0x70, s22;
	s24 =	simm.s32 $0x0;
	[sflag:s13] =	ssyncset.done $0x0  }
0x312: {  	s25 =	simm.s32 $0x0;
	s22 =	sand.u32 $0xC00, s22;
	[sflag:s13] =	ssyncadd.s32 $0xFFFFC000  }
0x313: {  	s1 =	sand.u32 $0x3000, s24;
	s0 =	sor.u32 s22, s23;
	_ =	swait.ge [sflag:s14], $0x4000  }
0x314: {  	s26 =	sand.u32 $0x380, s25;
	s0 =	sor.u32 s1, s0;
	[sflag:s14] =	ssyncset.done $0x0  }
0x315: {  	s22 =	sor.u32 s26, s0;
	[sflag:s14] =	ssyncadd.s32 $0xFFFFC000  }
0x316: {  	v4 =	vld [tilespmem:s22+$0x5000]  }
0x317: {  	v3 =	vld [tilespmem:s22+$0x1000];
	_ =	sdelay $0x2  }
0x318: {  	s24 =	simm.s32 $0x80  }
0x319: {  	s29 =	simm.s32 $0x10;
	s25 =	sand.u32 $0xC00, s24;
	s23 =	simm.s32 $0x10  }
0x31a: {  	s1 =	sand.u32 $0x3000, s29;
	s0 =	sand.u32 $0x70, s23;
	v3 =	vmul.f32 $8.999999760e-01, v3;
	v4 =	vmul.f32 $1.000000010e-01, v4  }
0x31b: {  	s26 =	simm.s32 $0x4;
	s0 =	sor.u32 s25, s0;
	s25 =	simm.s32 $0x2  }
.LBB2_14:
0x31c: {  	p0 =	sne.s32 s25, $0x3FF;
	s26 =	sand.u32 $0x380, s26;
	s0 =	sor.u32 s1, s0;
	v3 =	vadd.f32 v4, v3  }
0x31d: {  	s0 =	sor.u32 s26, s0  }
0x31e: {  	v4 =	vld [tilespmem:s0+$0x5000];
	[tilespmem:s22+$0x1000] =	vst v3;
	s22 =	smov.u32 s0  }
0x31f: {  	v3 =	vld [tilespmem:s22+$0x1000];
	_ =	sdelay $0x1  }
.Ltmp6:
0x320: {  	(pc) =	sbr.rel @p0 .LBB2_14-.Ltmp6, $4  }
0x321: {  	_ = 	snop  }
0x322: {  	s23 =	sadd.s32 $0x10, s23;
	s24 =	sadd.s32 $0x80, s24;
	s26 =	sshll.u32 s25, $0x2  }
0x323: {  	s1 =	sshll.u32 s25, $0x4;
	s29 =	sand.u32 $0xC00, s24;
	s0 =	sand.u32 $0x70, s23;
	v4 =	vmul.f32 $1.000000010e-01, v4;
	v3 =	vmul.f32 $8.999999760e-01, v3  }
0x324: {  	s1 =	sand.u32 $0x3000, s1;
	s25 =	sadd.s32 $0x1, s25;
	s0 =	sor.u32 s29, s0  }
0x325: {  	s23 =	sand.u32 $0x380, s26;
	s0 =	sor.u32 s1, s0;
	v3 =	vadd.f32 v4, v3  }
0x326: {  	s0 =	sor.u32 s23, s0  }
0x327: {  	v4 =	vld [tilespmem:s0+$0x5000];
	[tilespmem:s22+$0x1000] =	vst v3  }
0x328: {  	v3 =	vld [tilespmem:s0+$0x1000];
	_ =	sdelay $0x4  }
0x329: {  	v4 =	vmul.f32 $1.000000010e-01, v4;
	v3 =	vmul.f32 $8.999999760e-01, v3;
	_ =	sdelay $0x1  }
0x32a: {  	v3 =	vadd.f32 v4, v3;
	_ =	sdelay $0x1  }
0x32b: {  	s25 =	rddreg [dreg:$0x9];
	s22 =	simm.s32 $0x0;
	[tilespmem:s0+$0x1000] =	vst v3  }
0x32c: {  	[hbm4b:s25+s22] =	stream.linear.scatter [tilespmem:s31], [sflag:$0x4], $0x4000, $0x38;
	[tilespmem:$0x11000] =	vst v63  }
0x32d: {  	_ =	swait.ge [sflag:s15], $0x4000  }
0x32e: {  	[sflag:s15] =	ssyncset.done $0x0  }
0x32f: {  	[sflag:s15] =	ssyncadd.s32 $0xFFFFC000  }
0x330: {  	v3 =	vld [tilespmem:$0x400];
	_ =	sdelay $0x4  }
0x331: {  	v4 =	vshll.u32 v3, $0x2  }
0x332: {  	v3 =	vand.u32 $0x7, v3;
	v4 =	vand.u32 $0xFFFFFFE0, v4  }
0x333: {  	v3 =	vor.u32 v3, v4  }
0x334: {  	v4 =	vperm.xlane v3, v0;
	_ =	sdelay $0x1  }
0x335: {  	v4 =	vadd.s32 v1, v4;
	_ =	sdelay $0x1  }
0x336: {  	v3 =	vperm.xlane v3, v2;
	_ =	sdelay $0x1  }
0x337: {  	v3 =	vadd.s32 v1, v3  }
0x338: {  	[tilespmem:s31], [sflag:$0x2] =	stream.indirect_vreg.gather [hbm4b:s4+s22], $0x80, v4, vm0, $0xb8;
	[tilespmem:$0x11000] =	vst v63  }
0x339: {  	s26 =	simm.s32 $0x1800  }
0x33a: {  	[tilespmem:s26], [sflag:$0x2] =	stream.indirect_vreg.gather [hbm4b:s6+s22], $0x80, v4, vm0, $0xb8;
	[tilespmem:$0x11000] =	vst v63  }
0x33b: {  	s29 =	simm.s32 $0x2000  }
0x33c: {  	[tilespmem:s29], [sflag:$0x2] =	stream.indirect_vreg.gather [hbm4b:s4+s22], $0x80, v3, vm0, $0xb8;
	[tilespmem:$0x11000] =	vst v63  }
0x33d: {  	s1 =	simm.s32 $0x2800  }
0x33e: {  	[tilespmem:s1], [sflag:$0x2] =	stream.indirect_vreg.gather [hbm4b:s6+s22], $0x80, v3, vm0, $0xb8;
	[tilespmem:$0x11000] =	vst v63  }
0x33f: {  	v3 =	vld [tilespmem:$0x410];
	_ =	sdelay $0x4  }
0x340: {  	v4 =	vshll.u32 v3, $0x2  }
0x341: {  	v3 =	vand.u32 $0x7, v3;
	v4 =	vand.u32 $0xFFFFFFE0, v4  }
0x342: {  	v3 =	vor.u32 v3, v4  }
0x343: {  	v4 =	vperm.xlane v3, v0;
	_ =	sdelay $0x1  }
0x344: {  	v4 =	vadd.s32 v1, v4;
	_ =	sdelay $0x1  }
0x345: {  	v3 =	vperm.xlane v3, v2;
	_ =	sdelay $0x1  }
0x346: {  	s23 =	simm.s32 $0x3000;
	v3 =	vadd.s32 v1, v3  }
0x347: {  	[tilespmem:s23], [sflag:$0x2] =	stream.indirect_vreg.gather [hbm4b:s4+s22], $0x80, v4, vm0, $0xb8;
	[tilespmem:$0x11000] =	vst v63  }
0x348: {  	s24 =	simm.s32 $0x3800  }
0x349: {  	[tilespmem:s24], [sflag:$0x2] =	stream.indirect_vreg.gather [hbm4b:s6+s22], $0x80, v4, vm0, $0xb8;
	[tilespmem:$0x11000] =	vst v63  }
0x34a: {  	s25 =	simm.s32 $0x4000  }
0x34b: {  	[tilespmem:s25], [sflag:$0x2] =	stream.indirect_vreg.gather [hbm4b:s4+s22], $0x80, v3, vm0, $0xb8;
	[tilespmem:$0x11000] =	vst v63  }
0x34c: {  	s26 =	simm.s32 $0x4800  }
0x34d: {  	[tilespmem:s26], [sflag:$0x2] =	stream.indirect_vreg.gather [hbm4b:s6+s22], $0x80, v3, vm0, $0xb8;
	[tilespmem:$0x11000] =	vst v63  }
0x34e: {  	v3 =	vld [tilespmem:$0xC00];
	_ =	sdelay $0x4  }
0x34f: {  	v4 =	vshll.u32 v3, $0x2  }
0x350: {  	v3 =	vand.u32 $0x7, v3;
	v4 =	vand.u32 $0xFFFFFFE0, v4  }
0x351: {  	v3 =	vor.u32 v3, v4  }
0x352: {  	v4 =	vperm.xlane v3, v0;
	_ =	sdelay $0x1  }
0x353: {  	v4 =	vadd.s32 v1, v4;
	_ =	sdelay $0x1  }
0x354: {  	v3 =	vperm.xlane v3, v2;
	_ =	sdelay $0x1  }
0x355: {  	s29 =	simm.s32 $0x5000;
	v3 =	vadd.s32 v1, v3  }
0x356: {  	[tilespmem:s29], [sflag:$0x3] =	stream.indirect_vreg.gather [hbm4b:s2+s22], $0x80, v4, vm0, $0xb8;
	[tilespmem:$0x11000] =	vst v63  }
0x357: {  	s1 =	simm.s32 $0x5800  }
0x358: {  	[tilespmem:s1], [sflag:$0x3] =	stream.indirect_vreg.gather [hbm4b:s21+s22], $0x80, v4, vm0, $0xb8;
	[tilespmem:$0x11000] =	vst v63  }
0x359: {  	s23 =	simm.s32 $0x6000  }
0x35a: {  	[tilespmem:s23], [sflag:$0x3] =	stream.indirect_vreg.gather [hbm4b:s2+s22], $0x80, v3, vm0, $0xb8;
	[tilespmem:$0x11000] =	vst v63  }
0x35b: {  	s24 =	simm.s32 $0x6800  }
0x35c: {  	[tilespmem:s24], [sflag:$0x3] =	stream.indirect_vreg.gather [hbm4b:s21+s22], $0x80, v3, vm0, $0xb8;
	[tilespmem:$0x11000] =	vst v63  }
0x35d: {  	v3 =	vld [tilespmem:$0xC10];
	_ =	sdelay $0x4  }
0x35e: {  	v4 =	vshll.u32 v3, $0x2  }
0x35f: {  	v3 =	vand.u32 $0x7, v3;
	v4 =	vand.u32 $0xFFFFFFE0, v4  }
0x360: {  	v3 =	vor.u32 v3, v4  }
0x361: {  	v4 =	vperm.xlane v3, v0;
	_ =	sdelay $0x1  }
0x362: {  	v4 =	vadd.s32 v1, v4;
	_ =	sdelay $0x1  }
0x363: {  	v3 =	vperm.xlane v3, v2;
	_ =	sdelay $0x1  }
0x364: {  	s25 =	simm.s32 $0x7000;
	v3 =	vadd.s32 v1, v3  }
0x365: {  	[tilespmem:s25], [sflag:$0x3] =	stream.indirect_vreg.gather [hbm4b:s2+s22], $0x80, v4, vm0, $0xb8;
	[tilespmem:$0x11000] =	vst v63  }
0x366: {  	s26 =	simm.s32 $0x7800  }
0x367: {  	[tilespmem:s26], [sflag:$0x3] =	stream.indirect_vreg.gather [hbm4b:s21+s22], $0x80, v4, vm0, $0xb8;
	[tilespmem:$0x11000] =	vst v63  }
0x368: {  	s29 =	simm.s32 $0x8000  }
0x369: {  	[tilespmem:s29], [sflag:$0x3] =	stream.indirect_vreg.gather [hbm4b:s2+s22], $0x80, v3, vm0, $0xb8;
	[tilespmem:$0x11000] =	vst v63  }
0x36a: {  	s1 =	simm.s32 $0x8800  }
0x36b: {  	[tilespmem:s1], [sflag:$0x3] =	stream.indirect_vreg.gather [hbm4b:s21+s22], $0x80, v3, vm0, $0xb8;
	[tilespmem:$0x11000] =	vst v63  }
0x36c: {  	_ =	swait.ge [sflag:s16], $0x4000  }
0x36d: {  	s23 =	sand.u32 $0x70, s22;
	s24 =	simm.s32 $0x0;
	[sflag:s16] =	ssyncset.done $0x0  }
0x36e: {  	s25 =	simm.s32 $0x0;
	s22 =	sand.u32 $0xC00, s22;
	[sflag:s16] =	ssyncadd.s32 $0xFFFFC000  }
0x36f: {  	s1 =	sand.u32 $0x3000, s24;
	s0 =	sor.u32 s22, s23;
	_ =	swait.ge [sflag:s17], $0x4000  }
0x370: {  	s26 =	sand.u32 $0x380, s25;
	s0 =	sor.u32 s1, s0;
	[sflag:s17] =	ssyncset.done $0x0  }
0x371: {  	s22 =	sor.u32 s26, s0;
	[sflag:s17] =	ssyncadd.s32 $0xFFFFC000  }
0x372: {  	v4 =	vld [tilespmem:s22+$0xD000]  }
0x373: {  	v3 =	vld [tilespmem:s22+$0x9000];
	_ =	sdelay $0x2  }
0x374: {  	s24 =	simm.s32 $0x80  }
0x375: {  	s29 =	simm.s32 $0x10;
	s23 =	simm.s32 $0x10;
	s25 =	sand.u32 $0xC00, s24  }
0x376: {  	s1 =	sand.u32 $0x3000, s29;
	s0 =	sand.u32 $0x70, s23;
	v3 =	vmul.f32 $8.999999760e-01, v3;
	v4 =	vmul.f32 $1.000000010e-01, v4  }
0x377: {  	s26 =	simm.s32 $0x4;
	s0 =	sor.u32 s25, s0;
	s25 =	simm.s32 $0x2  }
.LBB2_16:
0x378: {  	p0 =	sne.s32 s25, $0x3FF;
	s26 =	sand.u32 $0x380, s26;
	s0 =	sor.u32 s1, s0;
	v3 =	vadd.f32 v4, v3  }
0x379: {  	s0 =	sor.u32 s26, s0  }
0x37a: {  	v4 =	vld [tilespmem:s0+$0xD000];
	[tilespmem:s22+$0x9000] =	vst v3;
	s22 =	smov.u32 s0  }
0x37b: {  	v3 =	vld [tilespmem:s22+$0x9000];
	_ =	sdelay $0x1  }
.Ltmp7:
0x37c: {  	(pc) =	sbr.rel @p0 .LBB2_16-.Ltmp7, $4  }
0x37d: {  	_ = 	snop  }
0x37e: {  	s23 =	sadd.s32 $0x10, s23;
	s24 =	sadd.s32 $0x80, s24;
	s26 =	sshll.u32 s25, $0x2  }
0x37f: {  	s1 =	sshll.u32 s25, $0x4;
	s29 =	sand.u32 $0xC00, s24;
	s0 =	sand.u32 $0x70, s23;
	v4 =	vmul.f32 $1.000000010e-01, v4;
	v3 =	vmul.f32 $8.999999760e-01, v3  }
0x380: {  	s1 =	sand.u32 $0x3000, s1;
	s25 =	sadd.s32 $0x1, s25;
	s0 =	sor.u32 s29, s0  }
0x381: {  	s23 =	sand.u32 $0x380, s26;
	s0 =	sor.u32 s1, s0;
	v3 =	vadd.f32 v4, v3  }
0x382: {  	s0 =	sor.u32 s23, s0  }
0x383: {  	v4 =	vld [tilespmem:s0+$0xD000];
	[tilespmem:s22+$0x9000] =	vst v3  }
0x384: {  	v3 =	vld [tilespmem:s0+$0x9000];
	_ =	sdelay $0x4  }
0x385: {  	v4 =	vmul.f32 $1.000000010e-01, v4;
	v3 =	vmul.f32 $8.999999760e-01, v3;
	_ =	sdelay $0x1  }
0x386: {  	v3 =	vadd.f32 v4, v3;
	_ =	sdelay $0x1  }
0x387: {  	s25 =	rddreg [dreg:$0xb];
	s22 =	simm.s32 $0x0;
	[tilespmem:s0+$0x9000] =	vst v3  }
0x388: {  	[hbm4b:s25+s22] =	stream.linear.scatter [tilespmem:s19], [sflag:$0x7], $0x4000, $0x38;
	[tilespmem:$0x11000] =	vst v63  }
0x389: {  	_ =	swait.ge [sflag:s18], $0x4000  }
0x38a: {  	[sflag:s18] =	ssyncset.done $0x0  }
0x38b: {  	[sflag:s18] =	ssyncadd.s32 $0xFFFFC000  }
0x38c: {  	v3 =	vld [tilespmem:$0x480];
	_ =	sdelay $0x4  }
0x38d: {  	v4 =	vshll.u32 v3, $0x2  }
0x38e: {  	v3 =	vand.u32 $0x7, v3;
	v4 =	vand.u32 $0xFFFFFFE0, v4  }
0x38f: {  	v3 =	vor.u32 v3, v4  }
0x390: {  	v4 =	vperm.xlane v3, v0;
	_ =	sdelay $0x1  }
0x391: {  	v4 =	vadd.s32 v1, v4;
	_ =	sdelay $0x1  }
0x392: {  	v3 =	vperm.xlane v3, v2;
	_ =	sdelay $0x1  }
0x393: {  	v3 =	vadd.s32 v1, v3  }
0x394: {  	[tilespmem:s19], [sflag:$0x5] =	stream.indirect_vreg.gather [hbm4b:s4+s22], $0x80, v4, vm0, $0xb8;
	[tilespmem:$0x11000] =	vst v63  }
0x395: {  	s26 =	simm.s32 $0x9800  }
0x396: {  	[tilespmem:s26], [sflag:$0x5] =	stream.indirect_vreg.gather [hbm4b:s6+s22], $0x80, v4, vm0, $0xb8;
	[tilespmem:$0x11000] =	vst v63  }
0x397: {  	s29 =	simm.s32 $0xA000  }
0x398: {  	[tilespmem:s29], [sflag:$0x5] =	stream.indirect_vreg.gather [hbm4b:s4+s22], $0x80, v3, vm0, $0xb8;
	[tilespmem:$0x11000] =	vst v63  }
0x399: {  	s1 =	simm.s32 $0xA800  }
0x39a: {  	[tilespmem:s1], [sflag:$0x5] =	stream.indirect_vreg.gather [hbm4b:s6+s22], $0x80, v3, vm0, $0xb8;
	[tilespmem:$0x11000] =	vst v63  }
0x39b: {  	v3 =	vld [tilespmem:$0x490];
	_ =	sdelay $0x4  }
0x39c: {  	v4 =	vshll.u32 v3, $0x2  }
0x39d: {  	v3 =	vand.u32 $0x7, v3;
	v4 =	vand.u32 $0xFFFFFFE0, v4  }
0x39e: {  	v3 =	vor.u32 v3, v4  }
0x39f: {  	v4 =	vperm.xlane v3, v0;
	_ =	sdelay $0x1  }
0x3a0: {  	v4 =	vadd.s32 v1, v4;
	_ =	sdelay $0x1  }
0x3a1: {  	v3 =	vperm.xlane v3, v2;
	_ =	sdelay $0x1  }
0x3a2: {  	s23 =	simm.s32 $0xB000;
	v3 =	vadd.s32 v1, v3  }
0x3a3: {  	[tilespmem:s23], [sflag:$0x5] =	stream.indirect_vreg.gather [hbm4b:s4+s22], $0x80, v4, vm0, $0xb8;
	[tilespmem:$0x11000] =	vst v63  }
0x3a4: {  	s24 =	simm.s32 $0xB800  }
0x3a5: {  	[tilespmem:s24], [sflag:$0x5] =	stream.indirect_vreg.gather [hbm4b:s6+s22], $0x80, v4, vm0, $0xb8;
	[tilespmem:$0x11000] =	vst v63  }
0x3a6: {  	s25 =	simm.s32 $0xC000  }
0x3a7: {  	[tilespmem:s25], [sflag:$0x5] =	stream.indirect_vreg.gather [hbm4b:s4+s22], $0x80, v3, vm0, $0xb8;
	[tilespmem:$0x11000] =	vst v63  }
0x3a8: {  	s26 =	simm.s32 $0xC800  }
0x3a9: {  	[tilespmem:s26], [sflag:$0x5] =	stream.indirect_vreg.gather [hbm4b:s6+s22], $0x80, v3, vm0, $0xb8;
	[tilespmem:$0x11000] =	vst v63  }
0x3aa: {  	v3 =	vld [tilespmem:$0xC80];
	_ =	sdelay $0x4  }
0x3ab: {  	v4 =	vshll.u32 v3, $0x2  }
0x3ac: {  	v3 =	vand.u32 $0x7, v3;
	v4 =	vand.u32 $0xFFFFFFE0, v4  }
0x3ad: {  	v3 =	vor.u32 v3, v4  }
0x3ae: {  	v4 =	vperm.xlane v3, v0;
	_ =	sdelay $0x1  }
0x3af: {  	v4 =	vadd.s32 v1, v4;
	_ =	sdelay $0x1  }
0x3b0: {  	v3 =	vperm.xlane v3, v2;
	_ =	sdelay $0x1  }
0x3b1: {  	s29 =	simm.s32 $0xD000;
	v3 =	vadd.s32 v1, v3  }
0x3b2: {  	[tilespmem:s29], [sflag:$0x6] =	stream.indirect_vreg.gather [hbm4b:s2+s22], $0x80, v4, vm0, $0xb8;
	[tilespmem:$0x11000] =	vst v63  }
0x3b3: {  	s1 =	simm.s32 $0xD800  }
0x3b4: {  	[tilespmem:s1], [sflag:$0x6] =	stream.indirect_vreg.gather [hbm4b:s21+s22], $0x80, v4, vm0, $0xb8;
	[tilespmem:$0x11000] =	vst v63  }
0x3b5: {  	_ = 	snop  }
0x3b6: {  	[tilespmem:s7], [sflag:$0x6] =	stream.indirect_vreg.gather [hbm4b:s2+s22], $0x80, v3, vm0, $0xb8;
	[tilespmem:$0x11000] =	vst v63  }
0x3b7: {  	_ = 	snop  }
0x3b8: {  	[tilespmem:s8], [sflag:$0x6] =	stream.indirect_vreg.gather [hbm4b:s21+s22], $0x80, v3, vm0, $0xb8;
	[tilespmem:$0x11000] =	vst v63  }
0x3b9: {  	v3 =	vld [tilespmem:$0xC90];
	_ =	sdelay $0x4  }
0x3ba: {  	v4 =	vshll.u32 v3, $0x2  }
0x3bb: {  	v3 =	vand.u32 $0x7, v3;
	v4 =	vand.u32 $0xFFFFFFE0, v4  }
0x3bc: {  	v3 =	vor.u32 v3, v4  }
0x3bd: {  	v4 =	vperm.xlane v3, v0;
	_ =	sdelay $0x1  }
0x3be: {  	v4 =	vadd.s32 v1, v4;
	_ =	sdelay $0x1  }
0x3bf: {  	v3 =	vperm.xlane v3, v2;
	_ =	sdelay $0x1  }
0x3c0: {  	v3 =	vadd.s32 v1, v3  }
0x3c1: {  	[tilespmem:s9], [sflag:$0x6] =	stream.indirect_vreg.gather [hbm4b:s2+s22], $0x80, v4, vm0, $0xb8;
	[tilespmem:$0x11000] =	vst v63  }
0x3c2: {  	_ = 	snop  }
0x3c3: {  	[tilespmem:s10], [sflag:$0x6] =	stream.indirect_vreg.gather [hbm4b:s21+s22], $0x80, v4, vm0, $0xb8;
	[tilespmem:$0x11000] =	vst v63  }
0x3c4: {  	_ = 	snop  }
0x3c5: {  	[tilespmem:s11], [sflag:$0x6] =	stream.indirect_vreg.gather [hbm4b:s2+s22], $0x80, v3, vm0, $0xb8;
	[tilespmem:$0x11000] =	vst v63  }
0x3c6: {  	_ = 	snop  }
0x3c7: {  	[tilespmem:s12], [sflag:$0x6] =	stream.indirect_vreg.gather [hbm4b:s21+s22], $0x80, v3, vm0, $0xb8;
	[tilespmem:$0x11000] =	vst v63  }
0x3c8: {  	_ =	swait.ge [sflag:s13], $0x4000  }
0x3c9: {  	s23 =	sand.u32 $0x70, s22;
	s24 =	simm.s32 $0x0;
	[sflag:s13] =	ssyncset.done $0x0  }
0x3ca: {  	s25 =	simm.s32 $0x0;
	s22 =	sand.u32 $0xC00, s22;
	[sflag:s13] =	ssyncadd.s32 $0xFFFFC000  }
0x3cb: {  	s1 =	sand.u32 $0x3000, s24;
	s0 =	sor.u32 s22, s23;
	_ =	swait.ge [sflag:s14], $0x4000  }
0x3cc: {  	s26 =	sand.u32 $0x380, s25;
	s0 =	sor.u32 s1, s0;
	[sflag:s14] =	ssyncset.done $0x0  }
0x3cd: {  	s22 =	sor.u32 s26, s0;
	[sflag:s14] =	ssyncadd.s32 $0xFFFFC000  }
0x3ce: {  	v4 =	vld [tilespmem:s22+$0x5000]  }
0x3cf: {  	v3 =	vld [tilespmem:s22+$0x1000];
	_ =	sdelay $0x2  }
0x3d0: {  	s24 =	simm.s32 $0x80  }
0x3d1: {  	s29 =	simm.s32 $0x10;
	s25 =	sand.u32 $0xC00, s24;
	s23 =	simm.s32 $0x10  }
0x3d2: {  	s1 =	sand.u32 $0x3000, s29;
	s0 =	sand.u32 $0x70, s23;
	v3 =	vmul.f32 $8.999999760e-01, v3;
	v4 =	vmul.f32 $1.000000010e-01, v4  }
0x3d3: {  	s26 =	simm.s32 $0x4;
	s0 =	sor.u32 s25, s0;
	s25 =	simm.s32 $0x2  }
.LBB2_18:
0x3d4: {  	p0 =	sne.s32 s25, $0x3FF;
	s26 =	sand.u32 $0x380, s26;
	s0 =	sor.u32 s1, s0;
	v3 =	vadd.f32 v4, v3  }
0x3d5: {  	s0 =	sor.u32 s26, s0  }
0x3d6: {  	v4 =	vld [tilespmem:s0+$0x5000];
	[tilespmem:s22+$0x1000] =	vst v3;
	s22 =	smov.u32 s0  }
0x3d7: {  	v3 =	vld [tilespmem:s22+$0x1000];
	_ =	sdelay $0x1  }
.Ltmp8:
0x3d8: {  	(pc) =	sbr.rel @p0 .LBB2_18-.Ltmp8, $4  }
0x3d9: {  	_ = 	snop  }
0x3da: {  	s23 =	sadd.s32 $0x10, s23;
	s24 =	sadd.s32 $0x80, s24;
	s26 =	sshll.u32 s25, $0x2  }
0x3db: {  	s1 =	sshll.u32 s25, $0x4;
	s29 =	sand.u32 $0xC00, s24;
	s0 =	sand.u32 $0x70, s23;
	v4 =	vmul.f32 $1.000000010e-01, v4;
	v3 =	vmul.f32 $8.999999760e-01, v3  }
0x3dc: {  	s1 =	sand.u32 $0x3000, s1;
	s25 =	sadd.s32 $0x1, s25;
	s0 =	sor.u32 s29, s0  }
0x3dd: {  	s23 =	sand.u32 $0x380, s26;
	s0 =	sor.u32 s1, s0;
	v3 =	vadd.f32 v4, v3  }
0x3de: {  	s0 =	sor.u32 s23, s0  }
0x3df: {  	v4 =	vld [tilespmem:s0+$0x5000];
	[tilespmem:s22+$0x1000] =	vst v3  }
0x3e0: {  	v3 =	vld [tilespmem:s0+$0x1000];
	_ =	sdelay $0x4  }
0x3e1: {  	v4 =	vmul.f32 $1.000000010e-01, v4;
	v3 =	vmul.f32 $8.999999760e-01, v3;
	_ =	sdelay $0x1  }
0x3e2: {  	v3 =	vadd.f32 v4, v3;
	_ =	sdelay $0x1  }
0x3e3: {  	s25 =	rddreg [dreg:$0xc];
	s22 =	simm.s32 $0x0;
	[tilespmem:s0+$0x1000] =	vst v3  }
0x3e4: {  	[hbm4b:s25+s22] =	stream.linear.scatter [tilespmem:s31], [sflag:$0x4], $0x4000, $0x38;
	[tilespmem:$0x11000] =	vst v63  }
0x3e5: {  	_ =	swait.ge [sflag:s15], $0x4000  }
0x3e6: {  	[sflag:s15] =	ssyncset.done $0x0  }
0x3e7: {  	[sflag:s15] =	ssyncadd.s32 $0xFFFFC000  }
0x3e8: {  	v3 =	vld [tilespmem:$0x500];
	_ =	sdelay $0x4  }
0x3e9: {  	v4 =	vshll.u32 v3, $0x2  }
0x3ea: {  	v3 =	vand.u32 $0x7, v3;
	v4 =	vand.u32 $0xFFFFFFE0, v4  }
0x3eb: {  	v3 =	vor.u32 v3, v4  }
0x3ec: {  	v4 =	vperm.xlane v3, v0;
	_ =	sdelay $0x1  }
0x3ed: {  	v4 =	vadd.s32 v1, v4;
	_ =	sdelay $0x1  }
0x3ee: {  	v3 =	vperm.xlane v3, v2;
	_ =	sdelay $0x1  }
0x3ef: {  	v3 =	vadd.s32 v1, v3  }
0x3f0: {  	[tilespmem:s31], [sflag:$0x2] =	stream.indirect_vreg.gather [hbm4b:s4+s22], $0x80, v4, vm0, $0xb8;
	[tilespmem:$0x11000] =	vst v63  }
0x3f1: {  	s26 =	simm.s32 $0x1800  }
0x3f2: {  	[tilespmem:s26], [sflag:$0x2] =	stream.indirect_vreg.gather [hbm4b:s6+s22], $0x80, v4, vm0, $0xb8;
	[tilespmem:$0x11000] =	vst v63  }
0x3f3: {  	s29 =	simm.s32 $0x2000  }
0x3f4: {  	[tilespmem:s29], [sflag:$0x2] =	stream.indirect_vreg.gather [hbm4b:s4+s22], $0x80, v3, vm0, $0xb8;
	[tilespmem:$0x11000] =	vst v63  }
0x3f5: {  	s1 =	simm.s32 $0x2800  }
0x3f6: {  	[tilespmem:s1], [sflag:$0x2] =	stream.indirect_vreg.gather [hbm4b:s6+s22], $0x80, v3, vm0, $0xb8;
	[tilespmem:$0x11000] =	vst v63  }
0x3f7: {  	v3 =	vld [tilespmem:$0x510];
	_ =	sdelay $0x4  }
0x3f8: {  	v4 =	vshll.u32 v3, $0x2  }
0x3f9: {  	v3 =	vand.u32 $0x7, v3;
	v4 =	vand.u32 $0xFFFFFFE0, v4  }
0x3fa: {  	v3 =	vor.u32 v3, v4  }
0x3fb: {  	v4 =	vperm.xlane v3, v0;
	_ =	sdelay $0x1  }
0x3fc: {  	v4 =	vadd.s32 v1, v4;
	_ =	sdelay $0x1  }
0x3fd: {  	v3 =	vperm.xlane v3, v2;
	_ =	sdelay $0x1  }
0x3fe: {  	s23 =	simm.s32 $0x3000;
	v3 =	vadd.s32 v1, v3  }
0x3ff: {  	[tilespmem:s23], [sflag:$0x2] =	stream.indirect_vreg.gather [hbm4b:s4+s22], $0x80, v4, vm0, $0xb8;
	[tilespmem:$0x11000] =	vst v63  }
0x400: {  	s24 =	simm.s32 $0x3800  }
0x401: {  	[tilespmem:s24], [sflag:$0x2] =	stream.indirect_vreg.gather [hbm4b:s6+s22], $0x80, v4, vm0, $0xb8;
	[tilespmem:$0x11000] =	vst v63  }
0x402: {  	s25 =	simm.s32 $0x4000  }
0x403: {  	[tilespmem:s25], [sflag:$0x2] =	stream.indirect_vreg.gather [hbm4b:s4+s22], $0x80, v3, vm0, $0xb8;
	[tilespmem:$0x11000] =	vst v63  }
0x404: {  	s26 =	simm.s32 $0x4800  }
0x405: {  	[tilespmem:s26], [sflag:$0x2] =	stream.indirect_vreg.gather [hbm4b:s6+s22], $0x80, v3, vm0, $0xb8;
	[tilespmem:$0x11000] =	vst v63  }
0x406: {  	v3 =	vld [tilespmem:$0xD00];
	_ =	sdelay $0x4  }
0x407: {  	v4 =	vshll.u32 v3, $0x2  }
0x408: {  	v3 =	vand.u32 $0x7, v3;
	v4 =	vand.u32 $0xFFFFFFE0, v4  }
0x409: {  	v3 =	vor.u32 v3, v4  }
0x40a: {  	v4 =	vperm.xlane v3, v0;
	_ =	sdelay $0x1  }
0x40b: {  	v4 =	vadd.s32 v1, v4;
	_ =	sdelay $0x1  }
0x40c: {  	v3 =	vperm.xlane v3, v2;
	_ =	sdelay $0x1  }
0x40d: {  	s29 =	simm.s32 $0x5000;
	v3 =	vadd.s32 v1, v3  }
0x40e: {  	[tilespmem:s29], [sflag:$0x3] =	stream.indirect_vreg.gather [hbm4b:s2+s22], $0x80, v4, vm0, $0xb8;
	[tilespmem:$0x11000] =	vst v63  }
0x40f: {  	s1 =	simm.s32 $0x5800  }
0x410: {  	[tilespmem:s1], [sflag:$0x3] =	stream.indirect_vreg.gather [hbm4b:s21+s22], $0x80, v4, vm0, $0xb8;
	[tilespmem:$0x11000] =	vst v63  }
0x411: {  	s23 =	simm.s32 $0x6000  }
0x412: {  	[tilespmem:s23], [sflag:$0x3] =	stream.indirect_vreg.gather [hbm4b:s2+s22], $0x80, v3, vm0, $0xb8;
	[tilespmem:$0x11000] =	vst v63  }
0x413: {  	s24 =	simm.s32 $0x6800  }
0x414: {  	[tilespmem:s24], [sflag:$0x3] =	stream.indirect_vreg.gather [hbm4b:s21+s22], $0x80, v3, vm0, $0xb8;
	[tilespmem:$0x11000] =	vst v63  }
0x415: {  	v3 =	vld [tilespmem:$0xD10];
	_ =	sdelay $0x4  }
0x416: {  	v4 =	vshll.u32 v3, $0x2  }
0x417: {  	v3 =	vand.u32 $0x7, v3;
	v4 =	vand.u32 $0xFFFFFFE0, v4  }
0x418: {  	v3 =	vor.u32 v3, v4  }
0x419: {  	v4 =	vperm.xlane v3, v0;
	_ =	sdelay $0x1  }
0x41a: {  	v4 =	vadd.s32 v1, v4;
	_ =	sdelay $0x1  }
0x41b: {  	v3 =	vperm.xlane v3, v2;
	_ =	sdelay $0x1  }
0x41c: {  	s25 =	simm.s32 $0x7000;
	v3 =	vadd.s32 v1, v3  }
0x41d: {  	[tilespmem:s25], [sflag:$0x3] =	stream.indirect_vreg.gather [hbm4b:s2+s22], $0x80, v4, vm0, $0xb8;
	[tilespmem:$0x11000] =	vst v63  }
0x41e: {  	s26 =	simm.s32 $0x7800  }
0x41f: {  	[tilespmem:s26], [sflag:$0x3] =	stream.indirect_vreg.gather [hbm4b:s21+s22], $0x80, v4, vm0, $0xb8;
	[tilespmem:$0x11000] =	vst v63  }
0x420: {  	s29 =	simm.s32 $0x8000  }
0x421: {  	[tilespmem:s29], [sflag:$0x3] =	stream.indirect_vreg.gather [hbm4b:s2+s22], $0x80, v3, vm0, $0xb8;
	[tilespmem:$0x11000] =	vst v63  }
0x422: {  	s1 =	simm.s32 $0x8800  }
0x423: {  	[tilespmem:s1], [sflag:$0x3] =	stream.indirect_vreg.gather [hbm4b:s21+s22], $0x80, v3, vm0, $0xb8;
	[tilespmem:$0x11000] =	vst v63  }
0x424: {  	_ =	swait.ge [sflag:s16], $0x4000  }
0x425: {  	s23 =	sand.u32 $0x70, s22;
	s24 =	simm.s32 $0x0;
	[sflag:s16] =	ssyncset.done $0x0  }
0x426: {  	s25 =	simm.s32 $0x0;
	s22 =	sand.u32 $0xC00, s22;
	[sflag:s16] =	ssyncadd.s32 $0xFFFFC000  }
0x427: {  	s1 =	sand.u32 $0x3000, s24;
	s0 =	sor.u32 s22, s23;
	_ =	swait.ge [sflag:s17], $0x4000  }
0x428: {  	s26 =	sand.u32 $0x380, s25;
	s0 =	sor.u32 s1, s0;
	[sflag:s17] =	ssyncset.done $0x0  }
0x429: {  	s22 =	sor.u32 s26, s0;
	[sflag:s17] =	ssyncadd.s32 $0xFFFFC000  }
0x42a: {  	v4 =	vld [tilespmem:s22+$0xD000]  }
0x42b: {  	v3 =	vld [tilespmem:s22+$0x9000];
	_ =	sdelay $0x2  }
0x42c: {  	s24 =	simm.s32 $0x80  }
0x42d: {  	s29 =	simm.s32 $0x10;
	s23 =	simm.s32 $0x10;
	s25 =	sand.u32 $0xC00, s24  }
0x42e: {  	s1 =	sand.u32 $0x3000, s29;
	s0 =	sand.u32 $0x70, s23;
	v3 =	vmul.f32 $8.999999760e-01, v3;
	v4 =	vmul.f32 $1.000000010e-01, v4  }
0x42f: {  	s26 =	simm.s32 $0x4;
	s0 =	sor.u32 s25, s0;
	s25 =	simm.s32 $0x2  }
.LBB2_20:
0x430: {  	p0 =	sne.s32 s25, $0x3FF;
	s26 =	sand.u32 $0x380, s26;
	s0 =	sor.u32 s1, s0;
	v3 =	vadd.f32 v4, v3  }
0x431: {  	s0 =	sor.u32 s26, s0  }
0x432: {  	v4 =	vld [tilespmem:s0+$0xD000];
	[tilespmem:s22+$0x9000] =	vst v3;
	s22 =	smov.u32 s0  }
0x433: {  	v3 =	vld [tilespmem:s22+$0x9000];
	_ =	sdelay $0x1  }
.Ltmp9:
0x434: {  	(pc) =	sbr.rel @p0 .LBB2_20-.Ltmp9, $4  }
0x435: {  	_ = 	snop  }
0x436: {  	s23 =	sadd.s32 $0x10, s23;
	s24 =	sadd.s32 $0x80, s24;
	s26 =	sshll.u32 s25, $0x2  }
0x437: {  	s1 =	sshll.u32 s25, $0x4;
	s29 =	sand.u32 $0xC00, s24;
	s0 =	sand.u32 $0x70, s23;
	v4 =	vmul.f32 $1.000000010e-01, v4;
	v3 =	vmul.f32 $8.999999760e-01, v3  }
0x438: {  	s1 =	sand.u32 $0x3000, s1;
	s25 =	sadd.s32 $0x1, s25;
	s0 =	sor.u32 s29, s0  }
0x439: {  	s23 =	sand.u32 $0x380, s26;
	s0 =	sor.u32 s1, s0;
	v3 =	vadd.f32 v4, v3  }
0x43a: {  	s0 =	sor.u32 s23, s0  }
0x43b: {  	v4 =	vld [tilespmem:s0+$0xD000];
	[tilespmem:s22+$0x9000] =	vst v3  }
0x43c: {  	v3 =	vld [tilespmem:s0+$0x9000];
	_ =	sdelay $0x4  }
0x43d: {  	v4 =	vmul.f32 $1.000000010e-01, v4;
	v3 =	vmul.f32 $8.999999760e-01, v3;
	_ =	sdelay $0x1  }
0x43e: {  	v3 =	vadd.f32 v4, v3;
	_ =	sdelay $0x1  }
0x43f: {  	s25 =	rddreg [dreg:$0xd];
	s22 =	simm.s32 $0x0;
	[tilespmem:s0+$0x9000] =	vst v3  }
0x440: {  	[hbm4b:s25+s22] =	stream.linear.scatter [tilespmem:s19], [sflag:$0x7], $0x4000, $0x38;
	[tilespmem:$0x11000] =	vst v63  }
0x441: {  	_ =	swait.ge [sflag:s18], $0x4000  }
0x442: {  	[sflag:s18] =	ssyncset.done $0x0  }
0x443: {  	[sflag:s18] =	ssyncadd.s32 $0xFFFFC000  }
0x444: {  	v3 =	vld [tilespmem:$0x580];
	_ =	sdelay $0x4  }
0x445: {  	v4 =	vshll.u32 v3, $0x2  }
0x446: {  	v3 =	vand.u32 $0x7, v3;
	v4 =	vand.u32 $0xFFFFFFE0, v4  }
0x447: {  	v3 =	vor.u32 v3, v4  }
0x448: {  	v4 =	vperm.xlane v3, v0;
	_ =	sdelay $0x1  }
0x449: {  	v4 =	vadd.s32 v1, v4;
	_ =	sdelay $0x1  }
0x44a: {  	v3 =	vperm.xlane v3, v2;
	_ =	sdelay $0x1  }
0x44b: {  	v3 =	vadd.s32 v1, v3  }
0x44c: {  	[tilespmem:s19], [sflag:$0x5] =	stream.indirect_vreg.gather [hbm4b:s4+s22], $0x80, v4, vm0, $0xb8;
	[tilespmem:$0x11000] =	vst v63  }
0x44d: {  	s26 =	simm.s32 $0x9800  }
0x44e: {  	[tilespmem:s26], [sflag:$0x5] =	stream.indirect_vreg.gather [hbm4b:s6+s22], $0x80, v4, vm0, $0xb8;
	[tilespmem:$0x11000] =	vst v63  }
0x44f: {  	s29 =	simm.s32 $0xA000  }
0x450: {  	[tilespmem:s29], [sflag:$0x5] =	stream.indirect_vreg.gather [hbm4b:s4+s22], $0x80, v3, vm0, $0xb8;
	[tilespmem:$0x11000] =	vst v63  }
0x451: {  	s1 =	simm.s32 $0xA800  }
0x452: {  	[tilespmem:s1], [sflag:$0x5] =	stream.indirect_vreg.gather [hbm4b:s6+s22], $0x80, v3, vm0, $0xb8;
	[tilespmem:$0x11000] =	vst v63  }
0x453: {  	v3 =	vld [tilespmem:$0x590];
	_ =	sdelay $0x4  }
0x454: {  	v4 =	vshll.u32 v3, $0x2  }
0x455: {  	v3 =	vand.u32 $0x7, v3;
	v4 =	vand.u32 $0xFFFFFFE0, v4  }
0x456: {  	v3 =	vor.u32 v3, v4  }
0x457: {  	v4 =	vperm.xlane v3, v0;
	_ =	sdelay $0x1  }
0x458: {  	v4 =	vadd.s32 v1, v4;
	_ =	sdelay $0x1  }
0x459: {  	v3 =	vperm.xlane v3, v2;
	_ =	sdelay $0x1  }
0x45a: {  	s23 =	simm.s32 $0xB000;
	v3 =	vadd.s32 v1, v3  }
0x45b: {  	[tilespmem:s23], [sflag:$0x5] =	stream.indirect_vreg.gather [hbm4b:s4+s22], $0x80, v4, vm0, $0xb8;
	[tilespmem:$0x11000] =	vst v63  }
0x45c: {  	s24 =	simm.s32 $0xB800  }
0x45d: {  	[tilespmem:s24], [sflag:$0x5] =	stream.indirect_vreg.gather [hbm4b:s6+s22], $0x80, v4, vm0, $0xb8;
	[tilespmem:$0x11000] =	vst v63  }
0x45e: {  	s25 =	simm.s32 $0xC000  }
0x45f: {  	[tilespmem:s25], [sflag:$0x5] =	stream.indirect_vreg.gather [hbm4b:s4+s22], $0x80, v3, vm0, $0xb8;
	[tilespmem:$0x11000] =	vst v63  }
0x460: {  	s26 =	simm.s32 $0xC800  }
0x461: {  	[tilespmem:s26], [sflag:$0x5] =	stream.indirect_vreg.gather [hbm4b:s6+s22], $0x80, v3, vm0, $0xb8;
	[tilespmem:$0x11000] =	vst v63  }
0x462: {  	v3 =	vld [tilespmem:$0xD80];
	_ =	sdelay $0x4  }
0x463: {  	v4 =	vshll.u32 v3, $0x2  }
0x464: {  	v3 =	vand.u32 $0x7, v3;
	v4 =	vand.u32 $0xFFFFFFE0, v4  }
0x465: {  	v3 =	vor.u32 v3, v4  }
0x466: {  	v4 =	vperm.xlane v3, v0;
	_ =	sdelay $0x1  }
0x467: {  	v4 =	vadd.s32 v1, v4;
	_ =	sdelay $0x1  }
0x468: {  	v3 =	vperm.xlane v3, v2;
	_ =	sdelay $0x1  }
0x469: {  	s29 =	simm.s32 $0xD000;
	v3 =	vadd.s32 v1, v3  }
0x46a: {  	[tilespmem:s29], [sflag:$0x6] =	stream.indirect_vreg.gather [hbm4b:s2+s22], $0x80, v4, vm0, $0xb8;
	[tilespmem:$0x11000] =	vst v63  }
0x46b: {  	s1 =	simm.s32 $0xD800  }
0x46c: {  	[tilespmem:s1], [sflag:$0x6] =	stream.indirect_vreg.gather [hbm4b:s21+s22], $0x80, v4, vm0, $0xb8;
	[tilespmem:$0x11000] =	vst v63  }
0x46d: {  	_ = 	snop  }
0x46e: {  	[tilespmem:s7], [sflag:$0x6] =	stream.indirect_vreg.gather [hbm4b:s2+s22], $0x80, v3, vm0, $0xb8;
	[tilespmem:$0x11000] =	vst v63  }
0x46f: {  	_ = 	snop  }
0x470: {  	[tilespmem:s8], [sflag:$0x6] =	stream.indirect_vreg.gather [hbm4b:s21+s22], $0x80, v3, vm0, $0xb8;
	[tilespmem:$0x11000] =	vst v63  }
0x471: {  	v3 =	vld [tilespmem:$0xD90];
	_ =	sdelay $0x4  }
0x472: {  	v4 =	vshll.u32 v3, $0x2  }
0x473: {  	v3 =	vand.u32 $0x7, v3;
	v4 =	vand.u32 $0xFFFFFFE0, v4  }
0x474: {  	v3 =	vor.u32 v3, v4  }
0x475: {  	v4 =	vperm.xlane v3, v0;
	_ =	sdelay $0x1  }
0x476: {  	v4 =	vadd.s32 v1, v4;
	_ =	sdelay $0x1  }
0x477: {  	v3 =	vperm.xlane v3, v2;
	_ =	sdelay $0x1  }
0x478: {  	v3 =	vadd.s32 v1, v3  }
0x479: {  	[tilespmem:s9], [sflag:$0x6] =	stream.indirect_vreg.gather [hbm4b:s2+s22], $0x80, v4, vm0, $0xb8;
	[tilespmem:$0x11000] =	vst v63  }
0x47a: {  	_ = 	snop  }
0x47b: {  	[tilespmem:s10], [sflag:$0x6] =	stream.indirect_vreg.gather [hbm4b:s21+s22], $0x80, v4, vm0, $0xb8;
	[tilespmem:$0x11000] =	vst v63  }
0x47c: {  	_ = 	snop  }
0x47d: {  	[tilespmem:s11], [sflag:$0x6] =	stream.indirect_vreg.gather [hbm4b:s2+s22], $0x80, v3, vm0, $0xb8;
	[tilespmem:$0x11000] =	vst v63  }
0x47e: {  	_ = 	snop  }
0x47f: {  	[tilespmem:s12], [sflag:$0x6] =	stream.indirect_vreg.gather [hbm4b:s21+s22], $0x80, v3, vm0, $0xb8;
	[tilespmem:$0x11000] =	vst v63  }
0x480: {  	_ =	swait.ge [sflag:s13], $0x4000  }
0x481: {  	s23 =	sand.u32 $0x70, s22;
	s24 =	simm.s32 $0x0;
	[sflag:s13] =	ssyncset.done $0x0  }
0x482: {  	s25 =	simm.s32 $0x0;
	s22 =	sand.u32 $0xC00, s22;
	[sflag:s13] =	ssyncadd.s32 $0xFFFFC000  }
0x483: {  	s1 =	sand.u32 $0x3000, s24;
	s0 =	sor.u32 s22, s23;
	_ =	swait.ge [sflag:s14], $0x4000  }
0x484: {  	s26 =	sand.u32 $0x380, s25;
	s0 =	sor.u32 s1, s0;
	[sflag:s14] =	ssyncset.done $0x0  }
0x485: {  	s22 =	sor.u32 s26, s0;
	[sflag:s14] =	ssyncadd.s32 $0xFFFFC000  }
0x486: {  	v4 =	vld [tilespmem:s22+$0x5000]  }
0x487: {  	v3 =	vld [tilespmem:s22+$0x1000];
	_ =	sdelay $0x2  }
0x488: {  	s24 =	simm.s32 $0x80  }
0x489: {  	s29 =	simm.s32 $0x10;
	s25 =	sand.u32 $0xC00, s24;
	s23 =	simm.s32 $0x10  }
0x48a: {  	s1 =	sand.u32 $0x3000, s29;
	s0 =	sand.u32 $0x70, s23;
	v3 =	vmul.f32 $8.999999760e-01, v3;
	v4 =	vmul.f32 $1.000000010e-01, v4  }
0x48b: {  	s26 =	simm.s32 $0x4;
	s0 =	sor.u32 s25, s0;
	s25 =	simm.s32 $0x2  }
.LBB2_22:
0x48c: {  	p0 =	sne.s32 s25, $0x3FF;
	s26 =	sand.u32 $0x380, s26;
	s0 =	sor.u32 s1, s0;
	v3 =	vadd.f32 v4, v3  }
0x48d: {  	s0 =	sor.u32 s26, s0  }
0x48e: {  	v4 =	vld [tilespmem:s0+$0x5000];
	[tilespmem:s22+$0x1000] =	vst v3;
	s22 =	smov.u32 s0  }
0x48f: {  	v3 =	vld [tilespmem:s22+$0x1000];
	_ =	sdelay $0x1  }
.Ltmp10:
0x490: {  	(pc) =	sbr.rel @p0 .LBB2_22-.Ltmp10, $4  }
0x491: {  	_ = 	snop  }
0x492: {  	s23 =	sadd.s32 $0x10, s23;
	s24 =	sadd.s32 $0x80, s24;
	s26 =	sshll.u32 s25, $0x2  }
0x493: {  	s1 =	sshll.u32 s25, $0x4;
	s29 =	sand.u32 $0xC00, s24;
	s0 =	sand.u32 $0x70, s23;
	v4 =	vmul.f32 $1.000000010e-01, v4;
	v3 =	vmul.f32 $8.999999760e-01, v3  }
0x494: {  	s1 =	sand.u32 $0x3000, s1;
	s25 =	sadd.s32 $0x1, s25;
	s0 =	sor.u32 s29, s0  }
0x495: {  	s23 =	sand.u32 $0x380, s26;
	s0 =	sor.u32 s1, s0;
	v3 =	vadd.f32 v4, v3  }
0x496: {  	s0 =	sor.u32 s23, s0  }
0x497: {  	v4 =	vld [tilespmem:s0+$0x5000];
	[tilespmem:s22+$0x1000] =	vst v3  }
0x498: {  	v3 =	vld [tilespmem:s0+$0x1000];
	_ =	sdelay $0x4  }
0x499: {  	v4 =	vmul.f32 $1.000000010e-01, v4;
	v3 =	vmul.f32 $8.999999760e-01, v3;
	_ =	sdelay $0x1  }
0x49a: {  	v3 =	vadd.f32 v4, v3;
	_ =	sdelay $0x1  }
0x49b: {  	s25 =	rddreg [dreg:$0xe];
	s22 =	simm.s32 $0x0;
	[tilespmem:s0+$0x1000] =	vst v3  }
0x49c: {  	[hbm4b:s25+s22] =	stream.linear.scatter [tilespmem:s31], [sflag:$0x4], $0x4000, $0x38;
	[tilespmem:$0x11000] =	vst v63  }
0x49d: {  	_ =	swait.ge [sflag:s15], $0x4000  }
0x49e: {  	[sflag:s15] =	ssyncset.done $0x0  }
0x49f: {  	[sflag:s15] =	ssyncadd.s32 $0xFFFFC000  }
0x4a0: {  	v3 =	vld [tilespmem:$0x600];
	_ =	sdelay $0x4  }
0x4a1: {  	v4 =	vshll.u32 v3, $0x2  }
0x4a2: {  	v3 =	vand.u32 $0x7, v3;
	v4 =	vand.u32 $0xFFFFFFE0, v4  }
0x4a3: {  	v3 =	vor.u32 v3, v4  }
0x4a4: {  	v4 =	vperm.xlane v3, v0;
	_ =	sdelay $0x1  }
0x4a5: {  	v4 =	vadd.s32 v1, v4;
	_ =	sdelay $0x1  }
0x4a6: {  	v3 =	vperm.xlane v3, v2;
	_ =	sdelay $0x1  }
0x4a7: {  	v3 =	vadd.s32 v1, v3  }
0x4a8: {  	[tilespmem:s31], [sflag:$0x2] =	stream.indirect_vreg.gather [hbm4b:s4+s22], $0x80, v4, vm0, $0xb8;
	[tilespmem:$0x11000] =	vst v63  }
0x4a9: {  	s26 =	simm.s32 $0x1800  }
0x4aa: {  	[tilespmem:s26], [sflag:$0x2] =	stream.indirect_vreg.gather [hbm4b:s6+s22], $0x80, v4, vm0, $0xb8;
	[tilespmem:$0x11000] =	vst v63  }
0x4ab: {  	s29 =	simm.s32 $0x2000  }
0x4ac: {  	[tilespmem:s29], [sflag:$0x2] =	stream.indirect_vreg.gather [hbm4b:s4+s22], $0x80, v3, vm0, $0xb8;
	[tilespmem:$0x11000] =	vst v63  }
0x4ad: {  	s1 =	simm.s32 $0x2800  }
0x4ae: {  	[tilespmem:s1], [sflag:$0x2] =	stream.indirect_vreg.gather [hbm4b:s6+s22], $0x80, v3, vm0, $0xb8;
	[tilespmem:$0x11000] =	vst v63  }
0x4af: {  	v3 =	vld [tilespmem:$0x610];
	_ =	sdelay $0x4  }
0x4b0: {  	v4 =	vshll.u32 v3, $0x2  }
0x4b1: {  	v3 =	vand.u32 $0x7, v3;
	v4 =	vand.u32 $0xFFFFFFE0, v4  }
0x4b2: {  	v3 =	vor.u32 v3, v4  }
0x4b3: {  	v4 =	vperm.xlane v3, v0;
	_ =	sdelay $0x1  }
0x4b4: {  	v4 =	vadd.s32 v1, v4;
	_ =	sdelay $0x1  }
0x4b5: {  	v3 =	vperm.xlane v3, v2;
	_ =	sdelay $0x1  }
0x4b6: {  	s23 =	simm.s32 $0x3000;
	v3 =	vadd.s32 v1, v3  }
0x4b7: {  	[tilespmem:s23], [sflag:$0x2] =	stream.indirect_vreg.gather [hbm4b:s4+s22], $0x80, v4, vm0, $0xb8;
	[tilespmem:$0x11000] =	vst v63  }
0x4b8: {  	s24 =	simm.s32 $0x3800  }
0x4b9: {  	[tilespmem:s24], [sflag:$0x2] =	stream.indirect_vreg.gather [hbm4b:s6+s22], $0x80, v4, vm0, $0xb8;
	[tilespmem:$0x11000] =	vst v63  }
0x4ba: {  	s25 =	simm.s32 $0x4000  }
0x4bb: {  	[tilespmem:s25], [sflag:$0x2] =	stream.indirect_vreg.gather [hbm4b:s4+s22], $0x80, v3, vm0, $0xb8;
	[tilespmem:$0x11000] =	vst v63  }
0x4bc: {  	s26 =	simm.s32 $0x4800  }
0x4bd: {  	[tilespmem:s26], [sflag:$0x2] =	stream.indirect_vreg.gather [hbm4b:s6+s22], $0x80, v3, vm0, $0xb8;
	[tilespmem:$0x11000] =	vst v63  }
0x4be: {  	v3 =	vld [tilespmem:$0xE00];
	_ =	sdelay $0x4  }
0x4bf: {  	v4 =	vshll.u32 v3, $0x2  }
0x4c0: {  	v3 =	vand.u32 $0x7, v3;
	v4 =	vand.u32 $0xFFFFFFE0, v4  }
0x4c1: {  	v3 =	vor.u32 v3, v4  }
0x4c2: {  	v4 =	vperm.xlane v3, v0;
	_ =	sdelay $0x1  }
0x4c3: {  	v4 =	vadd.s32 v1, v4;
	_ =	sdelay $0x1  }
0x4c4: {  	v3 =	vperm.xlane v3, v2;
	_ =	sdelay $0x1  }
0x4c5: {  	s29 =	simm.s32 $0x5000;
	v3 =	vadd.s32 v1, v3  }
0x4c6: {  	[tilespmem:s29], [sflag:$0x3] =	stream.indirect_vreg.gather [hbm4b:s2+s22], $0x80, v4, vm0, $0xb8;
	[tilespmem:$0x11000] =	vst v63  }
0x4c7: {  	s1 =	simm.s32 $0x5800  }
0x4c8: {  	[tilespmem:s1], [sflag:$0x3] =	stream.indirect_vreg.gather [hbm4b:s21+s22], $0x80, v4, vm0, $0xb8;
	[tilespmem:$0x11000] =	vst v63  }
0x4c9: {  	s23 =	simm.s32 $0x6000  }
0x4ca: {  	[tilespmem:s23], [sflag:$0x3] =	stream.indirect_vreg.gather [hbm4b:s2+s22], $0x80, v3, vm0, $0xb8;
	[tilespmem:$0x11000] =	vst v63  }
0x4cb: {  	s24 =	simm.s32 $0x6800  }
0x4cc: {  	[tilespmem:s24], [sflag:$0x3] =	stream.indirect_vreg.gather [hbm4b:s21+s22], $0x80, v3, vm0, $0xb8;
	[tilespmem:$0x11000] =	vst v63  }
0x4cd: {  	v3 =	vld [tilespmem:$0xE10];
	_ =	sdelay $0x4  }
0x4ce: {  	v4 =	vshll.u32 v3, $0x2  }
0x4cf: {  	v3 =	vand.u32 $0x7, v3;
	v4 =	vand.u32 $0xFFFFFFE0, v4  }
0x4d0: {  	v3 =	vor.u32 v3, v4  }
0x4d1: {  	v4 =	vperm.xlane v3, v0;
	_ =	sdelay $0x1  }
0x4d2: {  	v4 =	vadd.s32 v1, v4;
	_ =	sdelay $0x1  }
0x4d3: {  	v3 =	vperm.xlane v3, v2;
	_ =	sdelay $0x1  }
0x4d4: {  	s25 =	simm.s32 $0x7000;
	v3 =	vadd.s32 v1, v3  }
0x4d5: {  	[tilespmem:s25], [sflag:$0x3] =	stream.indirect_vreg.gather [hbm4b:s2+s22], $0x80, v4, vm0, $0xb8;
	[tilespmem:$0x11000] =	vst v63  }
0x4d6: {  	s26 =	simm.s32 $0x7800  }
0x4d7: {  	[tilespmem:s26], [sflag:$0x3] =	stream.indirect_vreg.gather [hbm4b:s21+s22], $0x80, v4, vm0, $0xb8;
	[tilespmem:$0x11000] =	vst v63  }
0x4d8: {  	s29 =	simm.s32 $0x8000  }
0x4d9: {  	[tilespmem:s29], [sflag:$0x3] =	stream.indirect_vreg.gather [hbm4b:s2+s22], $0x80, v3, vm0, $0xb8;
	[tilespmem:$0x11000] =	vst v63  }
0x4da: {  	s1 =	simm.s32 $0x8800  }
0x4db: {  	[tilespmem:s1], [sflag:$0x3] =	stream.indirect_vreg.gather [hbm4b:s21+s22], $0x80, v3, vm0, $0xb8;
	[tilespmem:$0x11000] =	vst v63  }
0x4dc: {  	_ =	swait.ge [sflag:s16], $0x4000  }
0x4dd: {  	s23 =	sand.u32 $0x70, s22;
	s24 =	simm.s32 $0x0;
	[sflag:s16] =	ssyncset.done $0x0  }
0x4de: {  	s25 =	simm.s32 $0x0;
	s22 =	sand.u32 $0xC00, s22;
	[sflag:s16] =	ssyncadd.s32 $0xFFFFC000  }
0x4df: {  	s1 =	sand.u32 $0x3000, s24;
	s0 =	sor.u32 s22, s23;
	_ =	swait.ge [sflag:s17], $0x4000  }
0x4e0: {  	s26 =	sand.u32 $0x380, s25;
	s0 =	sor.u32 s1, s0;
	[sflag:s17] =	ssyncset.done $0x0  }
0x4e1: {  	s22 =	sor.u32 s26, s0;
	[sflag:s17] =	ssyncadd.s32 $0xFFFFC000  }
0x4e2: {  	v4 =	vld [tilespmem:s22+$0xD000]  }
0x4e3: {  	v3 =	vld [tilespmem:s22+$0x9000];
	_ =	sdelay $0x2  }
0x4e4: {  	s24 =	simm.s32 $0x80  }
0x4e5: {  	s29 =	simm.s32 $0x10;
	s23 =	simm.s32 $0x10;
	s25 =	sand.u32 $0xC00, s24  }
0x4e6: {  	s1 =	sand.u32 $0x3000, s29;
	s0 =	sand.u32 $0x70, s23;
	v3 =	vmul.f32 $8.999999760e-01, v3;
	v4 =	vmul.f32 $1.000000010e-01, v4  }
0x4e7: {  	s26 =	simm.s32 $0x4;
	s0 =	sor.u32 s25, s0;
	s25 =	simm.s32 $0x2  }
.LBB2_24:
0x4e8: {  	p0 =	sne.s32 s25, $0x3FF;
	s26 =	sand.u32 $0x380, s26;
	s0 =	sor.u32 s1, s0;
	v3 =	vadd.f32 v4, v3  }
0x4e9: {  	s0 =	sor.u32 s26, s0  }
0x4ea: {  	v4 =	vld [tilespmem:s0+$0xD000];
	[tilespmem:s22+$0x9000] =	vst v3;
	s22 =	smov.u32 s0  }
0x4eb: {  	v3 =	vld [tilespmem:s22+$0x9000];
	_ =	sdelay $0x1  }
.Ltmp11:
0x4ec: {  	(pc) =	sbr.rel @p0 .LBB2_24-.Ltmp11, $4  }
0x4ed: {  	_ = 	snop  }
0x4ee: {  	s23 =	sadd.s32 $0x10, s23;
	s24 =	sadd.s32 $0x80, s24;
	s26 =	sshll.u32 s25, $0x2  }
0x4ef: {  	s1 =	sshll.u32 s25, $0x4;
	s29 =	sand.u32 $0xC00, s24;
	s0 =	sand.u32 $0x70, s23;
	v4 =	vmul.f32 $1.000000010e-01, v4;
	v3 =	vmul.f32 $8.999999760e-01, v3  }
0x4f0: {  	s1 =	sand.u32 $0x3000, s1;
	s25 =	sadd.s32 $0x1, s25;
	s0 =	sor.u32 s29, s0  }
0x4f1: {  	s23 =	sand.u32 $0x380, s26;
	s0 =	sor.u32 s1, s0;
	v3 =	vadd.f32 v4, v3  }
0x4f2: {  	s0 =	sor.u32 s23, s0  }
0x4f3: {  	v4 =	vld [tilespmem:s0+$0xD000];
	[tilespmem:s22+$0x9000] =	vst v3  }
0x4f4: {  	v3 =	vld [tilespmem:s0+$0x9000];
	_ =	sdelay $0x4  }
0x4f5: {  	v4 =	vmul.f32 $1.000000010e-01, v4;
	v3 =	vmul.f32 $8.999999760e-01, v3;
	_ =	sdelay $0x1  }
0x4f6: {  	v3 =	vadd.f32 v4, v3;
	_ =	sdelay $0x1  }
0x4f7: {  	s25 =	rddreg [dreg:$0xf];
	s22 =	simm.s32 $0x0;
	[tilespmem:s0+$0x9000] =	vst v3  }
0x4f8: {  	[hbm4b:s25+s22] =	stream.linear.scatter [tilespmem:s19], [sflag:$0x7], $0x4000, $0x38;
	[tilespmem:$0x11000] =	vst v63  }
0x4f9: {  	_ =	swait.ge [sflag:s18], $0x4000  }
0x4fa: {  	[sflag:s18] =	ssyncset.done $0x0  }
0x4fb: {  	[sflag:s18] =	ssyncadd.s32 $0xFFFFC000  }
0x4fc: {  	v3 =	vld [tilespmem:$0x680];
	_ =	sdelay $0x4  }
0x4fd: {  	v4 =	vshll.u32 v3, $0x2  }
0x4fe: {  	v3 =	vand.u32 $0x7, v3;
	v4 =	vand.u32 $0xFFFFFFE0, v4  }
0x4ff: {  	v3 =	vor.u32 v3, v4  }
0x500: {  	v4 =	vperm.xlane v3, v0;
	_ =	sdelay $0x1  }
0x501: {  	v4 =	vadd.s32 v1, v4;
	_ =	sdelay $0x1  }
0x502: {  	v3 =	vperm.xlane v3, v2;
	_ =	sdelay $0x1  }
0x503: {  	v3 =	vadd.s32 v1, v3  }
0x504: {  	[tilespmem:s19], [sflag:$0x5] =	stream.indirect_vreg.gather [hbm4b:s4+s22], $0x80, v4, vm0, $0xb8;
	[tilespmem:$0x11000] =	vst v63  }
0x505: {  	s26 =	simm.s32 $0x9800  }
0x506: {  	[tilespmem:s26], [sflag:$0x5] =	stream.indirect_vreg.gather [hbm4b:s6+s22], $0x80, v4, vm0, $0xb8;
	[tilespmem:$0x11000] =	vst v63  }
0x507: {  	s29 =	simm.s32 $0xA000  }
0x508: {  	[tilespmem:s29], [sflag:$0x5] =	stream.indirect_vreg.gather [hbm4b:s4+s22], $0x80, v3, vm0, $0xb8;
	[tilespmem:$0x11000] =	vst v63  }
0x509: {  	s1 =	simm.s32 $0xA800  }
0x50a: {  	[tilespmem:s1], [sflag:$0x5] =	stream.indirect_vreg.gather [hbm4b:s6+s22], $0x80, v3, vm0, $0xb8;
	[tilespmem:$0x11000] =	vst v63  }
0x50b: {  	v3 =	vld [tilespmem:$0x690];
	_ =	sdelay $0x4  }
0x50c: {  	v4 =	vshll.u32 v3, $0x2  }
0x50d: {  	v3 =	vand.u32 $0x7, v3;
	v4 =	vand.u32 $0xFFFFFFE0, v4  }
0x50e: {  	v3 =	vor.u32 v3, v4  }
0x50f: {  	v4 =	vperm.xlane v3, v0;
	_ =	sdelay $0x1  }
0x510: {  	v4 =	vadd.s32 v1, v4;
	_ =	sdelay $0x1  }
0x511: {  	v3 =	vperm.xlane v3, v2;
	_ =	sdelay $0x1  }
0x512: {  	s23 =	simm.s32 $0xB000;
	v3 =	vadd.s32 v1, v3  }
0x513: {  	[tilespmem:s23], [sflag:$0x5] =	stream.indirect_vreg.gather [hbm4b:s4+s22], $0x80, v4, vm0, $0xb8;
	[tilespmem:$0x11000] =	vst v63  }
0x514: {  	s24 =	simm.s32 $0xB800  }
0x515: {  	[tilespmem:s24], [sflag:$0x5] =	stream.indirect_vreg.gather [hbm4b:s6+s22], $0x80, v4, vm0, $0xb8;
	[tilespmem:$0x11000] =	vst v63  }
0x516: {  	s25 =	simm.s32 $0xC000  }
0x517: {  	[tilespmem:s25], [sflag:$0x5] =	stream.indirect_vreg.gather [hbm4b:s4+s22], $0x80, v3, vm0, $0xb8;
	[tilespmem:$0x11000] =	vst v63  }
0x518: {  	s26 =	simm.s32 $0xC800  }
0x519: {  	[tilespmem:s26], [sflag:$0x5] =	stream.indirect_vreg.gather [hbm4b:s6+s22], $0x80, v3, vm0, $0xb8;
	[tilespmem:$0x11000] =	vst v63  }
0x51a: {  	v3 =	vld [tilespmem:$0xE80];
	_ =	sdelay $0x4  }
0x51b: {  	v4 =	vshll.u32 v3, $0x2  }
0x51c: {  	v3 =	vand.u32 $0x7, v3;
	v4 =	vand.u32 $0xFFFFFFE0, v4  }
0x51d: {  	v3 =	vor.u32 v3, v4  }
0x51e: {  	v4 =	vperm.xlane v3, v0;
	_ =	sdelay $0x1  }
0x51f: {  	v4 =	vadd.s32 v1, v4;
	_ =	sdelay $0x1  }
0x520: {  	v3 =	vperm.xlane v3, v2;
	_ =	sdelay $0x1  }
0x521: {  	s29 =	simm.s32 $0xD000;
	v3 =	vadd.s32 v1, v3  }
0x522: {  	[tilespmem:s29], [sflag:$0x6] =	stream.indirect_vreg.gather [hbm4b:s2+s22], $0x80, v4, vm0, $0xb8;
	[tilespmem:$0x11000] =	vst v63  }
0x523: {  	s1 =	simm.s32 $0xD800  }
0x524: {  	[tilespmem:s1], [sflag:$0x6] =	stream.indirect_vreg.gather [hbm4b:s21+s22], $0x80, v4, vm0, $0xb8;
	[tilespmem:$0x11000] =	vst v63  }
0x525: {  	_ = 	snop  }
0x526: {  	[tilespmem:s7], [sflag:$0x6] =	stream.indirect_vreg.gather [hbm4b:s2+s22], $0x80, v3, vm0, $0xb8;
	[tilespmem:$0x11000] =	vst v63  }
0x527: {  	_ = 	snop  }
0x528: {  	[tilespmem:s8], [sflag:$0x6] =	stream.indirect_vreg.gather [hbm4b:s21+s22], $0x80, v3, vm0, $0xb8;
	[tilespmem:$0x11000] =	vst v63  }
0x529: {  	v3 =	vld [tilespmem:$0xE90];
	_ =	sdelay $0x4  }
0x52a: {  	v4 =	vshll.u32 v3, $0x2  }
0x52b: {  	v3 =	vand.u32 $0x7, v3;
	v4 =	vand.u32 $0xFFFFFFE0, v4  }
0x52c: {  	v3 =	vor.u32 v3, v4  }
0x52d: {  	v4 =	vperm.xlane v3, v0;
	_ =	sdelay $0x1  }
0x52e: {  	v4 =	vadd.s32 v1, v4;
	_ =	sdelay $0x1  }
0x52f: {  	v3 =	vperm.xlane v3, v2;
	_ =	sdelay $0x1  }
0x530: {  	v3 =	vadd.s32 v1, v3  }
0x531: {  	[tilespmem:s9], [sflag:$0x6] =	stream.indirect_vreg.gather [hbm4b:s2+s22], $0x80, v4, vm0, $0xb8;
	[tilespmem:$0x11000] =	vst v63  }
0x532: {  	_ = 	snop  }
0x533: {  	[tilespmem:s10], [sflag:$0x6] =	stream.indirect_vreg.gather [hbm4b:s21+s22], $0x80, v4, vm0, $0xb8;
	[tilespmem:$0x11000] =	vst v63  }
0x534: {  	_ = 	snop  }
0x535: {  	[tilespmem:s11], [sflag:$0x6] =	stream.indirect_vreg.gather [hbm4b:s2+s22], $0x80, v3, vm0, $0xb8;
	[tilespmem:$0x11000] =	vst v63  }
0x536: {  	_ = 	snop  }
0x537: {  	[tilespmem:s12], [sflag:$0x6] =	stream.indirect_vreg.gather [hbm4b:s21+s22], $0x80, v3, vm0, $0xb8;
	[tilespmem:$0x11000] =	vst v63  }
0x538: {  	_ =	swait.ge [sflag:s13], $0x4000  }
0x539: {  	s23 =	sand.u32 $0x70, s22;
	s24 =	simm.s32 $0x0;
	[sflag:s13] =	ssyncset.done $0x0  }
0x53a: {  	s25 =	simm.s32 $0x0;
	s22 =	sand.u32 $0xC00, s22;
	[sflag:s13] =	ssyncadd.s32 $0xFFFFC000  }
0x53b: {  	s1 =	sand.u32 $0x3000, s24;
	s0 =	sor.u32 s22, s23;
	_ =	swait.ge [sflag:s14], $0x4000  }
0x53c: {  	s26 =	sand.u32 $0x380, s25;
	s0 =	sor.u32 s1, s0;
	[sflag:s14] =	ssyncset.done $0x0  }
0x53d: {  	s22 =	sor.u32 s26, s0;
	[sflag:s14] =	ssyncadd.s32 $0xFFFFC000  }
0x53e: {  	v4 =	vld [tilespmem:s22+$0x5000]  }
0x53f: {  	v3 =	vld [tilespmem:s22+$0x1000];
	_ =	sdelay $0x2  }
0x540: {  	s24 =	simm.s32 $0x80  }
0x541: {  	s29 =	simm.s32 $0x10;
	s25 =	sand.u32 $0xC00, s24;
	s23 =	simm.s32 $0x10  }
0x542: {  	s1 =	sand.u32 $0x3000, s29;
	s0 =	sand.u32 $0x70, s23;
	v3 =	vmul.f32 $8.999999760e-01, v3;
	v4 =	vmul.f32 $1.000000010e-01, v4  }
0x543: {  	s26 =	simm.s32 $0x4;
	s0 =	sor.u32 s25, s0;
	s25 =	simm.s32 $0x2  }
.LBB2_26:
0x544: {  	p0 =	sne.s32 s25, $0x3FF;
	s26 =	sand.u32 $0x380, s26;
	s0 =	sor.u32 s1, s0;
	v3 =	vadd.f32 v4, v3  }
0x545: {  	s0 =	sor.u32 s26, s0  }
0x546: {  	v4 =	vld [tilespmem:s0+$0x5000];
	[tilespmem:s22+$0x1000] =	vst v3;
	s22 =	smov.u32 s0  }
0x547: {  	v3 =	vld [tilespmem:s22+$0x1000];
	_ =	sdelay $0x1  }
.Ltmp12:
0x548: {  	(pc) =	sbr.rel @p0 .LBB2_26-.Ltmp12, $4  }
0x549: {  	_ = 	snop  }
0x54a: {  	s23 =	sadd.s32 $0x10, s23;
	s24 =	sadd.s32 $0x80, s24;
	s26 =	sshll.u32 s25, $0x2  }
0x54b: {  	s1 =	sshll.u32 s25, $0x4;
	s29 =	sand.u32 $0xC00, s24;
	s0 =	sand.u32 $0x70, s23;
	v4 =	vmul.f32 $1.000000010e-01, v4;
	v3 =	vmul.f32 $8.999999760e-01, v3  }
0x54c: {  	s1 =	sand.u32 $0x3000, s1;
	s25 =	sadd.s32 $0x1, s25;
	s0 =	sor.u32 s29, s0  }
0x54d: {  	s23 =	sand.u32 $0x380, s26;
	s0 =	sor.u32 s1, s0;
	v3 =	vadd.f32 v4, v3  }
0x54e: {  	s0 =	sor.u32 s23, s0  }
0x54f: {  	v4 =	vld [tilespmem:s0+$0x5000];
	[tilespmem:s22+$0x1000] =	vst v3  }
0x550: {  	v3 =	vld [tilespmem:s0+$0x1000];
	_ =	sdelay $0x4  }
0x551: {  	v4 =	vmul.f32 $1.000000010e-01, v4;
	v3 =	vmul.f32 $8.999999760e-01, v3;
	_ =	sdelay $0x1  }
0x552: {  	v3 =	vadd.f32 v4, v3;
	_ =	sdelay $0x1  }
0x553: {  	s25 =	rddreg [dreg:$0x10];
	s22 =	simm.s32 $0x0;
	[tilespmem:s0+$0x1000] =	vst v3  }
0x554: {  	[hbm4b:s25+s22] =	stream.linear.scatter [tilespmem:s31], [sflag:$0x4], $0x4000, $0x38;
	[tilespmem:$0x11000] =	vst v63  }
0x555: {  	_ =	swait.ge [sflag:s15], $0x4000  }
0x556: {  	[sflag:s15] =	ssyncset.done $0x0  }
0x557: {  	[sflag:s15] =	ssyncadd.s32 $0xFFFFC000  }
0x558: {  	v3 =	vld [tilespmem:$0x700];
	_ =	sdelay $0x4  }
0x559: {  	v4 =	vshll.u32 v3, $0x2  }
0x55a: {  	v3 =	vand.u32 $0x7, v3;
	v4 =	vand.u32 $0xFFFFFFE0, v4  }
0x55b: {  	v3 =	vor.u32 v3, v4  }
0x55c: {  	v4 =	vperm.xlane v3, v0;
	_ =	sdelay $0x1  }
0x55d: {  	v4 =	vadd.s32 v1, v4;
	_ =	sdelay $0x1  }
0x55e: {  	v3 =	vperm.xlane v3, v2;
	_ =	sdelay $0x1  }
0x55f: {  	v3 =	vadd.s32 v1, v3  }
0x560: {  	[tilespmem:s31], [sflag:$0x2] =	stream.indirect_vreg.gather [hbm4b:s4+s22], $0x80, v4, vm0, $0xb8;
	[tilespmem:$0x11000] =	vst v63  }
0x561: {  	s26 =	simm.s32 $0x1800  }
0x562: {  	[tilespmem:s26], [sflag:$0x2] =	stream.indirect_vreg.gather [hbm4b:s6+s22], $0x80, v4, vm0, $0xb8;
	[tilespmem:$0x11000] =	vst v63  }
0x563: {  	s29 =	simm.s32 $0x2000  }
0x564: {  	[tilespmem:s29], [sflag:$0x2] =	stream.indirect_vreg.gather [hbm4b:s4+s22], $0x80, v3, vm0, $0xb8;
	[tilespmem:$0x11000] =	vst v63  }
0x565: {  	s1 =	simm.s32 $0x2800  }
0x566: {  	[tilespmem:s1], [sflag:$0x2] =	stream.indirect_vreg.gather [hbm4b:s6+s22], $0x80, v3, vm0, $0xb8;
	[tilespmem:$0x11000] =	vst v63  }
0x567: {  	v3 =	vld [tilespmem:$0x710];
	_ =	sdelay $0x4  }
0x568: {  	v4 =	vshll.u32 v3, $0x2  }
0x569: {  	v3 =	vand.u32 $0x7, v3;
	v4 =	vand.u32 $0xFFFFFFE0, v4  }
0x56a: {  	v3 =	vor.u32 v3, v4  }
0x56b: {  	v4 =	vperm.xlane v3, v0;
	_ =	sdelay $0x1  }
0x56c: {  	v4 =	vadd.s32 v1, v4;
	_ =	sdelay $0x1  }
0x56d: {  	v3 =	vperm.xlane v3, v2;
	_ =	sdelay $0x1  }
0x56e: {  	s23 =	simm.s32 $0x3000;
	v3 =	vadd.s32 v1, v3  }
0x56f: {  	[tilespmem:s23], [sflag:$0x2] =	stream.indirect_vreg.gather [hbm4b:s4+s22], $0x80, v4, vm0, $0xb8;
	[tilespmem:$0x11000] =	vst v63  }
0x570: {  	s24 =	simm.s32 $0x3800  }
0x571: {  	[tilespmem:s24], [sflag:$0x2] =	stream.indirect_vreg.gather [hbm4b:s6+s22], $0x80, v4, vm0, $0xb8;
	[tilespmem:$0x11000] =	vst v63  }
0x572: {  	s25 =	simm.s32 $0x4000  }
0x573: {  	[tilespmem:s25], [sflag:$0x2] =	stream.indirect_vreg.gather [hbm4b:s4+s22], $0x80, v3, vm0, $0xb8;
	[tilespmem:$0x11000] =	vst v63  }
0x574: {  	s26 =	simm.s32 $0x4800  }
0x575: {  	[tilespmem:s26], [sflag:$0x2] =	stream.indirect_vreg.gather [hbm4b:s6+s22], $0x80, v3, vm0, $0xb8;
	[tilespmem:$0x11000] =	vst v63  }
0x576: {  	v3 =	vld [tilespmem:$0xF00];
	_ =	sdelay $0x4  }
0x577: {  	v4 =	vshll.u32 v3, $0x2  }
0x578: {  	v3 =	vand.u32 $0x7, v3;
	v4 =	vand.u32 $0xFFFFFFE0, v4  }
0x579: {  	v3 =	vor.u32 v3, v4  }
0x57a: {  	v4 =	vperm.xlane v3, v0;
	_ =	sdelay $0x1  }
0x57b: {  	v4 =	vadd.s32 v1, v4;
	_ =	sdelay $0x1  }
0x57c: {  	v3 =	vperm.xlane v3, v2;
	_ =	sdelay $0x1  }
0x57d: {  	s29 =	simm.s32 $0x5000;
	v3 =	vadd.s32 v1, v3  }
0x57e: {  	[tilespmem:s29], [sflag:$0x3] =	stream.indirect_vreg.gather [hbm4b:s2+s22], $0x80, v4, vm0, $0xb8;
	[tilespmem:$0x11000] =	vst v63  }
0x57f: {  	s1 =	simm.s32 $0x5800  }
0x580: {  	[tilespmem:s1], [sflag:$0x3] =	stream.indirect_vreg.gather [hbm4b:s21+s22], $0x80, v4, vm0, $0xb8;
	[tilespmem:$0x11000] =	vst v63  }
0x581: {  	s23 =	simm.s32 $0x6000  }
0x582: {  	[tilespmem:s23], [sflag:$0x3] =	stream.indirect_vreg.gather [hbm4b:s2+s22], $0x80, v3, vm0, $0xb8;
	[tilespmem:$0x11000] =	vst v63  }
0x583: {  	s24 =	simm.s32 $0x6800  }
0x584: {  	[tilespmem:s24], [sflag:$0x3] =	stream.indirect_vreg.gather [hbm4b:s21+s22], $0x80, v3, vm0, $0xb8;
	[tilespmem:$0x11000] =	vst v63  }
0x585: {  	v3 =	vld [tilespmem:$0xF10];
	_ =	sdelay $0x4  }
0x586: {  	v4 =	vshll.u32 v3, $0x2  }
0x587: {  	v3 =	vand.u32 $0x7, v3;
	v4 =	vand.u32 $0xFFFFFFE0, v4  }
0x588: {  	v3 =	vor.u32 v3, v4  }
0x589: {  	v4 =	vperm.xlane v3, v0;
	_ =	sdelay $0x1  }
0x58a: {  	v4 =	vadd.s32 v1, v4;
	_ =	sdelay $0x1  }
0x58b: {  	v3 =	vperm.xlane v3, v2;
	_ =	sdelay $0x1  }
0x58c: {  	s25 =	simm.s32 $0x7000;
	v3 =	vadd.s32 v1, v3  }
0x58d: {  	[tilespmem:s25], [sflag:$0x3] =	stream.indirect_vreg.gather [hbm4b:s2+s22], $0x80, v4, vm0, $0xb8;
	[tilespmem:$0x11000] =	vst v63  }
0x58e: {  	s26 =	simm.s32 $0x7800  }
0x58f: {  	[tilespmem:s26], [sflag:$0x3] =	stream.indirect_vreg.gather [hbm4b:s21+s22], $0x80, v4, vm0, $0xb8;
	[tilespmem:$0x11000] =	vst v63  }
0x590: {  	s29 =	simm.s32 $0x8000  }
0x591: {  	[tilespmem:s29], [sflag:$0x3] =	stream.indirect_vreg.gather [hbm4b:s2+s22], $0x80, v3, vm0, $0xb8;
	[tilespmem:$0x11000] =	vst v63  }
0x592: {  	s1 =	simm.s32 $0x8800  }
0x593: {  	[tilespmem:s1], [sflag:$0x3] =	stream.indirect_vreg.gather [hbm4b:s21+s22], $0x80, v3, vm0, $0xb8;
	[tilespmem:$0x11000] =	vst v63  }
0x594: {  	_ =	swait.ge [sflag:s16], $0x4000  }
0x595: {  	s23 =	sand.u32 $0x70, s22;
	s24 =	simm.s32 $0x0;
	[sflag:s16] =	ssyncset.done $0x0  }
0x596: {  	s25 =	simm.s32 $0x0;
	s22 =	sand.u32 $0xC00, s22;
	[sflag:s16] =	ssyncadd.s32 $0xFFFFC000  }
0x597: {  	s1 =	sand.u32 $0x3000, s24;
	s0 =	sor.u32 s22, s23;
	_ =	swait.ge [sflag:s17], $0x4000  }
0x598: {  	s26 =	sand.u32 $0x380, s25;
	s0 =	sor.u32 s1, s0;
	[sflag:s17] =	ssyncset.done $0x0  }
0x599: {  	s22 =	sor.u32 s26, s0;
	[sflag:s17] =	ssyncadd.s32 $0xFFFFC000  }
0x59a: {  	v4 =	vld [tilespmem:s22+$0xD000]  }
0x59b: {  	v3 =	vld [tilespmem:s22+$0x9000];
	_ =	sdelay $0x2  }
0x59c: {  	s24 =	simm.s32 $0x80  }
0x59d: {  	s29 =	simm.s32 $0x10;
	s23 =	simm.s32 $0x10;
	s25 =	sand.u32 $0xC00, s24  }
0x59e: {  	s1 =	sand.u32 $0x3000, s29;
	s0 =	sand.u32 $0x70, s23;
	v3 =	vmul.f32 $8.999999760e-01, v3;
	v4 =	vmul.f32 $1.000000010e-01, v4  }
0x59f: {  	s26 =	simm.s32 $0x4;
	s0 =	sor.u32 s25, s0;
	s25 =	simm.s32 $0x2  }
.LBB2_28:
0x5a0: {  	p0 =	sne.s32 s25, $0x3FF;
	s26 =	sand.u32 $0x380, s26;
	s0 =	sor.u32 s1, s0;
	v3 =	vadd.f32 v4, v3  }
0x5a1: {  	s0 =	sor.u32 s26, s0  }
0x5a2: {  	v4 =	vld [tilespmem:s0+$0xD000];
	[tilespmem:s22+$0x9000] =	vst v3;
	s22 =	smov.u32 s0  }
0x5a3: {  	v3 =	vld [tilespmem:s22+$0x9000];
	_ =	sdelay $0x1  }
.Ltmp13:
0x5a4: {  	(pc) =	sbr.rel @p0 .LBB2_28-.Ltmp13, $4  }
0x5a5: {  	_ = 	snop  }
0x5a6: {  	s23 =	sadd.s32 $0x10, s23;
	s24 =	sadd.s32 $0x80, s24;
	s26 =	sshll.u32 s25, $0x2  }
0x5a7: {  	s1 =	sshll.u32 s25, $0x4;
	s29 =	sand.u32 $0xC00, s24;
	s0 =	sand.u32 $0x70, s23;
	v4 =	vmul.f32 $1.000000010e-01, v4;
	v3 =	vmul.f32 $8.999999760e-01, v3  }
0x5a8: {  	s1 =	sand.u32 $0x3000, s1;
	s25 =	sadd.s32 $0x1, s25;
	s0 =	sor.u32 s29, s0  }
0x5a9: {  	s23 =	sand.u32 $0x380, s26;
	s0 =	sor.u32 s1, s0;
	v3 =	vadd.f32 v4, v3  }
0x5aa: {  	s0 =	sor.u32 s23, s0  }
0x5ab: {  	v4 =	vld [tilespmem:s0+$0xD000];
	[tilespmem:s22+$0x9000] =	vst v3  }
0x5ac: {  	v3 =	vld [tilespmem:s0+$0x9000];
	_ =	sdelay $0x4  }
0x5ad: {  	v4 =	vmul.f32 $1.000000010e-01, v4;
	v3 =	vmul.f32 $8.999999760e-01, v3;
	_ =	sdelay $0x1  }
0x5ae: {  	v3 =	vadd.f32 v4, v3;
	_ =	sdelay $0x1  }
0x5af: {  	s25 =	rddreg [dreg:$0x11];
	s22 =	simm.s32 $0x0;
	[tilespmem:s0+$0x9000] =	vst v3  }
0x5b0: {  	[hbm4b:s25+s22] =	stream.linear.scatter [tilespmem:s19], [sflag:$0x7], $0x4000, $0x38;
	[tilespmem:$0x11000] =	vst v63  }
0x5b1: {  	_ =	swait.ge [sflag:s18], $0x4000  }
0x5b2: {  	[sflag:s18] =	ssyncset.done $0x0  }
0x5b3: {  	[sflag:s18] =	ssyncadd.s32 $0xFFFFC000  }
0x5b4: {  	v3 =	vld [tilespmem:$0x780];
	_ =	sdelay $0x4  }
0x5b5: {  	v4 =	vshll.u32 v3, $0x2  }
0x5b6: {  	v3 =	vand.u32 $0x7, v3;
	v4 =	vand.u32 $0xFFFFFFE0, v4  }
0x5b7: {  	v3 =	vor.u32 v3, v4  }
0x5b8: {  	v4 =	vperm.xlane v3, v0;
	_ =	sdelay $0x1  }
0x5b9: {  	v4 =	vadd.s32 v1, v4;
	_ =	sdelay $0x1  }
0x5ba: {  	v3 =	vperm.xlane v3, v2;
	_ =	sdelay $0x1  }
0x5bb: {  	v3 =	vadd.s32 v1, v3  }
0x5bc: {  	[tilespmem:s19], [sflag:$0x5] =	stream.indirect_vreg.gather [hbm4b:s4+s22], $0x80, v4, vm0, $0xb8;
	[tilespmem:$0x11000] =	vst v63  }
0x5bd: {  	s26 =	simm.s32 $0x9800  }
0x5be: {  	[tilespmem:s26], [sflag:$0x5] =	stream.indirect_vreg.gather [hbm4b:s6+s22], $0x80, v4, vm0, $0xb8;
	[tilespmem:$0x11000] =	vst v63  }
0x5bf: {  	s29 =	simm.s32 $0xA000  }
0x5c0: {  	[tilespmem:s29], [sflag:$0x5] =	stream.indirect_vreg.gather [hbm4b:s4+s22], $0x80, v3, vm0, $0xb8;
	[tilespmem:$0x11000] =	vst v63  }
0x5c1: {  	s1 =	simm.s32 $0xA800  }
0x5c2: {  	[tilespmem:s1], [sflag:$0x5] =	stream.indirect_vreg.gather [hbm4b:s6+s22], $0x80, v3, vm0, $0xb8;
	[tilespmem:$0x11000] =	vst v63  }
0x5c3: {  	v3 =	vld [tilespmem:$0x790];
	_ =	sdelay $0x4  }
0x5c4: {  	v4 =	vshll.u32 v3, $0x2  }
0x5c5: {  	v3 =	vand.u32 $0x7, v3;
	v4 =	vand.u32 $0xFFFFFFE0, v4  }
0x5c6: {  	v3 =	vor.u32 v3, v4  }
0x5c7: {  	v4 =	vperm.xlane v3, v0;
	_ =	sdelay $0x1  }
0x5c8: {  	v4 =	vadd.s32 v1, v4;
	_ =	sdelay $0x1  }
0x5c9: {  	v3 =	vperm.xlane v3, v2;
	_ =	sdelay $0x1  }
0x5ca: {  	s23 =	simm.s32 $0xB000;
	v3 =	vadd.s32 v1, v3  }
0x5cb: {  	[tilespmem:s23], [sflag:$0x5] =	stream.indirect_vreg.gather [hbm4b:s4+s22], $0x80, v4, vm0, $0xb8;
	[tilespmem:$0x11000] =	vst v63  }
0x5cc: {  	s24 =	simm.s32 $0xB800  }
0x5cd: {  	[tilespmem:s24], [sflag:$0x5] =	stream.indirect_vreg.gather [hbm4b:s6+s22], $0x80, v4, vm0, $0xb8;
	[tilespmem:$0x11000] =	vst v63  }
0x5ce: {  	s25 =	simm.s32 $0xC000  }
0x5cf: {  	[tilespmem:s25], [sflag:$0x5] =	stream.indirect_vreg.gather [hbm4b:s4+s22], $0x80, v3, vm0, $0xb8;
	[tilespmem:$0x11000] =	vst v63  }
0x5d0: {  	s26 =	simm.s32 $0xC800  }
0x5d1: {  	[tilespmem:s26], [sflag:$0x5] =	stream.indirect_vreg.gather [hbm4b:s6+s22], $0x80, v3, vm0, $0xb8;
	[tilespmem:$0x11000] =	vst v63  }
0x5d2: {  	v3 =	vld [tilespmem:$0xF80];
	_ =	sdelay $0x4  }
0x5d3: {  	v4 =	vshll.u32 v3, $0x2  }
0x5d4: {  	v3 =	vand.u32 $0x7, v3;
	v4 =	vand.u32 $0xFFFFFFE0, v4  }
0x5d5: {  	v3 =	vor.u32 v3, v4  }
0x5d6: {  	v4 =	vperm.xlane v3, v0;
	_ =	sdelay $0x1  }
0x5d7: {  	v4 =	vadd.s32 v1, v4;
	_ =	sdelay $0x1  }
0x5d8: {  	v3 =	vperm.xlane v3, v2;
	_ =	sdelay $0x1  }
0x5d9: {  	s29 =	simm.s32 $0xD000;
	v3 =	vadd.s32 v1, v3  }
0x5da: {  	[tilespmem:s29], [sflag:$0x6] =	stream.indirect_vreg.gather [hbm4b:s2+s22], $0x80, v4, vm0, $0xb8;
	[tilespmem:$0x11000] =	vst v63  }
0x5db: {  	s1 =	simm.s32 $0xD800  }
0x5dc: {  	[tilespmem:s1], [sflag:$0x6] =	stream.indirect_vreg.gather [hbm4b:s21+s22], $0x80, v4, vm0, $0xb8;
	[tilespmem:$0x11000] =	vst v63  }
0x5dd: {  	_ = 	snop  }
0x5de: {  	[tilespmem:s7], [sflag:$0x6] =	stream.indirect_vreg.gather [hbm4b:s2+s22], $0x80, v3, vm0, $0xb8;
	[tilespmem:$0x11000] =	vst v63  }
0x5df: {  	_ = 	snop  }
0x5e0: {  	[tilespmem:s8], [sflag:$0x6] =	stream.indirect_vreg.gather [hbm4b:s21+s22], $0x80, v3, vm0, $0xb8;
	[tilespmem:$0x11000] =	vst v63  }
0x5e1: {  	v3 =	vld [tilespmem:$0xF90];
	_ =	sdelay $0x4  }
0x5e2: {  	v4 =	vshll.u32 v3, $0x2  }
0x5e3: {  	v3 =	vand.u32 $0x7, v3;
	v4 =	vand.u32 $0xFFFFFFE0, v4  }
0x5e4: {  	v3 =	vor.u32 v3, v4  }
0x5e5: {  	v4 =	vperm.xlane v3, v0;
	_ =	sdelay $0x1  }
0x5e6: {  	v4 =	vadd.s32 v1, v4;
	_ =	sdelay $0x1  }
0x5e7: {  	v3 =	vperm.xlane v3, v2;
	_ =	sdelay $0x1  }
0x5e8: {  	v3 =	vadd.s32 v1, v3  }
0x5e9: {  	[tilespmem:s9], [sflag:$0x6] =	stream.indirect_vreg.gather [hbm4b:s2+s22], $0x80, v4, vm0, $0xb8;
	[tilespmem:$0x11000] =	vst v63  }
0x5ea: {  	_ = 	snop  }
0x5eb: {  	[tilespmem:s10], [sflag:$0x6] =	stream.indirect_vreg.gather [hbm4b:s21+s22], $0x80, v4, vm0, $0xb8;
	[tilespmem:$0x11000] =	vst v63  }
0x5ec: {  	_ = 	snop  }
0x5ed: {  	[tilespmem:s11], [sflag:$0x6] =	stream.indirect_vreg.gather [hbm4b:s2+s22], $0x80, v3, vm0, $0xb8;
	[tilespmem:$0x11000] =	vst v63  }
0x5ee: {  	_ = 	snop  }
0x5ef: {  	[tilespmem:s12], [sflag:$0x6] =	stream.indirect_vreg.gather [hbm4b:s21+s22], $0x80, v3, vm0, $0xb8;
	[tilespmem:$0x11000] =	vst v63  }
0x5f0: {  	_ =	swait.ge [sflag:s13], $0x4000  }
0x5f1: {  	s23 =	sand.u32 $0x70, s22;
	s24 =	simm.s32 $0x0;
	[sflag:s13] =	ssyncset.done $0x0  }
0x5f2: {  	s25 =	simm.s32 $0x0;
	s22 =	sand.u32 $0xC00, s22;
	[sflag:s13] =	ssyncadd.s32 $0xFFFFC000  }
0x5f3: {  	s1 =	sand.u32 $0x3000, s24;
	s0 =	sor.u32 s22, s23;
	_ =	swait.ge [sflag:s14], $0x4000  }
0x5f4: {  	s26 =	sand.u32 $0x380, s25;
	s0 =	sor.u32 s1, s0;
	[sflag:s14] =	ssyncset.done $0x0  }
0x5f5: {  	s22 =	sor.u32 s26, s0;
	[sflag:s14] =	ssyncadd.s32 $0xFFFFC000  }
0x5f6: {  	v4 =	vld [tilespmem:s22+$0x5000]  }
0x5f7: {  	v3 =	vld [tilespmem:s22+$0x1000];
	_ =	sdelay $0x2  }
0x5f8: {  	s24 =	simm.s32 $0x80  }
0x5f9: {  	s29 =	simm.s32 $0x10;
	s25 =	sand.u32 $0xC00, s24;
	s23 =	simm.s32 $0x10  }
0x5fa: {  	s1 =	sand.u32 $0x3000, s29;
	s0 =	sand.u32 $0x70, s23;
	v3 =	vmul.f32 $8.999999760e-01, v3;
	v4 =	vmul.f32 $1.000000010e-01, v4  }
0x5fb: {  	s26 =	simm.s32 $0x4;
	s0 =	sor.u32 s25, s0;
	s25 =	simm.s32 $0x2  }
.LBB2_30:
0x5fc: {  	p0 =	sne.s32 s25, $0x3FF;
	s26 =	sand.u32 $0x380, s26;
	s0 =	sor.u32 s1, s0;
	v3 =	vadd.f32 v4, v3  }
0x5fd: {  	s0 =	sor.u32 s26, s0  }
0x5fe: {  	v4 =	vld [tilespmem:s0+$0x5000];
	[tilespmem:s22+$0x1000] =	vst v3;
	s22 =	smov.u32 s0  }
0x5ff: {  	v3 =	vld [tilespmem:s22+$0x1000];
	_ =	sdelay $0x1  }
.Ltmp14:
0x600: {  	(pc) =	sbr.rel @p0 .LBB2_30-.Ltmp14, $4  }
0x601: {  	_ = 	snop  }
0x602: {  	s23 =	sadd.s32 $0x10, s23;
	s24 =	sadd.s32 $0x80, s24;
	s26 =	sshll.u32 s25, $0x2  }
0x603: {  	s1 =	sshll.u32 s25, $0x4;
	s29 =	sand.u32 $0xC00, s24;
	s0 =	sand.u32 $0x70, s23;
	v4 =	vmul.f32 $1.000000010e-01, v4;
	v3 =	vmul.f32 $8.999999760e-01, v3  }
0x604: {  	s1 =	sand.u32 $0x3000, s1;
	s25 =	sadd.s32 $0x1, s25;
	s0 =	sor.u32 s29, s0  }
0x605: {  	s23 =	sand.u32 $0x380, s26;
	s0 =	sor.u32 s1, s0;
	v3 =	vadd.f32 v4, v3  }
0x606: {  	s0 =	sor.u32 s23, s0  }
0x607: {  	v4 =	vld [tilespmem:s0+$0x5000];
	[tilespmem:s22+$0x1000] =	vst v3  }
0x608: {  	v3 =	vld [tilespmem:s0+$0x1000];
	_ =	sdelay $0x4  }
0x609: {  	v4 =	vmul.f32 $1.000000010e-01, v4;
	v3 =	vmul.f32 $8.999999760e-01, v3;
	_ =	sdelay $0x1  }
0x60a: {  	v3 =	vadd.f32 v4, v3;
	_ =	sdelay $0x1  }
0x60b: {  	s29 =	simm.s32 $0x0;
	s22 =	rddreg [dreg:$0x12];
	[tilespmem:s0+$0x1000] =	vst v3  }
0x60c: {  	[hbm4b:s22+s29] =	stream.linear.scatter [tilespmem:s31], [sflag:$0x4], $0x4000, $0x38;
	[tilespmem:$0x11000] =	vst v63  }
0x60d: {  	_ =	swait.ge [sflag:s15], $0x4000  }
0x60e: {  	[sflag:s15] =	ssyncset.done $0x0  }
0x60f: {  	[sflag:s15] =	ssyncadd.s32 $0xFFFFC000  }
0x610: {  	_ =	swait.ge [sflag:s16], $0x4000  }
0x611: {  	s24 =	simm.s32 $0x0;
	s25 =	simm.s32 $0x0;
	[sflag:s16] =	ssyncset.done $0x0  }
0x612: {  	s23 =	sand.u32 $0x70, s29;
	s0 =	sand.u32 $0xC00, s29;
	[sflag:s16] =	ssyncadd.s32 $0xFFFFC000  }
0x613: {  	s22 =	sand.u32 $0x3000, s24;
	s0 =	sor.u32 s0, s23;
	_ =	swait.ge [sflag:s17], $0x4000  }
0x614: {  	s26 =	sand.u32 $0x380, s25;
	s0 =	sor.u32 s22, s0;
	[sflag:s17] =	ssyncset.done $0x0  }
0x615: {  	s22 =	sor.u32 s26, s0;
	[sflag:s17] =	ssyncadd.s32 $0xFFFFC000  }
0x616: {  	v4 =	vld [tilespmem:s22+$0xD000]  }
0x617: {  	v3 =	vld [tilespmem:s22+$0x9000];
	_ =	sdelay $0x2  }
0x618: {  	s24 =	simm.s32 $0x80  }
0x619: {  	s23 =	simm.s32 $0x10;
	s29 =	simm.s32 $0x10;
	s25 =	sand.u32 $0xC00, s24  }
0x61a: {  	s1 =	sand.u32 $0x3000, s29;
	s0 =	sand.u32 $0x70, s23;
	v3 =	vmul.f32 $8.999999760e-01, v3;
	v4 =	vmul.f32 $1.000000010e-01, v4  }
0x61b: {  	s26 =	simm.s32 $0x4;
	s0 =	sor.u32 s25, s0;
	s25 =	simm.s32 $0x2  }
.LBB2_32:
0x61c: {  	p0 =	sne.s32 s25, $0x3FF;
	s26 =	sand.u32 $0x380, s26;
	s0 =	sor.u32 s1, s0;
	v3 =	vadd.f32 v4, v3  }
0x61d: {  	s0 =	sor.u32 s26, s0  }
0x61e: {  	v4 =	vld [tilespmem:s0+$0xD000];
	[tilespmem:s22+$0x9000] =	vst v3;
	s22 =	smov.u32 s0  }
0x61f: {  	v3 =	vld [tilespmem:s22+$0x9000];
	_ =	sdelay $0x1  }
.Ltmp15:
0x620: {  	(pc) =	sbr.rel @p0 .LBB2_32-.Ltmp15, $4  }
0x621: {  	_ = 	snop  }
0x622: {  	s23 =	sadd.s32 $0x10, s23;
	s24 =	sadd.s32 $0x80, s24;
	s26 =	sshll.u32 s25, $0x2  }
0x623: {  	s1 =	sshll.u32 s25, $0x4;
	s29 =	sand.u32 $0xC00, s24;
	s0 =	sand.u32 $0x70, s23;
	v4 =	vmul.f32 $1.000000010e-01, v4;
	v3 =	vmul.f32 $8.999999760e-01, v3  }
0x624: {  	s1 =	sand.u32 $0x3000, s1;
	s25 =	sadd.s32 $0x1, s25;
	s0 =	sor.u32 s29, s0  }
0x625: {  	s23 =	sand.u32 $0x380, s26;
	s0 =	sor.u32 s1, s0;
	v3 =	vadd.f32 v4, v3  }
0x626: {  	s0 =	sor.u32 s23, s0  }
0x627: {  	v63 =	vld [tilespmem:s0+$0xD000];
	[tilespmem:s22+$0x9000] =	vst v3  }
0x628: {  	v3 =	vld [tilespmem:s0+$0x9000];
	_ =	sdelay $0x4  }
0x629: {  	v4 =	vmul.f32 $1.000000010e-01, v63;
	v3 =	vmul.f32 $8.999999760e-01, v3;
	_ =	sdelay $0x1  }
0x62a: {  	v3 =	vadd.f32 v4, v3;
	_ =	sdelay $0x1  }
0x62b: {  	s26 =	rddreg [dreg:$0x13];
	[tilespmem:s0+$0x9000] =	vst v3  }
0x62c: {  	[hbm4b:s26+s3] =	stream.linear.scatter [tilespmem:s19], [sflag:$0x7], $0x4000, $0x38;
	[tilespmem:$0x11000] =	vst v63  }
0x62d: {  	_ =	swait.ge [sflag:s18], $0x4000  }
0x62e: {  	s20 =	sadd.s32 $0x1, s20;
	s29 =	rddreg [dreg:$0x14]  }
0x62f: {  	p0 =	sne.s32 s20, s29  }
.Ltmp16:
0x630: {  	_ = 	snop;
	(pc) =	sbr.rel @p0 .LBB2_1-.Ltmp16, $3  }
0x631: {  	_ =	sdelay $0x1  }
0x632: {  	[sflag:s18] =	ssyncset.done $0x0  }
0x633: {  	[sflag:s18] =	ssyncadd.s32 $0xFFFFC000  }
0x634: {  	_ =	sfence.sel $0x180000  }
0x635: {  	[bflag:$0x0] =	sbarrier.arrive $0xFFFF  }
0x636: {  	_ =	strace $0x9000004A  }
0x637: {  	s0 =	stileid.u32;
	[bflag:$0x2] =	sbarrier.arrive $0xFFFF  }
0x638: {  	p0 =	sne.s32 s0, $0x0;
	s0 =	rddreg [dreg:$0x2]  }
0x639: {  	s0 =	sadd.s32 @!p0 $0x100000, s0  }
0x63a: {  	[sflag:s0] =	ssyncadd.tile.s32 @!p0 $0x1;
	_ =	shalt  }
.Lfunc_end2:
_tile_overlayer_lowered:
.L_overlay_start_2:
0x63b: {  	(tag) =	ssettag $0x2  }
0x63c: {  	s0 =	rddreg [dreg:$0x0];
	s2 =	stileid.u32  }
0x63d: {  	s1 =	rddreg [dreg:$0x1];
	p0 =	sne.s32 s2, $0x0  }
0x63e: {  	s3 =	rddreg [dreg:$0x2];
	[bflag:$0x3] =	sbarrier.arrive $0xFFFF;
	s2 =	simm.s32 @!p0 $0x1C08  }
0x63f: {  	[timem:s3], [sflag:s2] =	dma.local @!p0 [hbm:s0], s1  }
0x640: {  	s0 =	simm.s32 @!p0 $0x8  }
0x641: {  	_ =	swait.ge @!p0 [sflag:s0], s1  }
0x642: {  	s1 =	ssub.s32 @!p0 $0x0, s1;
	[sflag:s0] =	ssyncset.done @!p0 $0x0  }
0x643: {  	[sflag:s0] =	ssyncadd.s32 @!p0 s1  }
0x644: {  	[bflag:$0x3] =	sbarrier.arrive $0xFFFF  }
0x645: {  	_ =	shalt  }

</sc_bundles>
